<compile_context>
chip_gen: v7x
topology: tpu7x:2x2x1
jax: 0.10.2.dev20260603
libtpu: 0.0.44.dev20260713+nightly
codegen_flags: <defaults>
</compile_context>

<pallas_src>
import functools

import jax
import jax.numpy as jnp
from jax import lax
from jax.experimental import pallas as pl
from jax.experimental.pallas import tpu as pltpu
from jax.experimental.pallas import tpu_sc as plsc

F32 = jnp.float32
I32 = jnp.int32

NSUB = 16
LANES = 16
BR = 2048
SUB = 128
NSB = 2
B = SUB * NSB
ZRH = 784



def _prologue1_body(x_ref, w_ref, asrc_ref, adst_ref, ht0_ref, ht1_ref,
                    adt_ref):
    h = jnp.dot(x_ref[...], w_ref[...], preferred_element_type=F32)
    ones = jnp.ones((BR, 1), F32)
    zeros = jnp.zeros((BR, 6), F32)
    ads = []
    for c, ht in ((0, ht0_ref), (1, ht1_ref)):
        hc = h[:, c * 8:(c + 1) * 8]
        a_s = jnp.sum(hc * asrc_ref[c:c + 1, :], axis=1, keepdims=True)
        a_d = jnp.sum(hc * adst_ref[c:c + 1, :], axis=1, keepdims=True)
        ht[...] = jnp.concatenate([hc, ones, a_s, zeros], axis=1)
        ads.append(a_d)
    adt_ref[...] = jnp.concatenate(ads + [jnp.zeros((BR, 6), F32)], axis=1)


def _mid_body(acc0_ref, acc1_ref, ht10_ref, ht11_ref, adt1_ref, b1_ref,
              w2_ref, asrc2_ref, adst2_ref, ht20_ref, ht21_ref, adt2_ref):
    outs = []
    for c, acc, ht in ((0, acc0_ref, ht10_ref), (1, acc1_ref, ht11_ref)):
        hc = ht[...][:, 0:8]
        a_s = ht[...][:, 9:10]
        a_d = adt1_ref[:, c:c + 1]
        el = a_s + a_d
        w = jnp.exp(jnp.maximum(el, el * 0.2))
        num = acc[...][:, 0:8] + w * hc
        den = acc[...][:, 8:9] + w + 1e-16
        outs.append(num / den + b1_ref[0:1, c * 8:(c + 1) * 8])
    x2 = jnp.concatenate(outs, axis=1)
    x2 = jnp.where(x2 > 0, x2, jnp.exp(jnp.minimum(x2, 0.0)) - 1.0)
    h2 = jnp.dot(x2, w2_ref[...], preferred_element_type=F32)
    ones = jnp.ones((BR, 1), F32)
    zeros = jnp.zeros((BR, 2), F32)
    ads = []
    for c, ht2 in ((0, ht20_ref), (1, ht21_ref)):
        hc = h2[:, c * 4:(c + 1) * 4]
        a_s = jnp.sum(hc * asrc2_ref[c:c + 1, :], axis=1, keepdims=True)
        a_d = jnp.sum(hc * adst2_ref[c:c + 1, :], axis=1, keepdims=True)
        ht2[...] = jnp.concatenate([hc, ones, a_s, zeros], axis=1)
        ads.append(a_d)
    adt2_ref[...] = jnp.concatenate(ads + [jnp.zeros((BR, 6), F32)], axis=1)


def _final2_body(acc0_ref, acc1_ref, ht20_ref, ht21_ref, adt2_ref, b2_ref,
                 out_ref):
    outs = []
    for c, acc, ht in ((0, acc0_ref, ht20_ref), (1, acc1_ref, ht21_ref)):
        hc = ht[...][:, 0:4]
        a_s = ht[...][:, 5:6]
        a_d = adt2_ref[:, c:c + 1]
        el = a_s + a_d
        w = jnp.exp(jnp.maximum(el, el * 0.2))
        num = acc[...][:, 0:4] + w * hc
        den = acc[...][:, 4:5] + w + 1e-16
        outs.append(num / den + b2_ref[0:1, c * 4:(c + 1) * 4])
    out_ref[...] = jnp.concatenate(outs, axis=1)


def _blk(i):
    return (i, 0)


def _tc_prologue1(x_pad, W1, asrc, adst, n_pad):
    nb = n_pad // BR
    return pl.pallas_call(
        _prologue1_body,
        grid=(nb,),
        in_specs=[
            pl.BlockSpec((BR, 16), _blk),
            pl.BlockSpec((16, 16), lambda i: (0, 0)),
            pl.BlockSpec((2, 8), lambda i: (0, 0)),
            pl.BlockSpec((2, 8), lambda i: (0, 0)),
        ],
        out_specs=[
            pl.BlockSpec((BR, 16), _blk),
            pl.BlockSpec((BR, 16), _blk),
            pl.BlockSpec((BR, 8), _blk),
        ],
        out_shape=[
            jax.ShapeDtypeStruct((n_pad, 16), F32),
            jax.ShapeDtypeStruct((n_pad, 16), F32),
            jax.ShapeDtypeStruct((n_pad, 8), F32),
        ],
    )(x_pad, W1, asrc, adst)


def _tc_mid(acc1, ht10, ht11, adt1, b1r, W2, asrc2, adst2, n_pad):
    nb = n_pad // BR
    return pl.pallas_call(
        _mid_body,
        grid=(nb,),
        in_specs=[
            pl.BlockSpec((BR, 16), _blk),
            pl.BlockSpec((BR, 16), lambda i, nb=nb: (nb + i, 0)),
            pl.BlockSpec((BR, 16), _blk),
            pl.BlockSpec((BR, 16), _blk),
            pl.BlockSpec((BR, 8), _blk),
            pl.BlockSpec((1, 16), lambda i: (0, 0)),
            pl.BlockSpec((16, 8), lambda i: (0, 0)),
            pl.BlockSpec((2, 4), lambda i: (0, 0)),
            pl.BlockSpec((2, 4), lambda i: (0, 0)),
        ],
        out_specs=[
            pl.BlockSpec((BR, 8), _blk),
            pl.BlockSpec((BR, 8), _blk),
            pl.BlockSpec((BR, 8), _blk),
        ],
        out_shape=[
            jax.ShapeDtypeStruct((n_pad, 8), F32),
            jax.ShapeDtypeStruct((n_pad, 8), F32),
            jax.ShapeDtypeStruct((n_pad, 8), F32),
        ],
    )(acc1, acc1, ht10, ht11, adt1, b1r, W2, asrc2, adst2)


def _tc_final2(acc2, ht20, ht21, adt2, b2r, n_pad):
    nb = n_pad // BR
    return pl.pallas_call(
        _final2_body,
        grid=(nb,),
        in_specs=[
            pl.BlockSpec((BR, 8), _blk),
            pl.BlockSpec((BR, 8), lambda i, nb=nb: (nb + i, 0)),
            pl.BlockSpec((BR, 8), _blk),
            pl.BlockSpec((BR, 8), _blk),
            pl.BlockSpec((BR, 8), _blk),
            pl.BlockSpec((1, 8), lambda i: (0, 0)),
        ],
        out_specs=pl.BlockSpec((BR, 8), _blk),
        out_shape=jax.ShapeDtypeStruct((n_pad, 8), F32),
    )(acc2, acc2, ht20, ht21, adt2, b2r)



def _sc_edge_body(ch, cpt, n_pad, ht0_hbm, ht1_hbm, adt_hbm, esd_hbm,
                  zeros_hbm, out_hbm, acc_sh,
                  idx_s0, idx_s1, idx_w0, idx_w1,
                  hrows0, hrows1, adrows0, adrows1, outr0, outr1,
                  sem_h0, sem_h1, sem_a0, sem_a1, sem_i0, sem_i1,
                  sem_w0, sem_w1):
    c = lax.axis_index("c")
    s = lax.axis_index("s")
    rpt = n_pad // NSUB
    iot = lax.iota(I32, LANES)

    idx_s = (idx_s0, idx_s1)
    idx_w = (idx_w0, idx_w1)
    hrows = (hrows0, hrows1)
    adrows = (adrows0, adrows1)
    outr = (outr0, outr1)
    sem_h = (sem_h0, sem_h1)
    sem_a = (sem_a0, sem_a1)
    sem_i = (sem_i0, sem_i1)
    sem_w = (sem_w0, sem_w1)

    pltpu.sync_copy(zeros_hbm.at[pl.ds(0, B)], outr0)
    pltpu.sync_copy(zeros_hbm.at[pl.ds(0, B)], outr1)

    def zero_acc(k, _):
        pltpu.sync_copy(zeros_hbm, acc_sh.at[pl.ds(s * rpt + k * ZRH, ZRH)])
        return 0
    lax.fori_loop(0, rpt // ZRH, zero_acc, 0)
    plsc.subcore_barrier()

    col_one = jnp.full((LANES,), ch, I32)
    col_as = jnp.full((LANES,), ch + 1, I32)
    col_ad = jnp.zeros((LANES,), I32) + c

    def row_of(i):
        return (s * cpt + i) * NSB

    def issue_idx(i, p):
        pltpu.async_copy(esd_hbm.at[pl.ds(2 * row_of(i), 2 * NSB)],
                         idx_s[p], sem_i[p])

    def wait_idx(i, p):
        pltpu.make_async_copy(esd_hbm.at[pl.ds(2 * row_of(i), 2 * NSB)],
                              idx_s[p], sem_i[p]).wait()

    def issue_gathers(p):
        @pl.when(c == 0)
        def _():
            for j in range(NSB):
                pltpu.async_copy(ht0_hbm.at[idx_s[p].at[j]],
                                 hrows[p].at[pl.ds(j * SUB, SUB)], sem_h[p])

        @pl.when(c != 0)
        def _():
            for j in range(NSB):
                pltpu.async_copy(ht1_hbm.at[idx_s[p].at[j]],
                                 hrows[p].at[pl.ds(j * SUB, SUB)], sem_h[p])
        for j in range(NSB):
            pltpu.async_copy(adt_hbm.at[idx_s[p].at[NSB + j]],
                             adrows[p].at[pl.ds(j * SUB, SUB)], sem_a[p])

    def wait_gathers(p):
        for j in range(NSB):
            pltpu.make_async_copy(
                ht0_hbm.at[idx_s[p].at[j]],
                hrows[p].at[pl.ds(j * SUB, SUB)], sem_h[p]).wait()
            pltpu.make_async_copy(
                adt_hbm.at[idx_s[p].at[NSB + j]],
                adrows[p].at[pl.ds(j * SUB, SUB)], sem_a[p]).wait()

    def issue_scatter(p):
        for j in range(NSB):
            pltpu.async_copy(outr[p].at[pl.ds(j * SUB, SUB)],
                             acc_sh.at[idx_w[p].at[j]], sem_w[p], add=True)

    def wait_scatter(p):
        for j in range(NSB):
            pltpu.make_async_copy(outr[p].at[pl.ds(j * SUB, SUB)],
                                  acc_sh.at[idx_w[p].at[j]], sem_w[p]).wait()

    def copy_idx_w(p):
        for j in range(NSB):
            for g in range(SUB // LANES):
                sl = pl.ds(g * LANES, LANES)
                idx_w[p][j, sl] = idx_s[p][NSB + j, sl]

    def compute(p):
        hb = hrows[p]
        ab = adrows[p]
        ob = outr[p]

        def grp(g, _):
            for u in range(2):
                r = iot + (2 * g + u) * LANES
                a_s = plsc.load_gather(hb, [r, col_as])
                a_d = plsc.load_gather(ab, [r, col_ad])
                e = a_s + a_d
                e = jnp.maximum(e, e * F32(0.2))
                w = jnp.exp(e)
                for cc in range(ch):
                    colv = jnp.full((LANES,), cc, I32)
                    col = plsc.load_gather(hb, [r, colv])
                    plsc.store_scatter(ob, [r, colv], col * w)
                plsc.store_scatter(ob, [r, col_one], w)
            return 0
        lax.fori_loop(0, B // LANES // 2, grp, 0)

    def phase(i, p, k, kk):
        last = kk - 1
        if p == 0:
            wait_idx(i + 1, 1 - p)
            issue_gathers(1 - p)
        else:
            @pl.when(k < last)
            def _():
                wait_idx(i + 1, 1 - p)
                issue_gathers(1 - p)
        wait_gathers(p)

        @pl.when(k > 0)
        def _():
            wait_scatter(p)
        compute(p)
        copy_idx_w(p)
        issue_scatter(p)

        @pl.when(k < last)
        def _():
            issue_idx(i + 2, p)

    kk = cpt // 2
    issue_idx(0, 0)
    wait_idx(0, 0)
    issue_gathers(0)
    issue_idx(1, 1)

    def superchunk(k, _):
        phase(2 * k, 0, k, kk)
        phase(2 * k + 1, 1, k, kk)
        return 0
    lax.fori_loop(0, kk, superchunk, 0)
    wait_scatter(0)
    wait_scatter(1)

    plsc.subcore_barrier()
    pltpu.sync_copy(acc_sh.at[pl.ds(s * rpt, rpt)],
                    out_hbm.at[pl.ds(c * n_pad + s * rpt, rpt)])


def _sc_edge(ch, dw, cpt, n_pad, ht0, ht1, adt, esd, zeros_b):
    mesh = plsc.VectorSubcoreMesh(core_axis_name="c", subcore_axis_name="s",
                                  num_cores=2, num_subcores=NSUB)
    return pl.kernel(
        functools.partial(_sc_edge_body, ch, cpt, n_pad),
        out_type=jax.ShapeDtypeStruct((2 * n_pad, dw), F32),
        mesh=mesh,
        compiler_params=pltpu.CompilerParams(
            needs_layout_passes=False, use_tc_tiling_on_sc=False),
        scratch_types=[
            pltpu.VMEM_SHARED((n_pad, dw), F32),
            pltpu.VMEM((2 * NSB, SUB), I32),
            pltpu.VMEM((2 * NSB, SUB), I32),
            pltpu.VMEM((NSB, SUB), I32),
            pltpu.VMEM((NSB, SUB), I32),
            pltpu.VMEM((B, dw), F32),
            pltpu.VMEM((B, dw), F32),
            pltpu.VMEM((B, 8), F32),
            pltpu.VMEM((B, 8), F32),
            pltpu.VMEM((B, dw), F32),
            pltpu.VMEM((B, dw), F32),
            pltpu.SemaphoreType.DMA,
            pltpu.SemaphoreType.DMA,
            pltpu.SemaphoreType.DMA,
            pltpu.SemaphoreType.DMA,
            pltpu.SemaphoreType.DMA,
            pltpu.SemaphoreType.DMA,
            pltpu.SemaphoreType.DMA,
            pltpu.SemaphoreType.DMA,
        ],
    )(ht0, ht1, adt, esd, zeros_b)



def kernel(x, edge_index, W1, att_src1, att_dst1, b1, W2, att_src2,
           att_dst2, b2):
    n = x.shape[0]
    e = edge_index.shape[1]
    n_pad = ((n + 1 + BR - 1) // BR) * BR
    cpt = (e + NSUB * B - 1) // (NSUB * B)
    cpt = cpt + (cpt % 2)
    e_pad = cpt * NSUB * B
    pad = e_pad - e

    x_pad = jnp.zeros((n_pad, x.shape[1]), F32).at[:n].set(x)
    fill = jnp.full((pad,), n, I32)
    src3 = jnp.concatenate([edge_index[0], fill]).reshape(-1, NSB, SUB)
    dst3 = jnp.concatenate([edge_index[1], fill]).reshape(-1, NSB, SUB)
    esd = jnp.concatenate([src3, dst3], axis=1).reshape(-1, SUB)
    zeros16 = jnp.zeros((ZRH, 16), F32)
    zeros8 = jnp.zeros((ZRH, 8), F32)
    b1r = b1.reshape(1, 16)
    b2r = b2.reshape(1, 8)

    ht10, ht11, adt1 = _tc_prologue1(x_pad, W1, att_src1, att_dst1, n_pad)
    acc1 = _sc_edge(8, 16, cpt, n_pad, ht10, ht11, adt1, esd, zeros16)
    ht20, ht21, adt2 = _tc_mid(acc1, ht10, ht11, adt1, b1r, W2, att_src2,
                               att_dst2, n_pad)
    acc2 = _sc_edge(4, 8, cpt, n_pad, ht20, ht21, adt2, esd, zeros8)
    out_pad = _tc_final2(acc2, ht20, ht21, adt2, b2r, n_pad)
    return out_pad[:n]

# --- scband reference (transcript-rebuilt; emitter-appended) ---
"""Pipeline reference for scband-gatmodel-65515431133470 (READ-ONLY COPY).

The authoritative reference and input builder live on the scoring server;
editing this copy changes nothing except your own understanding.
"""

import jax, jax.numpy as jnp
import numpy as np

N = 100000
E = 3200000


def gat_conv(x, edge_index, W, att_src, att_dst, bias, heads, out_ch, n_nodes):
    # PyG GATConv (v1) with add_self_loops=True, negative_slope=0.2, concat=True
    ar = jnp.arange(n_nodes, dtype=edge_index.dtype)
    ei = jnp.concatenate([edge_index, jnp.stack([ar, ar])], axis=1)
    src, dst = ei[0], ei[1]
    h = (x @ W).reshape(n_nodes, heads, out_ch)
    a_src = (h * att_src[None]).sum(-1)  # [N, H]
    a_dst = (h * att_dst[None]).sum(-1)  # [N, H]
    e = a_src[src] + a_dst[dst]          # [E', H]
    e = jax.nn.leaky_relu(e, negative_slope=0.2)
    m = jax.ops.segment_max(e, dst, num_segments=n_nodes)
    e = jnp.exp(e - m[dst])
    s = jax.ops.segment_sum(e, dst, num_segments=n_nodes)
    alpha = e / (s[dst] + 1e-16)
    msg = h[src] * alpha[:, :, None]
    out = jax.ops.segment_sum(msg, dst, num_segments=n_nodes)
    return out.reshape(n_nodes, heads * out_ch) + bias


def setup_inputs(seed: int = 0):
    key = jax.random.key(seed)
    ks = jax.random.split(key, 10)
    x = jax.random.normal(ks[0], (N, 16), dtype=jnp.float32)
    edge_index = jax.random.randint(ks[1], (2, E), 0, N, dtype=jnp.int32)
    W1 = jax.random.normal(ks[2], (16, 16), dtype=jnp.float32) * (1.0 / np.sqrt(16))
    att_src1 = jax.random.normal(ks[3], (2, 8), dtype=jnp.float32) * 0.1
    att_dst1 = jax.random.normal(ks[4], (2, 8), dtype=jnp.float32) * 0.1
    b1 = jnp.zeros((16,), dtype=jnp.float32)
    W2 = jax.random.normal(ks[5], (16, 8), dtype=jnp.float32) * (1.0 / np.sqrt(16))
    att_src2 = jax.random.normal(ks[6], (2, 4), dtype=jnp.float32) * 0.1
    att_dst2 = jax.random.normal(ks[7], (2, 4), dtype=jnp.float32) * 0.1
    b2 = jnp.zeros((8,), dtype=jnp.float32)
    return {"x": x, "edge_index": edge_index, "W1": W1, "att_src1": att_src1,
            "att_dst1": att_dst1, "b1": b1, "W2": W2, "att_src2": att_src2,
            "att_dst2": att_dst2, "b2": b2}


def reference(x, edge_index, W1, att_src1, att_dst1, b1, W2, att_src2, att_dst2, b2):
    h = gat_conv(x, edge_index, W1, att_src1, att_dst1, b1, heads=2, out_ch=8, n_nodes=x.shape[0])
    h = jax.nn.elu(h)
    # dropout(p=0.6) is identity in eval mode
    out = gat_conv(h, edge_index, W2, att_src2, att_dst2, b2, heads=2, out_ch=4, n_nodes=x.shape[0])
    return out

if __name__ == "__main__":
    import jax
    _d = setup_inputs()
    print(jax.jit(kernel)(*tuple(_d.values())))

</pallas_src>

<mosaic_0001>
#map = affine_map<(d0, d1) -> (0, 0)>
module attributes {stable_mosaic.version = 14 : i64} {
  func.func @_sc_edge_body(%arg0: i32, %arg1: i32, %arg2: memref<100352x16xf32, #tpu.memory_space<hbm>>, %arg3: memref<100352x16xf32, #tpu.memory_space<hbm>>, %arg4: memref<100352x8xf32, #tpu.memory_space<hbm>>, %arg5: memref<50048x128xi32, #tpu.memory_space<hbm>>, %arg6: memref<784x16xf32, #tpu.memory_space<hbm>>, %arg7: memref<200704x16xf32, #tpu.memory_space<hbm>>, %arg8: memref<100352x16xf32, #tpu.memory_space<vmem_shared>>, %arg9: memref<4x128xi32, #tpu.memory_space<vmem>>, %arg10: memref<4x128xi32, #tpu.memory_space<vmem>>, %arg11: memref<2x128xi32, #tpu.memory_space<vmem>>, %arg12: memref<2x128xi32, #tpu.memory_space<vmem>>, %arg13: memref<256x16xf32, #tpu.memory_space<vmem>>, %arg14: memref<256x16xf32, #tpu.memory_space<vmem>>, %arg15: memref<256x8xf32, #tpu.memory_space<vmem>>, %arg16: memref<256x8xf32, #tpu.memory_space<vmem>>, %arg17: memref<256x16xf32, #tpu.memory_space<vmem>>, %arg18: memref<256x16xf32, #tpu.memory_space<vmem>>, %arg19: memref<!tpu.dma_semaphore, #tpu.memory_space<semaphore_mem>>, %arg20: memref<!tpu.dma_semaphore, #tpu.memory_space<semaphore_mem>>, %arg21: memref<!tpu.dma_semaphore, #tpu.memory_space<semaphore_mem>>, %arg22: memref<!tpu.dma_semaphore, #tpu.memory_space<semaphore_mem>>, %arg23: memref<!tpu.dma_semaphore, #tpu.memory_space<semaphore_mem>>, %arg24: memref<!tpu.dma_semaphore, #tpu.memory_space<semaphore_mem>>, %arg25: memref<!tpu.dma_semaphore, #tpu.memory_space<semaphore_mem>>, %arg26: memref<!tpu.dma_semaphore, #tpu.memory_space<semaphore_mem>>) attributes {dimension_semantics = [#tpu.dimension_semantics<core_parallel>, #tpu.dimension_semantics<subcore_parallel>], iteration_bounds = array<i64: 2, 16>, scalar_prefetch = 0 : i64, scratch_operands = 19 : i64, tpu.core_type = #tpu.core_type<sc_vector_subcore>, window_params = [{transform_indices = #map}, {transform_indices = #map}, {transform_indices = #map}, {transform_indices = #map}, {transform_indices = #map}, {transform_indices = #map}]} {
    %iota3A = tpu.iota {dimensions = array<i32: 0>} : vector<16xi32>
    "tpu.region"() ({
      %run_scoped3A = tpu.sem_alloc : memref<!tpu.dma_semaphore, #tpu.memory_space<semaphore_mem>>
      %dma_start3A_126 = arith.constant 0 : i32
      %dma_start3A_127 = arith.constant 0 : i32
      %dma_start3A_128 = tpu.memref_slice %arg6[%dma_start3A_126, %dma_start3A_127] : memref<784x16xf32, #tpu.memory_space<hbm>> -> memref<256x16xf32, #tpu.memory_space<hbm>>
      %dma_start3A_129 = arith.constant 0 : i32
      %dma_start3A_130 = arith.constant 0 : i32
      %dma_start3A_131 = tpu.memref_slice %arg6[%dma_start3A_129, %dma_start3A_130] : memref<784x16xf32, #tpu.memory_space<hbm>> -> memref<256x16xf32, #tpu.memory_space<hbm>>
      tpu.enqueue_dma source(%dma_start3A_131 : memref<256x16xf32, #tpu.memory_space<hbm>>) target(%arg17 : memref<256x16xf32, #tpu.memory_space<vmem>>) target_semaphore(%run_scoped3A : memref<!tpu.dma_semaphore, #tpu.memory_space<semaphore_mem>>)
      %dma_wait3A_132 = arith.constant 0 : i32
      %dma_wait3A_133 = arith.constant 0 : i32
      %dma_wait3A_134 = tpu.memref_slice %arg6[%dma_wait3A_132, %dma_wait3A_133] : memref<784x16xf32, #tpu.memory_space<hbm>> -> memref<256x16xf32, #tpu.memory_space<hbm>>
      %dma_wait3A_135 = arith.constant 0 : i32
      %dma_wait3A_136 = arith.constant 0 : i32
      %dma_wait3A_137 = tpu.memref_slice %arg6[%dma_wait3A_135, %dma_wait3A_136] : memref<784x16xf32, #tpu.memory_space<hbm>> -> memref<256x16xf32, #tpu.memory_space<hbm>>
      tpu.wait_dma2 semaphore(%run_scoped3A : memref<!tpu.dma_semaphore, #tpu.memory_space<semaphore_mem>>) src(%dma_wait3A_137 : memref<256x16xf32, #tpu.memory_space<hbm>>) dst(%arg17 : memref<256x16xf32, #tpu.memory_space<vmem>>)
      tpu.yield
    }) : () -> ()
    "tpu.region"() ({
      %run_scoped3A = tpu.sem_alloc : memref<!tpu.dma_semaphore, #tpu.memory_space<semaphore_mem>>
      %dma_start3A_126 = arith.constant 0 : i32
      %dma_start3A_127 = arith.constant 0 : i32
      %dma_start3A_128 = tpu.memref_slice %arg6[%dma_start3A_126, %dma_start3A_127] : memref<784x16xf32, #tpu.memory_space<hbm>> -> memref<256x16xf32, #tpu.memory_space<hbm>>
      %dma_start3A_129 = arith.constant 0 : i32
      %dma_start3A_130 = arith.constant 0 : i32
      %dma_start3A_131 = tpu.memref_slice %arg6[%dma_start3A_129, %dma_start3A_130] : memref<784x16xf32, #tpu.memory_space<hbm>> -> memref<256x16xf32, #tpu.memory_space<hbm>>
      tpu.enqueue_dma source(%dma_start3A_131 : memref<256x16xf32, #tpu.memory_space<hbm>>) target(%arg18 : memref<256x16xf32, #tpu.memory_space<vmem>>) target_semaphore(%run_scoped3A : memref<!tpu.dma_semaphore, #tpu.memory_space<semaphore_mem>>)
      %dma_wait3A_132 = arith.constant 0 : i32
      %dma_wait3A_133 = arith.constant 0 : i32
      %dma_wait3A_134 = tpu.memref_slice %arg6[%dma_wait3A_132, %dma_wait3A_133] : memref<784x16xf32, #tpu.memory_space<hbm>> -> memref<256x16xf32, #tpu.memory_space<hbm>>
      %dma_wait3A_135 = arith.constant 0 : i32
      %dma_wait3A_136 = arith.constant 0 : i32
      %dma_wait3A_137 = tpu.memref_slice %arg6[%dma_wait3A_135, %dma_wait3A_136] : memref<784x16xf32, #tpu.memory_space<hbm>> -> memref<256x16xf32, #tpu.memory_space<hbm>>
      tpu.wait_dma2 semaphore(%run_scoped3A : memref<!tpu.dma_semaphore, #tpu.memory_space<semaphore_mem>>) src(%dma_wait3A_137 : memref<256x16xf32, #tpu.memory_space<hbm>>) dst(%arg18 : memref<256x16xf32, #tpu.memory_space<vmem>>)
      tpu.yield
    }) : () -> ()
    %scan3A = arith.constant 0 : i32
    %scan3A_0 = arith.constant 0 : i32
    %scan3A_1 = arith.constant 8 : i32
    %scan3A_2 = arith.addi %scan3A_0, %scan3A_1 : i32
    %scan3A_3 = arith.constant 1 : i32
    %scan3A_4 = scf.for %scan3A_126 = %scan3A_0 to %scan3A_2 step %scan3A_3 iter_args(%scan3A_127 = %scan3A) -> (i32)  : i32 {
      %mul3A_128 = arith.constant 6272 : i32
      %mul3A_129 = arith.muli %arg1, %mul3A_128 : i32
      %mul3A_130 = arith.constant 784 : i32
      %mul3A_131 = arith.muli %scan3A_126, %mul3A_130 : i32
      %add3A_132 = arith.addi %mul3A_129, %mul3A_131 : i32
      "tpu.region"() ({
        %run_scoped3A = tpu.sem_alloc : memref<!tpu.dma_semaphore, #tpu.memory_space<semaphore_mem>>
        %dma_start3A_134 = arith.constant 0 : i32
        %dma_start3A_135 = tpu.memref_slice %arg8[%add3A_132, %dma_start3A_134] : memref<100352x16xf32, #tpu.memory_space<vmem_shared>> -> memref<784x16xf32, #tpu.memory_space<vmem_shared>>
        tpu.enqueue_dma source(%arg6 : memref<784x16xf32, #tpu.memory_space<hbm>>) target(%dma_start3A_135 : memref<784x16xf32, #tpu.memory_space<vmem_shared>>) target_semaphore(%run_scoped3A : memref<!tpu.dma_semaphore, #tpu.memory_space<semaphore_mem>>)
        %dma_wait3A_136 = arith.constant 0 : i32
        %dma_wait3A_137 = tpu.memref_slice %arg8[%add3A_132, %dma_wait3A_136] : memref<100352x16xf32, #tpu.memory_space<vmem_shared>> -> memref<784x16xf32, #tpu.memory_space<vmem_shared>>
        tpu.wait_dma2 semaphore(%run_scoped3A : memref<!tpu.dma_semaphore, #tpu.memory_space<semaphore_mem>>) src(%arg6 : memref<784x16xf32, #tpu.memory_space<hbm>>) dst(%dma_wait3A_137 : memref<784x16xf32, #tpu.memory_space<vmem_shared>>)
        tpu.yield
      }) : () -> ()
      %scan3A_133 = arith.constant 0 : i32
      scf.yield %scan3A_133 : i32
    }
    %scan3A_5 = arith.constant 8 : i32
    %barrier3A = arith.constant 0 : index
    tpu.barrier barrier_id(%barrier3A)
    %broadcast_in_dim3A = arith.constant 8 : i32
    %broadcast_in_dim3A_6 = vector.broadcast %broadcast_in_dim3A : i32 to vector<16xi32>
    %broadcast_in_dim3A_7 = arith.constant 9 : i32
    %broadcast_in_dim3A_8 = vector.broadcast %broadcast_in_dim3A_7 : i32 to vector<16xi32>
    %broadcast_in_dim3A_9 = arith.constant 0 : i32
    %broadcast_in_dim3A_10 = vector.broadcast %broadcast_in_dim3A_9 : i32 to vector<16xi32>
    %add3A = vector.broadcast %arg0 : i32 to vector<16xi32>
    %add3A_11 = arith.addi %broadcast_in_dim3A_10, %add3A : vector<16xi32>
    %mul3A = arith.constant 782 : i32
    %mul3A_12 = arith.muli %arg1, %mul3A : i32
    %add3A_13 = arith.constant 0 : i32
    %add3A_14 = arith.addi %mul3A_12, %add3A_13 : i32
    %mul3A_15 = arith.constant 2 : i32
    %mul3A_16 = arith.muli %add3A_14, %mul3A_15 : i32
    %mul3A_17 = arith.constant 2 : i32
    %mul3A_18 = arith.muli %mul3A_17, %mul3A_16 : i32
    %dma_start3A = arith.constant 0 : i32
    %dma_start3A_19 = tpu.memref_slice %arg5[%mul3A_18, %dma_start3A] : memref<50048x128xi32, #tpu.memory_space<hbm>> -> memref<4x128xi32, #tpu.memory_space<hbm>>
    %dma_start3A_20 = arith.constant 0 : i32
    %dma_start3A_21 = tpu.memref_slice %arg5[%mul3A_18, %dma_start3A_20] : memref<50048x128xi32, #tpu.memory_space<hbm>> -> memref<4x128xi32, #tpu.memory_space<hbm>>
    tpu.enqueue_dma source(%dma_start3A_21 : memref<4x128xi32, #tpu.memory_space<hbm>>) target(%arg9 : memref<4x128xi32, #tpu.memory_space<vmem>>) target_semaphore(%arg23 : memref<!tpu.dma_semaphore, #tpu.memory_space<semaphore_mem>>)
    %mul3A_22 = arith.constant 782 : i32
    %mul3A_23 = arith.muli %arg1, %mul3A_22 : i32
    %add3A_24 = arith.constant 0 : i32
    %add3A_25 = arith.addi %mul3A_23, %add3A_24 : i32
    %mul3A_26 = arith.constant 2 : i32
    %mul3A_27 = arith.muli %add3A_25, %mul3A_26 : i32
    %mul3A_28 = arith.constant 2 : i32
    %mul3A_29 = arith.muli %mul3A_28, %mul3A_27 : i32
    %dma_wait3A = arith.constant 0 : i32
    %dma_wait3A_30 = tpu.memref_slice %arg5[%mul3A_29, %dma_wait3A] : memref<50048x128xi32, #tpu.memory_space<hbm>> -> memref<4x128xi32, #tpu.memory_space<hbm>>
    %dma_wait3A_31 = arith.constant 0 : i32
    %dma_wait3A_32 = tpu.memref_slice %arg5[%mul3A_29, %dma_wait3A_31] : memref<50048x128xi32, #tpu.memory_space<hbm>> -> memref<4x128xi32, #tpu.memory_space<hbm>>
    tpu.wait_dma2 semaphore(%arg23 : memref<!tpu.dma_semaphore, #tpu.memory_space<semaphore_mem>>) src(%dma_wait3A_32 : memref<4x128xi32, #tpu.memory_space<hbm>>) dst(%arg9 : memref<4x128xi32, #tpu.memory_space<vmem>>)
    %eq3A = arith.constant 0 : i32
    %eq3A_33 = arith.cmpi eq, %arg0, %eq3A : i32
    %convert_element_type3A = arith.extui %eq3A_33 : i1 to i32
    %cond3A = arith.constant 0 : i32
    %cond3A_34 = arith.cmpi ne, %convert_element_type3A, %cond3A : i32
    scf.if %cond3A_34 {
      %dma_start3A_126 = arith.constant 0 : i32
      %dma_start3A_127 = arith.constant 0 : i32
      %dma_start3A_128 = arith.constant 0 : i32
      %dma_start3A_129 = tpu.memref_slice %arg13[%dma_start3A_127, %dma_start3A_128] : memref<256x16xf32, #tpu.memory_space<vmem>> -> memref<128x16xf32, #tpu.memory_space<vmem>>
      %dma_start3A_130 = arith.constant 0 : i32
      %dma_start3A_131 = tpu.memref_slice %arg9[%dma_start3A_126, %dma_start3A_130] : memref<4x128xi32, #tpu.memory_space<vmem>> -> memref<1x128xi32, #tpu.memory_space<vmem>>
      %dma_start3A_132 = tpu.memref_squeeze %dma_start3A_131 : memref<1x128xi32, #tpu.memory_space<vmem>> -> memref<128xi32, #tpu.memory_space<vmem>>
      %dma_start3A_133 = arith.constant 0 : i32
      %dma_start3A_134 = arith.constant 0 : i32
      %dma_start3A_135 = tpu.memref_slice %arg2[%dma_start3A_133, %dma_start3A_134] : memref<100352x16xf32, #tpu.memory_space<hbm>> -> memref<100352x16xf32, #tpu.memory_space<hbm>>
      tpu.enqueue_indirect_dma source(%dma_start3A_135 : memref<100352x16xf32, #tpu.memory_space<hbm>>) target(%dma_start3A_129 : memref<128x16xf32, #tpu.memory_space<vmem>>) offsets(%dma_start3A_132 : memref<128xi32, #tpu.memory_space<vmem>>) semaphore(%arg19 : memref<!tpu.dma_semaphore, #tpu.memory_space<semaphore_mem>>)
      %dma_start3A_136 = arith.constant 1 : i32
      %dma_start3A_137 = arith.constant 128 : i32
      %dma_start3A_138 = arith.constant 0 : i32
      %dma_start3A_139 = tpu.memref_slice %arg13[%dma_start3A_137, %dma_start3A_138] : memref<256x16xf32, #tpu.memory_space<vmem>> -> memref<128x16xf32, #tpu.memory_space<vmem>>
      %dma_start3A_140 = arith.constant 0 : i32
      %dma_start3A_141 = tpu.memref_slice %arg9[%dma_start3A_136, %dma_start3A_140] : memref<4x128xi32, #tpu.memory_space<vmem>> -> memref<1x128xi32, #tpu.memory_space<vmem>>
      %dma_start3A_142 = tpu.memref_squeeze %dma_start3A_141 : memref<1x128xi32, #tpu.memory_space<vmem>> -> memref<128xi32, #tpu.memory_space<vmem>>
      %dma_start3A_143 = arith.constant 0 : i32
      %dma_start3A_144 = arith.constant 0 : i32
      %dma_start3A_145 = tpu.memref_slice %arg2[%dma_start3A_143, %dma_start3A_144] : memref<100352x16xf32, #tpu.memory_space<hbm>> -> memref<100352x16xf32, #tpu.memory_space<hbm>>
      tpu.enqueue_indirect_dma source(%dma_start3A_145 : memref<100352x16xf32, #tpu.memory_space<hbm>>) target(%dma_start3A_139 : memref<128x16xf32, #tpu.memory_space<vmem>>) offsets(%dma_start3A_142 : memref<128xi32, #tpu.memory_space<vmem>>) semaphore(%arg19 : memref<!tpu.dma_semaphore, #tpu.memory_space<semaphore_mem>>)
    } else {
    }
    %ne3A = arith.constant 0 : i32
    %ne3A_35 = arith.cmpi ne, %arg0, %ne3A : i32
    %convert_element_type3A_36 = arith.extui %ne3A_35 : i1 to i32
    %cond3A_37 = arith.constant 0 : i32
    %cond3A_38 = arith.cmpi ne, %convert_element_type3A_36, %cond3A_37 : i32
    scf.if %cond3A_38 {
      %dma_start3A_126 = arith.constant 0 : i32
      %dma_start3A_127 = arith.constant 0 : i32
      %dma_start3A_128 = arith.constant 0 : i32
      %dma_start3A_129 = tpu.memref_slice %arg13[%dma_start3A_127, %dma_start3A_128] : memref<256x16xf32, #tpu.memory_space<vmem>> -> memref<128x16xf32, #tpu.memory_space<vmem>>
      %dma_start3A_130 = arith.constant 0 : i32
      %dma_start3A_131 = tpu.memref_slice %arg9[%dma_start3A_126, %dma_start3A_130] : memref<4x128xi32, #tpu.memory_space<vmem>> -> memref<1x128xi32, #tpu.memory_space<vmem>>
      %dma_start3A_132 = tpu.memref_squeeze %dma_start3A_131 : memref<1x128xi32, #tpu.memory_space<vmem>> -> memref<128xi32, #tpu.memory_space<vmem>>
      %dma_start3A_133 = arith.constant 0 : i32
      %dma_start3A_134 = arith.constant 0 : i32
      %dma_start3A_135 = tpu.memref_slice %arg3[%dma_start3A_133, %dma_start3A_134] : memref<100352x16xf32, #tpu.memory_space<hbm>> -> memref<100352x16xf32, #tpu.memory_space<hbm>>
      tpu.enqueue_indirect_dma source(%dma_start3A_135 : memref<100352x16xf32, #tpu.memory_space<hbm>>) target(%dma_start3A_129 : memref<128x16xf32, #tpu.memory_space<vmem>>) offsets(%dma_start3A_132 : memref<128xi32, #tpu.memory_space<vmem>>) semaphore(%arg19 : memref<!tpu.dma_semaphore, #tpu.memory_space<semaphore_mem>>)
      %dma_start3A_136 = arith.constant 1 : i32
      %dma_start3A_137 = arith.constant 128 : i32
      %dma_start3A_138 = arith.constant 0 : i32
      %dma_start3A_139 = tpu.memref_slice %arg13[%dma_start3A_137, %dma_start3A_138] : memref<256x16xf32, #tpu.memory_space<vmem>> -> memref<128x16xf32, #tpu.memory_space<vmem>>
      %dma_start3A_140 = arith.constant 0 : i32
      %dma_start3A_141 = tpu.memref_slice %arg9[%dma_start3A_136, %dma_start3A_140] : memref<4x128xi32, #tpu.memory_space<vmem>> -> memref<1x128xi32, #tpu.memory_space<vmem>>
      %dma_start3A_142 = tpu.memref_squeeze %dma_start3A_141 : memref<1x128xi32, #tpu.memory_space<vmem>> -> memref<128xi32, #tpu.memory_space<vmem>>
      %dma_start3A_143 = arith.constant 0 : i32
      %dma_start3A_144 = arith.constant 0 : i32
      %dma_start3A_145 = tpu.memref_slice %arg3[%dma_start3A_143, %dma_start3A_144] : memref<100352x16xf32, #tpu.memory_space<hbm>> -> memref<100352x16xf32, #tpu.memory_space<hbm>>
      tpu.enqueue_indirect_dma source(%dma_start3A_145 : memref<100352x16xf32, #tpu.memory_space<hbm>>) target(%dma_start3A_139 : memref<128x16xf32, #tpu.memory_space<vmem>>) offsets(%dma_start3A_142 : memref<128xi32, #tpu.memory_space<vmem>>) semaphore(%arg19 : memref<!tpu.dma_semaphore, #tpu.memory_space<semaphore_mem>>)
    } else {
    }
    %dma_start3A_39 = arith.constant 2 : i32
    %dma_start3A_40 = arith.constant 0 : i32
    %dma_start3A_41 = arith.constant 0 : i32
    %dma_start3A_42 = tpu.memref_slice %arg15[%dma_start3A_40, %dma_start3A_41] : memref<256x8xf32, #tpu.memory_space<vmem>> -> memref<128x8xf32, #tpu.memory_space<vmem>>
    %dma_start3A_43 = arith.constant 0 : i32
    %dma_start3A_44 = tpu.memref_slice %arg9[%dma_start3A_39, %dma_start3A_43] : memref<4x128xi32, #tpu.memory_space<vmem>> -> memref<1x128xi32, #tpu.memory_space<vmem>>
    %dma_start3A_45 = tpu.memref_squeeze %dma_start3A_44 : memref<1x128xi32, #tpu.memory_space<vmem>> -> memref<128xi32, #tpu.memory_space<vmem>>
    %dma_start3A_46 = arith.constant 0 : i32
    %dma_start3A_47 = arith.constant 0 : i32
    %dma_start3A_48 = tpu.memref_slice %arg4[%dma_start3A_46, %dma_start3A_47] : memref<100352x8xf32, #tpu.memory_space<hbm>> -> memref<100352x8xf32, #tpu.memory_space<hbm>>
    tpu.enqueue_indirect_dma source(%dma_start3A_48 : memref<100352x8xf32, #tpu.memory_space<hbm>>) target(%dma_start3A_42 : memref<128x8xf32, #tpu.memory_space<vmem>>) offsets(%dma_start3A_45 : memref<128xi32, #tpu.memory_space<vmem>>) semaphore(%arg21 : memref<!tpu.dma_semaphore, #tpu.memory_space<semaphore_mem>>)
    %dma_start3A_49 = arith.constant 3 : i32
    %dma_start3A_50 = arith.constant 128 : i32
    %dma_start3A_51 = arith.constant 0 : i32
    %dma_start3A_52 = tpu.memref_slice %arg15[%dma_start3A_50, %dma_start3A_51] : memref<256x8xf32, #tpu.memory_space<vmem>> -> memref<128x8xf32, #tpu.memory_space<vmem>>
    %dma_start3A_53 = arith.constant 0 : i32
    %dma_start3A_54 = tpu.memref_slice %arg9[%dma_start3A_49, %dma_start3A_53] : memref<4x128xi32, #tpu.memory_space<vmem>> -> memref<1x128xi32, #tpu.memory_space<vmem>>
    %dma_start3A_55 = tpu.memref_squeeze %dma_start3A_54 : memref<1x128xi32, #tpu.memory_space<vmem>> -> memref<128xi32, #tpu.memory_space<vmem>>
    %dma_start3A_56 = arith.constant 0 : i32
    %dma_start3A_57 = arith.constant 0 : i32
    %dma_start3A_58 = tpu.memref_slice %arg4[%dma_start3A_56, %dma_start3A_57] : memref<100352x8xf32, #tpu.memory_space<hbm>> -> memref<100352x8xf32, #tpu.memory_space<hbm>>
    tpu.enqueue_indirect_dma source(%dma_start3A_58 : memref<100352x8xf32, #tpu.memory_space<hbm>>) target(%dma_start3A_52 : memref<128x8xf32, #tpu.memory_space<vmem>>) offsets(%dma_start3A_55 : memref<128xi32, #tpu.memory_space<vmem>>) semaphore(%arg21 : memref<!tpu.dma_semaphore, #tpu.memory_space<semaphore_mem>>)
    %mul3A_59 = arith.constant 782 : i32
    %mul3A_60 = arith.muli %arg1, %mul3A_59 : i32
    %add3A_61 = arith.constant 1 : i32
    %add3A_62 = arith.addi %mul3A_60, %add3A_61 : i32
    %mul3A_63 = arith.constant 2 : i32
    %mul3A_64 = arith.muli %add3A_62, %mul3A_63 : i32
    %mul3A_65 = arith.constant 2 : i32
    %mul3A_66 = arith.muli %mul3A_65, %mul3A_64 : i32
    %dma_start3A_67 = arith.constant 0 : i32
    %dma_start3A_68 = tpu.memref_slice %arg5[%mul3A_66, %dma_start3A_67] : memref<50048x128xi32, #tpu.memory_space<hbm>> -> memref<4x128xi32, #tpu.memory_space<hbm>>
    %dma_start3A_69 = arith.constant 0 : i32
    %dma_start3A_70 = tpu.memref_slice %arg5[%mul3A_66, %dma_start3A_69] : memref<50048x128xi32, #tpu.memory_space<hbm>> -> memref<4x128xi32, #tpu.memory_space<hbm>>
    tpu.enqueue_dma source(%dma_start3A_70 : memref<4x128xi32, #tpu.memory_space<hbm>>) target(%arg10 : memref<4x128xi32, #tpu.memory_space<vmem>>) target_semaphore(%arg24 : memref<!tpu.dma_semaphore, #tpu.memory_space<semaphore_mem>>)
    %scan3A_71 = arith.constant 0 : i32
    %scan3A_72 = arith.constant 0 : i32
    %scan3A_73 = arith.constant 391 : i32
    %scan3A_74 = arith.addi %scan3A_72, %scan3A_73 : i32
    %scan3A_75 = arith.constant 1 : i32
    %scan3A_76 = scf.for %scan3A_126 = %scan3A_72 to %scan3A_74 step %scan3A_75 iter_args(%scan3A_127 = %scan3A_71) -> (i32)  : i32 {
      %mul3A_128 = arith.constant 2 : i32
      %mul3A_129 = arith.muli %mul3A_128, %scan3A_126 : i32
      %add3A_130 = arith.constant 1 : i32
      %add3A_131 = arith.addi %mul3A_129, %add3A_130 : i32
      %mul3A_132 = arith.constant 782 : i32
      %mul3A_133 = arith.muli %arg1, %mul3A_132 : i32
      %add3A_134 = arith.addi %mul3A_133, %add3A_131 : i32
      %mul3A_135 = arith.constant 2 : i32
      %mul3A_136 = arith.muli %add3A_134, %mul3A_135 : i32
      %mul3A_137 = arith.constant 2 : i32
      %mul3A_138 = arith.muli %mul3A_137, %mul3A_136 : i32
      %dma_wait3A_139 = arith.constant 0 : i32
      %dma_wait3A_140 = tpu.memref_slice %arg5[%mul3A_138, %dma_wait3A_139] : memref<50048x128xi32, #tpu.memory_space<hbm>> -> memref<4x128xi32, #tpu.memory_space<hbm>>
      %dma_wait3A_141 = arith.constant 0 : i32
      %dma_wait3A_142 = tpu.memref_slice %arg5[%mul3A_138, %dma_wait3A_141] : memref<50048x128xi32, #tpu.memory_space<hbm>> -> memref<4x128xi32, #tpu.memory_space<hbm>>
      tpu.wait_dma2 semaphore(%arg24 : memref<!tpu.dma_semaphore, #tpu.memory_space<semaphore_mem>>) src(%dma_wait3A_142 : memref<4x128xi32, #tpu.memory_space<hbm>>) dst(%arg10 : memref<4x128xi32, #tpu.memory_space<vmem>>)
      %eq3A_143 = arith.constant 0 : i32
      %eq3A_144 = arith.cmpi eq, %arg0, %eq3A_143 : i32
      %convert_element_type3A_145 = arith.extui %eq3A_144 : i1 to i32
      %cond3A_146 = arith.constant 0 : i32
      %cond3A_147 = arith.cmpi ne, %convert_element_type3A_145, %cond3A_146 : i32
      scf.if %cond3A_147 {
        %dma_start3A_589 = arith.constant 0 : i32
        %dma_start3A_590 = arith.constant 0 : i32
        %dma_start3A_591 = arith.constant 0 : i32
        %dma_start3A_592 = tpu.memref_slice %arg14[%dma_start3A_590, %dma_start3A_591] : memref<256x16xf32, #tpu.memory_space<vmem>> -> memref<128x16xf32, #tpu.memory_space<vmem>>
        %dma_start3A_593 = arith.constant 0 : i32
        %dma_start3A_594 = tpu.memref_slice %arg10[%dma_start3A_589, %dma_start3A_593] : memref<4x128xi32, #tpu.memory_space<vmem>> -> memref<1x128xi32, #tpu.memory_space<vmem>>
        %dma_start3A_595 = tpu.memref_squeeze %dma_start3A_594 : memref<1x128xi32, #tpu.memory_space<vmem>> -> memref<128xi32, #tpu.memory_space<vmem>>
        %dma_start3A_596 = arith.constant 0 : i32
        %dma_start3A_597 = arith.constant 0 : i32
        %dma_start3A_598 = tpu.memref_slice %arg2[%dma_start3A_596, %dma_start3A_597] : memref<100352x16xf32, #tpu.memory_space<hbm>> -> memref<100352x16xf32, #tpu.memory_space<hbm>>
        tpu.enqueue_indirect_dma source(%dma_start3A_598 : memref<100352x16xf32, #tpu.memory_space<hbm>>) target(%dma_start3A_592 : memref<128x16xf32, #tpu.memory_space<vmem>>) offsets(%dma_start3A_595 : memref<128xi32, #tpu.memory_space<vmem>>) semaphore(%arg20 : memref<!tpu.dma_semaphore, #tpu.memory_space<semaphore_mem>>)
        %dma_start3A_599 = arith.constant 1 : i32
        %dma_start3A_600 = arith.constant 128 : i32
        %dma_start3A_601 = arith.constant 0 : i32
        %dma_start3A_602 = tpu.memref_slice %arg14[%dma_start3A_600, %dma_start3A_601] : memref<256x16xf32, #tpu.memory_space<vmem>> -> memref<128x16xf32, #tpu.memory_space<vmem>>
        %dma_start3A_603 = arith.constant 0 : i32
        %dma_start3A_604 = tpu.memref_slice %arg10[%dma_start3A_599, %dma_start3A_603] : memref<4x128xi32, #tpu.memory_space<vmem>> -> memref<1x128xi32, #tpu.memory_space<vmem>>
        %dma_start3A_605 = tpu.memref_squeeze %dma_start3A_604 : memref<1x128xi32, #tpu.memory_space<vmem>> -> memref<128xi32, #tpu.memory_space<vmem>>
        %dma_start3A_606 = arith.constant 0 : i32
        %dma_start3A_607 = arith.constant 0 : i32
        %dma_start3A_608 = tpu.memref_slice %arg2[%dma_start3A_606, %dma_start3A_607] : memref<100352x16xf32, #tpu.memory_space<hbm>> -> memref<100352x16xf32, #tpu.memory_space<hbm>>
        tpu.enqueue_indirect_dma source(%dma_start3A_608 : memref<100352x16xf32, #tpu.memory_space<hbm>>) target(%dma_start3A_602 : memref<128x16xf32, #tpu.memory_space<vmem>>) offsets(%dma_start3A_605 : memref<128xi32, #tpu.memory_space<vmem>>) semaphore(%arg20 : memref<!tpu.dma_semaphore, #tpu.memory_space<semaphore_mem>>)
      } else {
      }
      %ne3A_148 = arith.constant 0 : i32
      %ne3A_149 = arith.cmpi ne, %arg0, %ne3A_148 : i32
      %convert_element_type3A_150 = arith.extui %ne3A_149 : i1 to i32
      %cond3A_151 = arith.constant 0 : i32
      %cond3A_152 = arith.cmpi ne, %convert_element_type3A_150, %cond3A_151 : i32
      scf.if %cond3A_152 {
        %dma_start3A_589 = arith.constant 0 : i32
        %dma_start3A_590 = arith.constant 0 : i32
        %dma_start3A_591 = arith.constant 0 : i32
        %dma_start3A_592 = tpu.memref_slice %arg14[%dma_start3A_590, %dma_start3A_591] : memref<256x16xf32, #tpu.memory_space<vmem>> -> memref<128x16xf32, #tpu.memory_space<vmem>>
        %dma_start3A_593 = arith.constant 0 : i32
        %dma_start3A_594 = tpu.memref_slice %arg10[%dma_start3A_589, %dma_start3A_593] : memref<4x128xi32, #tpu.memory_space<vmem>> -> memref<1x128xi32, #tpu.memory_space<vmem>>
        %dma_start3A_595 = tpu.memref_squeeze %dma_start3A_594 : memref<1x128xi32, #tpu.memory_space<vmem>> -> memref<128xi32, #tpu.memory_space<vmem>>
        %dma_start3A_596 = arith.constant 0 : i32
        %dma_start3A_597 = arith.constant 0 : i32
        %dma_start3A_598 = tpu.memref_slice %arg3[%dma_start3A_596, %dma_start3A_597] : memref<100352x16xf32, #tpu.memory_space<hbm>> -> memref<100352x16xf32, #tpu.memory_space<hbm>>
        tpu.enqueue_indirect_dma source(%dma_start3A_598 : memref<100352x16xf32, #tpu.memory_space<hbm>>) target(%dma_start3A_592 : memref<128x16xf32, #tpu.memory_space<vmem>>) offsets(%dma_start3A_595 : memref<128xi32, #tpu.memory_space<vmem>>) semaphore(%arg20 : memref<!tpu.dma_semaphore, #tpu.memory_space<semaphore_mem>>)
        %dma_start3A_599 = arith.constant 1 : i32
        %dma_start3A_600 = arith.constant 128 : i32
        %dma_start3A_601 = arith.constant 0 : i32
        %dma_start3A_602 = tpu.memref_slice %arg14[%dma_start3A_600, %dma_start3A_601] : memref<256x16xf32, #tpu.memory_space<vmem>> -> memref<128x16xf32, #tpu.memory_space<vmem>>
        %dma_start3A_603 = arith.constant 0 : i32
        %dma_start3A_604 = tpu.memref_slice %arg10[%dma_start3A_599, %dma_start3A_603] : memref<4x128xi32, #tpu.memory_space<vmem>> -> memref<1x128xi32, #tpu.memory_space<vmem>>
        %dma_start3A_605 = tpu.memref_squeeze %dma_start3A_604 : memref<1x128xi32, #tpu.memory_space<vmem>> -> memref<128xi32, #tpu.memory_space<vmem>>
        %dma_start3A_606 = arith.constant 0 : i32
        %dma_start3A_607 = arith.constant 0 : i32
        %dma_start3A_608 = tpu.memref_slice %arg3[%dma_start3A_606, %dma_start3A_607] : memref<100352x16xf32, #tpu.memory_space<hbm>> -> memref<100352x16xf32, #tpu.memory_space<hbm>>
        tpu.enqueue_indirect_dma source(%dma_start3A_608 : memref<100352x16xf32, #tpu.memory_space<hbm>>) target(%dma_start3A_602 : memref<128x16xf32, #tpu.memory_space<vmem>>) offsets(%dma_start3A_605 : memref<128xi32, #tpu.memory_space<vmem>>) semaphore(%arg20 : memref<!tpu.dma_semaphore, #tpu.memory_space<semaphore_mem>>)
      } else {
      }
      %dma_start3A_153 = arith.constant 2 : i32
      %dma_start3A_154 = arith.constant 0 : i32
      %dma_start3A_155 = arith.constant 0 : i32
      %dma_start3A_156 = tpu.memref_slice %arg16[%dma_start3A_154, %dma_start3A_155] : memref<256x8xf32, #tpu.memory_space<vmem>> -> memref<128x8xf32, #tpu.memory_space<vmem>>
      %dma_start3A_157 = arith.constant 0 : i32
      %dma_start3A_158 = tpu.memref_slice %arg10[%dma_start3A_153, %dma_start3A_157] : memref<4x128xi32, #tpu.memory_space<vmem>> -> memref<1x128xi32, #tpu.memory_space<vmem>>
      %dma_start3A_159 = tpu.memref_squeeze %dma_start3A_158 : memref<1x128xi32, #tpu.memory_space<vmem>> -> memref<128xi32, #tpu.memory_space<vmem>>
      %dma_start3A_160 = arith.constant 0 : i32
      %dma_start3A_161 = arith.constant 0 : i32
      %dma_start3A_162 = tpu.memref_slice %arg4[%dma_start3A_160, %dma_start3A_161] : memref<100352x8xf32, #tpu.memory_space<hbm>> -> memref<100352x8xf32, #tpu.memory_space<hbm>>
      tpu.enqueue_indirect_dma source(%dma_start3A_162 : memref<100352x8xf32, #tpu.memory_space<hbm>>) target(%dma_start3A_156 : memref<128x8xf32, #tpu.memory_space<vmem>>) offsets(%dma_start3A_159 : memref<128xi32, #tpu.memory_space<vmem>>) semaphore(%arg22 : memref<!tpu.dma_semaphore, #tpu.memory_space<semaphore_mem>>)
      %dma_start3A_163 = arith.constant 3 : i32
      %dma_start3A_164 = arith.constant 128 : i32
      %dma_start3A_165 = arith.constant 0 : i32
      %dma_start3A_166 = tpu.memref_slice %arg16[%dma_start3A_164, %dma_start3A_165] : memref<256x8xf32, #tpu.memory_space<vmem>> -> memref<128x8xf32, #tpu.memory_space<vmem>>
      %dma_start3A_167 = arith.constant 0 : i32
      %dma_start3A_168 = tpu.memref_slice %arg10[%dma_start3A_163, %dma_start3A_167] : memref<4x128xi32, #tpu.memory_space<vmem>> -> memref<1x128xi32, #tpu.memory_space<vmem>>
      %dma_start3A_169 = tpu.memref_squeeze %dma_start3A_168 : memref<1x128xi32, #tpu.memory_space<vmem>> -> memref<128xi32, #tpu.memory_space<vmem>>
      %dma_start3A_170 = arith.constant 0 : i32
      %dma_start3A_171 = arith.constant 0 : i32
      %dma_start3A_172 = tpu.memref_slice %arg4[%dma_start3A_170, %dma_start3A_171] : memref<100352x8xf32, #tpu.memory_space<hbm>> -> memref<100352x8xf32, #tpu.memory_space<hbm>>
      tpu.enqueue_indirect_dma source(%dma_start3A_172 : memref<100352x8xf32, #tpu.memory_space<hbm>>) target(%dma_start3A_166 : memref<128x8xf32, #tpu.memory_space<vmem>>) offsets(%dma_start3A_169 : memref<128xi32, #tpu.memory_space<vmem>>) semaphore(%arg22 : memref<!tpu.dma_semaphore, #tpu.memory_space<semaphore_mem>>)
      %dma_wait3A_173 = arith.constant 0 : i32
      %dma_wait3A_174 = arith.constant 0 : i32
      %dma_wait3A_175 = arith.constant 0 : i32
      %dma_wait3A_176 = tpu.memref_slice %arg13[%dma_wait3A_174, %dma_wait3A_175] : memref<256x16xf32, #tpu.memory_space<vmem>> -> memref<128x16xf32, #tpu.memory_space<vmem>>
      %dma_wait3A_177 = arith.constant 0 : i32
      %dma_wait3A_178 = tpu.memref_slice %arg9[%dma_wait3A_173, %dma_wait3A_177] : memref<4x128xi32, #tpu.memory_space<vmem>> -> memref<1x128xi32, #tpu.memory_space<vmem>>
      %dma_wait3A_179 = tpu.memref_squeeze %dma_wait3A_178 : memref<1x128xi32, #tpu.memory_space<vmem>> -> memref<128xi32, #tpu.memory_space<vmem>>
      %dma_wait3A_180 = arith.constant 0 : i32
      %dma_wait3A_181 = arith.constant 0 : i32
      %dma_wait3A_182 = tpu.memref_slice %arg2[%dma_wait3A_180, %dma_wait3A_181] : memref<100352x16xf32, #tpu.memory_space<hbm>> -> memref<100352x16xf32, #tpu.memory_space<hbm>>
      tpu.wait_indirect_dma semaphore(%arg19 : memref<!tpu.dma_semaphore, #tpu.memory_space<semaphore_mem>>) src(%dma_wait3A_182 : memref<100352x16xf32, #tpu.memory_space<hbm>>) dst(%dma_wait3A_176 : memref<128x16xf32, #tpu.memory_space<vmem>>)
      %dma_wait3A_183 = arith.constant 2 : i32
      %dma_wait3A_184 = arith.constant 0 : i32
      %dma_wait3A_185 = arith.constant 0 : i32
      %dma_wait3A_186 = tpu.memref_slice %arg15[%dma_wait3A_184, %dma_wait3A_185] : memref<256x8xf32, #tpu.memory_space<vmem>> -> memref<128x8xf32, #tpu.memory_space<vmem>>
      %dma_wait3A_187 = arith.constant 0 : i32
      %dma_wait3A_188 = tpu.memref_slice %arg9[%dma_wait3A_183, %dma_wait3A_187] : memref<4x128xi32, #tpu.memory_space<vmem>> -> memref<1x128xi32, #tpu.memory_space<vmem>>
      %dma_wait3A_189 = tpu.memref_squeeze %dma_wait3A_188 : memref<1x128xi32, #tpu.memory_space<vmem>> -> memref<128xi32, #tpu.memory_space<vmem>>
      %dma_wait3A_190 = arith.constant 0 : i32
      %dma_wait3A_191 = arith.constant 0 : i32
      %dma_wait3A_192 = tpu.memref_slice %arg4[%dma_wait3A_190, %dma_wait3A_191] : memref<100352x8xf32, #tpu.memory_space<hbm>> -> memref<100352x8xf32, #tpu.memory_space<hbm>>
      tpu.wait_indirect_dma semaphore(%arg21 : memref<!tpu.dma_semaphore, #tpu.memory_space<semaphore_mem>>) src(%dma_wait3A_192 : memref<100352x8xf32, #tpu.memory_space<hbm>>) dst(%dma_wait3A_186 : memref<128x8xf32, #tpu.memory_space<vmem>>)
      %dma_wait3A_193 = arith.constant 1 : i32
      %dma_wait3A_194 = arith.constant 128 : i32
      %dma_wait3A_195 = arith.constant 0 : i32
      %dma_wait3A_196 = tpu.memref_slice %arg13[%dma_wait3A_194, %dma_wait3A_195] : memref<256x16xf32, #tpu.memory_space<vmem>> -> memref<128x16xf32, #tpu.memory_space<vmem>>
      %dma_wait3A_197 = arith.constant 0 : i32
      %dma_wait3A_198 = tpu.memref_slice %arg9[%dma_wait3A_193, %dma_wait3A_197] : memref<4x128xi32, #tpu.memory_space<vmem>> -> memref<1x128xi32, #tpu.memory_space<vmem>>
      %dma_wait3A_199 = tpu.memref_squeeze %dma_wait3A_198 : memref<1x128xi32, #tpu.memory_space<vmem>> -> memref<128xi32, #tpu.memory_space<vmem>>
      %dma_wait3A_200 = arith.constant 0 : i32
      %dma_wait3A_201 = arith.constant 0 : i32
      %dma_wait3A_202 = tpu.memref_slice %arg2[%dma_wait3A_200, %dma_wait3A_201] : memref<100352x16xf32, #tpu.memory_space<hbm>> -> memref<100352x16xf32, #tpu.memory_space<hbm>>
      tpu.wait_indirect_dma semaphore(%arg19 : memref<!tpu.dma_semaphore, #tpu.memory_space<semaphore_mem>>) src(%dma_wait3A_202 : memref<100352x16xf32, #tpu.memory_space<hbm>>) dst(%dma_wait3A_196 : memref<128x16xf32, #tpu.memory_space<vmem>>)
      %dma_wait3A_203 = arith.constant 3 : i32
      %dma_wait3A_204 = arith.constant 128 : i32
      %dma_wait3A_205 = arith.constant 0 : i32
      %dma_wait3A_206 = tpu.memref_slice %arg15[%dma_wait3A_204, %dma_wait3A_205] : memref<256x8xf32, #tpu.memory_space<vmem>> -> memref<128x8xf32, #tpu.memory_space<vmem>>
      %dma_wait3A_207 = arith.constant 0 : i32
      %dma_wait3A_208 = tpu.memref_slice %arg9[%dma_wait3A_203, %dma_wait3A_207] : memref<4x128xi32, #tpu.memory_space<vmem>> -> memref<1x128xi32, #tpu.memory_space<vmem>>
      %dma_wait3A_209 = tpu.memref_squeeze %dma_wait3A_208 : memref<1x128xi32, #tpu.memory_space<vmem>> -> memref<128xi32, #tpu.memory_space<vmem>>
      %dma_wait3A_210 = arith.constant 0 : i32
      %dma_wait3A_211 = arith.constant 0 : i32
      %dma_wait3A_212 = tpu.memref_slice %arg4[%dma_wait3A_210, %dma_wait3A_211] : memref<100352x8xf32, #tpu.memory_space<hbm>> -> memref<100352x8xf32, #tpu.memory_space<hbm>>
      tpu.wait_indirect_dma semaphore(%arg21 : memref<!tpu.dma_semaphore, #tpu.memory_space<semaphore_mem>>) src(%dma_wait3A_212 : memref<100352x8xf32, #tpu.memory_space<hbm>>) dst(%dma_wait3A_206 : memref<128x8xf32, #tpu.memory_space<vmem>>)
      %gt3A = arith.constant 0 : i32
      %gt3A_213 = arith.cmpi sgt, %scan3A_126, %gt3A : i32
      %convert_element_type3A_214 = arith.extui %gt3A_213 : i1 to i32
      %cond3A_215 = arith.constant 0 : i32
      %cond3A_216 = arith.cmpi ne, %convert_element_type3A_214, %cond3A_215 : i32
      scf.if %cond3A_216 {
        %dma_wait3A_589 = arith.constant 0 : i32
        %dma_wait3A_590 = arith.constant 0 : i32
        %dma_wait3A_591 = arith.constant 0 : i32
        %dma_wait3A_592 = tpu.memref_slice %arg17[%dma_wait3A_590, %dma_wait3A_591] : memref<256x16xf32, #tpu.memory_space<vmem>> -> memref<128x16xf32, #tpu.memory_space<vmem>>
        %dma_wait3A_593 = arith.constant 0 : i32
        %dma_wait3A_594 = tpu.memref_slice %arg11[%dma_wait3A_589, %dma_wait3A_593] : memref<2x128xi32, #tpu.memory_space<vmem>> -> memref<1x128xi32, #tpu.memory_space<vmem>>
        %dma_wait3A_595 = tpu.memref_squeeze %dma_wait3A_594 : memref<1x128xi32, #tpu.memory_space<vmem>> -> memref<128xi32, #tpu.memory_space<vmem>>
        %dma_wait3A_596 = arith.constant 0 : i32
        %dma_wait3A_597 = arith.constant 0 : i32
        %dma_wait3A_598 = tpu.memref_slice %arg8[%dma_wait3A_596, %dma_wait3A_597] : memref<100352x16xf32, #tpu.memory_space<vmem_shared>> -> memref<100352x16xf32, #tpu.memory_space<vmem_shared>>
        tpu.wait_indirect_dma semaphore(%arg25 : memref<!tpu.dma_semaphore, #tpu.memory_space<semaphore_mem>>) src(%dma_wait3A_592 : memref<128x16xf32, #tpu.memory_space<vmem>>) dst(%dma_wait3A_598 : memref<100352x16xf32, #tpu.memory_space<vmem_shared>>)
        %dma_wait3A_599 = arith.constant 1 : i32
        %dma_wait3A_600 = arith.constant 128 : i32
        %dma_wait3A_601 = arith.constant 0 : i32
        %dma_wait3A_602 = tpu.memref_slice %arg17[%dma_wait3A_600, %dma_wait3A_601] : memref<256x16xf32, #tpu.memory_space<vmem>> -> memref<128x16xf32, #tpu.memory_space<vmem>>
        %dma_wait3A_603 = arith.constant 0 : i32
        %dma_wait3A_604 = tpu.memref_slice %arg11[%dma_wait3A_599, %dma_wait3A_603] : memref<2x128xi32, #tpu.memory_space<vmem>> -> memref<1x128xi32, #tpu.memory_space<vmem>>
        %dma_wait3A_605 = tpu.memref_squeeze %dma_wait3A_604 : memref<1x128xi32, #tpu.memory_space<vmem>> -> memref<128xi32, #tpu.memory_space<vmem>>
        %dma_wait3A_606 = arith.constant 0 : i32
        %dma_wait3A_607 = arith.constant 0 : i32
        %dma_wait3A_608 = tpu.memref_slice %arg8[%dma_wait3A_606, %dma_wait3A_607] : memref<100352x16xf32, #tpu.memory_space<vmem_shared>> -> memref<100352x16xf32, #tpu.memory_space<vmem_shared>>
        tpu.wait_indirect_dma semaphore(%arg25 : memref<!tpu.dma_semaphore, #tpu.memory_space<semaphore_mem>>) src(%dma_wait3A_602 : memref<128x16xf32, #tpu.memory_space<vmem>>) dst(%dma_wait3A_608 : memref<100352x16xf32, #tpu.memory_space<vmem_shared>>)
      } else {
      }
      %scan3A_217 = arith.constant 0 : i32
      %scan3A_218 = arith.constant 0 : i32
      %scan3A_219 = arith.constant 8 : i32
      %scan3A_220 = arith.addi %scan3A_218, %scan3A_219 : i32
      %scan3A_221 = arith.constant 1 : i32
      %scan3A_222 = scf.for %scan3A_589 = %scan3A_218 to %scan3A_220 step %scan3A_221 iter_args(%scan3A_590 = %scan3A_217) -> (i32)  : i32 {
        %mul3A_591 = arith.constant 2 : i32
        %mul3A_592 = arith.muli %mul3A_591, %scan3A_589 : i32
        %add3A_593 = arith.constant 0 : i32
        %add3A_594 = arith.addi %mul3A_592, %add3A_593 : i32
        %mul3A_595 = arith.constant 16 : i32
        %mul3A_596 = arith.muli %add3A_594, %mul3A_595 : i32
        %add3A_597 = vector.broadcast %mul3A_596 : i32 to vector<16xi32>
        %add3A_598 = arith.addi %iota3A, %add3A_597 : vector<16xi32>
        %gather3A = tpu.vector_load_idx %arg13[%add3A_598, %broadcast_in_dim3A_8] : memref<256x16xf32, #tpu.memory_space<vmem>>[vector<16xi32>, vector<16xi32>], vector<16xf32>,
        %gather3A_599 = tpu.vector_load_idx %arg15[%add3A_598, %add3A_11] : memref<256x8xf32, #tpu.memory_space<vmem>>[vector<16xi32>, vector<16xi32>], vector<16xf32>,
        %add3A_600 = arith.addf %gather3A, %gather3A_599 : vector<16xf32>
        %mul3A_601 = arith.constant 2.000000e-01 : f32
        %mul3A_602 = vector.broadcast %mul3A_601 : f32 to vector<16xf32>
        %mul3A_603 = arith.mulf %add3A_600, %mul3A_602 : vector<16xf32>
        %max3A = arith.maximumf %add3A_600, %mul3A_603 : vector<16xf32>
        %exp3A = math.exp %max3A : vector<16xf32>
        %broadcast_in_dim3A_604 = arith.constant 0 : i32
        %broadcast_in_dim3A_605 = vector.broadcast %broadcast_in_dim3A_604 : i32 to vector<16xi32>
        %gather3A_606 = tpu.vector_load_idx %arg13[%add3A_598, %broadcast_in_dim3A_605] : memref<256x16xf32, #tpu.memory_space<vmem>>[vector<16xi32>, vector<16xi32>], vector<16xf32>,
        %mul3A_607 = arith.mulf %gather3A_606, %exp3A : vector<16xf32>
        tpu.vector_store_idx %arg17[%add3A_598, %broadcast_in_dim3A_605], %mul3A_607 : memref<256x16xf32, #tpu.memory_space<vmem>>[vector<16xi32>, vector<16xi32>], vector<16xf32>,
        %broadcast_in_dim3A_608 = arith.constant 1 : i32
        %broadcast_in_dim3A_609 = vector.broadcast %broadcast_in_dim3A_608 : i32 to vector<16xi32>
        %gather3A_610 = tpu.vector_load_idx %arg13[%add3A_598, %broadcast_in_dim3A_609] : memref<256x16xf32, #tpu.memory_space<vmem>>[vector<16xi32>, vector<16xi32>], vector<16xf32>,
        %mul3A_611 = arith.mulf %gather3A_610, %exp3A : vector<16xf32>
        tpu.vector_store_idx %arg17[%add3A_598, %broadcast_in_dim3A_609], %mul3A_611 : memref<256x16xf32, #tpu.memory_space<vmem>>[vector<16xi32>, vector<16xi32>], vector<16xf32>,
        %broadcast_in_dim3A_612 = arith.constant 2 : i32
        %broadcast_in_dim3A_613 = vector.broadcast %broadcast_in_dim3A_612 : i32 to vector<16xi32>
        %gather3A_614 = tpu.vector_load_idx %arg13[%add3A_598, %broadcast_in_dim3A_613] : memref<256x16xf32, #tpu.memory_space<vmem>>[vector<16xi32>, vector<16xi32>], vector<16xf32>,
        %mul3A_615 = arith.mulf %gather3A_614, %exp3A : vector<16xf32>
        tpu.vector_store_idx %arg17[%add3A_598, %broadcast_in_dim3A_613], %mul3A_615 : memref<256x16xf32, #tpu.memory_space<vmem>>[vector<16xi32>, vector<16xi32>], vector<16xf32>,
        %broadcast_in_dim3A_616 = arith.constant 3 : i32
        %broadcast_in_dim3A_617 = vector.broadcast %broadcast_in_dim3A_616 : i32 to vector<16xi32>
        %gather3A_618 = tpu.vector_load_idx %arg13[%add3A_598, %broadcast_in_dim3A_617] : memref<256x16xf32, #tpu.memory_space<vmem>>[vector<16xi32>, vector<16xi32>], vector<16xf32>,
        %mul3A_619 = arith.mulf %gather3A_618, %exp3A : vector<16xf32>
        tpu.vector_store_idx %arg17[%add3A_598, %broadcast_in_dim3A_617], %mul3A_619 : memref<256x16xf32, #tpu.memory_space<vmem>>[vector<16xi32>, vector<16xi32>], vector<16xf32>,
        %broadcast_in_dim3A_620 = arith.constant 4 : i32
        %broadcast_in_dim3A_621 = vector.broadcast %broadcast_in_dim3A_620 : i32 to vector<16xi32>
        %gather3A_622 = tpu.vector_load_idx %arg13[%add3A_598, %broadcast_in_dim3A_621] : memref<256x16xf32, #tpu.memory_space<vmem>>[vector<16xi32>, vector<16xi32>], vector<16xf32>,
        %mul3A_623 = arith.mulf %gather3A_622, %exp3A : vector<16xf32>
        tpu.vector_store_idx %arg17[%add3A_598, %broadcast_in_dim3A_621], %mul3A_623 : memref<256x16xf32, #tpu.memory_space<vmem>>[vector<16xi32>, vector<16xi32>], vector<16xf32>,
        %broadcast_in_dim3A_624 = arith.constant 5 : i32
        %broadcast_in_dim3A_625 = vector.broadcast %broadcast_in_dim3A_624 : i32 to vector<16xi32>
        %gather3A_626 = tpu.vector_load_idx %arg13[%add3A_598, %broadcast_in_dim3A_625] : memref<256x16xf32, #tpu.memory_space<vmem>>[vector<16xi32>, vector<16xi32>], vector<16xf32>,
        %mul3A_627 = arith.mulf %gather3A_626, %exp3A : vector<16xf32>
        tpu.vector_store_idx %arg17[%add3A_598, %broadcast_in_dim3A_625], %mul3A_627 : memref<256x16xf32, #tpu.memory_space<vmem>>[vector<16xi32>, vector<16xi32>], vector<16xf32>,
        %broadcast_in_dim3A_628 = arith.constant 6 : i32
        %broadcast_in_dim3A_629 = vector.broadcast %broadcast_in_dim3A_628 : i32 to vector<16xi32>
        %gather3A_630 = tpu.vector_load_idx %arg13[%add3A_598, %broadcast_in_dim3A_629] : memref<256x16xf32, #tpu.memory_space<vmem>>[vector<16xi32>, vector<16xi32>], vector<16xf32>,
        %mul3A_631 = arith.mulf %gather3A_630, %exp3A : vector<16xf32>
        tpu.vector_store_idx %arg17[%add3A_598, %broadcast_in_dim3A_629], %mul3A_631 : memref<256x16xf32, #tpu.memory_space<vmem>>[vector<16xi32>, vector<16xi32>], vector<16xf32>,
        %broadcast_in_dim3A_632 = arith.constant 7 : i32
        %broadcast_in_dim3A_633 = vector.broadcast %broadcast_in_dim3A_632 : i32 to vector<16xi32>
        %gather3A_634 = tpu.vector_load_idx %arg13[%add3A_598, %broadcast_in_dim3A_633] : memref<256x16xf32, #tpu.memory_space<vmem>>[vector<16xi32>, vector<16xi32>], vector<16xf32>,
        %mul3A_635 = arith.mulf %gather3A_634, %exp3A : vector<16xf32>
        tpu.vector_store_idx %arg17[%add3A_598, %broadcast_in_dim3A_633], %mul3A_635 : memref<256x16xf32, #tpu.memory_space<vmem>>[vector<16xi32>, vector<16xi32>], vector<16xf32>,
        tpu.vector_store_idx %arg17[%add3A_598, %broadcast_in_dim3A_6], %exp3A : memref<256x16xf32, #tpu.memory_space<vmem>>[vector<16xi32>, vector<16xi32>], vector<16xf32>,
        %mul3A_636 = arith.constant 2 : i32
        %mul3A_637 = arith.muli %mul3A_636, %scan3A_589 : i32
        %add3A_638 = arith.constant 1 : i32
        %add3A_639 = arith.addi %mul3A_637, %add3A_638 : i32
        %mul3A_640 = arith.constant 16 : i32
        %mul3A_641 = arith.muli %add3A_639, %mul3A_640 : i32
        %add3A_642 = vector.broadcast %mul3A_641 : i32 to vector<16xi32>
        %add3A_643 = arith.addi %iota3A, %add3A_642 : vector<16xi32>
        %gather3A_644 = tpu.vector_load_idx %arg13[%add3A_643, %broadcast_in_dim3A_8] : memref<256x16xf32, #tpu.memory_space<vmem>>[vector<16xi32>, vector<16xi32>], vector<16xf32>,
        %gather3A_645 = tpu.vector_load_idx %arg15[%add3A_643, %add3A_11] : memref<256x8xf32, #tpu.memory_space<vmem>>[vector<16xi32>, vector<16xi32>], vector<16xf32>,
        %add3A_646 = arith.addf %gather3A_644, %gather3A_645 : vector<16xf32>
        %mul3A_647 = arith.constant 2.000000e-01 : f32
        %mul3A_648 = vector.broadcast %mul3A_647 : f32 to vector<16xf32>
        %mul3A_649 = arith.mulf %add3A_646, %mul3A_648 : vector<16xf32>
        %max3A_650 = arith.maximumf %add3A_646, %mul3A_649 : vector<16xf32>
        %exp3A_651 = math.exp %max3A_650 : vector<16xf32>
        %broadcast_in_dim3A_652 = arith.constant 0 : i32
        %broadcast_in_dim3A_653 = vector.broadcast %broadcast_in_dim3A_652 : i32 to vector<16xi32>
        %gather3A_654 = tpu.vector_load_idx %arg13[%add3A_643, %broadcast_in_dim3A_653] : memref<256x16xf32, #tpu.memory_space<vmem>>[vector<16xi32>, vector<16xi32>], vector<16xf32>,
        %mul3A_655 = arith.mulf %gather3A_654, %exp3A_651 : vector<16xf32>
        tpu.vector_store_idx %arg17[%add3A_643, %broadcast_in_dim3A_653], %mul3A_655 : memref<256x16xf32, #tpu.memory_space<vmem>>[vector<16xi32>, vector<16xi32>], vector<16xf32>,
        %broadcast_in_dim3A_656 = arith.constant 1 : i32
        %broadcast_in_dim3A_657 = vector.broadcast %broadcast_in_dim3A_656 : i32 to vector<16xi32>
        %gather3A_658 = tpu.vector_load_idx %arg13[%add3A_643, %broadcast_in_dim3A_657] : memref<256x16xf32, #tpu.memory_space<vmem>>[vector<16xi32>, vector<16xi32>], vector<16xf32>,
        %mul3A_659 = arith.mulf %gather3A_658, %exp3A_651 : vector<16xf32>
        tpu.vector_store_idx %arg17[%add3A_643, %broadcast_in_dim3A_657], %mul3A_659 : memref<256x16xf32, #tpu.memory_space<vmem>>[vector<16xi32>, vector<16xi32>], vector<16xf32>,
        %broadcast_in_dim3A_660 = arith.constant 2 : i32
        %broadcast_in_dim3A_661 = vector.broadcast %broadcast_in_dim3A_660 : i32 to vector<16xi32>
        %gather3A_662 = tpu.vector_load_idx %arg13[%add3A_643, %broadcast_in_dim3A_661] : memref<256x16xf32, #tpu.memory_space<vmem>>[vector<16xi32>, vector<16xi32>], vector<16xf32>,
        %mul3A_663 = arith.mulf %gather3A_662, %exp3A_651 : vector<16xf32>
        tpu.vector_store_idx %arg17[%add3A_643, %broadcast_in_dim3A_661], %mul3A_663 : memref<256x16xf32, #tpu.memory_space<vmem>>[vector<16xi32>, vector<16xi32>], vector<16xf32>,
        %broadcast_in_dim3A_664 = arith.constant 3 : i32
        %broadcast_in_dim3A_665 = vector.broadcast %broadcast_in_dim3A_664 : i32 to vector<16xi32>
        %gather3A_666 = tpu.vector_load_idx %arg13[%add3A_643, %broadcast_in_dim3A_665] : memref<256x16xf32, #tpu.memory_space<vmem>>[vector<16xi32>, vector<16xi32>], vector<16xf32>,
        %mul3A_667 = arith.mulf %gather3A_666, %exp3A_651 : vector<16xf32>
        tpu.vector_store_idx %arg17[%add3A_643, %broadcast_in_dim3A_665], %mul3A_667 : memref<256x16xf32, #tpu.memory_space<vmem>>[vector<16xi32>, vector<16xi32>], vector<16xf32>,
        %broadcast_in_dim3A_668 = arith.constant 4 : i32
        %broadcast_in_dim3A_669 = vector.broadcast %broadcast_in_dim3A_668 : i32 to vector<16xi32>
        %gather3A_670 = tpu.vector_load_idx %arg13[%add3A_643, %broadcast_in_dim3A_669] : memref<256x16xf32, #tpu.memory_space<vmem>>[vector<16xi32>, vector<16xi32>], vector<16xf32>,
        %mul3A_671 = arith.mulf %gather3A_670, %exp3A_651 : vector<16xf32>
        tpu.vector_store_idx %arg17[%add3A_643, %broadcast_in_dim3A_669], %mul3A_671 : memref<256x16xf32, #tpu.memory_space<vmem>>[vector<16xi32>, vector<16xi32>], vector<16xf32>,
        %broadcast_in_dim3A_672 = arith.constant 5 : i32
        %broadcast_in_dim3A_673 = vector.broadcast %broadcast_in_dim3A_672 : i32 to vector<16xi32>
        %gather3A_674 = tpu.vector_load_idx %arg13[%add3A_643, %broadcast_in_dim3A_673] : memref<256x16xf32, #tpu.memory_space<vmem>>[vector<16xi32>, vector<16xi32>], vector<16xf32>,
        %mul3A_675 = arith.mulf %gather3A_674, %exp3A_651 : vector<16xf32>
        tpu.vector_store_idx %arg17[%add3A_643, %broadcast_in_dim3A_673], %mul3A_675 : memref<256x16xf32, #tpu.memory_space<vmem>>[vector<16xi32>, vector<16xi32>], vector<16xf32>,
        %broadcast_in_dim3A_676 = arith.constant 6 : i32
        %broadcast_in_dim3A_677 = vector.broadcast %broadcast_in_dim3A_676 : i32 to vector<16xi32>
        %gather3A_678 = tpu.vector_load_idx %arg13[%add3A_643, %broadcast_in_dim3A_677] : memref<256x16xf32, #tpu.memory_space<vmem>>[vector<16xi32>, vector<16xi32>], vector<16xf32>,
        %mul3A_679 = arith.mulf %gather3A_678, %exp3A_651 : vector<16xf32>
        tpu.vector_store_idx %arg17[%add3A_643, %broadcast_in_dim3A_677], %mul3A_679 : memref<256x16xf32, #tpu.memory_space<vmem>>[vector<16xi32>, vector<16xi32>], vector<16xf32>,
        %broadcast_in_dim3A_680 = arith.constant 7 : i32
        %broadcast_in_dim3A_681 = vector.broadcast %broadcast_in_dim3A_680 : i32 to vector<16xi32>
        %gather3A_682 = tpu.vector_load_idx %arg13[%add3A_643, %broadcast_in_dim3A_681] : memref<256x16xf32, #tpu.memory_space<vmem>>[vector<16xi32>, vector<16xi32>], vector<16xf32>,
        %mul3A_683 = arith.mulf %gather3A_682, %exp3A_651 : vector<16xf32>
        tpu.vector_store_idx %arg17[%add3A_643, %broadcast_in_dim3A_681], %mul3A_683 : memref<256x16xf32, #tpu.memory_space<vmem>>[vector<16xi32>, vector<16xi32>], vector<16xf32>,
        tpu.vector_store_idx %arg17[%add3A_643, %broadcast_in_dim3A_6], %exp3A_651 : memref<256x16xf32, #tpu.memory_space<vmem>>[vector<16xi32>, vector<16xi32>], vector<16xf32>,
        %scan3A_684 = arith.constant 0 : i32
        scf.yield %scan3A_684 : i32
      }
      %scan3A_223 = arith.constant 8 : i32
      %get3A = arith.constant 2 : i32
      %get3A_224 = arith.index_cast %get3A : i32 to index
      %get3A_225 = arith.constant 0 : index
      %get3A_226 = tpu.vector_load %arg9[%get3A_224, %get3A_225] {strides = array<i32>} : memref<4x128xi32, #tpu.memory_space<vmem>>, vector<16xi32>,
      %swap3A = arith.constant 0 : i32
      %swap3A_227 = arith.index_cast %swap3A : i32 to index
      %swap3A_228 = arith.constant 0 : index
      %swap3A_229 = tpu.vector_load %arg11[%swap3A_227, %swap3A_228] {strides = array<i32>} : memref<2x128xi32, #tpu.memory_space<vmem>>, vector<16xi32>,
      tpu.vector_store %arg11[%swap3A_227, %swap3A_228], %get3A_226 {strides = array<i32>} : memref<2x128xi32, #tpu.memory_space<vmem>>, vector<16xi32>,
      %get3A_230 = arith.constant 2 : i32
      %get3A_231 = arith.index_cast %get3A_230 : i32 to index
      %get3A_232 = arith.constant 16 : index
      %get3A_233 = tpu.vector_load %arg9[%get3A_231, %get3A_232] {strides = array<i32>} : memref<4x128xi32, #tpu.memory_space<vmem>>, vector<16xi32>,
      %swap3A_234 = arith.constant 0 : i32
      %swap3A_235 = arith.index_cast %swap3A_234 : i32 to index
      %swap3A_236 = arith.constant 16 : index
      %swap3A_237 = tpu.vector_load %arg11[%swap3A_235, %swap3A_236] {strides = array<i32>} : memref<2x128xi32, #tpu.memory_space<vmem>>, vector<16xi32>,
      tpu.vector_store %arg11[%swap3A_235, %swap3A_236], %get3A_233 {strides = array<i32>} : memref<2x128xi32, #tpu.memory_space<vmem>>, vector<16xi32>,
      %get3A_238 = arith.constant 2 : i32
      %get3A_239 = arith.index_cast %get3A_238 : i32 to index
      %get3A_240 = arith.constant 32 : index
      %get3A_241 = tpu.vector_load %arg9[%get3A_239, %get3A_240] {strides = array<i32>} : memref<4x128xi32, #tpu.memory_space<vmem>>, vector<16xi32>,
      %swap3A_242 = arith.constant 0 : i32
      %swap3A_243 = arith.index_cast %swap3A_242 : i32 to index
      %swap3A_244 = arith.constant 32 : index
      %swap3A_245 = tpu.vector_load %arg11[%swap3A_243, %swap3A_244] {strides = array<i32>} : memref<2x128xi32, #tpu.memory_space<vmem>>, vector<16xi32>,
      tpu.vector_store %arg11[%swap3A_243, %swap3A_244], %get3A_241 {strides = array<i32>} : memref<2x128xi32, #tpu.memory_space<vmem>>, vector<16xi32>,
      %get3A_246 = arith.constant 2 : i32
      %get3A_247 = arith.index_cast %get3A_246 : i32 to index
      %get3A_248 = arith.constant 48 : index
      %get3A_249 = tpu.vector_load %arg9[%get3A_247, %get3A_248] {strides = array<i32>} : memref<4x128xi32, #tpu.memory_space<vmem>>, vector<16xi32>,
      %swap3A_250 = arith.constant 0 : i32
      %swap3A_251 = arith.index_cast %swap3A_250 : i32 to index
      %swap3A_252 = arith.constant 48 : index
      %swap3A_253 = tpu.vector_load %arg11[%swap3A_251, %swap3A_252] {strides = array<i32>} : memref<2x128xi32, #tpu.memory_space<vmem>>, vector<16xi32>,
      tpu.vector_store %arg11[%swap3A_251, %swap3A_252], %get3A_249 {strides = array<i32>} : memref<2x128xi32, #tpu.memory_space<vmem>>, vector<16xi32>,
      %get3A_254 = arith.constant 2 : i32
      %get3A_255 = arith.index_cast %get3A_254 : i32 to index
      %get3A_256 = arith.constant 64 : index
      %get3A_257 = tpu.vector_load %arg9[%get3A_255, %get3A_256] {strides = array<i32>} : memref<4x128xi32, #tpu.memory_space<vmem>>, vector<16xi32>,
      %swap3A_258 = arith.constant 0 : i32
      %swap3A_259 = arith.index_cast %swap3A_258 : i32 to index
      %swap3A_260 = arith.constant 64 : index
      %swap3A_261 = tpu.vector_load %arg11[%swap3A_259, %swap3A_260] {strides = array<i32>} : memref<2x128xi32, #tpu.memory_space<vmem>>, vector<16xi32>,
      tpu.vector_store %arg11[%swap3A_259, %swap3A_260], %get3A_257 {strides = array<i32>} : memref<2x128xi32, #tpu.memory_space<vmem>>, vector<16xi32>,
      %get3A_262 = arith.constant 2 : i32
      %get3A_263 = arith.index_cast %get3A_262 : i32 to index
      %get3A_264 = arith.constant 80 : index
      %get3A_265 = tpu.vector_load %arg9[%get3A_263, %get3A_264] {strides = array<i32>} : memref<4x128xi32, #tpu.memory_space<vmem>>, vector<16xi32>,
      %swap3A_266 = arith.constant 0 : i32
      %swap3A_267 = arith.index_cast %swap3A_266 : i32 to index
      %swap3A_268 = arith.constant 80 : index
      %swap3A_269 = tpu.vector_load %arg11[%swap3A_267, %swap3A_268] {strides = array<i32>} : memref<2x128xi32, #tpu.memory_space<vmem>>, vector<16xi32>,
      tpu.vector_store %arg11[%swap3A_267, %swap3A_268], %get3A_265 {strides = array<i32>} : memref<2x128xi32, #tpu.memory_space<vmem>>, vector<16xi32>,
      %get3A_270 = arith.constant 2 : i32
      %get3A_271 = arith.index_cast %get3A_270 : i32 to index
      %get3A_272 = arith.constant 96 : index
      %get3A_273 = tpu.vector_load %arg9[%get3A_271, %get3A_272] {strides = array<i32>} : memref<4x128xi32, #tpu.memory_space<vmem>>, vector<16xi32>,
      %swap3A_274 = arith.constant 0 : i32
      %swap3A_275 = arith.index_cast %swap3A_274 : i32 to index
      %swap3A_276 = arith.constant 96 : index
      %swap3A_277 = tpu.vector_load %arg11[%swap3A_275, %swap3A_276] {strides = array<i32>} : memref<2x128xi32, #tpu.memory_space<vmem>>, vector<16xi32>,
      tpu.vector_store %arg11[%swap3A_275, %swap3A_276], %get3A_273 {strides = array<i32>} : memref<2x128xi32, #tpu.memory_space<vmem>>, vector<16xi32>,
      %get3A_278 = arith.constant 2 : i32
      %get3A_279 = arith.index_cast %get3A_278 : i32 to index
      %get3A_280 = arith.constant 112 : index
      %get3A_281 = tpu.vector_load %arg9[%get3A_279, %get3A_280] {strides = array<i32>} : memref<4x128xi32, #tpu.memory_space<vmem>>, vector<16xi32>,
      %swap3A_282 = arith.constant 0 : i32
      %swap3A_283 = arith.index_cast %swap3A_282 : i32 to index
      %swap3A_284 = arith.constant 112 : index
      %swap3A_285 = tpu.vector_load %arg11[%swap3A_283, %swap3A_284] {strides = array<i32>} : memref<2x128xi32, #tpu.memory_space<vmem>>, vector<16xi32>,
      tpu.vector_store %arg11[%swap3A_283, %swap3A_284], %get3A_281 {strides = array<i32>} : memref<2x128xi32, #tpu.memory_space<vmem>>, vector<16xi32>,
      %get3A_286 = arith.constant 3 : i32
      %get3A_287 = arith.index_cast %get3A_286 : i32 to index
      %get3A_288 = arith.constant 0 : index
      %get3A_289 = tpu.vector_load %arg9[%get3A_287, %get3A_288] {strides = array<i32>} : memref<4x128xi32, #tpu.memory_space<vmem>>, vector<16xi32>,
      %swap3A_290 = arith.constant 1 : i32
      %swap3A_291 = arith.index_cast %swap3A_290 : i32 to index
      %swap3A_292 = arith.constant 0 : index
      %swap3A_293 = tpu.vector_load %arg11[%swap3A_291, %swap3A_292] {strides = array<i32>} : memref<2x128xi32, #tpu.memory_space<vmem>>, vector<16xi32>,
      tpu.vector_store %arg11[%swap3A_291, %swap3A_292], %get3A_289 {strides = array<i32>} : memref<2x128xi32, #tpu.memory_space<vmem>>, vector<16xi32>,
      %get3A_294 = arith.constant 3 : i32
      %get3A_295 = arith.index_cast %get3A_294 : i32 to index
      %get3A_296 = arith.constant 16 : index
      %get3A_297 = tpu.vector_load %arg9[%get3A_295, %get3A_296] {strides = array<i32>} : memref<4x128xi32, #tpu.memory_space<vmem>>, vector<16xi32>,
      %swap3A_298 = arith.constant 1 : i32
      %swap3A_299 = arith.index_cast %swap3A_298 : i32 to index
      %swap3A_300 = arith.constant 16 : index
      %swap3A_301 = tpu.vector_load %arg11[%swap3A_299, %swap3A_300] {strides = array<i32>} : memref<2x128xi32, #tpu.memory_space<vmem>>, vector<16xi32>,
      tpu.vector_store %arg11[%swap3A_299, %swap3A_300], %get3A_297 {strides = array<i32>} : memref<2x128xi32, #tpu.memory_space<vmem>>, vector<16xi32>,
      %get3A_302 = arith.constant 3 : i32
      %get3A_303 = arith.index_cast %get3A_302 : i32 to index
      %get3A_304 = arith.constant 32 : index
      %get3A_305 = tpu.vector_load %arg9[%get3A_303, %get3A_304] {strides = array<i32>} : memref<4x128xi32, #tpu.memory_space<vmem>>, vector<16xi32>,
      %swap3A_306 = arith.constant 1 : i32
      %swap3A_307 = arith.index_cast %swap3A_306 : i32 to index
      %swap3A_308 = arith.constant 32 : index
      %swap3A_309 = tpu.vector_load %arg11[%swap3A_307, %swap3A_308] {strides = array<i32>} : memref<2x128xi32, #tpu.memory_space<vmem>>, vector<16xi32>,
      tpu.vector_store %arg11[%swap3A_307, %swap3A_308], %get3A_305 {strides = array<i32>} : memref<2x128xi32, #tpu.memory_space<vmem>>, vector<16xi32>,
      %get3A_310 = arith.constant 3 : i32
      %get3A_311 = arith.index_cast %get3A_310 : i32 to index
      %get3A_312 = arith.constant 48 : index
      %get3A_313 = tpu.vector_load %arg9[%get3A_311, %get3A_312] {strides = array<i32>} : memref<4x128xi32, #tpu.memory_space<vmem>>, vector<16xi32>,
      %swap3A_314 = arith.constant 1 : i32
      %swap3A_315 = arith.index_cast %swap3A_314 : i32 to index
      %swap3A_316 = arith.constant 48 : index
      %swap3A_317 = tpu.vector_load %arg11[%swap3A_315, %swap3A_316] {strides = array<i32>} : memref<2x128xi32, #tpu.memory_space<vmem>>, vector<16xi32>,
      tpu.vector_store %arg11[%swap3A_315, %swap3A_316], %get3A_313 {strides = array<i32>} : memref<2x128xi32, #tpu.memory_space<vmem>>, vector<16xi32>,
      %get3A_318 = arith.constant 3 : i32
      %get3A_319 = arith.index_cast %get3A_318 : i32 to index
      %get3A_320 = arith.constant 64 : index
      %get3A_321 = tpu.vector_load %arg9[%get3A_319, %get3A_320] {strides = array<i32>} : memref<4x128xi32, #tpu.memory_space<vmem>>, vector<16xi32>,
      %swap3A_322 = arith.constant 1 : i32
      %swap3A_323 = arith.index_cast %swap3A_322 : i32 to index
      %swap3A_324 = arith.constant 64 : index
      %swap3A_325 = tpu.vector_load %arg11[%swap3A_323, %swap3A_324] {strides = array<i32>} : memref<2x128xi32, #tpu.memory_space<vmem>>, vector<16xi32>,
      tpu.vector_store %arg11[%swap3A_323, %swap3A_324], %get3A_321 {strides = array<i32>} : memref<2x128xi32, #tpu.memory_space<vmem>>, vector<16xi32>,
      %get3A_326 = arith.constant 3 : i32
      %get3A_327 = arith.index_cast %get3A_326 : i32 to index
      %get3A_328 = arith.constant 80 : index
      %get3A_329 = tpu.vector_load %arg9[%get3A_327, %get3A_328] {strides = array<i32>} : memref<4x128xi32, #tpu.memory_space<vmem>>, vector<16xi32>,
      %swap3A_330 = arith.constant 1 : i32
      %swap3A_331 = arith.index_cast %swap3A_330 : i32 to index
      %swap3A_332 = arith.constant 80 : index
      %swap3A_333 = tpu.vector_load %arg11[%swap3A_331, %swap3A_332] {strides = array<i32>} : memref<2x128xi32, #tpu.memory_space<vmem>>, vector<16xi32>,
      tpu.vector_store %arg11[%swap3A_331, %swap3A_332], %get3A_329 {strides = array<i32>} : memref<2x128xi32, #tpu.memory_space<vmem>>, vector<16xi32>,
      %get3A_334 = arith.constant 3 : i32
      %get3A_335 = arith.index_cast %get3A_334 : i32 to index
      %get3A_336 = arith.constant 96 : index
      %get3A_337 = tpu.vector_load %arg9[%get3A_335, %get3A_336] {strides = array<i32>} : memref<4x128xi32, #tpu.memory_space<vmem>>, vector<16xi32>,
      %swap3A_338 = arith.constant 1 : i32
      %swap3A_339 = arith.index_cast %swap3A_338 : i32 to index
      %swap3A_340 = arith.constant 96 : index
      %swap3A_341 = tpu.vector_load %arg11[%swap3A_339, %swap3A_340] {strides = array<i32>} : memref<2x128xi32, #tpu.memory_space<vmem>>, vector<16xi32>,
      tpu.vector_store %arg11[%swap3A_339, %swap3A_340], %get3A_337 {strides = array<i32>} : memref<2x128xi32, #tpu.memory_space<vmem>>, vector<16xi32>,
      %get3A_342 = arith.constant 3 : i32
      %get3A_343 = arith.index_cast %get3A_342 : i32 to index
      %get3A_344 = arith.constant 112 : index
      %get3A_345 = tpu.vector_load %arg9[%get3A_343, %get3A_344] {strides = array<i32>} : memref<4x128xi32, #tpu.memory_space<vmem>>, vector<16xi32>,
      %swap3A_346 = arith.constant 1 : i32
      %swap3A_347 = arith.index_cast %swap3A_346 : i32 to index
      %swap3A_348 = arith.constant 112 : index
      %swap3A_349 = tpu.vector_load %arg11[%swap3A_347, %swap3A_348] {strides = array<i32>} : memref<2x128xi32, #tpu.memory_space<vmem>>, vector<16xi32>,
      tpu.vector_store %arg11[%swap3A_347, %swap3A_348], %get3A_345 {strides = array<i32>} : memref<2x128xi32, #tpu.memory_space<vmem>>, vector<16xi32>,
      %dma_start3A_350 = arith.constant 0 : i32
      %dma_start3A_351 = arith.constant 0 : i32
      %dma_start3A_352 = arith.constant 0 : i32
      %dma_start3A_353 = tpu.memref_slice %arg17[%dma_start3A_351, %dma_start3A_352] : memref<256x16xf32, #tpu.memory_space<vmem>> -> memref<128x16xf32, #tpu.memory_space<vmem>>
      %dma_start3A_354 = arith.constant 0 : i32
      %dma_start3A_355 = tpu.memref_slice %arg11[%dma_start3A_350, %dma_start3A_354] : memref<2x128xi32, #tpu.memory_space<vmem>> -> memref<1x128xi32, #tpu.memory_space<vmem>>
      %dma_start3A_356 = tpu.memref_squeeze %dma_start3A_355 : memref<1x128xi32, #tpu.memory_space<vmem>> -> memref<128xi32, #tpu.memory_space<vmem>>
      %dma_start3A_357 = arith.constant 0 : i32
      %dma_start3A_358 = arith.constant 0 : i32
      %dma_start3A_359 = tpu.memref_slice %arg8[%dma_start3A_357, %dma_start3A_358] : memref<100352x16xf32, #tpu.memory_space<vmem_shared>> -> memref<100352x16xf32, #tpu.memory_space<vmem_shared>>
      tpu.enqueue_indirect_dma source(%dma_start3A_353 : memref<128x16xf32, #tpu.memory_space<vmem>>) target(%dma_start3A_359 : memref<100352x16xf32, #tpu.memory_space<vmem_shared>>) offsets(%dma_start3A_356 : memref<128xi32, #tpu.memory_space<vmem>>) semaphore(%arg25 : memref<!tpu.dma_semaphore, #tpu.memory_space<semaphore_mem>>) {add = true}
      %dma_start3A_360 = arith.constant 1 : i32
      %dma_start3A_361 = arith.constant 128 : i32
      %dma_start3A_362 = arith.constant 0 : i32
      %dma_start3A_363 = tpu.memref_slice %arg17[%dma_start3A_361, %dma_start3A_362] : memref<256x16xf32, #tpu.memory_space<vmem>> -> memref<128x16xf32, #tpu.memory_space<vmem>>
      %dma_start3A_364 = arith.constant 0 : i32
      %dma_start3A_365 = tpu.memref_slice %arg11[%dma_start3A_360, %dma_start3A_364] : memref<2x128xi32, #tpu.memory_space<vmem>> -> memref<1x128xi32, #tpu.memory_space<vmem>>
      %dma_start3A_366 = tpu.memref_squeeze %dma_start3A_365 : memref<1x128xi32, #tpu.memory_space<vmem>> -> memref<128xi32, #tpu.memory_space<vmem>>
      %dma_start3A_367 = arith.constant 0 : i32
      %dma_start3A_368 = arith.constant 0 : i32
      %dma_start3A_369 = tpu.memref_slice %arg8[%dma_start3A_367, %dma_start3A_368] : memref<100352x16xf32, #tpu.memory_space<vmem_shared>> -> memref<100352x16xf32, #tpu.memory_space<vmem_shared>>
      tpu.enqueue_indirect_dma source(%dma_start3A_363 : memref<128x16xf32, #tpu.memory_space<vmem>>) target(%dma_start3A_369 : memref<100352x16xf32, #tpu.memory_space<vmem_shared>>) offsets(%dma_start3A_366 : memref<128xi32, #tpu.memory_space<vmem>>) semaphore(%arg25 : memref<!tpu.dma_semaphore, #tpu.memory_space<semaphore_mem>>) {add = true}
      %lt3A = arith.constant 390 : i32
      %lt3A_370 = arith.cmpi slt, %scan3A_126, %lt3A : i32
      %convert_element_type3A_371 = arith.extui %lt3A_370 : i1 to i32
      %cond3A_372 = arith.constant 0 : i32
      %cond3A_373 = arith.cmpi ne, %convert_element_type3A_371, %cond3A_372 : i32
      scf.if %cond3A_373 {
        %add3A_589 = arith.constant 2 : i32
        %add3A_590 = arith.addi %mul3A_129, %add3A_589 : i32
        %mul3A_591 = arith.constant 782 : i32
        %mul3A_592 = arith.muli %arg1, %mul3A_591 : i32
        %add3A_593 = arith.addi %mul3A_592, %add3A_590 : i32
        %mul3A_594 = arith.constant 2 : i32
        %mul3A_595 = arith.muli %add3A_593, %mul3A_594 : i32
        %mul3A_596 = arith.constant 2 : i32
        %mul3A_597 = arith.muli %mul3A_596, %mul3A_595 : i32
        %dma_start3A_598 = arith.constant 0 : i32
        %dma_start3A_599 = tpu.memref_slice %arg5[%mul3A_597, %dma_start3A_598] : memref<50048x128xi32, #tpu.memory_space<hbm>> -> memref<4x128xi32, #tpu.memory_space<hbm>>
        %dma_start3A_600 = arith.constant 0 : i32
        %dma_start3A_601 = tpu.memref_slice %arg5[%mul3A_597, %dma_start3A_600] : memref<50048x128xi32, #tpu.memory_space<hbm>> -> memref<4x128xi32, #tpu.memory_space<hbm>>
        tpu.enqueue_dma source(%dma_start3A_601 : memref<4x128xi32, #tpu.memory_space<hbm>>) target(%arg9 : memref<4x128xi32, #tpu.memory_space<vmem>>) target_semaphore(%arg23 : memref<!tpu.dma_semaphore, #tpu.memory_space<semaphore_mem>>)
      } else {
      }
      %mul3A_374 = arith.constant 2 : i32
      %mul3A_375 = arith.muli %mul3A_374, %scan3A_126 : i32
      %add3A_376 = arith.constant 1 : i32
      %add3A_377 = arith.addi %mul3A_375, %add3A_376 : i32
      %lt3A_378 = arith.constant 390 : i32
      %lt3A_379 = arith.cmpi slt, %scan3A_126, %lt3A_378 : i32
      %convert_element_type3A_380 = arith.extui %lt3A_379 : i1 to i32
      %cond3A_381 = arith.constant 0 : i32
      %cond3A_382 = arith.cmpi ne, %convert_element_type3A_380, %cond3A_381 : i32
      scf.if %cond3A_382 {
        %add3A_589 = arith.constant 1 : i32
        %add3A_590 = arith.addi %add3A_377, %add3A_589 : i32
        %mul3A_591 = arith.constant 782 : i32
        %mul3A_592 = arith.muli %arg1, %mul3A_591 : i32
        %add3A_593 = arith.addi %mul3A_592, %add3A_590 : i32
        %mul3A_594 = arith.constant 2 : i32
        %mul3A_595 = arith.muli %add3A_593, %mul3A_594 : i32
        %mul3A_596 = arith.constant 2 : i32
        %mul3A_597 = arith.muli %mul3A_596, %mul3A_595 : i32
        %dma_wait3A_598 = arith.constant 0 : i32
        %dma_wait3A_599 = tpu.memref_slice %arg5[%mul3A_597, %dma_wait3A_598] : memref<50048x128xi32, #tpu.memory_space<hbm>> -> memref<4x128xi32, #tpu.memory_space<hbm>>
        %dma_wait3A_600 = arith.constant 0 : i32
        %dma_wait3A_601 = tpu.memref_slice %arg5[%mul3A_597, %dma_wait3A_600] : memref<50048x128xi32, #tpu.memory_space<hbm>> -> memref<4x128xi32, #tpu.memory_space<hbm>>
        tpu.wait_dma2 semaphore(%arg23 : memref<!tpu.dma_semaphore, #tpu.memory_space<semaphore_mem>>) src(%dma_wait3A_601 : memref<4x128xi32, #tpu.memory_space<hbm>>) dst(%arg9 : memref<4x128xi32, #tpu.memory_space<vmem>>)
        %eq3A_602 = arith.constant 0 : i32
        %eq3A_603 = arith.cmpi eq, %arg0, %eq3A_602 : i32
        %convert_element_type3A_604 = arith.extui %eq3A_603 : i1 to i32
        %cond3A_605 = arith.constant 0 : i32
        %cond3A_606 = arith.cmpi ne, %convert_element_type3A_604, %cond3A_605 : i32
        scf.if %cond3A_606 {
          %dma_start3A_632 = arith.constant 0 : i32
          %dma_start3A_633 = arith.constant 0 : i32
          %dma_start3A_634 = arith.constant 0 : i32
          %dma_start3A_635 = tpu.memref_slice %arg13[%dma_start3A_633, %dma_start3A_634] : memref<256x16xf32, #tpu.memory_space<vmem>> -> memref<128x16xf32, #tpu.memory_space<vmem>>
          %dma_start3A_636 = arith.constant 0 : i32
          %dma_start3A_637 = tpu.memref_slice %arg9[%dma_start3A_632, %dma_start3A_636] : memref<4x128xi32, #tpu.memory_space<vmem>> -> memref<1x128xi32, #tpu.memory_space<vmem>>
          %dma_start3A_638 = tpu.memref_squeeze %dma_start3A_637 : memref<1x128xi32, #tpu.memory_space<vmem>> -> memref<128xi32, #tpu.memory_space<vmem>>
          %dma_start3A_639 = arith.constant 0 : i32
          %dma_start3A_640 = arith.constant 0 : i32
          %dma_start3A_641 = tpu.memref_slice %arg2[%dma_start3A_639, %dma_start3A_640] : memref<100352x16xf32, #tpu.memory_space<hbm>> -> memref<100352x16xf32, #tpu.memory_space<hbm>>
          tpu.enqueue_indirect_dma source(%dma_start3A_641 : memref<100352x16xf32, #tpu.memory_space<hbm>>) target(%dma_start3A_635 : memref<128x16xf32, #tpu.memory_space<vmem>>) offsets(%dma_start3A_638 : memref<128xi32, #tpu.memory_space<vmem>>) semaphore(%arg19 : memref<!tpu.dma_semaphore, #tpu.memory_space<semaphore_mem>>)
          %dma_start3A_642 = arith.constant 1 : i32
          %dma_start3A_643 = arith.constant 128 : i32
          %dma_start3A_644 = arith.constant 0 : i32
          %dma_start3A_645 = tpu.memref_slice %arg13[%dma_start3A_643, %dma_start3A_644] : memref<256x16xf32, #tpu.memory_space<vmem>> -> memref<128x16xf32, #tpu.memory_space<vmem>>
          %dma_start3A_646 = arith.constant 0 : i32
          %dma_start3A_647 = tpu.memref_slice %arg9[%dma_start3A_642, %dma_start3A_646] : memref<4x128xi32, #tpu.memory_space<vmem>> -> memref<1x128xi32, #tpu.memory_space<vmem>>
          %dma_start3A_648 = tpu.memref_squeeze %dma_start3A_647 : memref<1x128xi32, #tpu.memory_space<vmem>> -> memref<128xi32, #tpu.memory_space<vmem>>
          %dma_start3A_649 = arith.constant 0 : i32
          %dma_start3A_650 = arith.constant 0 : i32
          %dma_start3A_651 = tpu.memref_slice %arg2[%dma_start3A_649, %dma_start3A_650] : memref<100352x16xf32, #tpu.memory_space<hbm>> -> memref<100352x16xf32, #tpu.memory_space<hbm>>
          tpu.enqueue_indirect_dma source(%dma_start3A_651 : memref<100352x16xf32, #tpu.memory_space<hbm>>) target(%dma_start3A_645 : memref<128x16xf32, #tpu.memory_space<vmem>>) offsets(%dma_start3A_648 : memref<128xi32, #tpu.memory_space<vmem>>) semaphore(%arg19 : memref<!tpu.dma_semaphore, #tpu.memory_space<semaphore_mem>>)
        } else {
        }
        %ne3A_607 = arith.constant 0 : i32
        %ne3A_608 = arith.cmpi ne, %arg0, %ne3A_607 : i32
        %convert_element_type3A_609 = arith.extui %ne3A_608 : i1 to i32
        %cond3A_610 = arith.constant 0 : i32
        %cond3A_611 = arith.cmpi ne, %convert_element_type3A_609, %cond3A_610 : i32
        scf.if %cond3A_611 {
          %dma_start3A_632 = arith.constant 0 : i32
          %dma_start3A_633 = arith.constant 0 : i32
          %dma_start3A_634 = arith.constant 0 : i32
          %dma_start3A_635 = tpu.memref_slice %arg13[%dma_start3A_633, %dma_start3A_634] : memref<256x16xf32, #tpu.memory_space<vmem>> -> memref<128x16xf32, #tpu.memory_space<vmem>>
          %dma_start3A_636 = arith.constant 0 : i32
          %dma_start3A_637 = tpu.memref_slice %arg9[%dma_start3A_632, %dma_start3A_636] : memref<4x128xi32, #tpu.memory_space<vmem>> -> memref<1x128xi32, #tpu.memory_space<vmem>>
          %dma_start3A_638 = tpu.memref_squeeze %dma_start3A_637 : memref<1x128xi32, #tpu.memory_space<vmem>> -> memref<128xi32, #tpu.memory_space<vmem>>
          %dma_start3A_639 = arith.constant 0 : i32
          %dma_start3A_640 = arith.constant 0 : i32
          %dma_start3A_641 = tpu.memref_slice %arg3[%dma_start3A_639, %dma_start3A_640] : memref<100352x16xf32, #tpu.memory_space<hbm>> -> memref<100352x16xf32, #tpu.memory_space<hbm>>
          tpu.enqueue_indirect_dma source(%dma_start3A_641 : memref<100352x16xf32, #tpu.memory_space<hbm>>) target(%dma_start3A_635 : memref<128x16xf32, #tpu.memory_space<vmem>>) offsets(%dma_start3A_638 : memref<128xi32, #tpu.memory_space<vmem>>) semaphore(%arg19 : memref<!tpu.dma_semaphore, #tpu.memory_space<semaphore_mem>>)
          %dma_start3A_642 = arith.constant 1 : i32
          %dma_start3A_643 = arith.constant 128 : i32
          %dma_start3A_644 = arith.constant 0 : i32
          %dma_start3A_645 = tpu.memref_slice %arg13[%dma_start3A_643, %dma_start3A_644] : memref<256x16xf32, #tpu.memory_space<vmem>> -> memref<128x16xf32, #tpu.memory_space<vmem>>
          %dma_start3A_646 = arith.constant 0 : i32
          %dma_start3A_647 = tpu.memref_slice %arg9[%dma_start3A_642, %dma_start3A_646] : memref<4x128xi32, #tpu.memory_space<vmem>> -> memref<1x128xi32, #tpu.memory_space<vmem>>
          %dma_start3A_648 = tpu.memref_squeeze %dma_start3A_647 : memref<1x128xi32, #tpu.memory_space<vmem>> -> memref<128xi32, #tpu.memory_space<vmem>>
          %dma_start3A_649 = arith.constant 0 : i32
          %dma_start3A_650 = arith.constant 0 : i32
          %dma_start3A_651 = tpu.memref_slice %arg3[%dma_start3A_649, %dma_start3A_650] : memref<100352x16xf32, #tpu.memory_space<hbm>> -> memref<100352x16xf32, #tpu.memory_space<hbm>>
          tpu.enqueue_indirect_dma source(%dma_start3A_651 : memref<100352x16xf32, #tpu.memory_space<hbm>>) target(%dma_start3A_645 : memref<128x16xf32, #tpu.memory_space<vmem>>) offsets(%dma_start3A_648 : memref<128xi32, #tpu.memory_space<vmem>>) semaphore(%arg19 : memref<!tpu.dma_semaphore, #tpu.memory_space<semaphore_mem>>)
        } else {
        }
        %dma_start3A_612 = arith.constant 2 : i32
        %dma_start3A_613 = arith.constant 0 : i32
        %dma_start3A_614 = arith.constant 0 : i32
        %dma_start3A_615 = tpu.memref_slice %arg15[%dma_start3A_613, %dma_start3A_614] : memref<256x8xf32, #tpu.memory_space<vmem>> -> memref<128x8xf32, #tpu.memory_space<vmem>>
        %dma_start3A_616 = arith.constant 0 : i32
        %dma_start3A_617 = tpu.memref_slice %arg9[%dma_start3A_612, %dma_start3A_616] : memref<4x128xi32, #tpu.memory_space<vmem>> -> memref<1x128xi32, #tpu.memory_space<vmem>>
        %dma_start3A_618 = tpu.memref_squeeze %dma_start3A_617 : memref<1x128xi32, #tpu.memory_space<vmem>> -> memref<128xi32, #tpu.memory_space<vmem>>
        %dma_start3A_619 = arith.constant 0 : i32
        %dma_start3A_620 = arith.constant 0 : i32
        %dma_start3A_621 = tpu.memref_slice %arg4[%dma_start3A_619, %dma_start3A_620] : memref<100352x8xf32, #tpu.memory_space<hbm>> -> memref<100352x8xf32, #tpu.memory_space<hbm>>
        tpu.enqueue_indirect_dma source(%dma_start3A_621 : memref<100352x8xf32, #tpu.memory_space<hbm>>) target(%dma_start3A_615 : memref<128x8xf32, #tpu.memory_space<vmem>>) offsets(%dma_start3A_618 : memref<128xi32, #tpu.memory_space<vmem>>) semaphore(%arg21 : memref<!tpu.dma_semaphore, #tpu.memory_space<semaphore_mem>>)
        %dma_start3A_622 = arith.constant 3 : i32
        %dma_start3A_623 = arith.constant 128 : i32
        %dma_start3A_624 = arith.constant 0 : i32
        %dma_start3A_625 = tpu.memref_slice %arg15[%dma_start3A_623, %dma_start3A_624] : memref<256x8xf32, #tpu.memory_space<vmem>> -> memref<128x8xf32, #tpu.memory_space<vmem>>
        %dma_start3A_626 = arith.constant 0 : i32
        %dma_start3A_627 = tpu.memref_slice %arg9[%dma_start3A_622, %dma_start3A_626] : memref<4x128xi32, #tpu.memory_space<vmem>> -> memref<1x128xi32, #tpu.memory_space<vmem>>
        %dma_start3A_628 = tpu.memref_squeeze %dma_start3A_627 : memref<1x128xi32, #tpu.memory_space<vmem>> -> memref<128xi32, #tpu.memory_space<vmem>>
        %dma_start3A_629 = arith.constant 0 : i32
        %dma_start3A_630 = arith.constant 0 : i32
        %dma_start3A_631 = tpu.memref_slice %arg4[%dma_start3A_629, %dma_start3A_630] : memref<100352x8xf32, #tpu.memory_space<hbm>> -> memref<100352x8xf32, #tpu.memory_space<hbm>>
        tpu.enqueue_indirect_dma source(%dma_start3A_631 : memref<100352x8xf32, #tpu.memory_space<hbm>>) target(%dma_start3A_625 : memref<128x8xf32, #tpu.memory_space<vmem>>) offsets(%dma_start3A_628 : memref<128xi32, #tpu.memory_space<vmem>>) semaphore(%arg21 : memref<!tpu.dma_semaphore, #tpu.memory_space<semaphore_mem>>)
      } else {
      }
      %dma_wait3A_383 = arith.constant 0 : i32
      %dma_wait3A_384 = arith.constant 0 : i32
      %dma_wait3A_385 = arith.constant 0 : i32
      %dma_wait3A_386 = tpu.memref_slice %arg14[%dma_wait3A_384, %dma_wait3A_385] : memref<256x16xf32, #tpu.memory_space<vmem>> -> memref<128x16xf32, #tpu.memory_space<vmem>>
      %dma_wait3A_387 = arith.constant 0 : i32
      %dma_wait3A_388 = tpu.memref_slice %arg10[%dma_wait3A_383, %dma_wait3A_387] : memref<4x128xi32, #tpu.memory_space<vmem>> -> memref<1x128xi32, #tpu.memory_space<vmem>>
      %dma_wait3A_389 = tpu.memref_squeeze %dma_wait3A_388 : memref<1x128xi32, #tpu.memory_space<vmem>> -> memref<128xi32, #tpu.memory_space<vmem>>
      %dma_wait3A_390 = arith.constant 0 : i32
      %dma_wait3A_391 = arith.constant 0 : i32
      %dma_wait3A_392 = tpu.memref_slice %arg2[%dma_wait3A_390, %dma_wait3A_391] : memref<100352x16xf32, #tpu.memory_space<hbm>> -> memref<100352x16xf32, #tpu.memory_space<hbm>>
      tpu.wait_indirect_dma semaphore(%arg20 : memref<!tpu.dma_semaphore, #tpu.memory_space<semaphore_mem>>) src(%dma_wait3A_392 : memref<100352x16xf32, #tpu.memory_space<hbm>>) dst(%dma_wait3A_386 : memref<128x16xf32, #tpu.memory_space<vmem>>)
      %dma_wait3A_393 = arith.constant 2 : i32
      %dma_wait3A_394 = arith.constant 0 : i32
      %dma_wait3A_395 = arith.constant 0 : i32
      %dma_wait3A_396 = tpu.memref_slice %arg16[%dma_wait3A_394, %dma_wait3A_395] : memref<256x8xf32, #tpu.memory_space<vmem>> -> memref<128x8xf32, #tpu.memory_space<vmem>>
      %dma_wait3A_397 = arith.constant 0 : i32
      %dma_wait3A_398 = tpu.memref_slice %arg10[%dma_wait3A_393, %dma_wait3A_397] : memref<4x128xi32, #tpu.memory_space<vmem>> -> memref<1x128xi32, #tpu.memory_space<vmem>>
      %dma_wait3A_399 = tpu.memref_squeeze %dma_wait3A_398 : memref<1x128xi32, #tpu.memory_space<vmem>> -> memref<128xi32, #tpu.memory_space<vmem>>
      %dma_wait3A_400 = arith.constant 0 : i32
      %dma_wait3A_401 = arith.constant 0 : i32
      %dma_wait3A_402 = tpu.memref_slice %arg4[%dma_wait3A_400, %dma_wait3A_401] : memref<100352x8xf32, #tpu.memory_space<hbm>> -> memref<100352x8xf32, #tpu.memory_space<hbm>>
      tpu.wait_indirect_dma semaphore(%arg22 : memref<!tpu.dma_semaphore, #tpu.memory_space<semaphore_mem>>) src(%dma_wait3A_402 : memref<100352x8xf32, #tpu.memory_space<hbm>>) dst(%dma_wait3A_396 : memref<128x8xf32, #tpu.memory_space<vmem>>)
      %dma_wait3A_403 = arith.constant 1 : i32
      %dma_wait3A_404 = arith.constant 128 : i32
      %dma_wait3A_405 = arith.constant 0 : i32
      %dma_wait3A_406 = tpu.memref_slice %arg14[%dma_wait3A_404, %dma_wait3A_405] : memref<256x16xf32, #tpu.memory_space<vmem>> -> memref<128x16xf32, #tpu.memory_space<vmem>>
      %dma_wait3A_407 = arith.constant 0 : i32
      %dma_wait3A_408 = tpu.memref_slice %arg10[%dma_wait3A_403, %dma_wait3A_407] : memref<4x128xi32, #tpu.memory_space<vmem>> -> memref<1x128xi32, #tpu.memory_space<vmem>>
      %dma_wait3A_409 = tpu.memref_squeeze %dma_wait3A_408 : memref<1x128xi32, #tpu.memory_space<vmem>> -> memref<128xi32, #tpu.memory_space<vmem>>
      %dma_wait3A_410 = arith.constant 0 : i32
      %dma_wait3A_411 = arith.constant 0 : i32
      %dma_wait3A_412 = tpu.memref_slice %arg2[%dma_wait3A_410, %dma_wait3A_411] : memref<100352x16xf32, #tpu.memory_space<hbm>> -> memref<100352x16xf32, #tpu.memory_space<hbm>>
      tpu.wait_indirect_dma semaphore(%arg20 : memref<!tpu.dma_semaphore, #tpu.memory_space<semaphore_mem>>) src(%dma_wait3A_412 : memref<100352x16xf32, #tpu.memory_space<hbm>>) dst(%dma_wait3A_406 : memref<128x16xf32, #tpu.memory_space<vmem>>)
      %dma_wait3A_413 = arith.constant 3 : i32
      %dma_wait3A_414 = arith.constant 128 : i32
      %dma_wait3A_415 = arith.constant 0 : i32
      %dma_wait3A_416 = tpu.memref_slice %arg16[%dma_wait3A_414, %dma_wait3A_415] : memref<256x8xf32, #tpu.memory_space<vmem>> -> memref<128x8xf32, #tpu.memory_space<vmem>>
      %dma_wait3A_417 = arith.constant 0 : i32
      %dma_wait3A_418 = tpu.memref_slice %arg10[%dma_wait3A_413, %dma_wait3A_417] : memref<4x128xi32, #tpu.memory_space<vmem>> -> memref<1x128xi32, #tpu.memory_space<vmem>>
      %dma_wait3A_419 = tpu.memref_squeeze %dma_wait3A_418 : memref<1x128xi32, #tpu.memory_space<vmem>> -> memref<128xi32, #tpu.memory_space<vmem>>
      %dma_wait3A_420 = arith.constant 0 : i32
      %dma_wait3A_421 = arith.constant 0 : i32
      %dma_wait3A_422 = tpu.memref_slice %arg4[%dma_wait3A_420, %dma_wait3A_421] : memref<100352x8xf32, #tpu.memory_space<hbm>> -> memref<100352x8xf32, #tpu.memory_space<hbm>>
      tpu.wait_indirect_dma semaphore(%arg22 : memref<!tpu.dma_semaphore, #tpu.memory_space<semaphore_mem>>) src(%dma_wait3A_422 : memref<100352x8xf32, #tpu.memory_space<hbm>>) dst(%dma_wait3A_416 : memref<128x8xf32, #tpu.memory_space<vmem>>)
      %gt3A_423 = arith.constant 0 : i32
      %gt3A_424 = arith.cmpi sgt, %scan3A_126, %gt3A_423 : i32
      %convert_element_type3A_425 = arith.extui %gt3A_424 : i1 to i32
      %cond3A_426 = arith.constant 0 : i32
      %cond3A_427 = arith.cmpi ne, %convert_element_type3A_425, %cond3A_426 : i32
      scf.if %cond3A_427 {
        %dma_wait3A_589 = arith.constant 0 : i32
        %dma_wait3A_590 = arith.constant 0 : i32
        %dma_wait3A_591 = arith.constant 0 : i32
        %dma_wait3A_592 = tpu.memref_slice %arg18[%dma_wait3A_590, %dma_wait3A_591] : memref<256x16xf32, #tpu.memory_space<vmem>> -> memref<128x16xf32, #tpu.memory_space<vmem>>
        %dma_wait3A_593 = arith.constant 0 : i32
        %dma_wait3A_594 = tpu.memref_slice %arg12[%dma_wait3A_589, %dma_wait3A_593] : memref<2x128xi32, #tpu.memory_space<vmem>> -> memref<1x128xi32, #tpu.memory_space<vmem>>
        %dma_wait3A_595 = tpu.memref_squeeze %dma_wait3A_594 : memref<1x128xi32, #tpu.memory_space<vmem>> -> memref<128xi32, #tpu.memory_space<vmem>>
        %dma_wait3A_596 = arith.constant 0 : i32
        %dma_wait3A_597 = arith.constant 0 : i32
        %dma_wait3A_598 = tpu.memref_slice %arg8[%dma_wait3A_596, %dma_wait3A_597] : memref<100352x16xf32, #tpu.memory_space<vmem_shared>> -> memref<100352x16xf32, #tpu.memory_space<vmem_shared>>
        tpu.wait_indirect_dma semaphore(%arg26 : memref<!tpu.dma_semaphore, #tpu.memory_space<semaphore_mem>>) src(%dma_wait3A_592 : memref<128x16xf32, #tpu.memory_space<vmem>>) dst(%dma_wait3A_598 : memref<100352x16xf32, #tpu.memory_space<vmem_shared>>)
        %dma_wait3A_599 = arith.constant 1 : i32
        %dma_wait3A_600 = arith.constant 128 : i32
        %dma_wait3A_601 = arith.constant 0 : i32
        %dma_wait3A_602 = tpu.memref_slice %arg18[%dma_wait3A_600, %dma_wait3A_601] : memref<256x16xf32, #tpu.memory_space<vmem>> -> memref<128x16xf32, #tpu.memory_space<vmem>>
        %dma_wait3A_603 = arith.constant 0 : i32
        %dma_wait3A_604 = tpu.memref_slice %arg12[%dma_wait3A_599, %dma_wait3A_603] : memref<2x128xi32, #tpu.memory_space<vmem>> -> memref<1x128xi32, #tpu.memory_space<vmem>>
        %dma_wait3A_605 = tpu.memref_squeeze %dma_wait3A_604 : memref<1x128xi32, #tpu.memory_space<vmem>> -> memref<128xi32, #tpu.memory_space<vmem>>
        %dma_wait3A_606 = arith.constant 0 : i32
        %dma_wait3A_607 = arith.constant 0 : i32
        %dma_wait3A_608 = tpu.memref_slice %arg8[%dma_wait3A_606, %dma_wait3A_607] : memref<100352x16xf32, #tpu.memory_space<vmem_shared>> -> memref<100352x16xf32, #tpu.memory_space<vmem_shared>>
        tpu.wait_indirect_dma semaphore(%arg26 : memref<!tpu.dma_semaphore, #tpu.memory_space<semaphore_mem>>) src(%dma_wait3A_602 : memref<128x16xf32, #tpu.memory_space<vmem>>) dst(%dma_wait3A_608 : memref<100352x16xf32, #tpu.memory_space<vmem_shared>>)
      } else {
      }
      %scan3A_428 = arith.constant 0 : i32
      %scan3A_429 = arith.constant 0 : i32
      %scan3A_430 = arith.constant 8 : i32
      %scan3A_431 = arith.addi %scan3A_429, %scan3A_430 : i32
      %scan3A_432 = arith.constant 1 : i32
      %scan3A_433 = scf.for %scan3A_589 = %scan3A_429 to %scan3A_431 step %scan3A_432 iter_args(%scan3A_590 = %scan3A_428) -> (i32)  : i32 {
        %mul3A_591 = arith.constant 2 : i32
        %mul3A_592 = arith.muli %mul3A_591, %scan3A_589 : i32
        %add3A_593 = arith.constant 0 : i32
        %add3A_594 = arith.addi %mul3A_592, %add3A_593 : i32
        %mul3A_595 = arith.constant 16 : i32
        %mul3A_596 = arith.muli %add3A_594, %mul3A_595 : i32
        %add3A_597 = vector.broadcast %mul3A_596 : i32 to vector<16xi32>
        %add3A_598 = arith.addi %iota3A, %add3A_597 : vector<16xi32>
        %gather3A = tpu.vector_load_idx %arg14[%add3A_598, %broadcast_in_dim3A_8] : memref<256x16xf32, #tpu.memory_space<vmem>>[vector<16xi32>, vector<16xi32>], vector<16xf32>,
        %gather3A_599 = tpu.vector_load_idx %arg16[%add3A_598, %add3A_11] : memref<256x8xf32, #tpu.memory_space<vmem>>[vector<16xi32>, vector<16xi32>], vector<16xf32>,
        %add3A_600 = arith.addf %gather3A, %gather3A_599 : vector<16xf32>
        %mul3A_601 = arith.constant 2.000000e-01 : f32
        %mul3A_602 = vector.broadcast %mul3A_601 : f32 to vector<16xf32>
        %mul3A_603 = arith.mulf %add3A_600, %mul3A_602 : vector<16xf32>
        %max3A = arith.maximumf %add3A_600, %mul3A_603 : vector<16xf32>
        %exp3A = math.exp %max3A : vector<16xf32>
        %broadcast_in_dim3A_604 = arith.constant 0 : i32
        %broadcast_in_dim3A_605 = vector.broadcast %broadcast_in_dim3A_604 : i32 to vector<16xi32>
        %gather3A_606 = tpu.vector_load_idx %arg14[%add3A_598, %broadcast_in_dim3A_605] : memref<256x16xf32, #tpu.memory_space<vmem>>[vector<16xi32>, vector<16xi32>], vector<16xf32>,
        %mul3A_607 = arith.mulf %gather3A_606, %exp3A : vector<16xf32>
        tpu.vector_store_idx %arg18[%add3A_598, %broadcast_in_dim3A_605], %mul3A_607 : memref<256x16xf32, #tpu.memory_space<vmem>>[vector<16xi32>, vector<16xi32>], vector<16xf32>,
        %broadcast_in_dim3A_608 = arith.constant 1 : i32
        %broadcast_in_dim3A_609 = vector.broadcast %broadcast_in_dim3A_608 : i32 to vector<16xi32>
        %gather3A_610 = tpu.vector_load_idx %arg14[%add3A_598, %broadcast_in_dim3A_609] : memref<256x16xf32, #tpu.memory_space<vmem>>[vector<16xi32>, vector<16xi32>], vector<16xf32>,
        %mul3A_611 = arith.mulf %gather3A_610, %exp3A : vector<16xf32>
        tpu.vector_store_idx %arg18[%add3A_598, %broadcast_in_dim3A_609], %mul3A_611 : memref<256x16xf32, #tpu.memory_space<vmem>>[vector<16xi32>, vector<16xi32>], vector<16xf32>,
        %broadcast_in_dim3A_612 = arith.constant 2 : i32
        %broadcast_in_dim3A_613 = vector.broadcast %broadcast_in_dim3A_612 : i32 to vector<16xi32>
        %gather3A_614 = tpu.vector_load_idx %arg14[%add3A_598, %broadcast_in_dim3A_613] : memref<256x16xf32, #tpu.memory_space<vmem>>[vector<16xi32>, vector<16xi32>], vector<16xf32>,
        %mul3A_615 = arith.mulf %gather3A_614, %exp3A : vector<16xf32>
        tpu.vector_store_idx %arg18[%add3A_598, %broadcast_in_dim3A_613], %mul3A_615 : memref<256x16xf32, #tpu.memory_space<vmem>>[vector<16xi32>, vector<16xi32>], vector<16xf32>,
        %broadcast_in_dim3A_616 = arith.constant 3 : i32
        %broadcast_in_dim3A_617 = vector.broadcast %broadcast_in_dim3A_616 : i32 to vector<16xi32>
        %gather3A_618 = tpu.vector_load_idx %arg14[%add3A_598, %broadcast_in_dim3A_617] : memref<256x16xf32, #tpu.memory_space<vmem>>[vector<16xi32>, vector<16xi32>], vector<16xf32>,
        %mul3A_619 = arith.mulf %gather3A_618, %exp3A : vector<16xf32>
        tpu.vector_store_idx %arg18[%add3A_598, %broadcast_in_dim3A_617], %mul3A_619 : memref<256x16xf32, #tpu.memory_space<vmem>>[vector<16xi32>, vector<16xi32>], vector<16xf32>,
        %broadcast_in_dim3A_620 = arith.constant 4 : i32
        %broadcast_in_dim3A_621 = vector.broadcast %broadcast_in_dim3A_620 : i32 to vector<16xi32>
        %gather3A_622 = tpu.vector_load_idx %arg14[%add3A_598, %broadcast_in_dim3A_621] : memref<256x16xf32, #tpu.memory_space<vmem>>[vector<16xi32>, vector<16xi32>], vector<16xf32>,
        %mul3A_623 = arith.mulf %gather3A_622, %exp3A : vector<16xf32>
        tpu.vector_store_idx %arg18[%add3A_598, %broadcast_in_dim3A_621], %mul3A_623 : memref<256x16xf32, #tpu.memory_space<vmem>>[vector<16xi32>, vector<16xi32>], vector<16xf32>,
        %broadcast_in_dim3A_624 = arith.constant 5 : i32
        %broadcast_in_dim3A_625 = vector.broadcast %broadcast_in_dim3A_624 : i32 to vector<16xi32>
        %gather3A_626 = tpu.vector_load_idx %arg14[%add3A_598, %broadcast_in_dim3A_625] : memref<256x16xf32, #tpu.memory_space<vmem>>[vector<16xi32>, vector<16xi32>], vector<16xf32>,
        %mul3A_627 = arith.mulf %gather3A_626, %exp3A : vector<16xf32>
        tpu.vector_store_idx %arg18[%add3A_598, %broadcast_in_dim3A_625], %mul3A_627 : memref<256x16xf32, #tpu.memory_space<vmem>>[vector<16xi32>, vector<16xi32>], vector<16xf32>,
        %broadcast_in_dim3A_628 = arith.constant 6 : i32
        %broadcast_in_dim3A_629 = vector.broadcast %broadcast_in_dim3A_628 : i32 to vector<16xi32>
        %gather3A_630 = tpu.vector_load_idx %arg14[%add3A_598, %broadcast_in_dim3A_629] : memref<256x16xf32, #tpu.memory_space<vmem>>[vector<16xi32>, vector<16xi32>], vector<16xf32>,
        %mul3A_631 = arith.mulf %gather3A_630, %exp3A : vector<16xf32>
        tpu.vector_store_idx %arg18[%add3A_598, %broadcast_in_dim3A_629], %mul3A_631 : memref<256x16xf32, #tpu.memory_space<vmem>>[vector<16xi32>, vector<16xi32>], vector<16xf32>,
        %broadcast_in_dim3A_632 = arith.constant 7 : i32
        %broadcast_in_dim3A_633 = vector.broadcast %broadcast_in_dim3A_632 : i32 to vector<16xi32>
        %gather3A_634 = tpu.vector_load_idx %arg14[%add3A_598, %broadcast_in_dim3A_633] : memref<256x16xf32, #tpu.memory_space<vmem>>[vector<16xi32>, vector<16xi32>], vector<16xf32>,
        %mul3A_635 = arith.mulf %gather3A_634, %exp3A : vector<16xf32>
        tpu.vector_store_idx %arg18[%add3A_598, %broadcast_in_dim3A_633], %mul3A_635 : memref<256x16xf32, #tpu.memory_space<vmem>>[vector<16xi32>, vector<16xi32>], vector<16xf32>,
        tpu.vector_store_idx %arg18[%add3A_598, %broadcast_in_dim3A_6], %exp3A : memref<256x16xf32, #tpu.memory_space<vmem>>[vector<16xi32>, vector<16xi32>], vector<16xf32>,
        %mul3A_636 = arith.constant 2 : i32
        %mul3A_637 = arith.muli %mul3A_636, %scan3A_589 : i32
        %add3A_638 = arith.constant 1 : i32
        %add3A_639 = arith.addi %mul3A_637, %add3A_638 : i32
        %mul3A_640 = arith.constant 16 : i32
        %mul3A_641 = arith.muli %add3A_639, %mul3A_640 : i32
        %add3A_642 = vector.broadcast %mul3A_641 : i32 to vector<16xi32>
        %add3A_643 = arith.addi %iota3A, %add3A_642 : vector<16xi32>
        %gather3A_644 = tpu.vector_load_idx %arg14[%add3A_643, %broadcast_in_dim3A_8] : memref<256x16xf32, #tpu.memory_space<vmem>>[vector<16xi32>, vector<16xi32>], vector<16xf32>,
        %gather3A_645 = tpu.vector_load_idx %arg16[%add3A_643, %add3A_11] : memref<256x8xf32, #tpu.memory_space<vmem>>[vector<16xi32>, vector<16xi32>], vector<16xf32>,
        %add3A_646 = arith.addf %gather3A_644, %gather3A_645 : vector<16xf32>
        %mul3A_647 = arith.constant 2.000000e-01 : f32
        %mul3A_648 = vector.broadcast %mul3A_647 : f32 to vector<16xf32>
        %mul3A_649 = arith.mulf %add3A_646, %mul3A_648 : vector<16xf32>
        %max3A_650 = arith.maximumf %add3A_646, %mul3A_649 : vector<16xf32>
        %exp3A_651 = math.exp %max3A_650 : vector<16xf32>
        %broadcast_in_dim3A_652 = arith.constant 0 : i32
        %broadcast_in_dim3A_653 = vector.broadcast %broadcast_in_dim3A_652 : i32 to vector<16xi32>
        %gather3A_654 = tpu.vector_load_idx %arg14[%add3A_643, %broadcast_in_dim3A_653] : memref<256x16xf32, #tpu.memory_space<vmem>>[vector<16xi32>, vector<16xi32>], vector<16xf32>,
        %mul3A_655 = arith.mulf %gather3A_654, %exp3A_651 : vector<16xf32>
        tpu.vector_store_idx %arg18[%add3A_643, %broadcast_in_dim3A_653], %mul3A_655 : memref<256x16xf32, #tpu.memory_space<vmem>>[vector<16xi32>, vector<16xi32>], vector<16xf32>,
        %broadcast_in_dim3A_656 = arith.constant 1 : i32
        %broadcast_in_dim3A_657 = vector.broadcast %broadcast_in_dim3A_656 : i32 to vector<16xi32>
        %gather3A_658 = tpu.vector_load_idx %arg14[%add3A_643, %broadcast_in_dim3A_657] : memref<256x16xf32, #tpu.memory_space<vmem>>[vector<16xi32>, vector<16xi32>], vector<16xf32>,
        %mul3A_659 = arith.mulf %gather3A_658, %exp3A_651 : vector<16xf32>
        tpu.vector_store_idx %arg18[%add3A_643, %broadcast_in_dim3A_657], %mul3A_659 : memref<256x16xf32, #tpu.memory_space<vmem>>[vector<16xi32>, vector<16xi32>], vector<16xf32>,
        %broadcast_in_dim3A_660 = arith.constant 2 : i32
        %broadcast_in_dim3A_661 = vector.broadcast %broadcast_in_dim3A_660 : i32 to vector<16xi32>
        %gather3A_662 = tpu.vector_load_idx %arg14[%add3A_643, %broadcast_in_dim3A_661] : memref<256x16xf32, #tpu.memory_space<vmem>>[vector<16xi32>, vector<16xi32>], vector<16xf32>,
        %mul3A_663 = arith.mulf %gather3A_662, %exp3A_651 : vector<16xf32>
        tpu.vector_store_idx %arg18[%add3A_643, %broadcast_in_dim3A_661], %mul3A_663 : memref<256x16xf32, #tpu.memory_space<vmem>>[vector<16xi32>, vector<16xi32>], vector<16xf32>,
        %broadcast_in_dim3A_664 = arith.constant 3 : i32
        %broadcast_in_dim3A_665 = vector.broadcast %broadcast_in_dim3A_664 : i32 to vector<16xi32>
        %gather3A_666 = tpu.vector_load_idx %arg14[%add3A_643, %broadcast_in_dim3A_665] : memref<256x16xf32, #tpu.memory_space<vmem>>[vector<16xi32>, vector<16xi32>], vector<16xf32>,
        %mul3A_667 = arith.mulf %gather3A_666, %exp3A_651 : vector<16xf32>
        tpu.vector_store_idx %arg18[%add3A_643, %broadcast_in_dim3A_665], %mul3A_667 : memref<256x16xf32, #tpu.memory_space<vmem>>[vector<16xi32>, vector<16xi32>], vector<16xf32>,
        %broadcast_in_dim3A_668 = arith.constant 4 : i32
        %broadcast_in_dim3A_669 = vector.broadcast %broadcast_in_dim3A_668 : i32 to vector<16xi32>
        %gather3A_670 = tpu.vector_load_idx %arg14[%add3A_643, %broadcast_in_dim3A_669] : memref<256x16xf32, #tpu.memory_space<vmem>>[vector<16xi32>, vector<16xi32>], vector<16xf32>,
        %mul3A_671 = arith.mulf %gather3A_670, %exp3A_651 : vector<16xf32>
        tpu.vector_store_idx %arg18[%add3A_643, %broadcast_in_dim3A_669], %mul3A_671 : memref<256x16xf32, #tpu.memory_space<vmem>>[vector<16xi32>, vector<16xi32>], vector<16xf32>,
        %broadcast_in_dim3A_672 = arith.constant 5 : i32
        %broadcast_in_dim3A_673 = vector.broadcast %broadcast_in_dim3A_672 : i32 to vector<16xi32>
        %gather3A_674 = tpu.vector_load_idx %arg14[%add3A_643, %broadcast_in_dim3A_673] : memref<256x16xf32, #tpu.memory_space<vmem>>[vector<16xi32>, vector<16xi32>], vector<16xf32>,
        %mul3A_675 = arith.mulf %gather3A_674, %exp3A_651 : vector<16xf32>
        tpu.vector_store_idx %arg18[%add3A_643, %broadcast_in_dim3A_673], %mul3A_675 : memref<256x16xf32, #tpu.memory_space<vmem>>[vector<16xi32>, vector<16xi32>], vector<16xf32>,
        %broadcast_in_dim3A_676 = arith.constant 6 : i32
        %broadcast_in_dim3A_677 = vector.broadcast %broadcast_in_dim3A_676 : i32 to vector<16xi32>
        %gather3A_678 = tpu.vector_load_idx %arg14[%add3A_643, %broadcast_in_dim3A_677] : memref<256x16xf32, #tpu.memory_space<vmem>>[vector<16xi32>, vector<16xi32>], vector<16xf32>,
        %mul3A_679 = arith.mulf %gather3A_678, %exp3A_651 : vector<16xf32>
        tpu.vector_store_idx %arg18[%add3A_643, %broadcast_in_dim3A_677], %mul3A_679 : memref<256x16xf32, #tpu.memory_space<vmem>>[vector<16xi32>, vector<16xi32>], vector<16xf32>,
        %broadcast_in_dim3A_680 = arith.constant 7 : i32
        %broadcast_in_dim3A_681 = vector.broadcast %broadcast_in_dim3A_680 : i32 to vector<16xi32>
        %gather3A_682 = tpu.vector_load_idx %arg14[%add3A_643, %broadcast_in_dim3A_681] : memref<256x16xf32, #tpu.memory_space<vmem>>[vector<16xi32>, vector<16xi32>], vector<16xf32>,
        %mul3A_683 = arith.mulf %gather3A_682, %exp3A_651 : vector<16xf32>
        tpu.vector_store_idx %arg18[%add3A_643, %broadcast_in_dim3A_681], %mul3A_683 : memref<256x16xf32, #tpu.memory_space<vmem>>[vector<16xi32>, vector<16xi32>], vector<16xf32>,
        tpu.vector_store_idx %arg18[%add3A_643, %broadcast_in_dim3A_6], %exp3A_651 : memref<256x16xf32, #tpu.memory_space<vmem>>[vector<16xi32>, vector<16xi32>], vector<16xf32>,
        %scan3A_684 = arith.constant 0 : i32
        scf.yield %scan3A_684 : i32
      }
      %scan3A_434 = arith.constant 8 : i32
      %get3A_435 = arith.constant 2 : i32
      %get3A_436 = arith.index_cast %get3A_435 : i32 to index
      %get3A_437 = arith.constant 0 : index
      %get3A_438 = tpu.vector_load %arg10[%get3A_436, %get3A_437] {strides = array<i32>} : memref<4x128xi32, #tpu.memory_space<vmem>>, vector<16xi32>,
      %swap3A_439 = arith.constant 0 : i32
      %swap3A_440 = arith.index_cast %swap3A_439 : i32 to index
      %swap3A_441 = arith.constant 0 : index
      %swap3A_442 = tpu.vector_load %arg12[%swap3A_440, %swap3A_441] {strides = array<i32>} : memref<2x128xi32, #tpu.memory_space<vmem>>, vector<16xi32>,
      tpu.vector_store %arg12[%swap3A_440, %swap3A_441], %get3A_438 {strides = array<i32>} : memref<2x128xi32, #tpu.memory_space<vmem>>, vector<16xi32>,
      %get3A_443 = arith.constant 2 : i32
      %get3A_444 = arith.index_cast %get3A_443 : i32 to index
      %get3A_445 = arith.constant 16 : index
      %get3A_446 = tpu.vector_load %arg10[%get3A_444, %get3A_445] {strides = array<i32>} : memref<4x128xi32, #tpu.memory_space<vmem>>, vector<16xi32>,
      %swap3A_447 = arith.constant 0 : i32
      %swap3A_448 = arith.index_cast %swap3A_447 : i32 to index
      %swap3A_449 = arith.constant 16 : index
      %swap3A_450 = tpu.vector_load %arg12[%swap3A_448, %swap3A_449] {strides = array<i32>} : memref<2x128xi32, #tpu.memory_space<vmem>>, vector<16xi32>,
      tpu.vector_store %arg12[%swap3A_448, %swap3A_449], %get3A_446 {strides = array<i32>} : memref<2x128xi32, #tpu.memory_space<vmem>>, vector<16xi32>,
      %get3A_451 = arith.constant 2 : i32
      %get3A_452 = arith.index_cast %get3A_451 : i32 to index
      %get3A_453 = arith.constant 32 : index
      %get3A_454 = tpu.vector_load %arg10[%get3A_452, %get3A_453] {strides = array<i32>} : memref<4x128xi32, #tpu.memory_space<vmem>>, vector<16xi32>,
      %swap3A_455 = arith.constant 0 : i32
      %swap3A_456 = arith.index_cast %swap3A_455 : i32 to index
      %swap3A_457 = arith.constant 32 : index
      %swap3A_458 = tpu.vector_load %arg12[%swap3A_456, %swap3A_457] {strides = array<i32>} : memref<2x128xi32, #tpu.memory_space<vmem>>, vector<16xi32>,
      tpu.vector_store %arg12[%swap3A_456, %swap3A_457], %get3A_454 {strides = array<i32>} : memref<2x128xi32, #tpu.memory_space<vmem>>, vector<16xi32>,
      %get3A_459 = arith.constant 2 : i32
      %get3A_460 = arith.index_cast %get3A_459 : i32 to index
      %get3A_461 = arith.constant 48 : index
      %get3A_462 = tpu.vector_load %arg10[%get3A_460, %get3A_461] {strides = array<i32>} : memref<4x128xi32, #tpu.memory_space<vmem>>, vector<16xi32>,
      %swap3A_463 = arith.constant 0 : i32
      %swap3A_464 = arith.index_cast %swap3A_463 : i32 to index
      %swap3A_465 = arith.constant 48 : index
      %swap3A_466 = tpu.vector_load %arg12[%swap3A_464, %swap3A_465] {strides = array<i32>} : memref<2x128xi32, #tpu.memory_space<vmem>>, vector<16xi32>,
      tpu.vector_store %arg12[%swap3A_464, %swap3A_465], %get3A_462 {strides = array<i32>} : memref<2x128xi32, #tpu.memory_space<vmem>>, vector<16xi32>,
      %get3A_467 = arith.constant 2 : i32
      %get3A_468 = arith.index_cast %get3A_467 : i32 to index
      %get3A_469 = arith.constant 64 : index
      %get3A_470 = tpu.vector_load %arg10[%get3A_468, %get3A_469] {strides = array<i32>} : memref<4x128xi32, #tpu.memory_space<vmem>>, vector<16xi32>,
      %swap3A_471 = arith.constant 0 : i32
      %swap3A_472 = arith.index_cast %swap3A_471 : i32 to index
      %swap3A_473 = arith.constant 64 : index
      %swap3A_474 = tpu.vector_load %arg12[%swap3A_472, %swap3A_473] {strides = array<i32>} : memref<2x128xi32, #tpu.memory_space<vmem>>, vector<16xi32>,
      tpu.vector_store %arg12[%swap3A_472, %swap3A_473], %get3A_470 {strides = array<i32>} : memref<2x128xi32, #tpu.memory_space<vmem>>, vector<16xi32>,
      %get3A_475 = arith.constant 2 : i32
      %get3A_476 = arith.index_cast %get3A_475 : i32 to index
      %get3A_477 = arith.constant 80 : index
      %get3A_478 = tpu.vector_load %arg10[%get3A_476, %get3A_477] {strides = array<i32>} : memref<4x128xi32, #tpu.memory_space<vmem>>, vector<16xi32>,
      %swap3A_479 = arith.constant 0 : i32
      %swap3A_480 = arith.index_cast %swap3A_479 : i32 to index
      %swap3A_481 = arith.constant 80 : index
      %swap3A_482 = tpu.vector_load %arg12[%swap3A_480, %swap3A_481] {strides = array<i32>} : memref<2x128xi32, #tpu.memory_space<vmem>>, vector<16xi32>,
      tpu.vector_store %arg12[%swap3A_480, %swap3A_481], %get3A_478 {strides = array<i32>} : memref<2x128xi32, #tpu.memory_space<vmem>>, vector<16xi32>,
      %get3A_483 = arith.constant 2 : i32
      %get3A_484 = arith.index_cast %get3A_483 : i32 to index
      %get3A_485 = arith.constant 96 : index
      %get3A_486 = tpu.vector_load %arg10[%get3A_484, %get3A_485] {strides = array<i32>} : memref<4x128xi32, #tpu.memory_space<vmem>>, vector<16xi32>,
      %swap3A_487 = arith.constant 0 : i32
      %swap3A_488 = arith.index_cast %swap3A_487 : i32 to index
      %swap3A_489 = arith.constant 96 : index
      %swap3A_490 = tpu.vector_load %arg12[%swap3A_488, %swap3A_489] {strides = array<i32>} : memref<2x128xi32, #tpu.memory_space<vmem>>, vector<16xi32>,
      tpu.vector_store %arg12[%swap3A_488, %swap3A_489], %get3A_486 {strides = array<i32>} : memref<2x128xi32, #tpu.memory_space<vmem>>, vector<16xi32>,
      %get3A_491 = arith.constant 2 : i32
      %get3A_492 = arith.index_cast %get3A_491 : i32 to index
      %get3A_493 = arith.constant 112 : index
      %get3A_494 = tpu.vector_load %arg10[%get3A_492, %get3A_493] {strides = array<i32>} : memref<4x128xi32, #tpu.memory_space<vmem>>, vector<16xi32>,
      %swap3A_495 = arith.constant 0 : i32
      %swap3A_496 = arith.index_cast %swap3A_495 : i32 to index
      %swap3A_497 = arith.constant 112 : index
      %swap3A_498 = tpu.vector_load %arg12[%swap3A_496, %swap3A_497] {strides = array<i32>} : memref<2x128xi32, #tpu.memory_space<vmem>>, vector<16xi32>,
      tpu.vector_store %arg12[%swap3A_496, %swap3A_497], %get3A_494 {strides = array<i32>} : memref<2x128xi32, #tpu.memory_space<vmem>>, vector<16xi32>,
      %get3A_499 = arith.constant 3 : i32
      %get3A_500 = arith.index_cast %get3A_499 : i32 to index
      %get3A_501 = arith.constant 0 : index
      %get3A_502 = tpu.vector_load %arg10[%get3A_500, %get3A_501] {strides = array<i32>} : memref<4x128xi32, #tpu.memory_space<vmem>>, vector<16xi32>,
      %swap3A_503 = arith.constant 1 : i32
      %swap3A_504 = arith.index_cast %swap3A_503 : i32 to index
      %swap3A_505 = arith.constant 0 : index
      %swap3A_506 = tpu.vector_load %arg12[%swap3A_504, %swap3A_505] {strides = array<i32>} : memref<2x128xi32, #tpu.memory_space<vmem>>, vector<16xi32>,
      tpu.vector_store %arg12[%swap3A_504, %swap3A_505], %get3A_502 {strides = array<i32>} : memref<2x128xi32, #tpu.memory_space<vmem>>, vector<16xi32>,
      %get3A_507 = arith.constant 3 : i32
      %get3A_508 = arith.index_cast %get3A_507 : i32 to index
      %get3A_509 = arith.constant 16 : index
      %get3A_510 = tpu.vector_load %arg10[%get3A_508, %get3A_509] {strides = array<i32>} : memref<4x128xi32, #tpu.memory_space<vmem>>, vector<16xi32>,
      %swap3A_511 = arith.constant 1 : i32
      %swap3A_512 = arith.index_cast %swap3A_511 : i32 to index
      %swap3A_513 = arith.constant 16 : index
      %swap3A_514 = tpu.vector_load %arg12[%swap3A_512, %swap3A_513] {strides = array<i32>} : memref<2x128xi32, #tpu.memory_space<vmem>>, vector<16xi32>,
      tpu.vector_store %arg12[%swap3A_512, %swap3A_513], %get3A_510 {strides = array<i32>} : memref<2x128xi32, #tpu.memory_space<vmem>>, vector<16xi32>,
      %get3A_515 = arith.constant 3 : i32
      %get3A_516 = arith.index_cast %get3A_515 : i32 to index
      %get3A_517 = arith.constant 32 : index
      %get3A_518 = tpu.vector_load %arg10[%get3A_516, %get3A_517] {strides = array<i32>} : memref<4x128xi32, #tpu.memory_space<vmem>>, vector<16xi32>,
      %swap3A_519 = arith.constant 1 : i32
      %swap3A_520 = arith.index_cast %swap3A_519 : i32 to index
      %swap3A_521 = arith.constant 32 : index
      %swap3A_522 = tpu.vector_load %arg12[%swap3A_520, %swap3A_521] {strides = array<i32>} : memref<2x128xi32, #tpu.memory_space<vmem>>, vector<16xi32>,
      tpu.vector_store %arg12[%swap3A_520, %swap3A_521], %get3A_518 {strides = array<i32>} : memref<2x128xi32, #tpu.memory_space<vmem>>, vector<16xi32>,
      %get3A_523 = arith.constant 3 : i32
      %get3A_524 = arith.index_cast %get3A_523 : i32 to index
      %get3A_525 = arith.constant 48 : index
      %get3A_526 = tpu.vector_load %arg10[%get3A_524, %get3A_525] {strides = array<i32>} : memref<4x128xi32, #tpu.memory_space<vmem>>, vector<16xi32>,
      %swap3A_527 = arith.constant 1 : i32
      %swap3A_528 = arith.index_cast %swap3A_527 : i32 to index
      %swap3A_529 = arith.constant 48 : index
      %swap3A_530 = tpu.vector_load %arg12[%swap3A_528, %swap3A_529] {strides = array<i32>} : memref<2x128xi32, #tpu.memory_space<vmem>>, vector<16xi32>,
      tpu.vector_store %arg12[%swap3A_528, %swap3A_529], %get3A_526 {strides = array<i32>} : memref<2x128xi32, #tpu.memory_space<vmem>>, vector<16xi32>,
      %get3A_531 = arith.constant 3 : i32
      %get3A_532 = arith.index_cast %get3A_531 : i32 to index
      %get3A_533 = arith.constant 64 : index
      %get3A_534 = tpu.vector_load %arg10[%get3A_532, %get3A_533] {strides = array<i32>} : memref<4x128xi32, #tpu.memory_space<vmem>>, vector<16xi32>,
      %swap3A_535 = arith.constant 1 : i32
      %swap3A_536 = arith.index_cast %swap3A_535 : i32 to index
      %swap3A_537 = arith.constant 64 : index
      %swap3A_538 = tpu.vector_load %arg12[%swap3A_536, %swap3A_537] {strides = array<i32>} : memref<2x128xi32, #tpu.memory_space<vmem>>, vector<16xi32>,
      tpu.vector_store %arg12[%swap3A_536, %swap3A_537], %get3A_534 {strides = array<i32>} : memref<2x128xi32, #tpu.memory_space<vmem>>, vector<16xi32>,
      %get3A_539 = arith.constant 3 : i32
      %get3A_540 = arith.index_cast %get3A_539 : i32 to index
      %get3A_541 = arith.constant 80 : index
      %get3A_542 = tpu.vector_load %arg10[%get3A_540, %get3A_541] {strides = array<i32>} : memref<4x128xi32, #tpu.memory_space<vmem>>, vector<16xi32>,
      %swap3A_543 = arith.constant 1 : i32
      %swap3A_544 = arith.index_cast %swap3A_543 : i32 to index
      %swap3A_545 = arith.constant 80 : index
      %swap3A_546 = tpu.vector_load %arg12[%swap3A_544, %swap3A_545] {strides = array<i32>} : memref<2x128xi32, #tpu.memory_space<vmem>>, vector<16xi32>,
      tpu.vector_store %arg12[%swap3A_544, %swap3A_545], %get3A_542 {strides = array<i32>} : memref<2x128xi32, #tpu.memory_space<vmem>>, vector<16xi32>,
      %get3A_547 = arith.constant 3 : i32
      %get3A_548 = arith.index_cast %get3A_547 : i32 to index
      %get3A_549 = arith.constant 96 : index
      %get3A_550 = tpu.vector_load %arg10[%get3A_548, %get3A_549] {strides = array<i32>} : memref<4x128xi32, #tpu.memory_space<vmem>>, vector<16xi32>,
      %swap3A_551 = arith.constant 1 : i32
      %swap3A_552 = arith.index_cast %swap3A_551 : i32 to index
      %swap3A_553 = arith.constant 96 : index
      %swap3A_554 = tpu.vector_load %arg12[%swap3A_552, %swap3A_553] {strides = array<i32>} : memref<2x128xi32, #tpu.memory_space<vmem>>, vector<16xi32>,
      tpu.vector_store %arg12[%swap3A_552, %swap3A_553], %get3A_550 {strides = array<i32>} : memref<2x128xi32, #tpu.memory_space<vmem>>, vector<16xi32>,
      %get3A_555 = arith.constant 3 : i32
      %get3A_556 = arith.index_cast %get3A_555 : i32 to index
      %get3A_557 = arith.constant 112 : index
      %get3A_558 = tpu.vector_load %arg10[%get3A_556, %get3A_557] {strides = array<i32>} : memref<4x128xi32, #tpu.memory_space<vmem>>, vector<16xi32>,
      %swap3A_559 = arith.constant 1 : i32
      %swap3A_560 = arith.index_cast %swap3A_559 : i32 to index
      %swap3A_561 = arith.constant 112 : index
      %swap3A_562 = tpu.vector_load %arg12[%swap3A_560, %swap3A_561] {strides = array<i32>} : memref<2x128xi32, #tpu.memory_space<vmem>>, vector<16xi32>,
      tpu.vector_store %arg12[%swap3A_560, %swap3A_561], %get3A_558 {strides = array<i32>} : memref<2x128xi32, #tpu.memory_space<vmem>>, vector<16xi32>,
      %dma_start3A_563 = arith.constant 0 : i32
      %dma_start3A_564 = arith.constant 0 : i32
      %dma_start3A_565 = arith.constant 0 : i32
      %dma_start3A_566 = tpu.memref_slice %arg18[%dma_start3A_564, %dma_start3A_565] : memref<256x16xf32, #tpu.memory_space<vmem>> -> memref<128x16xf32, #tpu.memory_space<vmem>>
      %dma_start3A_567 = arith.constant 0 : i32
      %dma_start3A_568 = tpu.memref_slice %arg12[%dma_start3A_563, %dma_start3A_567] : memref<2x128xi32, #tpu.memory_space<vmem>> -> memref<1x128xi32, #tpu.memory_space<vmem>>
      %dma_start3A_569 = tpu.memref_squeeze %dma_start3A_568 : memref<1x128xi32, #tpu.memory_space<vmem>> -> memref<128xi32, #tpu.memory_space<vmem>>
      %dma_start3A_570 = arith.constant 0 : i32
      %dma_start3A_571 = arith.constant 0 : i32
      %dma_start3A_572 = tpu.memref_slice %arg8[%dma_start3A_570, %dma_start3A_571] : memref<100352x16xf32, #tpu.memory_space<vmem_shared>> -> memref<100352x16xf32, #tpu.memory_space<vmem_shared>>
      tpu.enqueue_indirect_dma source(%dma_start3A_566 : memref<128x16xf32, #tpu.memory_space<vmem>>) target(%dma_start3A_572 : memref<100352x16xf32, #tpu.memory_space<vmem_shared>>) offsets(%dma_start3A_569 : memref<128xi32, #tpu.memory_space<vmem>>) semaphore(%arg26 : memref<!tpu.dma_semaphore, #tpu.memory_space<semaphore_mem>>) {add = true}
      %dma_start3A_573 = arith.constant 1 : i32
      %dma_start3A_574 = arith.constant 128 : i32
      %dma_start3A_575 = arith.constant 0 : i32
      %dma_start3A_576 = tpu.memref_slice %arg18[%dma_start3A_574, %dma_start3A_575] : memref<256x16xf32, #tpu.memory_space<vmem>> -> memref<128x16xf32, #tpu.memory_space<vmem>>
      %dma_start3A_577 = arith.constant 0 : i32
      %dma_start3A_578 = tpu.memref_slice %arg12[%dma_start3A_573, %dma_start3A_577] : memref<2x128xi32, #tpu.memory_space<vmem>> -> memref<1x128xi32, #tpu.memory_space<vmem>>
      %dma_start3A_579 = tpu.memref_squeeze %dma_start3A_578 : memref<1x128xi32, #tpu.memory_space<vmem>> -> memref<128xi32, #tpu.memory_space<vmem>>
      %dma_start3A_580 = arith.constant 0 : i32
      %dma_start3A_581 = arith.constant 0 : i32
      %dma_start3A_582 = tpu.memref_slice %arg8[%dma_start3A_580, %dma_start3A_581] : memref<100352x16xf32, #tpu.memory_space<vmem_shared>> -> memref<100352x16xf32, #tpu.memory_space<vmem_shared>>
      tpu.enqueue_indirect_dma source(%dma_start3A_576 : memref<128x16xf32, #tpu.memory_space<vmem>>) target(%dma_start3A_582 : memref<100352x16xf32, #tpu.memory_space<vmem_shared>>) offsets(%dma_start3A_579 : memref<128xi32, #tpu.memory_space<vmem>>) semaphore(%arg26 : memref<!tpu.dma_semaphore, #tpu.memory_space<semaphore_mem>>) {add = true}
      %lt3A_583 = arith.constant 390 : i32
      %lt3A_584 = arith.cmpi slt, %scan3A_126, %lt3A_583 : i32
      %convert_element_type3A_585 = arith.extui %lt3A_584 : i1 to i32
      %cond3A_586 = arith.constant 0 : i32
      %cond3A_587 = arith.cmpi ne, %convert_element_type3A_585, %cond3A_586 : i32
      scf.if %cond3A_587 {
        %add3A_589 = arith.constant 2 : i32
        %add3A_590 = arith.addi %add3A_377, %add3A_589 : i32
        %mul3A_591 = arith.constant 782 : i32
        %mul3A_592 = arith.muli %arg1, %mul3A_591 : i32
        %add3A_593 = arith.addi %mul3A_592, %add3A_590 : i32
        %mul3A_594 = arith.constant 2 : i32
        %mul3A_595 = arith.muli %add3A_593, %mul3A_594 : i32
        %mul3A_596 = arith.constant 2 : i32
        %mul3A_597 = arith.muli %mul3A_596, %mul3A_595 : i32
        %dma_start3A_598 = arith.constant 0 : i32
        %dma_start3A_599 = tpu.memref_slice %arg5[%mul3A_597, %dma_start3A_598] : memref<50048x128xi32, #tpu.memory_space<hbm>> -> memref<4x128xi32, #tpu.memory_space<hbm>>
        %dma_start3A_600 = arith.constant 0 : i32
        %dma_start3A_601 = tpu.memref_slice %arg5[%mul3A_597, %dma_start3A_600] : memref<50048x128xi32, #tpu.memory_space<hbm>> -> memref<4x128xi32, #tpu.memory_space<hbm>>
        tpu.enqueue_dma source(%dma_start3A_601 : memref<4x128xi32, #tpu.memory_space<hbm>>) target(%arg10 : memref<4x128xi32, #tpu.memory_space<vmem>>) target_semaphore(%arg24 : memref<!tpu.dma_semaphore, #tpu.memory_space<semaphore_mem>>)
      } else {
      }
      %scan3A_588 = arith.constant 0 : i32
      scf.yield %scan3A_588 : i32
    }
    %scan3A_77 = arith.constant 391 : i32
    %dma_wait3A_78 = arith.constant 0 : i32
    %dma_wait3A_79 = arith.constant 0 : i32
    %dma_wait3A_80 = arith.constant 0 : i32
    %dma_wait3A_81 = tpu.memref_slice %arg17[%dma_wait3A_79, %dma_wait3A_80] : memref<256x16xf32, #tpu.memory_space<vmem>> -> memref<128x16xf32, #tpu.memory_space<vmem>>
    %dma_wait3A_82 = arith.constant 0 : i32
    %dma_wait3A_83 = tpu.memref_slice %arg11[%dma_wait3A_78, %dma_wait3A_82] : memref<2x128xi32, #tpu.memory_space<vmem>> -> memref<1x128xi32, #tpu.memory_space<vmem>>
    %dma_wait3A_84 = tpu.memref_squeeze %dma_wait3A_83 : memref<1x128xi32, #tpu.memory_space<vmem>> -> memref<128xi32, #tpu.memory_space<vmem>>
    %dma_wait3A_85 = arith.constant 0 : i32
    %dma_wait3A_86 = arith.constant 0 : i32
    %dma_wait3A_87 = tpu.memref_slice %arg8[%dma_wait3A_85, %dma_wait3A_86] : memref<100352x16xf32, #tpu.memory_space<vmem_shared>> -> memref<100352x16xf32, #tpu.memory_space<vmem_shared>>
    tpu.wait_indirect_dma semaphore(%arg25 : memref<!tpu.dma_semaphore, #tpu.memory_space<semaphore_mem>>) src(%dma_wait3A_81 : memref<128x16xf32, #tpu.memory_space<vmem>>) dst(%dma_wait3A_87 : memref<100352x16xf32, #tpu.memory_space<vmem_shared>>)
    %dma_wait3A_88 = arith.constant 1 : i32
    %dma_wait3A_89 = arith.constant 128 : i32
    %dma_wait3A_90 = arith.constant 0 : i32
    %dma_wait3A_91 = tpu.memref_slice %arg17[%dma_wait3A_89, %dma_wait3A_90] : memref<256x16xf32, #tpu.memory_space<vmem>> -> memref<128x16xf32, #tpu.memory_space<vmem>>
    %dma_wait3A_92 = arith.constant 0 : i32
    %dma_wait3A_93 = tpu.memref_slice %arg11[%dma_wait3A_88, %dma_wait3A_92] : memref<2x128xi32, #tpu.memory_space<vmem>> -> memref<1x128xi32, #tpu.memory_space<vmem>>
    %dma_wait3A_94 = tpu.memref_squeeze %dma_wait3A_93 : memref<1x128xi32, #tpu.memory_space<vmem>> -> memref<128xi32, #tpu.memory_space<vmem>>
    %dma_wait3A_95 = arith.constant 0 : i32
    %dma_wait3A_96 = arith.constant 0 : i32
    %dma_wait3A_97 = tpu.memref_slice %arg8[%dma_wait3A_95, %dma_wait3A_96] : memref<100352x16xf32, #tpu.memory_space<vmem_shared>> -> memref<100352x16xf32, #tpu.memory_space<vmem_shared>>
    tpu.wait_indirect_dma semaphore(%arg25 : memref<!tpu.dma_semaphore, #tpu.memory_space<semaphore_mem>>) src(%dma_wait3A_91 : memref<128x16xf32, #tpu.memory_space<vmem>>) dst(%dma_wait3A_97 : memref<100352x16xf32, #tpu.memory_space<vmem_shared>>)
    %dma_wait3A_98 = arith.constant 0 : i32
    %dma_wait3A_99 = arith.constant 0 : i32
    %dma_wait3A_100 = arith.constant 0 : i32
    %dma_wait3A_101 = tpu.memref_slice %arg18[%dma_wait3A_99, %dma_wait3A_100] : memref<256x16xf32, #tpu.memory_space<vmem>> -> memref<128x16xf32, #tpu.memory_space<vmem>>
    %dma_wait3A_102 = arith.constant 0 : i32
    %dma_wait3A_103 = tpu.memref_slice %arg12[%dma_wait3A_98, %dma_wait3A_102] : memref<2x128xi32, #tpu.memory_space<vmem>> -> memref<1x128xi32, #tpu.memory_space<vmem>>
    %dma_wait3A_104 = tpu.memref_squeeze %dma_wait3A_103 : memref<1x128xi32, #tpu.memory_space<vmem>> -> memref<128xi32, #tpu.memory_space<vmem>>
    %dma_wait3A_105 = arith.constant 0 : i32
    %dma_wait3A_106 = arith.constant 0 : i32
    %dma_wait3A_107 = tpu.memref_slice %arg8[%dma_wait3A_105, %dma_wait3A_106] : memref<100352x16xf32, #tpu.memory_space<vmem_shared>> -> memref<100352x16xf32, #tpu.memory_space<vmem_shared>>
    tpu.wait_indirect_dma semaphore(%arg26 : memref<!tpu.dma_semaphore, #tpu.memory_space<semaphore_mem>>) src(%dma_wait3A_101 : memref<128x16xf32, #tpu.memory_space<vmem>>) dst(%dma_wait3A_107 : memref<100352x16xf32, #tpu.memory_space<vmem_shared>>)
    %dma_wait3A_108 = arith.constant 1 : i32
    %dma_wait3A_109 = arith.constant 128 : i32
    %dma_wait3A_110 = arith.constant 0 : i32
    %dma_wait3A_111 = tpu.memref_slice %arg18[%dma_wait3A_109, %dma_wait3A_110] : memref<256x16xf32, #tpu.memory_space<vmem>> -> memref<128x16xf32, #tpu.memory_space<vmem>>
    %dma_wait3A_112 = arith.constant 0 : i32
    %dma_wait3A_113 = tpu.memref_slice %arg12[%dma_wait3A_108, %dma_wait3A_112] : memref<2x128xi32, #tpu.memory_space<vmem>> -> memref<1x128xi32, #tpu.memory_space<vmem>>
    %dma_wait3A_114 = tpu.memref_squeeze %dma_wait3A_113 : memref<1x128xi32, #tpu.memory_space<vmem>> -> memref<128xi32, #tpu.memory_space<vmem>>
    %dma_wait3A_115 = arith.constant 0 : i32
    %dma_wait3A_116 = arith.constant 0 : i32
    %dma_wait3A_117 = tpu.memref_slice %arg8[%dma_wait3A_115, %dma_wait3A_116] : memref<100352x16xf32, #tpu.memory_space<vmem_shared>> -> memref<100352x16xf32, #tpu.memory_space<vmem_shared>>
    tpu.wait_indirect_dma semaphore(%arg26 : memref<!tpu.dma_semaphore, #tpu.memory_space<semaphore_mem>>) src(%dma_wait3A_111 : memref<128x16xf32, #tpu.memory_space<vmem>>) dst(%dma_wait3A_117 : memref<100352x16xf32, #tpu.memory_space<vmem_shared>>)
    %barrier3A_118 = arith.constant 0 : index
    tpu.barrier barrier_id(%barrier3A_118)
    %mul3A_119 = arith.constant 6272 : i32
    %mul3A_120 = arith.muli %arg1, %mul3A_119 : i32
    %mul3A_121 = arith.constant 100352 : i32
    %mul3A_122 = arith.muli %arg0, %mul3A_121 : i32
    %mul3A_123 = arith.constant 6272 : i32
    %mul3A_124 = arith.muli %arg1, %mul3A_123 : i32
    %add3A_125 = arith.addi %mul3A_122, %mul3A_124 : i32
    "tpu.region"() ({
      %run_scoped3A = tpu.sem_alloc : memref<!tpu.dma_semaphore, #tpu.memory_space<semaphore_mem>>
      %dma_start3A_126 = arith.constant 0 : i32
      %dma_start3A_127 = tpu.memref_slice %arg7[%add3A_125, %dma_start3A_126] : memref<200704x16xf32, #tpu.memory_space<hbm>> -> memref<6272x16xf32, #tpu.memory_space<hbm>>
      %dma_start3A_128 = arith.constant 0 : i32
      %dma_start3A_129 = tpu.memref_slice %arg8[%mul3A_120, %dma_start3A_128] : memref<100352x16xf32, #tpu.memory_space<vmem_shared>> -> memref<6272x16xf32, #tpu.memory_space<vmem_shared>>
      tpu.enqueue_dma source(%dma_start3A_129 : memref<6272x16xf32, #tpu.memory_space<vmem_shared>>) target(%dma_start3A_127 : memref<6272x16xf32, #tpu.memory_space<hbm>>) target_semaphore(%run_scoped3A : memref<!tpu.dma_semaphore, #tpu.memory_space<semaphore_mem>>)
      %dma_wait3A_130 = arith.constant 0 : i32
      %dma_wait3A_131 = tpu.memref_slice %arg7[%add3A_125, %dma_wait3A_130] : memref<200704x16xf32, #tpu.memory_space<hbm>> -> memref<6272x16xf32, #tpu.memory_space<hbm>>
      %dma_wait3A_132 = arith.constant 0 : i32
      %dma_wait3A_133 = tpu.memref_slice %arg8[%mul3A_120, %dma_wait3A_132] : memref<100352x16xf32, #tpu.memory_space<vmem_shared>> -> memref<6272x16xf32, #tpu.memory_space<vmem_shared>>
      tpu.wait_dma2 semaphore(%run_scoped3A : memref<!tpu.dma_semaphore, #tpu.memory_space<semaphore_mem>>) src(%dma_wait3A_133 : memref<6272x16xf32, #tpu.memory_space<vmem_shared>>) dst(%dma_wait3A_131 : memref<6272x16xf32, #tpu.memory_space<hbm>>)
      tpu.yield
    }) : () -> ()
    return
  }
}

#map = affine_map<(d0, d1) -> (0, 0)>
module attributes {stable_mosaic.version = 14 : i64} {
  func.func @_sc_edge_body(%arg0: i32, %arg1: i32, %arg2: memref<100352x8xf32, #tpu.memory_space<hbm>>, %arg3: memref<100352x8xf32, #tpu.memory_space<hbm>>, %arg4: memref<100352x8xf32, #tpu.memory_space<hbm>>, %arg5: memref<50048x128xi32, #tpu.memory_space<hbm>>, %arg6: memref<784x8xf32, #tpu.memory_space<hbm>>, %arg7: memref<200704x8xf32, #tpu.memory_space<hbm>>, %arg8: memref<100352x8xf32, #tpu.memory_space<vmem_shared>>, %arg9: memref<4x128xi32, #tpu.memory_space<vmem>>, %arg10: memref<4x128xi32, #tpu.memory_space<vmem>>, %arg11: memref<2x128xi32, #tpu.memory_space<vmem>>, %arg12: memref<2x128xi32, #tpu.memory_space<vmem>>, %arg13: memref<256x8xf32, #tpu.memory_space<vmem>>, %arg14: memref<256x8xf32, #tpu.memory_space<vmem>>, %arg15: memref<256x8xf32, #tpu.memory_space<vmem>>, %arg16: memref<256x8xf32, #tpu.memory_space<vmem>>, %arg17: memref<256x8xf32, #tpu.memory_space<vmem>>, %arg18: memref<256x8xf32, #tpu.memory_space<vmem>>, %arg19: memref<!tpu.dma_semaphore, #tpu.memory_space<semaphore_mem>>, %arg20: memref<!tpu.dma_semaphore, #tpu.memory_space<semaphore_mem>>, %arg21: memref<!tpu.dma_semaphore, #tpu.memory_space<semaphore_mem>>, %arg22: memref<!tpu.dma_semaphore, #tpu.memory_space<semaphore_mem>>, %arg23: memref<!tpu.dma_semaphore, #tpu.memory_space<semaphore_mem>>, %arg24: memref<!tpu.dma_semaphore, #tpu.memory_space<semaphore_mem>>, %arg25: memref<!tpu.dma_semaphore, #tpu.memory_space<semaphore_mem>>, %arg26: memref<!tpu.dma_semaphore, #tpu.memory_space<semaphore_mem>>) attributes {dimension_semantics = [#tpu.dimension_semantics<core_parallel>, #tpu.dimension_semantics<subcore_parallel>], iteration_bounds = array<i64: 2, 16>, scalar_prefetch = 0 : i64, scratch_operands = 19 : i64, tpu.core_type = #tpu.core_type<sc_vector_subcore>, window_params = [{transform_indices = #map}, {transform_indices = #map}, {transform_indices = #map}, {transform_indices = #map}, {transform_indices = #map}, {transform_indices = #map}]} {
    %iota3A = tpu.iota {dimensions = array<i32: 0>} : vector<16xi32>
    "tpu.region"() ({
      %run_scoped3A = tpu.sem_alloc : memref<!tpu.dma_semaphore, #tpu.memory_space<semaphore_mem>>
      %dma_start3A_126 = arith.constant 0 : i32
      %dma_start3A_127 = arith.constant 0 : i32
      %dma_start3A_128 = tpu.memref_slice %arg6[%dma_start3A_126, %dma_start3A_127] : memref<784x8xf32, #tpu.memory_space<hbm>> -> memref<256x8xf32, #tpu.memory_space<hbm>>
      %dma_start3A_129 = arith.constant 0 : i32
      %dma_start3A_130 = arith.constant 0 : i32
      %dma_start3A_131 = tpu.memref_slice %arg6[%dma_start3A_129, %dma_start3A_130] : memref<784x8xf32, #tpu.memory_space<hbm>> -> memref<256x8xf32, #tpu.memory_space<hbm>>
      tpu.enqueue_dma source(%dma_start3A_131 : memref<256x8xf32, #tpu.memory_space<hbm>>) target(%arg17 : memref<256x8xf32, #tpu.memory_space<vmem>>) target_semaphore(%run_scoped3A : memref<!tpu.dma_semaphore, #tpu.memory_space<semaphore_mem>>)
      %dma_wait3A_132 = arith.constant 0 : i32
      %dma_wait3A_133 = arith.constant 0 : i32
      %dma_wait3A_134 = tpu.memref_slice %arg6[%dma_wait3A_132, %dma_wait3A_133] : memref<784x8xf32, #tpu.memory_space<hbm>> -> memref<256x8xf32, #tpu.memory_space<hbm>>
      %dma_wait3A_135 = arith.constant 0 : i32
      %dma_wait3A_136 = arith.constant 0 : i32
      %dma_wait3A_137 = tpu.memref_slice %arg6[%dma_wait3A_135, %dma_wait3A_136] : memref<784x8xf32, #tpu.memory_space<hbm>> -> memref<256x8xf32, #tpu.memory_space<hbm>>
      tpu.wait_dma2 semaphore(%run_scoped3A : memref<!tpu.dma_semaphore, #tpu.memory_space<semaphore_mem>>) src(%dma_wait3A_137 : memref<256x8xf32, #tpu.memory_space<hbm>>) dst(%arg17 : memref<256x8xf32, #tpu.memory_space<vmem>>)
      tpu.yield
    }) : () -> ()
    "tpu.region"() ({
      %run_scoped3A = tpu.sem_alloc : memref<!tpu.dma_semaphore, #tpu.memory_space<semaphore_mem>>
      %dma_start3A_126 = arith.constant 0 : i32
      %dma_start3A_127 = arith.constant 0 : i32
      %dma_start3A_128 = tpu.memref_slice %arg6[%dma_start3A_126, %dma_start3A_127] : memref<784x8xf32, #tpu.memory_space<hbm>> -> memref<256x8xf32, #tpu.memory_space<hbm>>
      %dma_start3A_129 = arith.constant 0 : i32
      %dma_start3A_130 = arith.constant 0 : i32
      %dma_start3A_131 = tpu.memref_slice %arg6[%dma_start3A_129, %dma_start3A_130] : memref<784x8xf32, #tpu.memory_space<hbm>> -> memref<256x8xf32, #tpu.memory_space<hbm>>
      tpu.enqueue_dma source(%dma_start3A_131 : memref<256x8xf32, #tpu.memory_space<hbm>>) target(%arg18 : memref<256x8xf32, #tpu.memory_space<vmem>>) target_semaphore(%run_scoped3A : memref<!tpu.dma_semaphore, #tpu.memory_space<semaphore_mem>>)
      %dma_wait3A_132 = arith.constant 0 : i32
      %dma_wait3A_133 = arith.constant 0 : i32
      %dma_wait3A_134 = tpu.memref_slice %arg6[%dma_wait3A_132, %dma_wait3A_133] : memref<784x8xf32, #tpu.memory_space<hbm>> -> memref<256x8xf32, #tpu.memory_space<hbm>>
      %dma_wait3A_135 = arith.constant 0 : i32
      %dma_wait3A_136 = arith.constant 0 : i32
      %dma_wait3A_137 = tpu.memref_slice %arg6[%dma_wait3A_135, %dma_wait3A_136] : memref<784x8xf32, #tpu.memory_space<hbm>> -> memref<256x8xf32, #tpu.memory_space<hbm>>
      tpu.wait_dma2 semaphore(%run_scoped3A : memref<!tpu.dma_semaphore, #tpu.memory_space<semaphore_mem>>) src(%dma_wait3A_137 : memref<256x8xf32, #tpu.memory_space<hbm>>) dst(%arg18 : memref<256x8xf32, #tpu.memory_space<vmem>>)
      tpu.yield
    }) : () -> ()
    %scan3A = arith.constant 0 : i32
    %scan3A_0 = arith.constant 0 : i32
    %scan3A_1 = arith.constant 8 : i32
    %scan3A_2 = arith.addi %scan3A_0, %scan3A_1 : i32
    %scan3A_3 = arith.constant 1 : i32
    %scan3A_4 = scf.for %scan3A_126 = %scan3A_0 to %scan3A_2 step %scan3A_3 iter_args(%scan3A_127 = %scan3A) -> (i32)  : i32 {
      %mul3A_128 = arith.constant 6272 : i32
      %mul3A_129 = arith.muli %arg1, %mul3A_128 : i32
      %mul3A_130 = arith.constant 784 : i32
      %mul3A_131 = arith.muli %scan3A_126, %mul3A_130 : i32
      %add3A_132 = arith.addi %mul3A_129, %mul3A_131 : i32
      "tpu.region"() ({
        %run_scoped3A = tpu.sem_alloc : memref<!tpu.dma_semaphore, #tpu.memory_space<semaphore_mem>>
        %dma_start3A_134 = arith.constant 0 : i32
        %dma_start3A_135 = tpu.memref_slice %arg8[%add3A_132, %dma_start3A_134] : memref<100352x8xf32, #tpu.memory_space<vmem_shared>> -> memref<784x8xf32, #tpu.memory_space<vmem_shared>>
        tpu.enqueue_dma source(%arg6 : memref<784x8xf32, #tpu.memory_space<hbm>>) target(%dma_start3A_135 : memref<784x8xf32, #tpu.memory_space<vmem_shared>>) target_semaphore(%run_scoped3A : memref<!tpu.dma_semaphore, #tpu.memory_space<semaphore_mem>>)
        %dma_wait3A_136 = arith.constant 0 : i32
        %dma_wait3A_137 = tpu.memref_slice %arg8[%add3A_132, %dma_wait3A_136] : memref<100352x8xf32, #tpu.memory_space<vmem_shared>> -> memref<784x8xf32, #tpu.memory_space<vmem_shared>>
        tpu.wait_dma2 semaphore(%run_scoped3A : memref<!tpu.dma_semaphore, #tpu.memory_space<semaphore_mem>>) src(%arg6 : memref<784x8xf32, #tpu.memory_space<hbm>>) dst(%dma_wait3A_137 : memref<784x8xf32, #tpu.memory_space<vmem_shared>>)
        tpu.yield
      }) : () -> ()
      %scan3A_133 = arith.constant 0 : i32
      scf.yield %scan3A_133 : i32
    }
    %scan3A_5 = arith.constant 8 : i32
    %barrier3A = arith.constant 0 : index
    tpu.barrier barrier_id(%barrier3A)
    %broadcast_in_dim3A = arith.constant 4 : i32
    %broadcast_in_dim3A_6 = vector.broadcast %broadcast_in_dim3A : i32 to vector<16xi32>
    %broadcast_in_dim3A_7 = arith.constant 5 : i32
    %broadcast_in_dim3A_8 = vector.broadcast %broadcast_in_dim3A_7 : i32 to vector<16xi32>
    %broadcast_in_dim3A_9 = arith.constant 0 : i32
    %broadcast_in_dim3A_10 = vector.broadcast %broadcast_in_dim3A_9 : i32 to vector<16xi32>
    %add3A = vector.broadcast %arg0 : i32 to vector<16xi32>
    %add3A_11 = arith.addi %broadcast_in_dim3A_10, %add3A : vector<16xi32>
    %mul3A = arith.constant 782 : i32
    %mul3A_12 = arith.muli %arg1, %mul3A : i32
    %add3A_13 = arith.constant 0 : i32
    %add3A_14 = arith.addi %mul3A_12, %add3A_13 : i32
    %mul3A_15 = arith.constant 2 : i32
    %mul3A_16 = arith.muli %add3A_14, %mul3A_15 : i32
    %mul3A_17 = arith.constant 2 : i32
    %mul3A_18 = arith.muli %mul3A_17, %mul3A_16 : i32
    %dma_start3A = arith.constant 0 : i32
    %dma_start3A_19 = tpu.memref_slice %arg5[%mul3A_18, %dma_start3A] : memref<50048x128xi32, #tpu.memory_space<hbm>> -> memref<4x128xi32, #tpu.memory_space<hbm>>
    %dma_start3A_20 = arith.constant 0 : i32
    %dma_start3A_21 = tpu.memref_slice %arg5[%mul3A_18, %dma_start3A_20] : memref<50048x128xi32, #tpu.memory_space<hbm>> -> memref<4x128xi32, #tpu.memory_space<hbm>>
    tpu.enqueue_dma source(%dma_start3A_21 : memref<4x128xi32, #tpu.memory_space<hbm>>) target(%arg9 : memref<4x128xi32, #tpu.memory_space<vmem>>) target_semaphore(%arg23 : memref<!tpu.dma_semaphore, #tpu.memory_space<semaphore_mem>>)
    %mul3A_22 = arith.constant 782 : i32
    %mul3A_23 = arith.muli %arg1, %mul3A_22 : i32
    %add3A_24 = arith.constant 0 : i32
    %add3A_25 = arith.addi %mul3A_23, %add3A_24 : i32
    %mul3A_26 = arith.constant 2 : i32
    %mul3A_27 = arith.muli %add3A_25, %mul3A_26 : i32
    %mul3A_28 = arith.constant 2 : i32
    %mul3A_29 = arith.muli %mul3A_28, %mul3A_27 : i32
    %dma_wait3A = arith.constant 0 : i32
    %dma_wait3A_30 = tpu.memref_slice %arg5[%mul3A_29, %dma_wait3A] : memref<50048x128xi32, #tpu.memory_space<hbm>> -> memref<4x128xi32, #tpu.memory_space<hbm>>
    %dma_wait3A_31 = arith.constant 0 : i32
    %dma_wait3A_32 = tpu.memref_slice %arg5[%mul3A_29, %dma_wait3A_31] : memref<50048x128xi32, #tpu.memory_space<hbm>> -> memref<4x128xi32, #tpu.memory_space<hbm>>
    tpu.wait_dma2 semaphore(%arg23 : memref<!tpu.dma_semaphore, #tpu.memory_space<semaphore_mem>>) src(%dma_wait3A_32 : memref<4x128xi32, #tpu.memory_space<hbm>>) dst(%arg9 : memref<4x128xi32, #tpu.memory_space<vmem>>)
    %eq3A = arith.constant 0 : i32
    %eq3A_33 = arith.cmpi eq, %arg0, %eq3A : i32
    %convert_element_type3A = arith.extui %eq3A_33 : i1 to i32
    %cond3A = arith.constant 0 : i32
    %cond3A_34 = arith.cmpi ne, %convert_element_type3A, %cond3A : i32
    scf.if %cond3A_34 {
      %dma_start3A_126 = arith.constant 0 : i32
      %dma_start3A_127 = arith.constant 0 : i32
      %dma_start3A_128 = arith.constant 0 : i32
      %dma_start3A_129 = tpu.memref_slice %arg13[%dma_start3A_127, %dma_start3A_128] : memref<256x8xf32, #tpu.memory_space<vmem>> -> memref<128x8xf32, #tpu.memory_space<vmem>>
      %dma_start3A_130 = arith.constant 0 : i32
      %dma_start3A_131 = tpu.memref_slice %arg9[%dma_start3A_126, %dma_start3A_130] : memref<4x128xi32, #tpu.memory_space<vmem>> -> memref<1x128xi32, #tpu.memory_space<vmem>>
      %dma_start3A_132 = tpu.memref_squeeze %dma_start3A_131 : memref<1x128xi32, #tpu.memory_space<vmem>> -> memref<128xi32, #tpu.memory_space<vmem>>
      %dma_start3A_133 = arith.constant 0 : i32
      %dma_start3A_134 = arith.constant 0 : i32
      %dma_start3A_135 = tpu.memref_slice %arg2[%dma_start3A_133, %dma_start3A_134] : memref<100352x8xf32, #tpu.memory_space<hbm>> -> memref<100352x8xf32, #tpu.memory_space<hbm>>
      tpu.enqueue_indirect_dma source(%dma_start3A_135 : memref<100352x8xf32, #tpu.memory_space<hbm>>) target(%dma_start3A_129 : memref<128x8xf32, #tpu.memory_space<vmem>>) offsets(%dma_start3A_132 : memref<128xi32, #tpu.memory_space<vmem>>) semaphore(%arg19 : memref<!tpu.dma_semaphore, #tpu.memory_space<semaphore_mem>>)
      %dma_start3A_136 = arith.constant 1 : i32
      %dma_start3A_137 = arith.constant 128 : i32
      %dma_start3A_138 = arith.constant 0 : i32
      %dma_start3A_139 = tpu.memref_slice %arg13[%dma_start3A_137, %dma_start3A_138] : memref<256x8xf32, #tpu.memory_space<vmem>> -> memref<128x8xf32, #tpu.memory_space<vmem>>
      %dma_start3A_140 = arith.constant 0 : i32
      %dma_start3A_141 = tpu.memref_slice %arg9[%dma_start3A_136, %dma_start3A_140] : memref<4x128xi32, #tpu.memory_space<vmem>> -> memref<1x128xi32, #tpu.memory_space<vmem>>
      %dma_start3A_142 = tpu.memref_squeeze %dma_start3A_141 : memref<1x128xi32, #tpu.memory_space<vmem>> -> memref<128xi32, #tpu.memory_space<vmem>>
      %dma_start3A_143 = arith.constant 0 : i32
      %dma_start3A_144 = arith.constant 0 : i32
      %dma_start3A_145 = tpu.memref_slice %arg2[%dma_start3A_143, %dma_start3A_144] : memref<100352x8xf32, #tpu.memory_space<hbm>> -> memref<100352x8xf32, #tpu.memory_space<hbm>>
      tpu.enqueue_indirect_dma source(%dma_start3A_145 : memref<100352x8xf32, #tpu.memory_space<hbm>>) target(%dma_start3A_139 : memref<128x8xf32, #tpu.memory_space<vmem>>) offsets(%dma_start3A_142 : memref<128xi32, #tpu.memory_space<vmem>>) semaphore(%arg19 : memref<!tpu.dma_semaphore, #tpu.memory_space<semaphore_mem>>)
    } else {
    }
    %ne3A = arith.constant 0 : i32
    %ne3A_35 = arith.cmpi ne, %arg0, %ne3A : i32
    %convert_element_type3A_36 = arith.extui %ne3A_35 : i1 to i32
    %cond3A_37 = arith.constant 0 : i32
    %cond3A_38 = arith.cmpi ne, %convert_element_type3A_36, %cond3A_37 : i32
    scf.if %cond3A_38 {
      %dma_start3A_126 = arith.constant 0 : i32
      %dma_start3A_127 = arith.constant 0 : i32
      %dma_start3A_128 = arith.constant 0 : i32
      %dma_start3A_129 = tpu.memref_slice %arg13[%dma_start3A_127, %dma_start3A_128] : memref<256x8xf32, #tpu.memory_space<vmem>> -> memref<128x8xf32, #tpu.memory_space<vmem>>
      %dma_start3A_130 = arith.constant 0 : i32
      %dma_start3A_131 = tpu.memref_slice %arg9[%dma_start3A_126, %dma_start3A_130] : memref<4x128xi32, #tpu.memory_space<vmem>> -> memref<1x128xi32, #tpu.memory_space<vmem>>
      %dma_start3A_132 = tpu.memref_squeeze %dma_start3A_131 : memref<1x128xi32, #tpu.memory_space<vmem>> -> memref<128xi32, #tpu.memory_space<vmem>>
      %dma_start3A_133 = arith.constant 0 : i32
      %dma_start3A_134 = arith.constant 0 : i32
      %dma_start3A_135 = tpu.memref_slice %arg3[%dma_start3A_133, %dma_start3A_134] : memref<100352x8xf32, #tpu.memory_space<hbm>> -> memref<100352x8xf32, #tpu.memory_space<hbm>>
      tpu.enqueue_indirect_dma source(%dma_start3A_135 : memref<100352x8xf32, #tpu.memory_space<hbm>>) target(%dma_start3A_129 : memref<128x8xf32, #tpu.memory_space<vmem>>) offsets(%dma_start3A_132 : memref<128xi32, #tpu.memory_space<vmem>>) semaphore(%arg19 : memref<!tpu.dma_semaphore, #tpu.memory_space<semaphore_mem>>)
      %dma_start3A_136 = arith.constant 1 : i32
      %dma_start3A_137 = arith.constant 128 : i32
      %dma_start3A_138 = arith.constant 0 : i32
      %dma_start3A_139 = tpu.memref_slice %arg13[%dma_start3A_137, %dma_start3A_138] : memref<256x8xf32, #tpu.memory_space<vmem>> -> memref<128x8xf32, #tpu.memory_space<vmem>>
      %dma_start3A_140 = arith.constant 0 : i32
      %dma_start3A_141 = tpu.memref_slice %arg9[%dma_start3A_136, %dma_start3A_140] : memref<4x128xi32, #tpu.memory_space<vmem>> -> memref<1x128xi32, #tpu.memory_space<vmem>>
      %dma_start3A_142 = tpu.memref_squeeze %dma_start3A_141 : memref<1x128xi32, #tpu.memory_space<vmem>> -> memref<128xi32, #tpu.memory_space<vmem>>
      %dma_start3A_143 = arith.constant 0 : i32
      %dma_start3A_144 = arith.constant 0 : i32
      %dma_start3A_145 = tpu.memref_slice %arg3[%dma_start3A_143, %dma_start3A_144] : memref<100352x8xf32, #tpu.memory_space<hbm>> -> memref<100352x8xf32, #tpu.memory_space<hbm>>
      tpu.enqueue_indirect_dma source(%dma_start3A_145 : memref<100352x8xf32, #tpu.memory_space<hbm>>) target(%dma_start3A_139 : memref<128x8xf32, #tpu.memory_space<vmem>>) offsets(%dma_start3A_142 : memref<128xi32, #tpu.memory_space<vmem>>) semaphore(%arg19 : memref<!tpu.dma_semaphore, #tpu.memory_space<semaphore_mem>>)
    } else {
    }
    %dma_start3A_39 = arith.constant 2 : i32
    %dma_start3A_40 = arith.constant 0 : i32
    %dma_start3A_41 = arith.constant 0 : i32
    %dma_start3A_42 = tpu.memref_slice %arg15[%dma_start3A_40, %dma_start3A_41] : memref<256x8xf32, #tpu.memory_space<vmem>> -> memref<128x8xf32, #tpu.memory_space<vmem>>
    %dma_start3A_43 = arith.constant 0 : i32
    %dma_start3A_44 = tpu.memref_slice %arg9[%dma_start3A_39, %dma_start3A_43] : memref<4x128xi32, #tpu.memory_space<vmem>> -> memref<1x128xi32, #tpu.memory_space<vmem>>
    %dma_start3A_45 = tpu.memref_squeeze %dma_start3A_44 : memref<1x128xi32, #tpu.memory_space<vmem>> -> memref<128xi32, #tpu.memory_space<vmem>>
    %dma_start3A_46 = arith.constant 0 : i32
    %dma_start3A_47 = arith.constant 0 : i32
    %dma_start3A_48 = tpu.memref_slice %arg4[%dma_start3A_46, %dma_start3A_47] : memref<100352x8xf32, #tpu.memory_space<hbm>> -> memref<100352x8xf32, #tpu.memory_space<hbm>>
    tpu.enqueue_indirect_dma source(%dma_start3A_48 : memref<100352x8xf32, #tpu.memory_space<hbm>>) target(%dma_start3A_42 : memref<128x8xf32, #tpu.memory_space<vmem>>) offsets(%dma_start3A_45 : memref<128xi32, #tpu.memory_space<vmem>>) semaphore(%arg21 : memref<!tpu.dma_semaphore, #tpu.memory_space<semaphore_mem>>)
    %dma_start3A_49 = arith.constant 3 : i32
    %dma_start3A_50 = arith.constant 128 : i32
    %dma_start3A_51 = arith.constant 0 : i32
    %dma_start3A_52 = tpu.memref_slice %arg15[%dma_start3A_50, %dma_start3A_51] : memref<256x8xf32, #tpu.memory_space<vmem>> -> memref<128x8xf32, #tpu.memory_space<vmem>>
    %dma_start3A_53 = arith.constant 0 : i32
    %dma_start3A_54 = tpu.memref_slice %arg9[%dma_start3A_49, %dma_start3A_53] : memref<4x128xi32, #tpu.memory_space<vmem>> -> memref<1x128xi32, #tpu.memory_space<vmem>>
    %dma_start3A_55 = tpu.memref_squeeze %dma_start3A_54 : memref<1x128xi32, #tpu.memory_space<vmem>> -> memref<128xi32, #tpu.memory_space<vmem>>
    %dma_start3A_56 = arith.constant 0 : i32
    %dma_start3A_57 = arith.constant 0 : i32
    %dma_start3A_58 = tpu.memref_slice %arg4[%dma_start3A_56, %dma_start3A_57] : memref<100352x8xf32, #tpu.memory_space<hbm>> -> memref<100352x8xf32, #tpu.memory_space<hbm>>
    tpu.enqueue_indirect_dma source(%dma_start3A_58 : memref<100352x8xf32, #tpu.memory_space<hbm>>) target(%dma_start3A_52 : memref<128x8xf32, #tpu.memory_space<vmem>>) offsets(%dma_start3A_55 : memref<128xi32, #tpu.memory_space<vmem>>) semaphore(%arg21 : memref<!tpu.dma_semaphore, #tpu.memory_space<semaphore_mem>>)
    %mul3A_59 = arith.constant 782 : i32
    %mul3A_60 = arith.muli %arg1, %mul3A_59 : i32
    %add3A_61 = arith.constant 1 : i32
    %add3A_62 = arith.addi %mul3A_60, %add3A_61 : i32
    %mul3A_63 = arith.constant 2 : i32
    %mul3A_64 = arith.muli %add3A_62, %mul3A_63 : i32
    %mul3A_65 = arith.constant 2 : i32
    %mul3A_66 = arith.muli %mul3A_65, %mul3A_64 : i32
    %dma_start3A_67 = arith.constant 0 : i32
    %dma_start3A_68 = tpu.memref_slice %arg5[%mul3A_66, %dma_start3A_67] : memref<50048x128xi32, #tpu.memory_space<hbm>> -> memref<4x128xi32, #tpu.memory_space<hbm>>
    %dma_start3A_69 = arith.constant 0 : i32
    %dma_start3A_70 = tpu.memref_slice %arg5[%mul3A_66, %dma_start3A_69] : memref<50048x128xi32, #tpu.memory_space<hbm>> -> memref<4x128xi32, #tpu.memory_space<hbm>>
    tpu.enqueue_dma source(%dma_start3A_70 : memref<4x128xi32, #tpu.memory_space<hbm>>) target(%arg10 : memref<4x128xi32, #tpu.memory_space<vmem>>) target_semaphore(%arg24 : memref<!tpu.dma_semaphore, #tpu.memory_space<semaphore_mem>>)
    %scan3A_71 = arith.constant 0 : i32
    %scan3A_72 = arith.constant 0 : i32
    %scan3A_73 = arith.constant 391 : i32
    %scan3A_74 = arith.addi %scan3A_72, %scan3A_73 : i32
    %scan3A_75 = arith.constant 1 : i32
    %scan3A_76 = scf.for %scan3A_126 = %scan3A_72 to %scan3A_74 step %scan3A_75 iter_args(%scan3A_127 = %scan3A_71) -> (i32)  : i32 {
      %mul3A_128 = arith.constant 2 : i32
      %mul3A_129 = arith.muli %mul3A_128, %scan3A_126 : i32
      %add3A_130 = arith.constant 1 : i32
      %add3A_131 = arith.addi %mul3A_129, %add3A_130 : i32
      %mul3A_132 = arith.constant 782 : i32
      %mul3A_133 = arith.muli %arg1, %mul3A_132 : i32
      %add3A_134 = arith.addi %mul3A_133, %add3A_131 : i32
      %mul3A_135 = arith.constant 2 : i32
      %mul3A_136 = arith.muli %add3A_134, %mul3A_135 : i32
      %mul3A_137 = arith.constant 2 : i32
      %mul3A_138 = arith.muli %mul3A_137, %mul3A_136 : i32
      %dma_wait3A_139 = arith.constant 0 : i32
      %dma_wait3A_140 = tpu.memref_slice %arg5[%mul3A_138, %dma_wait3A_139] : memref<50048x128xi32, #tpu.memory_space<hbm>> -> memref<4x128xi32, #tpu.memory_space<hbm>>
      %dma_wait3A_141 = arith.constant 0 : i32
      %dma_wait3A_142 = tpu.memref_slice %arg5[%mul3A_138, %dma_wait3A_141] : memref<50048x128xi32, #tpu.memory_space<hbm>> -> memref<4x128xi32, #tpu.memory_space<hbm>>
      tpu.wait_dma2 semaphore(%arg24 : memref<!tpu.dma_semaphore, #tpu.memory_space<semaphore_mem>>) src(%dma_wait3A_142 : memref<4x128xi32, #tpu.memory_space<hbm>>) dst(%arg10 : memref<4x128xi32, #tpu.memory_space<vmem>>)
      %eq3A_143 = arith.constant 0 : i32
      %eq3A_144 = arith.cmpi eq, %arg0, %eq3A_143 : i32
      %convert_element_type3A_145 = arith.extui %eq3A_144 : i1 to i32
      %cond3A_146 = arith.constant 0 : i32
      %cond3A_147 = arith.cmpi ne, %convert_element_type3A_145, %cond3A_146 : i32
      scf.if %cond3A_147 {
        %dma_start3A_589 = arith.constant 0 : i32
        %dma_start3A_590 = arith.constant 0 : i32
        %dma_start3A_591 = arith.constant 0 : i32
        %dma_start3A_592 = tpu.memref_slice %arg14[%dma_start3A_590, %dma_start3A_591] : memref<256x8xf32, #tpu.memory_space<vmem>> -> memref<128x8xf32, #tpu.memory_space<vmem>>
        %dma_start3A_593 = arith.constant 0 : i32
        %dma_start3A_594 = tpu.memref_slice %arg10[%dma_start3A_589, %dma_start3A_593] : memref<4x128xi32, #tpu.memory_space<vmem>> -> memref<1x128xi32, #tpu.memory_space<vmem>>
        %dma_start3A_595 = tpu.memref_squeeze %dma_start3A_594 : memref<1x128xi32, #tpu.memory_space<vmem>> -> memref<128xi32, #tpu.memory_space<vmem>>
        %dma_start3A_596 = arith.constant 0 : i32
        %dma_start3A_597 = arith.constant 0 : i32
        %dma_start3A_598 = tpu.memref_slice %arg2[%dma_start3A_596, %dma_start3A_597] : memref<100352x8xf32, #tpu.memory_space<hbm>> -> memref<100352x8xf32, #tpu.memory_space<hbm>>
        tpu.enqueue_indirect_dma source(%dma_start3A_598 : memref<100352x8xf32, #tpu.memory_space<hbm>>) target(%dma_start3A_592 : memref<128x8xf32, #tpu.memory_space<vmem>>) offsets(%dma_start3A_595 : memref<128xi32, #tpu.memory_space<vmem>>) semaphore(%arg20 : memref<!tpu.dma_semaphore, #tpu.memory_space<semaphore_mem>>)
        %dma_start3A_599 = arith.constant 1 : i32
        %dma_start3A_600 = arith.constant 128 : i32
        %dma_start3A_601 = arith.constant 0 : i32
        %dma_start3A_602 = tpu.memref_slice %arg14[%dma_start3A_600, %dma_start3A_601] : memref<256x8xf32, #tpu.memory_space<vmem>> -> memref<128x8xf32, #tpu.memory_space<vmem>>
        %dma_start3A_603 = arith.constant 0 : i32
        %dma_start3A_604 = tpu.memref_slice %arg10[%dma_start3A_599, %dma_start3A_603] : memref<4x128xi32, #tpu.memory_space<vmem>> -> memref<1x128xi32, #tpu.memory_space<vmem>>
        %dma_start3A_605 = tpu.memref_squeeze %dma_start3A_604 : memref<1x128xi32, #tpu.memory_space<vmem>> -> memref<128xi32, #tpu.memory_space<vmem>>
        %dma_start3A_606 = arith.constant 0 : i32
        %dma_start3A_607 = arith.constant 0 : i32
        %dma_start3A_608 = tpu.memref_slice %arg2[%dma_start3A_606, %dma_start3A_607] : memref<100352x8xf32, #tpu.memory_space<hbm>> -> memref<100352x8xf32, #tpu.memory_space<hbm>>
        tpu.enqueue_indirect_dma source(%dma_start3A_608 : memref<100352x8xf32, #tpu.memory_space<hbm>>) target(%dma_start3A_602 : memref<128x8xf32, #tpu.memory_space<vmem>>) offsets(%dma_start3A_605 : memref<128xi32, #tpu.memory_space<vmem>>) semaphore(%arg20 : memref<!tpu.dma_semaphore, #tpu.memory_space<semaphore_mem>>)
      } else {
      }
      %ne3A_148 = arith.constant 0 : i32
      %ne3A_149 = arith.cmpi ne, %arg0, %ne3A_148 : i32
      %convert_element_type3A_150 = arith.extui %ne3A_149 : i1 to i32
      %cond3A_151 = arith.constant 0 : i32
      %cond3A_152 = arith.cmpi ne, %convert_element_type3A_150, %cond3A_151 : i32
      scf.if %cond3A_152 {
        %dma_start3A_589 = arith.constant 0 : i32
        %dma_start3A_590 = arith.constant 0 : i32
        %dma_start3A_591 = arith.constant 0 : i32
        %dma_start3A_592 = tpu.memref_slice %arg14[%dma_start3A_590, %dma_start3A_591] : memref<256x8xf32, #tpu.memory_space<vmem>> -> memref<128x8xf32, #tpu.memory_space<vmem>>
        %dma_start3A_593 = arith.constant 0 : i32
        %dma_start3A_594 = tpu.memref_slice %arg10[%dma_start3A_589, %dma_start3A_593] : memref<4x128xi32, #tpu.memory_space<vmem>> -> memref<1x128xi32, #tpu.memory_space<vmem>>
        %dma_start3A_595 = tpu.memref_squeeze %dma_start3A_594 : memref<1x128xi32, #tpu.memory_space<vmem>> -> memref<128xi32, #tpu.memory_space<vmem>>
        %dma_start3A_596 = arith.constant 0 : i32
        %dma_start3A_597 = arith.constant 0 : i32
        %dma_start3A_598 = tpu.memref_slice %arg3[%dma_start3A_596, %dma_start3A_597] : memref<100352x8xf32, #tpu.memory_space<hbm>> -> memref<100352x8xf32, #tpu.memory_space<hbm>>
        tpu.enqueue_indirect_dma source(%dma_start3A_598 : memref<100352x8xf32, #tpu.memory_space<hbm>>) target(%dma_start3A_592 : memref<128x8xf32, #tpu.memory_space<vmem>>) offsets(%dma_start3A_595 : memref<128xi32, #tpu.memory_space<vmem>>) semaphore(%arg20 : memref<!tpu.dma_semaphore, #tpu.memory_space<semaphore_mem>>)
        %dma_start3A_599 = arith.constant 1 : i32
        %dma_start3A_600 = arith.constant 128 : i32
        %dma_start3A_601 = arith.constant 0 : i32
        %dma_start3A_602 = tpu.memref_slice %arg14[%dma_start3A_600, %dma_start3A_601] : memref<256x8xf32, #tpu.memory_space<vmem>> -> memref<128x8xf32, #tpu.memory_space<vmem>>
        %dma_start3A_603 = arith.constant 0 : i32
        %dma_start3A_604 = tpu.memref_slice %arg10[%dma_start3A_599, %dma_start3A_603] : memref<4x128xi32, #tpu.memory_space<vmem>> -> memref<1x128xi32, #tpu.memory_space<vmem>>
        %dma_start3A_605 = tpu.memref_squeeze %dma_start3A_604 : memref<1x128xi32, #tpu.memory_space<vmem>> -> memref<128xi32, #tpu.memory_space<vmem>>
        %dma_start3A_606 = arith.constant 0 : i32
        %dma_start3A_607 = arith.constant 0 : i32
        %dma_start3A_608 = tpu.memref_slice %arg3[%dma_start3A_606, %dma_start3A_607] : memref<100352x8xf32, #tpu.memory_space<hbm>> -> memref<100352x8xf32, #tpu.memory_space<hbm>>
        tpu.enqueue_indirect_dma source(%dma_start3A_608 : memref<100352x8xf32, #tpu.memory_space<hbm>>) target(%dma_start3A_602 : memref<128x8xf32, #tpu.memory_space<vmem>>) offsets(%dma_start3A_605 : memref<128xi32, #tpu.memory_space<vmem>>) semaphore(%arg20 : memref<!tpu.dma_semaphore, #tpu.memory_space<semaphore_mem>>)
      } else {
      }
      %dma_start3A_153 = arith.constant 2 : i32
      %dma_start3A_154 = arith.constant 0 : i32
      %dma_start3A_155 = arith.constant 0 : i32
      %dma_start3A_156 = tpu.memref_slice %arg16[%dma_start3A_154, %dma_start3A_155] : memref<256x8xf32, #tpu.memory_space<vmem>> -> memref<128x8xf32, #tpu.memory_space<vmem>>
      %dma_start3A_157 = arith.constant 0 : i32
      %dma_start3A_158 = tpu.memref_slice %arg10[%dma_start3A_153, %dma_start3A_157] : memref<4x128xi32, #tpu.memory_space<vmem>> -> memref<1x128xi32, #tpu.memory_space<vmem>>
      %dma_start3A_159 = tpu.memref_squeeze %dma_start3A_158 : memref<1x128xi32, #tpu.memory_space<vmem>> -> memref<128xi32, #tpu.memory_space<vmem>>
      %dma_start3A_160 = arith.constant 0 : i32
      %dma_start3A_161 = arith.constant 0 : i32
      %dma_start3A_162 = tpu.memref_slice %arg4[%dma_start3A_160, %dma_start3A_161] : memref<100352x8xf32, #tpu.memory_space<hbm>> -> memref<100352x8xf32, #tpu.memory_space<hbm>>
      tpu.enqueue_indirect_dma source(%dma_start3A_162 : memref<100352x8xf32, #tpu.memory_space<hbm>>) target(%dma_start3A_156 : memref<128x8xf32, #tpu.memory_space<vmem>>) offsets(%dma_start3A_159 : memref<128xi32, #tpu.memory_space<vmem>>) semaphore(%arg22 : memref<!tpu.dma_semaphore, #tpu.memory_space<semaphore_mem>>)
      %dma_start3A_163 = arith.constant 3 : i32
      %dma_start3A_164 = arith.constant 128 : i32
      %dma_start3A_165 = arith.constant 0 : i32
      %dma_start3A_166 = tpu.memref_slice %arg16[%dma_start3A_164, %dma_start3A_165] : memref<256x8xf32, #tpu.memory_space<vmem>> -> memref<128x8xf32, #tpu.memory_space<vmem>>
      %dma_start3A_167 = arith.constant 0 : i32
      %dma_start3A_168 = tpu.memref_slice %arg10[%dma_start3A_163, %dma_start3A_167] : memref<4x128xi32, #tpu.memory_space<vmem>> -> memref<1x128xi32, #tpu.memory_space<vmem>>
      %dma_start3A_169 = tpu.memref_squeeze %dma_start3A_168 : memref<1x128xi32, #tpu.memory_space<vmem>> -> memref<128xi32, #tpu.memory_space<vmem>>
      %dma_start3A_170 = arith.constant 0 : i32
      %dma_start3A_171 = arith.constant 0 : i32
      %dma_start3A_172 = tpu.memref_slice %arg4[%dma_start3A_170, %dma_start3A_171] : memref<100352x8xf32, #tpu.memory_space<hbm>> -> memref<100352x8xf32, #tpu.memory_space<hbm>>
      tpu.enqueue_indirect_dma source(%dma_start3A_172 : memref<100352x8xf32, #tpu.memory_space<hbm>>) target(%dma_start3A_166 : memref<128x8xf32, #tpu.memory_space<vmem>>) offsets(%dma_start3A_169 : memref<128xi32, #tpu.memory_space<vmem>>) semaphore(%arg22 : memref<!tpu.dma_semaphore, #tpu.memory_space<semaphore_mem>>)
      %dma_wait3A_173 = arith.constant 0 : i32
      %dma_wait3A_174 = arith.constant 0 : i32
      %dma_wait3A_175 = arith.constant 0 : i32
      %dma_wait3A_176 = tpu.memref_slice %arg13[%dma_wait3A_174, %dma_wait3A_175] : memref<256x8xf32, #tpu.memory_space<vmem>> -> memref<128x8xf32, #tpu.memory_space<vmem>>
      %dma_wait3A_177 = arith.constant 0 : i32
      %dma_wait3A_178 = tpu.memref_slice %arg9[%dma_wait3A_173, %dma_wait3A_177] : memref<4x128xi32, #tpu.memory_space<vmem>> -> memref<1x128xi32, #tpu.memory_space<vmem>>
      %dma_wait3A_179 = tpu.memref_squeeze %dma_wait3A_178 : memref<1x128xi32, #tpu.memory_space<vmem>> -> memref<128xi32, #tpu.memory_space<vmem>>
      %dma_wait3A_180 = arith.constant 0 : i32
      %dma_wait3A_181 = arith.constant 0 : i32
      %dma_wait3A_182 = tpu.memref_slice %arg2[%dma_wait3A_180, %dma_wait3A_181] : memref<100352x8xf32, #tpu.memory_space<hbm>> -> memref<100352x8xf32, #tpu.memory_space<hbm>>
      tpu.wait_indirect_dma semaphore(%arg19 : memref<!tpu.dma_semaphore, #tpu.memory_space<semaphore_mem>>) src(%dma_wait3A_182 : memref<100352x8xf32, #tpu.memory_space<hbm>>) dst(%dma_wait3A_176 : memref<128x8xf32, #tpu.memory_space<vmem>>)
      %dma_wait3A_183 = arith.constant 2 : i32
      %dma_wait3A_184 = arith.constant 0 : i32
      %dma_wait3A_185 = arith.constant 0 : i32
      %dma_wait3A_186 = tpu.memref_slice %arg15[%dma_wait3A_184, %dma_wait3A_185] : memref<256x8xf32, #tpu.memory_space<vmem>> -> memref<128x8xf32, #tpu.memory_space<vmem>>
      %dma_wait3A_187 = arith.constant 0 : i32
      %dma_wait3A_188 = tpu.memref_slice %arg9[%dma_wait3A_183, %dma_wait3A_187] : memref<4x128xi32, #tpu.memory_space<vmem>> -> memref<1x128xi32, #tpu.memory_space<vmem>>
      %dma_wait3A_189 = tpu.memref_squeeze %dma_wait3A_188 : memref<1x128xi32, #tpu.memory_space<vmem>> -> memref<128xi32, #tpu.memory_space<vmem>>
      %dma_wait3A_190 = arith.constant 0 : i32
      %dma_wait3A_191 = arith.constant 0 : i32
      %dma_wait3A_192 = tpu.memref_slice %arg4[%dma_wait3A_190, %dma_wait3A_191] : memref<100352x8xf32, #tpu.memory_space<hbm>> -> memref<100352x8xf32, #tpu.memory_space<hbm>>
      tpu.wait_indirect_dma semaphore(%arg21 : memref<!tpu.dma_semaphore, #tpu.memory_space<semaphore_mem>>) src(%dma_wait3A_192 : memref<100352x8xf32, #tpu.memory_space<hbm>>) dst(%dma_wait3A_186 : memref<128x8xf32, #tpu.memory_space<vmem>>)
      %dma_wait3A_193 = arith.constant 1 : i32
      %dma_wait3A_194 = arith.constant 128 : i32
      %dma_wait3A_195 = arith.constant 0 : i32
      %dma_wait3A_196 = tpu.memref_slice %arg13[%dma_wait3A_194, %dma_wait3A_195] : memref<256x8xf32, #tpu.memory_space<vmem>> -> memref<128x8xf32, #tpu.memory_space<vmem>>
      %dma_wait3A_197 = arith.constant 0 : i32
      %dma_wait3A_198 = tpu.memref_slice %arg9[%dma_wait3A_193, %dma_wait3A_197] : memref<4x128xi32, #tpu.memory_space<vmem>> -> memref<1x128xi32, #tpu.memory_space<vmem>>
      %dma_wait3A_199 = tpu.memref_squeeze %dma_wait3A_198 : memref<1x128xi32, #tpu.memory_space<vmem>> -> memref<128xi32, #tpu.memory_space<vmem>>
      %dma_wait3A_200 = arith.constant 0 : i32
      %dma_wait3A_201 = arith.constant 0 : i32
      %dma_wait3A_202 = tpu.memref_slice %arg2[%dma_wait3A_200, %dma_wait3A_201] : memref<100352x8xf32, #tpu.memory_space<hbm>> -> memref<100352x8xf32, #tpu.memory_space<hbm>>
      tpu.wait_indirect_dma semaphore(%arg19 : memref<!tpu.dma_semaphore, #tpu.memory_space<semaphore_mem>>) src(%dma_wait3A_202 : memref<100352x8xf32, #tpu.memory_space<hbm>>) dst(%dma_wait3A_196 : memref<128x8xf32, #tpu.memory_space<vmem>>)
      %dma_wait3A_203 = arith.constant 3 : i32
      %dma_wait3A_204 = arith.constant 128 : i32
      %dma_wait3A_205 = arith.constant 0 : i32
      %dma_wait3A_206 = tpu.memref_slice %arg15[%dma_wait3A_204, %dma_wait3A_205] : memref<256x8xf32, #tpu.memory_space<vmem>> -> memref<128x8xf32, #tpu.memory_space<vmem>>
      %dma_wait3A_207 = arith.constant 0 : i32
      %dma_wait3A_208 = tpu.memref_slice %arg9[%dma_wait3A_203, %dma_wait3A_207] : memref<4x128xi32, #tpu.memory_space<vmem>> -> memref<1x128xi32, #tpu.memory_space<vmem>>
      %dma_wait3A_209 = tpu.memref_squeeze %dma_wait3A_208 : memref<1x128xi32, #tpu.memory_space<vmem>> -> memref<128xi32, #tpu.memory_space<vmem>>
      %dma_wait3A_210 = arith.constant 0 : i32
      %dma_wait3A_211 = arith.constant 0 : i32
      %dma_wait3A_212 = tpu.memref_slice %arg4[%dma_wait3A_210, %dma_wait3A_211] : memref<100352x8xf32, #tpu.memory_space<hbm>> -> memref<100352x8xf32, #tpu.memory_space<hbm>>
      tpu.wait_indirect_dma semaphore(%arg21 : memref<!tpu.dma_semaphore, #tpu.memory_space<semaphore_mem>>) src(%dma_wait3A_212 : memref<100352x8xf32, #tpu.memory_space<hbm>>) dst(%dma_wait3A_206 : memref<128x8xf32, #tpu.memory_space<vmem>>)
      %gt3A = arith.constant 0 : i32
      %gt3A_213 = arith.cmpi sgt, %scan3A_126, %gt3A : i32
      %convert_element_type3A_214 = arith.extui %gt3A_213 : i1 to i32
      %cond3A_215 = arith.constant 0 : i32
      %cond3A_216 = arith.cmpi ne, %convert_element_type3A_214, %cond3A_215 : i32
      scf.if %cond3A_216 {
        %dma_wait3A_589 = arith.constant 0 : i32
        %dma_wait3A_590 = arith.constant 0 : i32
        %dma_wait3A_591 = arith.constant 0 : i32
        %dma_wait3A_592 = tpu.memref_slice %arg17[%dma_wait3A_590, %dma_wait3A_591] : memref<256x8xf32, #tpu.memory_space<vmem>> -> memref<128x8xf32, #tpu.memory_space<vmem>>
        %dma_wait3A_593 = arith.constant 0 : i32
        %dma_wait3A_594 = tpu.memref_slice %arg11[%dma_wait3A_589, %dma_wait3A_593] : memref<2x128xi32, #tpu.memory_space<vmem>> -> memref<1x128xi32, #tpu.memory_space<vmem>>
        %dma_wait3A_595 = tpu.memref_squeeze %dma_wait3A_594 : memref<1x128xi32, #tpu.memory_space<vmem>> -> memref<128xi32, #tpu.memory_space<vmem>>
        %dma_wait3A_596 = arith.constant 0 : i32
        %dma_wait3A_597 = arith.constant 0 : i32
        %dma_wait3A_598 = tpu.memref_slice %arg8[%dma_wait3A_596, %dma_wait3A_597] : memref<100352x8xf32, #tpu.memory_space<vmem_shared>> -> memref<100352x8xf32, #tpu.memory_space<vmem_shared>>
        tpu.wait_indirect_dma semaphore(%arg25 : memref<!tpu.dma_semaphore, #tpu.memory_space<semaphore_mem>>) src(%dma_wait3A_592 : memref<128x8xf32, #tpu.memory_space<vmem>>) dst(%dma_wait3A_598 : memref<100352x8xf32, #tpu.memory_space<vmem_shared>>)
        %dma_wait3A_599 = arith.constant 1 : i32
        %dma_wait3A_600 = arith.constant 128 : i32
        %dma_wait3A_601 = arith.constant 0 : i32
        %dma_wait3A_602 = tpu.memref_slice %arg17[%dma_wait3A_600, %dma_wait3A_601] : memref<256x8xf32, #tpu.memory_space<vmem>> -> memref<128x8xf32, #tpu.memory_space<vmem>>
        %dma_wait3A_603 = arith.constant 0 : i32
        %dma_wait3A_604 = tpu.memref_slice %arg11[%dma_wait3A_599, %dma_wait3A_603] : memref<2x128xi32, #tpu.memory_space<vmem>> -> memref<1x128xi32, #tpu.memory_space<vmem>>
        %dma_wait3A_605 = tpu.memref_squeeze %dma_wait3A_604 : memref<1x128xi32, #tpu.memory_space<vmem>> -> memref<128xi32, #tpu.memory_space<vmem>>
        %dma_wait3A_606 = arith.constant 0 : i32
        %dma_wait3A_607 = arith.constant 0 : i32
        %dma_wait3A_608 = tpu.memref_slice %arg8[%dma_wait3A_606, %dma_wait3A_607] : memref<100352x8xf32, #tpu.memory_space<vmem_shared>> -> memref<100352x8xf32, #tpu.memory_space<vmem_shared>>
        tpu.wait_indirect_dma semaphore(%arg25 : memref<!tpu.dma_semaphore, #tpu.memory_space<semaphore_mem>>) src(%dma_wait3A_602 : memref<128x8xf32, #tpu.memory_space<vmem>>) dst(%dma_wait3A_608 : memref<100352x8xf32, #tpu.memory_space<vmem_shared>>)
      } else {
      }
      %scan3A_217 = arith.constant 0 : i32
      %scan3A_218 = arith.constant 0 : i32
      %scan3A_219 = arith.constant 8 : i32
      %scan3A_220 = arith.addi %scan3A_218, %scan3A_219 : i32
      %scan3A_221 = arith.constant 1 : i32
      %scan3A_222 = scf.for %scan3A_589 = %scan3A_218 to %scan3A_220 step %scan3A_221 iter_args(%scan3A_590 = %scan3A_217) -> (i32)  : i32 {
        %mul3A_591 = arith.constant 2 : i32
        %mul3A_592 = arith.muli %mul3A_591, %scan3A_589 : i32
        %add3A_593 = arith.constant 0 : i32
        %add3A_594 = arith.addi %mul3A_592, %add3A_593 : i32
        %mul3A_595 = arith.constant 16 : i32
        %mul3A_596 = arith.muli %add3A_594, %mul3A_595 : i32
        %add3A_597 = vector.broadcast %mul3A_596 : i32 to vector<16xi32>
        %add3A_598 = arith.addi %iota3A, %add3A_597 : vector<16xi32>
        %gather3A = tpu.vector_load_idx %arg13[%add3A_598, %broadcast_in_dim3A_8] : memref<256x8xf32, #tpu.memory_space<vmem>>[vector<16xi32>, vector<16xi32>], vector<16xf32>,
        %gather3A_599 = tpu.vector_load_idx %arg15[%add3A_598, %add3A_11] : memref<256x8xf32, #tpu.memory_space<vmem>>[vector<16xi32>, vector<16xi32>], vector<16xf32>,
        %add3A_600 = arith.addf %gather3A, %gather3A_599 : vector<16xf32>
        %mul3A_601 = arith.constant 2.000000e-01 : f32
        %mul3A_602 = vector.broadcast %mul3A_601 : f32 to vector<16xf32>
        %mul3A_603 = arith.mulf %add3A_600, %mul3A_602 : vector<16xf32>
        %max3A = arith.maximumf %add3A_600, %mul3A_603 : vector<16xf32>
        %exp3A = math.exp %max3A : vector<16xf32>
        %broadcast_in_dim3A_604 = arith.constant 0 : i32
        %broadcast_in_dim3A_605 = vector.broadcast %broadcast_in_dim3A_604 : i32 to vector<16xi32>
        %gather3A_606 = tpu.vector_load_idx %arg13[%add3A_598, %broadcast_in_dim3A_605] : memref<256x8xf32, #tpu.memory_space<vmem>>[vector<16xi32>, vector<16xi32>], vector<16xf32>,
        %mul3A_607 = arith.mulf %gather3A_606, %exp3A : vector<16xf32>
        tpu.vector_store_idx %arg17[%add3A_598, %broadcast_in_dim3A_605], %mul3A_607 : memref<256x8xf32, #tpu.memory_space<vmem>>[vector<16xi32>, vector<16xi32>], vector<16xf32>,
        %broadcast_in_dim3A_608 = arith.constant 1 : i32
        %broadcast_in_dim3A_609 = vector.broadcast %broadcast_in_dim3A_608 : i32 to vector<16xi32>
        %gather3A_610 = tpu.vector_load_idx %arg13[%add3A_598, %broadcast_in_dim3A_609] : memref<256x8xf32, #tpu.memory_space<vmem>>[vector<16xi32>, vector<16xi32>], vector<16xf32>,
        %mul3A_611 = arith.mulf %gather3A_610, %exp3A : vector<16xf32>
        tpu.vector_store_idx %arg17[%add3A_598, %broadcast_in_dim3A_609], %mul3A_611 : memref<256x8xf32, #tpu.memory_space<vmem>>[vector<16xi32>, vector<16xi32>], vector<16xf32>,
        %broadcast_in_dim3A_612 = arith.constant 2 : i32
        %broadcast_in_dim3A_613 = vector.broadcast %broadcast_in_dim3A_612 : i32 to vector<16xi32>
        %gather3A_614 = tpu.vector_load_idx %arg13[%add3A_598, %broadcast_in_dim3A_613] : memref<256x8xf32, #tpu.memory_space<vmem>>[vector<16xi32>, vector<16xi32>], vector<16xf32>,
        %mul3A_615 = arith.mulf %gather3A_614, %exp3A : vector<16xf32>
        tpu.vector_store_idx %arg17[%add3A_598, %broadcast_in_dim3A_613], %mul3A_615 : memref<256x8xf32, #tpu.memory_space<vmem>>[vector<16xi32>, vector<16xi32>], vector<16xf32>,
        %broadcast_in_dim3A_616 = arith.constant 3 : i32
        %broadcast_in_dim3A_617 = vector.broadcast %broadcast_in_dim3A_616 : i32 to vector<16xi32>
        %gather3A_618 = tpu.vector_load_idx %arg13[%add3A_598, %broadcast_in_dim3A_617] : memref<256x8xf32, #tpu.memory_space<vmem>>[vector<16xi32>, vector<16xi32>], vector<16xf32>,
        %mul3A_619 = arith.mulf %gather3A_618, %exp3A : vector<16xf32>
        tpu.vector_store_idx %arg17[%add3A_598, %broadcast_in_dim3A_617], %mul3A_619 : memref<256x8xf32, #tpu.memory_space<vmem>>[vector<16xi32>, vector<16xi32>], vector<16xf32>,
        tpu.vector_store_idx %arg17[%add3A_598, %broadcast_in_dim3A_6], %exp3A : memref<256x8xf32, #tpu.memory_space<vmem>>[vector<16xi32>, vector<16xi32>], vector<16xf32>,
        %mul3A_620 = arith.constant 2 : i32
        %mul3A_621 = arith.muli %mul3A_620, %scan3A_589 : i32
        %add3A_622 = arith.constant 1 : i32
        %add3A_623 = arith.addi %mul3A_621, %add3A_622 : i32
        %mul3A_624 = arith.constant 16 : i32
        %mul3A_625 = arith.muli %add3A_623, %mul3A_624 : i32
        %add3A_626 = vector.broadcast %mul3A_625 : i32 to vector<16xi32>
        %add3A_627 = arith.addi %iota3A, %add3A_626 : vector<16xi32>
        %gather3A_628 = tpu.vector_load_idx %arg13[%add3A_627, %broadcast_in_dim3A_8] : memref<256x8xf32, #tpu.memory_space<vmem>>[vector<16xi32>, vector<16xi32>], vector<16xf32>,
        %gather3A_629 = tpu.vector_load_idx %arg15[%add3A_627, %add3A_11] : memref<256x8xf32, #tpu.memory_space<vmem>>[vector<16xi32>, vector<16xi32>], vector<16xf32>,
        %add3A_630 = arith.addf %gather3A_628, %gather3A_629 : vector<16xf32>
        %mul3A_631 = arith.constant 2.000000e-01 : f32
        %mul3A_632 = vector.broadcast %mul3A_631 : f32 to vector<16xf32>
        %mul3A_633 = arith.mulf %add3A_630, %mul3A_632 : vector<16xf32>
        %max3A_634 = arith.maximumf %add3A_630, %mul3A_633 : vector<16xf32>
        %exp3A_635 = math.exp %max3A_634 : vector<16xf32>
        %broadcast_in_dim3A_636 = arith.constant 0 : i32
        %broadcast_in_dim3A_637 = vector.broadcast %broadcast_in_dim3A_636 : i32 to vector<16xi32>
        %gather3A_638 = tpu.vector_load_idx %arg13[%add3A_627, %broadcast_in_dim3A_637] : memref<256x8xf32, #tpu.memory_space<vmem>>[vector<16xi32>, vector<16xi32>], vector<16xf32>,
        %mul3A_639 = arith.mulf %gather3A_638, %exp3A_635 : vector<16xf32>
        tpu.vector_store_idx %arg17[%add3A_627, %broadcast_in_dim3A_637], %mul3A_639 : memref<256x8xf32, #tpu.memory_space<vmem>>[vector<16xi32>, vector<16xi32>], vector<16xf32>,
        %broadcast_in_dim3A_640 = arith.constant 1 : i32
        %broadcast_in_dim3A_641 = vector.broadcast %broadcast_in_dim3A_640 : i32 to vector<16xi32>
        %gather3A_642 = tpu.vector_load_idx %arg13[%add3A_627, %broadcast_in_dim3A_641] : memref<256x8xf32, #tpu.memory_space<vmem>>[vector<16xi32>, vector<16xi32>], vector<16xf32>,
        %mul3A_643 = arith.mulf %gather3A_642, %exp3A_635 : vector<16xf32>
        tpu.vector_store_idx %arg17[%add3A_627, %broadcast_in_dim3A_641], %mul3A_643 : memref<256x8xf32, #tpu.memory_space<vmem>>[vector<16xi32>, vector<16xi32>], vector<16xf32>,
        %broadcast_in_dim3A_644 = arith.constant 2 : i32
        %broadcast_in_dim3A_645 = vector.broadcast %broadcast_in_dim3A_644 : i32 to vector<16xi32>
        %gather3A_646 = tpu.vector_load_idx %arg13[%add3A_627, %broadcast_in_dim3A_645] : memref<256x8xf32, #tpu.memory_space<vmem>>[vector<16xi32>, vector<16xi32>], vector<16xf32>,
        %mul3A_647 = arith.mulf %gather3A_646, %exp3A_635 : vector<16xf32>
        tpu.vector_store_idx %arg17[%add3A_627, %broadcast_in_dim3A_645], %mul3A_647 : memref<256x8xf32, #tpu.memory_space<vmem>>[vector<16xi32>, vector<16xi32>], vector<16xf32>,
        %broadcast_in_dim3A_648 = arith.constant 3 : i32
        %broadcast_in_dim3A_649 = vector.broadcast %broadcast_in_dim3A_648 : i32 to vector<16xi32>
        %gather3A_650 = tpu.vector_load_idx %arg13[%add3A_627, %broadcast_in_dim3A_649] : memref<256x8xf32, #tpu.memory_space<vmem>>[vector<16xi32>, vector<16xi32>], vector<16xf32>,
        %mul3A_651 = arith.mulf %gather3A_650, %exp3A_635 : vector<16xf32>
        tpu.vector_store_idx %arg17[%add3A_627, %broadcast_in_dim3A_649], %mul3A_651 : memref<256x8xf32, #tpu.memory_space<vmem>>[vector<16xi32>, vector<16xi32>], vector<16xf32>,
        tpu.vector_store_idx %arg17[%add3A_627, %broadcast_in_dim3A_6], %exp3A_635 : memref<256x8xf32, #tpu.memory_space<vmem>>[vector<16xi32>, vector<16xi32>], vector<16xf32>,
        %scan3A_652 = arith.constant 0 : i32
        scf.yield %scan3A_652 : i32
      }
      %scan3A_223 = arith.constant 8 : i32
      %get3A = arith.constant 2 : i32
      %get3A_224 = arith.index_cast %get3A : i32 to index
      %get3A_225 = arith.constant 0 : index
      %get3A_226 = tpu.vector_load %arg9[%get3A_224, %get3A_225] {strides = array<i32>} : memref<4x128xi32, #tpu.memory_space<vmem>>, vector<16xi32>,
      %swap3A = arith.constant 0 : i32
      %swap3A_227 = arith.index_cast %swap3A : i32 to index
      %swap3A_228 = arith.constant 0 : index
      %swap3A_229 = tpu.vector_load %arg11[%swap3A_227, %swap3A_228] {strides = array<i32>} : memref<2x128xi32, #tpu.memory_space<vmem>>, vector<16xi32>,
      tpu.vector_store %arg11[%swap3A_227, %swap3A_228], %get3A_226 {strides = array<i32>} : memref<2x128xi32, #tpu.memory_space<vmem>>, vector<16xi32>,
      %get3A_230 = arith.constant 2 : i32
      %get3A_231 = arith.index_cast %get3A_230 : i32 to index
      %get3A_232 = arith.constant 16 : index
      %get3A_233 = tpu.vector_load %arg9[%get3A_231, %get3A_232] {strides = array<i32>} : memref<4x128xi32, #tpu.memory_space<vmem>>, vector<16xi32>,
      %swap3A_234 = arith.constant 0 : i32
      %swap3A_235 = arith.index_cast %swap3A_234 : i32 to index
      %swap3A_236 = arith.constant 16 : index
      %swap3A_237 = tpu.vector_load %arg11[%swap3A_235, %swap3A_236] {strides = array<i32>} : memref<2x128xi32, #tpu.memory_space<vmem>>, vector<16xi32>,
      tpu.vector_store %arg11[%swap3A_235, %swap3A_236], %get3A_233 {strides = array<i32>} : memref<2x128xi32, #tpu.memory_space<vmem>>, vector<16xi32>,
      %get3A_238 = arith.constant 2 : i32
      %get3A_239 = arith.index_cast %get3A_238 : i32 to index
      %get3A_240 = arith.constant 32 : index
      %get3A_241 = tpu.vector_load %arg9[%get3A_239, %get3A_240] {strides = array<i32>} : memref<4x128xi32, #tpu.memory_space<vmem>>, vector<16xi32>,
      %swap3A_242 = arith.constant 0 : i32
      %swap3A_243 = arith.index_cast %swap3A_242 : i32 to index
      %swap3A_244 = arith.constant 32 : index
      %swap3A_245 = tpu.vector_load %arg11[%swap3A_243, %swap3A_244] {strides = array<i32>} : memref<2x128xi32, #tpu.memory_space<vmem>>, vector<16xi32>,
      tpu.vector_store %arg11[%swap3A_243, %swap3A_244], %get3A_241 {strides = array<i32>} : memref<2x128xi32, #tpu.memory_space<vmem>>, vector<16xi32>,
      %get3A_246 = arith.constant 2 : i32
      %get3A_247 = arith.index_cast %get3A_246 : i32 to index
      %get3A_248 = arith.constant 48 : index
      %get3A_249 = tpu.vector_load %arg9[%get3A_247, %get3A_248] {strides = array<i32>} : memref<4x128xi32, #tpu.memory_space<vmem>>, vector<16xi32>,
      %swap3A_250 = arith.constant 0 : i32
      %swap3A_251 = arith.index_cast %swap3A_250 : i32 to index
      %swap3A_252 = arith.constant 48 : index
      %swap3A_253 = tpu.vector_load %arg11[%swap3A_251, %swap3A_252] {strides = array<i32>} : memref<2x128xi32, #tpu.memory_space<vmem>>, vector<16xi32>,
      tpu.vector_store %arg11[%swap3A_251, %swap3A_252], %get3A_249 {strides = array<i32>} : memref<2x128xi32, #tpu.memory_space<vmem>>, vector<16xi32>,
      %get3A_254 = arith.constant 2 : i32
      %get3A_255 = arith.index_cast %get3A_254 : i32 to index
      %get3A_256 = arith.constant 64 : index
      %get3A_257 = tpu.vector_load %arg9[%get3A_255, %get3A_256] {strides = array<i32>} : memref<4x128xi32, #tpu.memory_space<vmem>>, vector<16xi32>,
      %swap3A_258 = arith.constant 0 : i32
      %swap3A_259 = arith.index_cast %swap3A_258 : i32 to index
      %swap3A_260 = arith.constant 64 : index
      %swap3A_261 = tpu.vector_load %arg11[%swap3A_259, %swap3A_260] {strides = array<i32>} : memref<2x128xi32, #tpu.memory_space<vmem>>, vector<16xi32>,
      tpu.vector_store %arg11[%swap3A_259, %swap3A_260], %get3A_257 {strides = array<i32>} : memref<2x128xi32, #tpu.memory_space<vmem>>, vector<16xi32>,
      %get3A_262 = arith.constant 2 : i32
      %get3A_263 = arith.index_cast %get3A_262 : i32 to index
      %get3A_264 = arith.constant 80 : index
      %get3A_265 = tpu.vector_load %arg9[%get3A_263, %get3A_264] {strides = array<i32>} : memref<4x128xi32, #tpu.memory_space<vmem>>, vector<16xi32>,
      %swap3A_266 = arith.constant 0 : i32
      %swap3A_267 = arith.index_cast %swap3A_266 : i32 to index
      %swap3A_268 = arith.constant 80 : index
      %swap3A_269 = tpu.vector_load %arg11[%swap3A_267, %swap3A_268] {strides = array<i32>} : memref<2x128xi32, #tpu.memory_space<vmem>>, vector<16xi32>,
      tpu.vector_store %arg11[%swap3A_267, %swap3A_268], %get3A_265 {strides = array<i32>} : memref<2x128xi32, #tpu.memory_space<vmem>>, vector<16xi32>,
      %get3A_270 = arith.constant 2 : i32
      %get3A_271 = arith.index_cast %get3A_270 : i32 to index
      %get3A_272 = arith.constant 96 : index
      %get3A_273 = tpu.vector_load %arg9[%get3A_271, %get3A_272] {strides = array<i32>} : memref<4x128xi32, #tpu.memory_space<vmem>>, vector<16xi32>,
      %swap3A_274 = arith.constant 0 : i32
      %swap3A_275 = arith.index_cast %swap3A_274 : i32 to index
      %swap3A_276 = arith.constant 96 : index
      %swap3A_277 = tpu.vector_load %arg11[%swap3A_275, %swap3A_276] {strides = array<i32>} : memref<2x128xi32, #tpu.memory_space<vmem>>, vector<16xi32>,
      tpu.vector_store %arg11[%swap3A_275, %swap3A_276], %get3A_273 {strides = array<i32>} : memref<2x128xi32, #tpu.memory_space<vmem>>, vector<16xi32>,
      %get3A_278 = arith.constant 2 : i32
      %get3A_279 = arith.index_cast %get3A_278 : i32 to index
      %get3A_280 = arith.constant 112 : index
      %get3A_281 = tpu.vector_load %arg9[%get3A_279, %get3A_280] {strides = array<i32>} : memref<4x128xi32, #tpu.memory_space<vmem>>, vector<16xi32>,
      %swap3A_282 = arith.constant 0 : i32
      %swap3A_283 = arith.index_cast %swap3A_282 : i32 to index
      %swap3A_284 = arith.constant 112 : index
      %swap3A_285 = tpu.vector_load %arg11[%swap3A_283, %swap3A_284] {strides = array<i32>} : memref<2x128xi32, #tpu.memory_space<vmem>>, vector<16xi32>,
      tpu.vector_store %arg11[%swap3A_283, %swap3A_284], %get3A_281 {strides = array<i32>} : memref<2x128xi32, #tpu.memory_space<vmem>>, vector<16xi32>,
      %get3A_286 = arith.constant 3 : i32
      %get3A_287 = arith.index_cast %get3A_286 : i32 to index
      %get3A_288 = arith.constant 0 : index
      %get3A_289 = tpu.vector_load %arg9[%get3A_287, %get3A_288] {strides = array<i32>} : memref<4x128xi32, #tpu.memory_space<vmem>>, vector<16xi32>,
      %swap3A_290 = arith.constant 1 : i32
      %swap3A_291 = arith.index_cast %swap3A_290 : i32 to index
      %swap3A_292 = arith.constant 0 : index
      %swap3A_293 = tpu.vector_load %arg11[%swap3A_291, %swap3A_292] {strides = array<i32>} : memref<2x128xi32, #tpu.memory_space<vmem>>, vector<16xi32>,
      tpu.vector_store %arg11[%swap3A_291, %swap3A_292], %get3A_289 {strides = array<i32>} : memref<2x128xi32, #tpu.memory_space<vmem>>, vector<16xi32>,
      %get3A_294 = arith.constant 3 : i32
      %get3A_295 = arith.index_cast %get3A_294 : i32 to index
      %get3A_296 = arith.constant 16 : index
      %get3A_297 = tpu.vector_load %arg9[%get3A_295, %get3A_296] {strides = array<i32>} : memref<4x128xi32, #tpu.memory_space<vmem>>, vector<16xi32>,
      %swap3A_298 = arith.constant 1 : i32
      %swap3A_299 = arith.index_cast %swap3A_298 : i32 to index
      %swap3A_300 = arith.constant 16 : index
      %swap3A_301 = tpu.vector_load %arg11[%swap3A_299, %swap3A_300] {strides = array<i32>} : memref<2x128xi32, #tpu.memory_space<vmem>>, vector<16xi32>,
      tpu.vector_store %arg11[%swap3A_299, %swap3A_300], %get3A_297 {strides = array<i32>} : memref<2x128xi32, #tpu.memory_space<vmem>>, vector<16xi32>,
      %get3A_302 = arith.constant 3 : i32
      %get3A_303 = arith.index_cast %get3A_302 : i32 to index
      %get3A_304 = arith.constant 32 : index
      %get3A_305 = tpu.vector_load %arg9[%get3A_303, %get3A_304] {strides = array<i32>} : memref<4x128xi32, #tpu.memory_space<vmem>>, vector<16xi32>,
      %swap3A_306 = arith.constant 1 : i32
      %swap3A_307 = arith.index_cast %swap3A_306 : i32 to index
      %swap3A_308 = arith.constant 32 : index
      %swap3A_309 = tpu.vector_load %arg11[%swap3A_307, %swap3A_308] {strides = array<i32>} : memref<2x128xi32, #tpu.memory_space<vmem>>, vector<16xi32>,
      tpu.vector_store %arg11[%swap3A_307, %swap3A_308], %get3A_305 {strides = array<i32>} : memref<2x128xi32, #tpu.memory_space<vmem>>, vector<16xi32>,
      %get3A_310 = arith.constant 3 : i32
      %get3A_311 = arith.index_cast %get3A_310 : i32 to index
      %get3A_312 = arith.constant 48 : index
      %get3A_313 = tpu.vector_load %arg9[%get3A_311, %get3A_312] {strides = array<i32>} : memref<4x128xi32, #tpu.memory_space<vmem>>, vector<16xi32>,
      %swap3A_314 = arith.constant 1 : i32
      %swap3A_315 = arith.index_cast %swap3A_314 : i32 to index
      %swap3A_316 = arith.constant 48 : index
      %swap3A_317 = tpu.vector_load %arg11[%swap3A_315, %swap3A_316] {strides = array<i32>} : memref<2x128xi32, #tpu.memory_space<vmem>>, vector<16xi32>,
      tpu.vector_store %arg11[%swap3A_315, %swap3A_316], %get3A_313 {strides = array<i32>} : memref<2x128xi32, #tpu.memory_space<vmem>>, vector<16xi32>,
      %get3A_318 = arith.constant 3 : i32
      %get3A_319 = arith.index_cast %get3A_318 : i32 to index
      %get3A_320 = arith.constant 64 : index
      %get3A_321 = tpu.vector_load %arg9[%get3A_319, %get3A_320] {strides = array<i32>} : memref<4x128xi32, #tpu.memory_space<vmem>>, vector<16xi32>,
      %swap3A_322 = arith.constant 1 : i32
      %swap3A_323 = arith.index_cast %swap3A_322 : i32 to index
      %swap3A_324 = arith.constant 64 : index
      %swap3A_325 = tpu.vector_load %arg11[%swap3A_323, %swap3A_324] {strides = array<i32>} : memref<2x128xi32, #tpu.memory_space<vmem>>, vector<16xi32>,
      tpu.vector_store %arg11[%swap3A_323, %swap3A_324], %get3A_321 {strides = array<i32>} : memref<2x128xi32, #tpu.memory_space<vmem>>, vector<16xi32>,
      %get3A_326 = arith.constant 3 : i32
      %get3A_327 = arith.index_cast %get3A_326 : i32 to index
      %get3A_328 = arith.constant 80 : index
      %get3A_329 = tpu.vector_load %arg9[%get3A_327, %get3A_328] {strides = array<i32>} : memref<4x128xi32, #tpu.memory_space<vmem>>, vector<16xi32>,
      %swap3A_330 = arith.constant 1 : i32
      %swap3A_331 = arith.index_cast %swap3A_330 : i32 to index
      %swap3A_332 = arith.constant 80 : index
      %swap3A_333 = tpu.vector_load %arg11[%swap3A_331, %swap3A_332] {strides = array<i32>} : memref<2x128xi32, #tpu.memory_space<vmem>>, vector<16xi32>,
      tpu.vector_store %arg11[%swap3A_331, %swap3A_332], %get3A_329 {strides = array<i32>} : memref<2x128xi32, #tpu.memory_space<vmem>>, vector<16xi32>,
      %get3A_334 = arith.constant 3 : i32
      %get3A_335 = arith.index_cast %get3A_334 : i32 to index
      %get3A_336 = arith.constant 96 : index
      %get3A_337 = tpu.vector_load %arg9[%get3A_335, %get3A_336] {strides = array<i32>} : memref<4x128xi32, #tpu.memory_space<vmem>>, vector<16xi32>,
      %swap3A_338 = arith.constant 1 : i32
      %swap3A_339 = arith.index_cast %swap3A_338 : i32 to index
      %swap3A_340 = arith.constant 96 : index
      %swap3A_341 = tpu.vector_load %arg11[%swap3A_339, %swap3A_340] {strides = array<i32>} : memref<2x128xi32, #tpu.memory_space<vmem>>, vector<16xi32>,
      tpu.vector_store %arg11[%swap3A_339, %swap3A_340], %get3A_337 {strides = array<i32>} : memref<2x128xi32, #tpu.memory_space<vmem>>, vector<16xi32>,
      %get3A_342 = arith.constant 3 : i32
      %get3A_343 = arith.index_cast %get3A_342 : i32 to index
      %get3A_344 = arith.constant 112 : index
      %get3A_345 = tpu.vector_load %arg9[%get3A_343, %get3A_344] {strides = array<i32>} : memref<4x128xi32, #tpu.memory_space<vmem>>, vector<16xi32>,
      %swap3A_346 = arith.constant 1 : i32
      %swap3A_347 = arith.index_cast %swap3A_346 : i32 to index
      %swap3A_348 = arith.constant 112 : index
      %swap3A_349 = tpu.vector_load %arg11[%swap3A_347, %swap3A_348] {strides = array<i32>} : memref<2x128xi32, #tpu.memory_space<vmem>>, vector<16xi32>,
      tpu.vector_store %arg11[%swap3A_347, %swap3A_348], %get3A_345 {strides = array<i32>} : memref<2x128xi32, #tpu.memory_space<vmem>>, vector<16xi32>,
      %dma_start3A_350 = arith.constant 0 : i32
      %dma_start3A_351 = arith.constant 0 : i32
      %dma_start3A_352 = arith.constant 0 : i32
      %dma_start3A_353 = tpu.memref_slice %arg17[%dma_start3A_351, %dma_start3A_352] : memref<256x8xf32, #tpu.memory_space<vmem>> -> memref<128x8xf32, #tpu.memory_space<vmem>>
      %dma_start3A_354 = arith.constant 0 : i32
      %dma_start3A_355 = tpu.memref_slice %arg11[%dma_start3A_350, %dma_start3A_354] : memref<2x128xi32, #tpu.memory_space<vmem>> -> memref<1x128xi32, #tpu.memory_space<vmem>>
      %dma_start3A_356 = tpu.memref_squeeze %dma_start3A_355 : memref<1x128xi32, #tpu.memory_space<vmem>> -> memref<128xi32, #tpu.memory_space<vmem>>
      %dma_start3A_357 = arith.constant 0 : i32
      %dma_start3A_358 = arith.constant 0 : i32
      %dma_start3A_359 = tpu.memref_slice %arg8[%dma_start3A_357, %dma_start3A_358] : memref<100352x8xf32, #tpu.memory_space<vmem_shared>> -> memref<100352x8xf32, #tpu.memory_space<vmem_shared>>
      tpu.enqueue_indirect_dma source(%dma_start3A_353 : memref<128x8xf32, #tpu.memory_space<vmem>>) target(%dma_start3A_359 : memref<100352x8xf32, #tpu.memory_space<vmem_shared>>) offsets(%dma_start3A_356 : memref<128xi32, #tpu.memory_space<vmem>>) semaphore(%arg25 : memref<!tpu.dma_semaphore, #tpu.memory_space<semaphore_mem>>) {add = true}
      %dma_start3A_360 = arith.constant 1 : i32
      %dma_start3A_361 = arith.constant 128 : i32
      %dma_start3A_362 = arith.constant 0 : i32
      %dma_start3A_363 = tpu.memref_slice %arg17[%dma_start3A_361, %dma_start3A_362] : memref<256x8xf32, #tpu.memory_space<vmem>> -> memref<128x8xf32, #tpu.memory_space<vmem>>
      %dma_start3A_364 = arith.constant 0 : i32
      %dma_start3A_365 = tpu.memref_slice %arg11[%dma_start3A_360, %dma_start3A_364] : memref<2x128xi32, #tpu.memory_space<vmem>> -> memref<1x128xi32, #tpu.memory_space<vmem>>
      %dma_start3A_366 = tpu.memref_squeeze %dma_start3A_365 : memref<1x128xi32, #tpu.memory_space<vmem>> -> memref<128xi32, #tpu.memory_space<vmem>>
      %dma_start3A_367 = arith.constant 0 : i32
      %dma_start3A_368 = arith.constant 0 : i32
      %dma_start3A_369 = tpu.memref_slice %arg8[%dma_start3A_367, %dma_start3A_368] : memref<100352x8xf32, #tpu.memory_space<vmem_shared>> -> memref<100352x8xf32, #tpu.memory_space<vmem_shared>>
      tpu.enqueue_indirect_dma source(%dma_start3A_363 : memref<128x8xf32, #tpu.memory_space<vmem>>) target(%dma_start3A_369 : memref<100352x8xf32, #tpu.memory_space<vmem_shared>>) offsets(%dma_start3A_366 : memref<128xi32, #tpu.memory_space<vmem>>) semaphore(%arg25 : memref<!tpu.dma_semaphore, #tpu.memory_space<semaphore_mem>>) {add = true}
      %lt3A = arith.constant 390 : i32
      %lt3A_370 = arith.cmpi slt, %scan3A_126, %lt3A : i32
      %convert_element_type3A_371 = arith.extui %lt3A_370 : i1 to i32
      %cond3A_372 = arith.constant 0 : i32
      %cond3A_373 = arith.cmpi ne, %convert_element_type3A_371, %cond3A_372 : i32
      scf.if %cond3A_373 {
        %add3A_589 = arith.constant 2 : i32
        %add3A_590 = arith.addi %mul3A_129, %add3A_589 : i32
        %mul3A_591 = arith.constant 782 : i32
        %mul3A_592 = arith.muli %arg1, %mul3A_591 : i32
        %add3A_593 = arith.addi %mul3A_592, %add3A_590 : i32
        %mul3A_594 = arith.constant 2 : i32
        %mul3A_595 = arith.muli %add3A_593, %mul3A_594 : i32
        %mul3A_596 = arith.constant 2 : i32
        %mul3A_597 = arith.muli %mul3A_596, %mul3A_595 : i32
        %dma_start3A_598 = arith.constant 0 : i32
        %dma_start3A_599 = tpu.memref_slice %arg5[%mul3A_597, %dma_start3A_598] : memref<50048x128xi32, #tpu.memory_space<hbm>> -> memref<4x128xi32, #tpu.memory_space<hbm>>
        %dma_start3A_600 = arith.constant 0 : i32
        %dma_start3A_601 = tpu.memref_slice %arg5[%mul3A_597, %dma_start3A_600] : memref<50048x128xi32, #tpu.memory_space<hbm>> -> memref<4x128xi32, #tpu.memory_space<hbm>>
        tpu.enqueue_dma source(%dma_start3A_601 : memref<4x128xi32, #tpu.memory_space<hbm>>) target(%arg9 : memref<4x128xi32, #tpu.memory_space<vmem>>) target_semaphore(%arg23 : memref<!tpu.dma_semaphore, #tpu.memory_space<semaphore_mem>>)
      } else {
      }
      %mul3A_374 = arith.constant 2 : i32
      %mul3A_375 = arith.muli %mul3A_374, %scan3A_126 : i32
      %add3A_376 = arith.constant 1 : i32
      %add3A_377 = arith.addi %mul3A_375, %add3A_376 : i32
      %lt3A_378 = arith.constant 390 : i32
      %lt3A_379 = arith.cmpi slt, %scan3A_126, %lt3A_378 : i32
      %convert_element_type3A_380 = arith.extui %lt3A_379 : i1 to i32
      %cond3A_381 = arith.constant 0 : i32
      %cond3A_382 = arith.cmpi ne, %convert_element_type3A_380, %cond3A_381 : i32
      scf.if %cond3A_382 {
        %add3A_589 = arith.constant 1 : i32
        %add3A_590 = arith.addi %add3A_377, %add3A_589 : i32
        %mul3A_591 = arith.constant 782 : i32
        %mul3A_592 = arith.muli %arg1, %mul3A_591 : i32
        %add3A_593 = arith.addi %mul3A_592, %add3A_590 : i32
        %mul3A_594 = arith.constant 2 : i32
        %mul3A_595 = arith.muli %add3A_593, %mul3A_594 : i32
        %mul3A_596 = arith.constant 2 : i32
        %mul3A_597 = arith.muli %mul3A_596, %mul3A_595 : i32
        %dma_wait3A_598 = arith.constant 0 : i32
        %dma_wait3A_599 = tpu.memref_slice %arg5[%mul3A_597, %dma_wait3A_598] : memref<50048x128xi32, #tpu.memory_space<hbm>> -> memref<4x128xi32, #tpu.memory_space<hbm>>
        %dma_wait3A_600 = arith.constant 0 : i32
        %dma_wait3A_601 = tpu.memref_slice %arg5[%mul3A_597, %dma_wait3A_600] : memref<50048x128xi32, #tpu.memory_space<hbm>> -> memref<4x128xi32, #tpu.memory_space<hbm>>
        tpu.wait_dma2 semaphore(%arg23 : memref<!tpu.dma_semaphore, #tpu.memory_space<semaphore_mem>>) src(%dma_wait3A_601 : memref<4x128xi32, #tpu.memory_space<hbm>>) dst(%arg9 : memref<4x128xi32, #tpu.memory_space<vmem>>)
        %eq3A_602 = arith.constant 0 : i32
        %eq3A_603 = arith.cmpi eq, %arg0, %eq3A_602 : i32
        %convert_element_type3A_604 = arith.extui %eq3A_603 : i1 to i32
        %cond3A_605 = arith.constant 0 : i32
        %cond3A_606 = arith.cmpi ne, %convert_element_type3A_604, %cond3A_605 : i32
        scf.if %cond3A_606 {
          %dma_start3A_632 = arith.constant 0 : i32
          %dma_start3A_633 = arith.constant 0 : i32
          %dma_start3A_634 = arith.constant 0 : i32
          %dma_start3A_635 = tpu.memref_slice %arg13[%dma_start3A_633, %dma_start3A_634] : memref<256x8xf32, #tpu.memory_space<vmem>> -> memref<128x8xf32, #tpu.memory_space<vmem>>
          %dma_start3A_636 = arith.constant 0 : i32
          %dma_start3A_637 = tpu.memref_slice %arg9[%dma_start3A_632, %dma_start3A_636] : memref<4x128xi32, #tpu.memory_space<vmem>> -> memref<1x128xi32, #tpu.memory_space<vmem>>
          %dma_start3A_638 = tpu.memref_squeeze %dma_start3A_637 : memref<1x128xi32, #tpu.memory_space<vmem>> -> memref<128xi32, #tpu.memory_space<vmem>>
          %dma_start3A_639 = arith.constant 0 : i32
          %dma_start3A_640 = arith.constant 0 : i32
          %dma_start3A_641 = tpu.memref_slice %arg2[%dma_start3A_639, %dma_start3A_640] : memref<100352x8xf32, #tpu.memory_space<hbm>> -> memref<100352x8xf32, #tpu.memory_space<hbm>>
          tpu.enqueue_indirect_dma source(%dma_start3A_641 : memref<100352x8xf32, #tpu.memory_space<hbm>>) target(%dma_start3A_635 : memref<128x8xf32, #tpu.memory_space<vmem>>) offsets(%dma_start3A_638 : memref<128xi32, #tpu.memory_space<vmem>>) semaphore(%arg19 : memref<!tpu.dma_semaphore, #tpu.memory_space<semaphore_mem>>)
          %dma_start3A_642 = arith.constant 1 : i32
          %dma_start3A_643 = arith.constant 128 : i32
          %dma_start3A_644 = arith.constant 0 : i32
          %dma_start3A_645 = tpu.memref_slice %arg13[%dma_start3A_643, %dma_start3A_644] : memref<256x8xf32, #tpu.memory_space<vmem>> -> memref<128x8xf32, #tpu.memory_space<vmem>>
          %dma_start3A_646 = arith.constant 0 : i32
          %dma_start3A_647 = tpu.memref_slice %arg9[%dma_start3A_642, %dma_start3A_646] : memref<4x128xi32, #tpu.memory_space<vmem>> -> memref<1x128xi32, #tpu.memory_space<vmem>>
          %dma_start3A_648 = tpu.memref_squeeze %dma_start3A_647 : memref<1x128xi32, #tpu.memory_space<vmem>> -> memref<128xi32, #tpu.memory_space<vmem>>
          %dma_start3A_649 = arith.constant 0 : i32
          %dma_start3A_650 = arith.constant 0 : i32
          %dma_start3A_651 = tpu.memref_slice %arg2[%dma_start3A_649, %dma_start3A_650] : memref<100352x8xf32, #tpu.memory_space<hbm>> -> memref<100352x8xf32, #tpu.memory_space<hbm>>
          tpu.enqueue_indirect_dma source(%dma_start3A_651 : memref<100352x8xf32, #tpu.memory_space<hbm>>) target(%dma_start3A_645 : memref<128x8xf32, #tpu.memory_space<vmem>>) offsets(%dma_start3A_648 : memref<128xi32, #tpu.memory_space<vmem>>) semaphore(%arg19 : memref<!tpu.dma_semaphore, #tpu.memory_space<semaphore_mem>>)
        } else {
        }
        %ne3A_607 = arith.constant 0 : i32
        %ne3A_608 = arith.cmpi ne, %arg0, %ne3A_607 : i32
        %convert_element_type3A_609 = arith.extui %ne3A_608 : i1 to i32
        %cond3A_610 = arith.constant 0 : i32
        %cond3A_611 = arith.cmpi ne, %convert_element_type3A_609, %cond3A_610 : i32
        scf.if %cond3A_611 {
          %dma_start3A_632 = arith.constant 0 : i32
          %dma_start3A_633 = arith.constant 0 : i32
          %dma_start3A_634 = arith.constant 0 : i32
          %dma_start3A_635 = tpu.memref_slice %arg13[%dma_start3A_633, %dma_start3A_634] : memref<256x8xf32, #tpu.memory_space<vmem>> -> memref<128x8xf32, #tpu.memory_space<vmem>>
          %dma_start3A_636 = arith.constant 0 : i32
          %dma_start3A_637 = tpu.memref_slice %arg9[%dma_start3A_632, %dma_start3A_636] : memref<4x128xi32, #tpu.memory_space<vmem>> -> memref<1x128xi32, #tpu.memory_space<vmem>>
          %dma_start3A_638 = tpu.memref_squeeze %dma_start3A_637 : memref<1x128xi32, #tpu.memory_space<vmem>> -> memref<128xi32, #tpu.memory_space<vmem>>
          %dma_start3A_639 = arith.constant 0 : i32
          %dma_start3A_640 = arith.constant 0 : i32
          %dma_start3A_641 = tpu.memref_slice %arg3[%dma_start3A_639, %dma_start3A_640] : memref<100352x8xf32, #tpu.memory_space<hbm>> -> memref<100352x8xf32, #tpu.memory_space<hbm>>
          tpu.enqueue_indirect_dma source(%dma_start3A_641 : memref<100352x8xf32, #tpu.memory_space<hbm>>) target(%dma_start3A_635 : memref<128x8xf32, #tpu.memory_space<vmem>>) offsets(%dma_start3A_638 : memref<128xi32, #tpu.memory_space<vmem>>) semaphore(%arg19 : memref<!tpu.dma_semaphore, #tpu.memory_space<semaphore_mem>>)
          %dma_start3A_642 = arith.constant 1 : i32
          %dma_start3A_643 = arith.constant 128 : i32
          %dma_start3A_644 = arith.constant 0 : i32
          %dma_start3A_645 = tpu.memref_slice %arg13[%dma_start3A_643, %dma_start3A_644] : memref<256x8xf32, #tpu.memory_space<vmem>> -> memref<128x8xf32, #tpu.memory_space<vmem>>
          %dma_start3A_646 = arith.constant 0 : i32
          %dma_start3A_647 = tpu.memref_slice %arg9[%dma_start3A_642, %dma_start3A_646] : memref<4x128xi32, #tpu.memory_space<vmem>> -> memref<1x128xi32, #tpu.memory_space<vmem>>
          %dma_start3A_648 = tpu.memref_squeeze %dma_start3A_647 : memref<1x128xi32, #tpu.memory_space<vmem>> -> memref<128xi32, #tpu.memory_space<vmem>>
          %dma_start3A_649 = arith.constant 0 : i32
          %dma_start3A_650 = arith.constant 0 : i32
          %dma_start3A_651 = tpu.memref_slice %arg3[%dma_start3A_649, %dma_start3A_650] : memref<100352x8xf32, #tpu.memory_space<hbm>> -> memref<100352x8xf32, #tpu.memory_space<hbm>>
          tpu.enqueue_indirect_dma source(%dma_start3A_651 : memref<100352x8xf32, #tpu.memory_space<hbm>>) target(%dma_start3A_645 : memref<128x8xf32, #tpu.memory_space<vmem>>) offsets(%dma_start3A_648 : memref<128xi32, #tpu.memory_space<vmem>>) semaphore(%arg19 : memref<!tpu.dma_semaphore, #tpu.memory_space<semaphore_mem>>)
        } else {
        }
        %dma_start3A_612 = arith.constant 2 : i32
        %dma_start3A_613 = arith.constant 0 : i32
        %dma_start3A_614 = arith.constant 0 : i32
        %dma_start3A_615 = tpu.memref_slice %arg15[%dma_start3A_613, %dma_start3A_614] : memref<256x8xf32, #tpu.memory_space<vmem>> -> memref<128x8xf32, #tpu.memory_space<vmem>>
        %dma_start3A_616 = arith.constant 0 : i32
        %dma_start3A_617 = tpu.memref_slice %arg9[%dma_start3A_612, %dma_start3A_616] : memref<4x128xi32, #tpu.memory_space<vmem>> -> memref<1x128xi32, #tpu.memory_space<vmem>>
        %dma_start3A_618 = tpu.memref_squeeze %dma_start3A_617 : memref<1x128xi32, #tpu.memory_space<vmem>> -> memref<128xi32, #tpu.memory_space<vmem>>
        %dma_start3A_619 = arith.constant 0 : i32
        %dma_start3A_620 = arith.constant 0 : i32
        %dma_start3A_621 = tpu.memref_slice %arg4[%dma_start3A_619, %dma_start3A_620] : memref<100352x8xf32, #tpu.memory_space<hbm>> -> memref<100352x8xf32, #tpu.memory_space<hbm>>
        tpu.enqueue_indirect_dma source(%dma_start3A_621 : memref<100352x8xf32, #tpu.memory_space<hbm>>) target(%dma_start3A_615 : memref<128x8xf32, #tpu.memory_space<vmem>>) offsets(%dma_start3A_618 : memref<128xi32, #tpu.memory_space<vmem>>) semaphore(%arg21 : memref<!tpu.dma_semaphore, #tpu.memory_space<semaphore_mem>>)
        %dma_start3A_622 = arith.constant 3 : i32
        %dma_start3A_623 = arith.constant 128 : i32
        %dma_start3A_624 = arith.constant 0 : i32
        %dma_start3A_625 = tpu.memref_slice %arg15[%dma_start3A_623, %dma_start3A_624] : memref<256x8xf32, #tpu.memory_space<vmem>> -> memref<128x8xf32, #tpu.memory_space<vmem>>
        %dma_start3A_626 = arith.constant 0 : i32
        %dma_start3A_627 = tpu.memref_slice %arg9[%dma_start3A_622, %dma_start3A_626] : memref<4x128xi32, #tpu.memory_space<vmem>> -> memref<1x128xi32, #tpu.memory_space<vmem>>
        %dma_start3A_628 = tpu.memref_squeeze %dma_start3A_627 : memref<1x128xi32, #tpu.memory_space<vmem>> -> memref<128xi32, #tpu.memory_space<vmem>>
        %dma_start3A_629 = arith.constant 0 : i32
        %dma_start3A_630 = arith.constant 0 : i32
        %dma_start3A_631 = tpu.memref_slice %arg4[%dma_start3A_629, %dma_start3A_630] : memref<100352x8xf32, #tpu.memory_space<hbm>> -> memref<100352x8xf32, #tpu.memory_space<hbm>>
        tpu.enqueue_indirect_dma source(%dma_start3A_631 : memref<100352x8xf32, #tpu.memory_space<hbm>>) target(%dma_start3A_625 : memref<128x8xf32, #tpu.memory_space<vmem>>) offsets(%dma_start3A_628 : memref<128xi32, #tpu.memory_space<vmem>>) semaphore(%arg21 : memref<!tpu.dma_semaphore, #tpu.memory_space<semaphore_mem>>)
      } else {
      }
      %dma_wait3A_383 = arith.constant 0 : i32
      %dma_wait3A_384 = arith.constant 0 : i32
      %dma_wait3A_385 = arith.constant 0 : i32
      %dma_wait3A_386 = tpu.memref_slice %arg14[%dma_wait3A_384, %dma_wait3A_385] : memref<256x8xf32, #tpu.memory_space<vmem>> -> memref<128x8xf32, #tpu.memory_space<vmem>>
      %dma_wait3A_387 = arith.constant 0 : i32
      %dma_wait3A_388 = tpu.memref_slice %arg10[%dma_wait3A_383, %dma_wait3A_387] : memref<4x128xi32, #tpu.memory_space<vmem>> -> memref<1x128xi32, #tpu.memory_space<vmem>>
      %dma_wait3A_389 = tpu.memref_squeeze %dma_wait3A_388 : memref<1x128xi32, #tpu.memory_space<vmem>> -> memref<128xi32, #tpu.memory_space<vmem>>
      %dma_wait3A_390 = arith.constant 0 : i32
      %dma_wait3A_391 = arith.constant 0 : i32
      %dma_wait3A_392 = tpu.memref_slice %arg2[%dma_wait3A_390, %dma_wait3A_391] : memref<100352x8xf32, #tpu.memory_space<hbm>> -> memref<100352x8xf32, #tpu.memory_space<hbm>>
      tpu.wait_indirect_dma semaphore(%arg20 : memref<!tpu.dma_semaphore, #tpu.memory_space<semaphore_mem>>) src(%dma_wait3A_392 : memref<100352x8xf32, #tpu.memory_space<hbm>>) dst(%dma_wait3A_386 : memref<128x8xf32, #tpu.memory_space<vmem>>)
      %dma_wait3A_393 = arith.constant 2 : i32
      %dma_wait3A_394 = arith.constant 0 : i32
      %dma_wait3A_395 = arith.constant 0 : i32
      %dma_wait3A_396 = tpu.memref_slice %arg16[%dma_wait3A_394, %dma_wait3A_395] : memref<256x8xf32, #tpu.memory_space<vmem>> -> memref<128x8xf32, #tpu.memory_space<vmem>>
      %dma_wait3A_397 = arith.constant 0 : i32
      %dma_wait3A_398 = tpu.memref_slice %arg10[%dma_wait3A_393, %dma_wait3A_397] : memref<4x128xi32, #tpu.memory_space<vmem>> -> memref<1x128xi32, #tpu.memory_space<vmem>>
      %dma_wait3A_399 = tpu.memref_squeeze %dma_wait3A_398 : memref<1x128xi32, #tpu.memory_space<vmem>> -> memref<128xi32, #tpu.memory_space<vmem>>
      %dma_wait3A_400 = arith.constant 0 : i32
      %dma_wait3A_401 = arith.constant 0 : i32
      %dma_wait3A_402 = tpu.memref_slice %arg4[%dma_wait3A_400, %dma_wait3A_401] : memref<100352x8xf32, #tpu.memory_space<hbm>> -> memref<100352x8xf32, #tpu.memory_space<hbm>>
      tpu.wait_indirect_dma semaphore(%arg22 : memref<!tpu.dma_semaphore, #tpu.memory_space<semaphore_mem>>) src(%dma_wait3A_402 : memref<100352x8xf32, #tpu.memory_space<hbm>>) dst(%dma_wait3A_396 : memref<128x8xf32, #tpu.memory_space<vmem>>)
      %dma_wait3A_403 = arith.constant 1 : i32
      %dma_wait3A_404 = arith.constant 128 : i32
      %dma_wait3A_405 = arith.constant 0 : i32
      %dma_wait3A_406 = tpu.memref_slice %arg14[%dma_wait3A_404, %dma_wait3A_405] : memref<256x8xf32, #tpu.memory_space<vmem>> -> memref<128x8xf32, #tpu.memory_space<vmem>>
      %dma_wait3A_407 = arith.constant 0 : i32
      %dma_wait3A_408 = tpu.memref_slice %arg10[%dma_wait3A_403, %dma_wait3A_407] : memref<4x128xi32, #tpu.memory_space<vmem>> -> memref<1x128xi32, #tpu.memory_space<vmem>>
      %dma_wait3A_409 = tpu.memref_squeeze %dma_wait3A_408 : memref<1x128xi32, #tpu.memory_space<vmem>> -> memref<128xi32, #tpu.memory_space<vmem>>
      %dma_wait3A_410 = arith.constant 0 : i32
      %dma_wait3A_411 = arith.constant 0 : i32
      %dma_wait3A_412 = tpu.memref_slice %arg2[%dma_wait3A_410, %dma_wait3A_411] : memref<100352x8xf32, #tpu.memory_space<hbm>> -> memref<100352x8xf32, #tpu.memory_space<hbm>>
      tpu.wait_indirect_dma semaphore(%arg20 : memref<!tpu.dma_semaphore, #tpu.memory_space<semaphore_mem>>) src(%dma_wait3A_412 : memref<100352x8xf32, #tpu.memory_space<hbm>>) dst(%dma_wait3A_406 : memref<128x8xf32, #tpu.memory_space<vmem>>)
      %dma_wait3A_413 = arith.constant 3 : i32
      %dma_wait3A_414 = arith.constant 128 : i32
      %dma_wait3A_415 = arith.constant 0 : i32
      %dma_wait3A_416 = tpu.memref_slice %arg16[%dma_wait3A_414, %dma_wait3A_415] : memref<256x8xf32, #tpu.memory_space<vmem>> -> memref<128x8xf32, #tpu.memory_space<vmem>>
      %dma_wait3A_417 = arith.constant 0 : i32
      %dma_wait3A_418 = tpu.memref_slice %arg10[%dma_wait3A_413, %dma_wait3A_417] : memref<4x128xi32, #tpu.memory_space<vmem>> -> memref<1x128xi32, #tpu.memory_space<vmem>>
      %dma_wait3A_419 = tpu.memref_squeeze %dma_wait3A_418 : memref<1x128xi32, #tpu.memory_space<vmem>> -> memref<128xi32, #tpu.memory_space<vmem>>
      %dma_wait3A_420 = arith.constant 0 : i32
      %dma_wait3A_421 = arith.constant 0 : i32
      %dma_wait3A_422 = tpu.memref_slice %arg4[%dma_wait3A_420, %dma_wait3A_421] : memref<100352x8xf32, #tpu.memory_space<hbm>> -> memref<100352x8xf32, #tpu.memory_space<hbm>>
      tpu.wait_indirect_dma semaphore(%arg22 : memref<!tpu.dma_semaphore, #tpu.memory_space<semaphore_mem>>) src(%dma_wait3A_422 : memref<100352x8xf32, #tpu.memory_space<hbm>>) dst(%dma_wait3A_416 : memref<128x8xf32, #tpu.memory_space<vmem>>)
      %gt3A_423 = arith.constant 0 : i32
      %gt3A_424 = arith.cmpi sgt, %scan3A_126, %gt3A_423 : i32
      %convert_element_type3A_425 = arith.extui %gt3A_424 : i1 to i32
      %cond3A_426 = arith.constant 0 : i32
      %cond3A_427 = arith.cmpi ne, %convert_element_type3A_425, %cond3A_426 : i32
      scf.if %cond3A_427 {
        %dma_wait3A_589 = arith.constant 0 : i32
        %dma_wait3A_590 = arith.constant 0 : i32
        %dma_wait3A_591 = arith.constant 0 : i32
        %dma_wait3A_592 = tpu.memref_slice %arg18[%dma_wait3A_590, %dma_wait3A_591] : memref<256x8xf32, #tpu.memory_space<vmem>> -> memref<128x8xf32, #tpu.memory_space<vmem>>
        %dma_wait3A_593 = arith.constant 0 : i32
        %dma_wait3A_594 = tpu.memref_slice %arg12[%dma_wait3A_589, %dma_wait3A_593] : memref<2x128xi32, #tpu.memory_space<vmem>> -> memref<1x128xi32, #tpu.memory_space<vmem>>
        %dma_wait3A_595 = tpu.memref_squeeze %dma_wait3A_594 : memref<1x128xi32, #tpu.memory_space<vmem>> -> memref<128xi32, #tpu.memory_space<vmem>>
        %dma_wait3A_596 = arith.constant 0 : i32
        %dma_wait3A_597 = arith.constant 0 : i32
        %dma_wait3A_598 = tpu.memref_slice %arg8[%dma_wait3A_596, %dma_wait3A_597] : memref<100352x8xf32, #tpu.memory_space<vmem_shared>> -> memref<100352x8xf32, #tpu.memory_space<vmem_shared>>
        tpu.wait_indirect_dma semaphore(%arg26 : memref<!tpu.dma_semaphore, #tpu.memory_space<semaphore_mem>>) src(%dma_wait3A_592 : memref<128x8xf32, #tpu.memory_space<vmem>>) dst(%dma_wait3A_598 : memref<100352x8xf32, #tpu.memory_space<vmem_shared>>)
        %dma_wait3A_599 = arith.constant 1 : i32
        %dma_wait3A_600 = arith.constant 128 : i32
        %dma_wait3A_601 = arith.constant 0 : i32
        %dma_wait3A_602 = tpu.memref_slice %arg18[%dma_wait3A_600, %dma_wait3A_601] : memref<256x8xf32, #tpu.memory_space<vmem>> -> memref<128x8xf32, #tpu.memory_space<vmem>>
        %dma_wait3A_603 = arith.constant 0 : i32
        %dma_wait3A_604 = tpu.memref_slice %arg12[%dma_wait3A_599, %dma_wait3A_603] : memref<2x128xi32, #tpu.memory_space<vmem>> -> memref<1x128xi32, #tpu.memory_space<vmem>>
        %dma_wait3A_605 = tpu.memref_squeeze %dma_wait3A_604 : memref<1x128xi32, #tpu.memory_space<vmem>> -> memref<128xi32, #tpu.memory_space<vmem>>
        %dma_wait3A_606 = arith.constant 0 : i32
        %dma_wait3A_607 = arith.constant 0 : i32
        %dma_wait3A_608 = tpu.memref_slice %arg8[%dma_wait3A_606, %dma_wait3A_607] : memref<100352x8xf32, #tpu.memory_space<vmem_shared>> -> memref<100352x8xf32, #tpu.memory_space<vmem_shared>>
        tpu.wait_indirect_dma semaphore(%arg26 : memref<!tpu.dma_semaphore, #tpu.memory_space<semaphore_mem>>) src(%dma_wait3A_602 : memref<128x8xf32, #tpu.memory_space<vmem>>) dst(%dma_wait3A_608 : memref<100352x8xf32, #tpu.memory_space<vmem_shared>>)
      } else {
      }
      %scan3A_428 = arith.constant 0 : i32
      %scan3A_429 = arith.constant 0 : i32
      %scan3A_430 = arith.constant 8 : i32
      %scan3A_431 = arith.addi %scan3A_429, %scan3A_430 : i32
      %scan3A_432 = arith.constant 1 : i32
      %scan3A_433 = scf.for %scan3A_589 = %scan3A_429 to %scan3A_431 step %scan3A_432 iter_args(%scan3A_590 = %scan3A_428) -> (i32)  : i32 {
        %mul3A_591 = arith.constant 2 : i32
        %mul3A_592 = arith.muli %mul3A_591, %scan3A_589 : i32
        %add3A_593 = arith.constant 0 : i32
        %add3A_594 = arith.addi %mul3A_592, %add3A_593 : i32
        %mul3A_595 = arith.constant 16 : i32
        %mul3A_596 = arith.muli %add3A_594, %mul3A_595 : i32
        %add3A_597 = vector.broadcast %mul3A_596 : i32 to vector<16xi32>
        %add3A_598 = arith.addi %iota3A, %add3A_597 : vector<16xi32>
        %gather3A = tpu.vector_load_idx %arg14[%add3A_598, %broadcast_in_dim3A_8] : memref<256x8xf32, #tpu.memory_space<vmem>>[vector<16xi32>, vector<16xi32>], vector<16xf32>,
        %gather3A_599 = tpu.vector_load_idx %arg16[%add3A_598, %add3A_11] : memref<256x8xf32, #tpu.memory_space<vmem>>[vector<16xi32>, vector<16xi32>], vector<16xf32>,
        %add3A_600 = arith.addf %gather3A, %gather3A_599 : vector<16xf32>
        %mul3A_601 = arith.constant 2.000000e-01 : f32
        %mul3A_602 = vector.broadcast %mul3A_601 : f32 to vector<16xf32>
        %mul3A_603 = arith.mulf %add3A_600, %mul3A_602 : vector<16xf32>
        %max3A = arith.maximumf %add3A_600, %mul3A_603 : vector<16xf32>
        %exp3A = math.exp %max3A : vector<16xf32>
        %broadcast_in_dim3A_604 = arith.constant 0 : i32
        %broadcast_in_dim3A_605 = vector.broadcast %broadcast_in_dim3A_604 : i32 to vector<16xi32>
        %gather3A_606 = tpu.vector_load_idx %arg14[%add3A_598, %broadcast_in_dim3A_605] : memref<256x8xf32, #tpu.memory_space<vmem>>[vector<16xi32>, vector<16xi32>], vector<16xf32>,
        %mul3A_607 = arith.mulf %gather3A_606, %exp3A : vector<16xf32>
        tpu.vector_store_idx %arg18[%add3A_598, %broadcast_in_dim3A_605], %mul3A_607 : memref<256x8xf32, #tpu.memory_space<vmem>>[vector<16xi32>, vector<16xi32>], vector<16xf32>,
        %broadcast_in_dim3A_608 = arith.constant 1 : i32
        %broadcast_in_dim3A_609 = vector.broadcast %broadcast_in_dim3A_608 : i32 to vector<16xi32>
        %gather3A_610 = tpu.vector_load_idx %arg14[%add3A_598, %broadcast_in_dim3A_609] : memref<256x8xf32, #tpu.memory_space<vmem>>[vector<16xi32>, vector<16xi32>], vector<16xf32>,
        %mul3A_611 = arith.mulf %gather3A_610, %exp3A : vector<16xf32>
        tpu.vector_store_idx %arg18[%add3A_598, %broadcast_in_dim3A_609], %mul3A_611 : memref<256x8xf32, #tpu.memory_space<vmem>>[vector<16xi32>, vector<16xi32>], vector<16xf32>,
        %broadcast_in_dim3A_612 = arith.constant 2 : i32
        %broadcast_in_dim3A_613 = vector.broadcast %broadcast_in_dim3A_612 : i32 to vector<16xi32>
        %gather3A_614 = tpu.vector_load_idx %arg14[%add3A_598, %broadcast_in_dim3A_613] : memref<256x8xf32, #tpu.memory_space<vmem>>[vector<16xi32>, vector<16xi32>], vector<16xf32>,
        %mul3A_615 = arith.mulf %gather3A_614, %exp3A : vector<16xf32>
        tpu.vector_store_idx %arg18[%add3A_598, %broadcast_in_dim3A_613], %mul3A_615 : memref<256x8xf32, #tpu.memory_space<vmem>>[vector<16xi32>, vector<16xi32>], vector<16xf32>,
        %broadcast_in_dim3A_616 = arith.constant 3 : i32
        %broadcast_in_dim3A_617 = vector.broadcast %broadcast_in_dim3A_616 : i32 to vector<16xi32>
        %gather3A_618 = tpu.vector_load_idx %arg14[%add3A_598, %broadcast_in_dim3A_617] : memref<256x8xf32, #tpu.memory_space<vmem>>[vector<16xi32>, vector<16xi32>], vector<16xf32>,
        %mul3A_619 = arith.mulf %gather3A_618, %exp3A : vector<16xf32>
        tpu.vector_store_idx %arg18[%add3A_598, %broadcast_in_dim3A_617], %mul3A_619 : memref<256x8xf32, #tpu.memory_space<vmem>>[vector<16xi32>, vector<16xi32>], vector<16xf32>,
        tpu.vector_store_idx %arg18[%add3A_598, %broadcast_in_dim3A_6], %exp3A : memref<256x8xf32, #tpu.memory_space<vmem>>[vector<16xi32>, vector<16xi32>], vector<16xf32>,
        %mul3A_620 = arith.constant 2 : i32
        %mul3A_621 = arith.muli %mul3A_620, %scan3A_589 : i32
        %add3A_622 = arith.constant 1 : i32
        %add3A_623 = arith.addi %mul3A_621, %add3A_622 : i32
        %mul3A_624 = arith.constant 16 : i32
        %mul3A_625 = arith.muli %add3A_623, %mul3A_624 : i32
        %add3A_626 = vector.broadcast %mul3A_625 : i32 to vector<16xi32>
        %add3A_627 = arith.addi %iota3A, %add3A_626 : vector<16xi32>
        %gather3A_628 = tpu.vector_load_idx %arg14[%add3A_627, %broadcast_in_dim3A_8] : memref<256x8xf32, #tpu.memory_space<vmem>>[vector<16xi32>, vector<16xi32>], vector<16xf32>,
        %gather3A_629 = tpu.vector_load_idx %arg16[%add3A_627, %add3A_11] : memref<256x8xf32, #tpu.memory_space<vmem>>[vector<16xi32>, vector<16xi32>], vector<16xf32>,
        %add3A_630 = arith.addf %gather3A_628, %gather3A_629 : vector<16xf32>
        %mul3A_631 = arith.constant 2.000000e-01 : f32
        %mul3A_632 = vector.broadcast %mul3A_631 : f32 to vector<16xf32>
        %mul3A_633 = arith.mulf %add3A_630, %mul3A_632 : vector<16xf32>
        %max3A_634 = arith.maximumf %add3A_630, %mul3A_633 : vector<16xf32>
        %exp3A_635 = math.exp %max3A_634 : vector<16xf32>
        %broadcast_in_dim3A_636 = arith.constant 0 : i32
        %broadcast_in_dim3A_637 = vector.broadcast %broadcast_in_dim3A_636 : i32 to vector<16xi32>
        %gather3A_638 = tpu.vector_load_idx %arg14[%add3A_627, %broadcast_in_dim3A_637] : memref<256x8xf32, #tpu.memory_space<vmem>>[vector<16xi32>, vector<16xi32>], vector<16xf32>,
        %mul3A_639 = arith.mulf %gather3A_638, %exp3A_635 : vector<16xf32>
        tpu.vector_store_idx %arg18[%add3A_627, %broadcast_in_dim3A_637], %mul3A_639 : memref<256x8xf32, #tpu.memory_space<vmem>>[vector<16xi32>, vector<16xi32>], vector<16xf32>,
        %broadcast_in_dim3A_640 = arith.constant 1 : i32
        %broadcast_in_dim3A_641 = vector.broadcast %broadcast_in_dim3A_640 : i32 to vector<16xi32>
        %gather3A_642 = tpu.vector_load_idx %arg14[%add3A_627, %broadcast_in_dim3A_641] : memref<256x8xf32, #tpu.memory_space<vmem>>[vector<16xi32>, vector<16xi32>], vector<16xf32>,
        %mul3A_643 = arith.mulf %gather3A_642, %exp3A_635 : vector<16xf32>
        tpu.vector_store_idx %arg18[%add3A_627, %broadcast_in_dim3A_641], %mul3A_643 : memref<256x8xf32, #tpu.memory_space<vmem>>[vector<16xi32>, vector<16xi32>], vector<16xf32>,
        %broadcast_in_dim3A_644 = arith.constant 2 : i32
        %broadcast_in_dim3A_645 = vector.broadcast %broadcast_in_dim3A_644 : i32 to vector<16xi32>
        %gather3A_646 = tpu.vector_load_idx %arg14[%add3A_627, %broadcast_in_dim3A_645] : memref<256x8xf32, #tpu.memory_space<vmem>>[vector<16xi32>, vector<16xi32>], vector<16xf32>,
        %mul3A_647 = arith.mulf %gather3A_646, %exp3A_635 : vector<16xf32>
        tpu.vector_store_idx %arg18[%add3A_627, %broadcast_in_dim3A_645], %mul3A_647 : memref<256x8xf32, #tpu.memory_space<vmem>>[vector<16xi32>, vector<16xi32>], vector<16xf32>,
        %broadcast_in_dim3A_648 = arith.constant 3 : i32
        %broadcast_in_dim3A_649 = vector.broadcast %broadcast_in_dim3A_648 : i32 to vector<16xi32>
        %gather3A_650 = tpu.vector_load_idx %arg14[%add3A_627, %broadcast_in_dim3A_649] : memref<256x8xf32, #tpu.memory_space<vmem>>[vector<16xi32>, vector<16xi32>], vector<16xf32>,
        %mul3A_651 = arith.mulf %gather3A_650, %exp3A_635 : vector<16xf32>
        tpu.vector_store_idx %arg18[%add3A_627, %broadcast_in_dim3A_649], %mul3A_651 : memref<256x8xf32, #tpu.memory_space<vmem>>[vector<16xi32>, vector<16xi32>], vector<16xf32>,
        tpu.vector_store_idx %arg18[%add3A_627, %broadcast_in_dim3A_6], %exp3A_635 : memref<256x8xf32, #tpu.memory_space<vmem>>[vector<16xi32>, vector<16xi32>], vector<16xf32>,
        %scan3A_652 = arith.constant 0 : i32
        scf.yield %scan3A_652 : i32
      }
      %scan3A_434 = arith.constant 8 : i32
      %get3A_435 = arith.constant 2 : i32
      %get3A_436 = arith.index_cast %get3A_435 : i32 to index
      %get3A_437 = arith.constant 0 : index
      %get3A_438 = tpu.vector_load %arg10[%get3A_436, %get3A_437] {strides = array<i32>} : memref<4x128xi32, #tpu.memory_space<vmem>>, vector<16xi32>,
      %swap3A_439 = arith.constant 0 : i32
      %swap3A_440 = arith.index_cast %swap3A_439 : i32 to index
      %swap3A_441 = arith.constant 0 : index
      %swap3A_442 = tpu.vector_load %arg12[%swap3A_440, %swap3A_441] {strides = array<i32>} : memref<2x128xi32, #tpu.memory_space<vmem>>, vector<16xi32>,
      tpu.vector_store %arg12[%swap3A_440, %swap3A_441], %get3A_438 {strides = array<i32>} : memref<2x128xi32, #tpu.memory_space<vmem>>, vector<16xi32>,
      %get3A_443 = arith.constant 2 : i32
      %get3A_444 = arith.index_cast %get3A_443 : i32 to index
      %get3A_445 = arith.constant 16 : index
      %get3A_446 = tpu.vector_load %arg10[%get3A_444, %get3A_445] {strides = array<i32>} : memref<4x128xi32, #tpu.memory_space<vmem>>, vector<16xi32>,
      %swap3A_447 = arith.constant 0 : i32
      %swap3A_448 = arith.index_cast %swap3A_447 : i32 to index
      %swap3A_449 = arith.constant 16 : index
      %swap3A_450 = tpu.vector_load %arg12[%swap3A_448, %swap3A_449] {strides = array<i32>} : memref<2x128xi32, #tpu.memory_space<vmem>>, vector<16xi32>,
      tpu.vector_store %arg12[%swap3A_448, %swap3A_449], %get3A_446 {strides = array<i32>} : memref<2x128xi32, #tpu.memory_space<vmem>>, vector<16xi32>,
      %get3A_451 = arith.constant 2 : i32
      %get3A_452 = arith.index_cast %get3A_451 : i32 to index
      %get3A_453 = arith.constant 32 : index
      %get3A_454 = tpu.vector_load %arg10[%get3A_452, %get3A_453] {strides = array<i32>} : memref<4x128xi32, #tpu.memory_space<vmem>>, vector<16xi32>,
      %swap3A_455 = arith.constant 0 : i32
      %swap3A_456 = arith.index_cast %swap3A_455 : i32 to index
      %swap3A_457 = arith.constant 32 : index
      %swap3A_458 = tpu.vector_load %arg12[%swap3A_456, %swap3A_457] {strides = array<i32>} : memref<2x128xi32, #tpu.memory_space<vmem>>, vector<16xi32>,
      tpu.vector_store %arg12[%swap3A_456, %swap3A_457], %get3A_454 {strides = array<i32>} : memref<2x128xi32, #tpu.memory_space<vmem>>, vector<16xi32>,
      %get3A_459 = arith.constant 2 : i32
      %get3A_460 = arith.index_cast %get3A_459 : i32 to index
      %get3A_461 = arith.constant 48 : index
      %get3A_462 = tpu.vector_load %arg10[%get3A_460, %get3A_461] {strides = array<i32>} : memref<4x128xi32, #tpu.memory_space<vmem>>, vector<16xi32>,
      %swap3A_463 = arith.constant 0 : i32
      %swap3A_464 = arith.index_cast %swap3A_463 : i32 to index
      %swap3A_465 = arith.constant 48 : index
      %swap3A_466 = tpu.vector_load %arg12[%swap3A_464, %swap3A_465] {strides = array<i32>} : memref<2x128xi32, #tpu.memory_space<vmem>>, vector<16xi32>,
      tpu.vector_store %arg12[%swap3A_464, %swap3A_465], %get3A_462 {strides = array<i32>} : memref<2x128xi32, #tpu.memory_space<vmem>>, vector<16xi32>,
      %get3A_467 = arith.constant 2 : i32
      %get3A_468 = arith.index_cast %get3A_467 : i32 to index
      %get3A_469 = arith.constant 64 : index
      %get3A_470 = tpu.vector_load %arg10[%get3A_468, %get3A_469] {strides = array<i32>} : memref<4x128xi32, #tpu.memory_space<vmem>>, vector<16xi32>,
      %swap3A_471 = arith.constant 0 : i32
      %swap3A_472 = arith.index_cast %swap3A_471 : i32 to index
      %swap3A_473 = arith.constant 64 : index
      %swap3A_474 = tpu.vector_load %arg12[%swap3A_472, %swap3A_473] {strides = array<i32>} : memref<2x128xi32, #tpu.memory_space<vmem>>, vector<16xi32>,
      tpu.vector_store %arg12[%swap3A_472, %swap3A_473], %get3A_470 {strides = array<i32>} : memref<2x128xi32, #tpu.memory_space<vmem>>, vector<16xi32>,
      %get3A_475 = arith.constant 2 : i32
      %get3A_476 = arith.index_cast %get3A_475 : i32 to index
      %get3A_477 = arith.constant 80 : index
      %get3A_478 = tpu.vector_load %arg10[%get3A_476, %get3A_477] {strides = array<i32>} : memref<4x128xi32, #tpu.memory_space<vmem>>, vector<16xi32>,
      %swap3A_479 = arith.constant 0 : i32
      %swap3A_480 = arith.index_cast %swap3A_479 : i32 to index
      %swap3A_481 = arith.constant 80 : index
      %swap3A_482 = tpu.vector_load %arg12[%swap3A_480, %swap3A_481] {strides = array<i32>} : memref<2x128xi32, #tpu.memory_space<vmem>>, vector<16xi32>,
      tpu.vector_store %arg12[%swap3A_480, %swap3A_481], %get3A_478 {strides = array<i32>} : memref<2x128xi32, #tpu.memory_space<vmem>>, vector<16xi32>,
      %get3A_483 = arith.constant 2 : i32
      %get3A_484 = arith.index_cast %get3A_483 : i32 to index
      %get3A_485 = arith.constant 96 : index
      %get3A_486 = tpu.vector_load %arg10[%get3A_484, %get3A_485] {strides = array<i32>} : memref<4x128xi32, #tpu.memory_space<vmem>>, vector<16xi32>,
      %swap3A_487 = arith.constant 0 : i32
      %swap3A_488 = arith.index_cast %swap3A_487 : i32 to index
      %swap3A_489 = arith.constant 96 : index
      %swap3A_490 = tpu.vector_load %arg12[%swap3A_488, %swap3A_489] {strides = array<i32>} : memref<2x128xi32, #tpu.memory_space<vmem>>, vector<16xi32>,
      tpu.vector_store %arg12[%swap3A_488, %swap3A_489], %get3A_486 {strides = array<i32>} : memref<2x128xi32, #tpu.memory_space<vmem>>, vector<16xi32>,
      %get3A_491 = arith.constant 2 : i32
      %get3A_492 = arith.index_cast %get3A_491 : i32 to index
      %get3A_493 = arith.constant 112 : index
      %get3A_494 = tpu.vector_load %arg10[%get3A_492, %get3A_493] {strides = array<i32>} : memref<4x128xi32, #tpu.memory_space<vmem>>, vector<16xi32>,
      %swap3A_495 = arith.constant 0 : i32
      %swap3A_496 = arith.index_cast %swap3A_495 : i32 to index
      %swap3A_497 = arith.constant 112 : index
      %swap3A_498 = tpu.vector_load %arg12[%swap3A_496, %swap3A_497] {strides = array<i32>} : memref<2x128xi32, #tpu.memory_space<vmem>>, vector<16xi32>,
      tpu.vector_store %arg12[%swap3A_496, %swap3A_497], %get3A_494 {strides = array<i32>} : memref<2x128xi32, #tpu.memory_space<vmem>>, vector<16xi32>,
      %get3A_499 = arith.constant 3 : i32
      %get3A_500 = arith.index_cast %get3A_499 : i32 to index
      %get3A_501 = arith.constant 0 : index
      %get3A_502 = tpu.vector_load %arg10[%get3A_500, %get3A_501] {strides = array<i32>} : memref<4x128xi32, #tpu.memory_space<vmem>>, vector<16xi32>,
      %swap3A_503 = arith.constant 1 : i32
      %swap3A_504 = arith.index_cast %swap3A_503 : i32 to index
      %swap3A_505 = arith.constant 0 : index
      %swap3A_506 = tpu.vector_load %arg12[%swap3A_504, %swap3A_505] {strides = array<i32>} : memref<2x128xi32, #tpu.memory_space<vmem>>, vector<16xi32>,
      tpu.vector_store %arg12[%swap3A_504, %swap3A_505], %get3A_502 {strides = array<i32>} : memref<2x128xi32, #tpu.memory_space<vmem>>, vector<16xi32>,
      %get3A_507 = arith.constant 3 : i32
      %get3A_508 = arith.index_cast %get3A_507 : i32 to index
      %get3A_509 = arith.constant 16 : index
      %get3A_510 = tpu.vector_load %arg10[%get3A_508, %get3A_509] {strides = array<i32>} : memref<4x128xi32, #tpu.memory_space<vmem>>, vector<16xi32>,
      %swap3A_511 = arith.constant 1 : i32
      %swap3A_512 = arith.index_cast %swap3A_511 : i32 to index
      %swap3A_513 = arith.constant 16 : index
      %swap3A_514 = tpu.vector_load %arg12[%swap3A_512, %swap3A_513] {strides = array<i32>} : memref<2x128xi32, #tpu.memory_space<vmem>>, vector<16xi32>,
      tpu.vector_store %arg12[%swap3A_512, %swap3A_513], %get3A_510 {strides = array<i32>} : memref<2x128xi32, #tpu.memory_space<vmem>>, vector<16xi32>,
      %get3A_515 = arith.constant 3 : i32
      %get3A_516 = arith.index_cast %get3A_515 : i32 to index
      %get3A_517 = arith.constant 32 : index
      %get3A_518 = tpu.vector_load %arg10[%get3A_516, %get3A_517] {strides = array<i32>} : memref<4x128xi32, #tpu.memory_space<vmem>>, vector<16xi32>,
      %swap3A_519 = arith.constant 1 : i32
      %swap3A_520 = arith.index_cast %swap3A_519 : i32 to index
      %swap3A_521 = arith.constant 32 : index
      %swap3A_522 = tpu.vector_load %arg12[%swap3A_520, %swap3A_521] {strides = array<i32>} : memref<2x128xi32, #tpu.memory_space<vmem>>, vector<16xi32>,
      tpu.vector_store %arg12[%swap3A_520, %swap3A_521], %get3A_518 {strides = array<i32>} : memref<2x128xi32, #tpu.memory_space<vmem>>, vector<16xi32>,
      %get3A_523 = arith.constant 3 : i32
      %get3A_524 = arith.index_cast %get3A_523 : i32 to index
      %get3A_525 = arith.constant 48 : index
      %get3A_526 = tpu.vector_load %arg10[%get3A_524, %get3A_525] {strides = array<i32>} : memref<4x128xi32, #tpu.memory_space<vmem>>, vector<16xi32>,
      %swap3A_527 = arith.constant 1 : i32
      %swap3A_528 = arith.index_cast %swap3A_527 : i32 to index
      %swap3A_529 = arith.constant 48 : index
      %swap3A_530 = tpu.vector_load %arg12[%swap3A_528, %swap3A_529] {strides = array<i32>} : memref<2x128xi32, #tpu.memory_space<vmem>>, vector<16xi32>,
      tpu.vector_store %arg12[%swap3A_528, %swap3A_529], %get3A_526 {strides = array<i32>} : memref<2x128xi32, #tpu.memory_space<vmem>>, vector<16xi32>,
      %get3A_531 = arith.constant 3 : i32
      %get3A_532 = arith.index_cast %get3A_531 : i32 to index
      %get3A_533 = arith.constant 64 : index
      %get3A_534 = tpu.vector_load %arg10[%get3A_532, %get3A_533] {strides = array<i32>} : memref<4x128xi32, #tpu.memory_space<vmem>>, vector<16xi32>,
      %swap3A_535 = arith.constant 1 : i32
      %swap3A_536 = arith.index_cast %swap3A_535 : i32 to index
      %swap3A_537 = arith.constant 64 : index
      %swap3A_538 = tpu.vector_load %arg12[%swap3A_536, %swap3A_537] {strides = array<i32>} : memref<2x128xi32, #tpu.memory_space<vmem>>, vector<16xi32>,
      tpu.vector_store %arg12[%swap3A_536, %swap3A_537], %get3A_534 {strides = array<i32>} : memref<2x128xi32, #tpu.memory_space<vmem>>, vector<16xi32>,
      %get3A_539 = arith.constant 3 : i32
      %get3A_540 = arith.index_cast %get3A_539 : i32 to index
      %get3A_541 = arith.constant 80 : index
      %get3A_542 = tpu.vector_load %arg10[%get3A_540, %get3A_541] {strides = array<i32>} : memref<4x128xi32, #tpu.memory_space<vmem>>, vector<16xi32>,
      %swap3A_543 = arith.constant 1 : i32
      %swap3A_544 = arith.index_cast %swap3A_543 : i32 to index
      %swap3A_545 = arith.constant 80 : index
      %swap3A_546 = tpu.vector_load %arg12[%swap3A_544, %swap3A_545] {strides = array<i32>} : memref<2x128xi32, #tpu.memory_space<vmem>>, vector<16xi32>,
      tpu.vector_store %arg12[%swap3A_544, %swap3A_545], %get3A_542 {strides = array<i32>} : memref<2x128xi32, #tpu.memory_space<vmem>>, vector<16xi32>,
      %get3A_547 = arith.constant 3 : i32
      %get3A_548 = arith.index_cast %get3A_547 : i32 to index
      %get3A_549 = arith.constant 96 : index
      %get3A_550 = tpu.vector_load %arg10[%get3A_548, %get3A_549] {strides = array<i32>} : memref<4x128xi32, #tpu.memory_space<vmem>>, vector<16xi32>,
      %swap3A_551 = arith.constant 1 : i32
      %swap3A_552 = arith.index_cast %swap3A_551 : i32 to index
      %swap3A_553 = arith.constant 96 : index
      %swap3A_554 = tpu.vector_load %arg12[%swap3A_552, %swap3A_553] {strides = array<i32>} : memref<2x128xi32, #tpu.memory_space<vmem>>, vector<16xi32>,
      tpu.vector_store %arg12[%swap3A_552, %swap3A_553], %get3A_550 {strides = array<i32>} : memref<2x128xi32, #tpu.memory_space<vmem>>, vector<16xi32>,
      %get3A_555 = arith.constant 3 : i32
      %get3A_556 = arith.index_cast %get3A_555 : i32 to index
      %get3A_557 = arith.constant 112 : index
      %get3A_558 = tpu.vector_load %arg10[%get3A_556, %get3A_557] {strides = array<i32>} : memref<4x128xi32, #tpu.memory_space<vmem>>, vector<16xi32>,
      %swap3A_559 = arith.constant 1 : i32
      %swap3A_560 = arith.index_cast %swap3A_559 : i32 to index
      %swap3A_561 = arith.constant 112 : index
      %swap3A_562 = tpu.vector_load %arg12[%swap3A_560, %swap3A_561] {strides = array<i32>} : memref<2x128xi32, #tpu.memory_space<vmem>>, vector<16xi32>,
      tpu.vector_store %arg12[%swap3A_560, %swap3A_561], %get3A_558 {strides = array<i32>} : memref<2x128xi32, #tpu.memory_space<vmem>>, vector<16xi32>,
      %dma_start3A_563 = arith.constant 0 : i32
      %dma_start3A_564 = arith.constant 0 : i32
      %dma_start3A_565 = arith.constant 0 : i32
      %dma_start3A_566 = tpu.memref_slice %arg18[%dma_start3A_564, %dma_start3A_565] : memref<256x8xf32, #tpu.memory_space<vmem>> -> memref<128x8xf32, #tpu.memory_space<vmem>>
      %dma_start3A_567 = arith.constant 0 : i32
      %dma_start3A_568 = tpu.memref_slice %arg12[%dma_start3A_563, %dma_start3A_567] : memref<2x128xi32, #tpu.memory_space<vmem>> -> memref<1x128xi32, #tpu.memory_space<vmem>>
      %dma_start3A_569 = tpu.memref_squeeze %dma_start3A_568 : memref<1x128xi32, #tpu.memory_space<vmem>> -> memref<128xi32, #tpu.memory_space<vmem>>
      %dma_start3A_570 = arith.constant 0 : i32
      %dma_start3A_571 = arith.constant 0 : i32
      %dma_start3A_572 = tpu.memref_slice %arg8[%dma_start3A_570, %dma_start3A_571] : memref<100352x8xf32, #tpu.memory_space<vmem_shared>> -> memref<100352x8xf32, #tpu.memory_space<vmem_shared>>
      tpu.enqueue_indirect_dma source(%dma_start3A_566 : memref<128x8xf32, #tpu.memory_space<vmem>>) target(%dma_start3A_572 : memref<100352x8xf32, #tpu.memory_space<vmem_shared>>) offsets(%dma_start3A_569 : memref<128xi32, #tpu.memory_space<vmem>>) semaphore(%arg26 : memref<!tpu.dma_semaphore, #tpu.memory_space<semaphore_mem>>) {add = true}
      %dma_start3A_573 = arith.constant 1 : i32
      %dma_start3A_574 = arith.constant 128 : i32
      %dma_start3A_575 = arith.constant 0 : i32
      %dma_start3A_576 = tpu.memref_slice %arg18[%dma_start3A_574, %dma_start3A_575] : memref<256x8xf32, #tpu.memory_space<vmem>> -> memref<128x8xf32, #tpu.memory_space<vmem>>
      %dma_start3A_577 = arith.constant 0 : i32
      %dma_start3A_578 = tpu.memref_slice %arg12[%dma_start3A_573, %dma_start3A_577] : memref<2x128xi32, #tpu.memory_space<vmem>> -> memref<1x128xi32, #tpu.memory_space<vmem>>
      %dma_start3A_579 = tpu.memref_squeeze %dma_start3A_578 : memref<1x128xi32, #tpu.memory_space<vmem>> -> memref<128xi32, #tpu.memory_space<vmem>>
      %dma_start3A_580 = arith.constant 0 : i32
      %dma_start3A_581 = arith.constant 0 : i32
      %dma_start3A_582 = tpu.memref_slice %arg8[%dma_start3A_580, %dma_start3A_581] : memref<100352x8xf32, #tpu.memory_space<vmem_shared>> -> memref<100352x8xf32, #tpu.memory_space<vmem_shared>>
      tpu.enqueue_indirect_dma source(%dma_start3A_576 : memref<128x8xf32, #tpu.memory_space<vmem>>) target(%dma_start3A_582 : memref<100352x8xf32, #tpu.memory_space<vmem_shared>>) offsets(%dma_start3A_579 : memref<128xi32, #tpu.memory_space<vmem>>) semaphore(%arg26 : memref<!tpu.dma_semaphore, #tpu.memory_space<semaphore_mem>>) {add = true}
      %lt3A_583 = arith.constant 390 : i32
      %lt3A_584 = arith.cmpi slt, %scan3A_126, %lt3A_583 : i32
      %convert_element_type3A_585 = arith.extui %lt3A_584 : i1 to i32
      %cond3A_586 = arith.constant 0 : i32
      %cond3A_587 = arith.cmpi ne, %convert_element_type3A_585, %cond3A_586 : i32
      scf.if %cond3A_587 {
        %add3A_589 = arith.constant 2 : i32
        %add3A_590 = arith.addi %add3A_377, %add3A_589 : i32
        %mul3A_591 = arith.constant 782 : i32
        %mul3A_592 = arith.muli %arg1, %mul3A_591 : i32
        %add3A_593 = arith.addi %mul3A_592, %add3A_590 : i32
        %mul3A_594 = arith.constant 2 : i32
        %mul3A_595 = arith.muli %add3A_593, %mul3A_594 : i32
        %mul3A_596 = arith.constant 2 : i32
        %mul3A_597 = arith.muli %mul3A_596, %mul3A_595 : i32
        %dma_start3A_598 = arith.constant 0 : i32
        %dma_start3A_599 = tpu.memref_slice %arg5[%mul3A_597, %dma_start3A_598] : memref<50048x128xi32, #tpu.memory_space<hbm>> -> memref<4x128xi32, #tpu.memory_space<hbm>>
        %dma_start3A_600 = arith.constant 0 : i32
        %dma_start3A_601 = tpu.memref_slice %arg5[%mul3A_597, %dma_start3A_600] : memref<50048x128xi32, #tpu.memory_space<hbm>> -> memref<4x128xi32, #tpu.memory_space<hbm>>
        tpu.enqueue_dma source(%dma_start3A_601 : memref<4x128xi32, #tpu.memory_space<hbm>>) target(%arg10 : memref<4x128xi32, #tpu.memory_space<vmem>>) target_semaphore(%arg24 : memref<!tpu.dma_semaphore, #tpu.memory_space<semaphore_mem>>)
      } else {
      }
      %scan3A_588 = arith.constant 0 : i32
      scf.yield %scan3A_588 : i32
    }
    %scan3A_77 = arith.constant 391 : i32
    %dma_wait3A_78 = arith.constant 0 : i32
    %dma_wait3A_79 = arith.constant 0 : i32
    %dma_wait3A_80 = arith.constant 0 : i32
    %dma_wait3A_81 = tpu.memref_slice %arg17[%dma_wait3A_79, %dma_wait3A_80] : memref<256x8xf32, #tpu.memory_space<vmem>> -> memref<128x8xf32, #tpu.memory_space<vmem>>
    %dma_wait3A_82 = arith.constant 0 : i32
    %dma_wait3A_83 = tpu.memref_slice %arg11[%dma_wait3A_78, %dma_wait3A_82] : memref<2x128xi32, #tpu.memory_space<vmem>> -> memref<1x128xi32, #tpu.memory_space<vmem>>
    %dma_wait3A_84 = tpu.memref_squeeze %dma_wait3A_83 : memref<1x128xi32, #tpu.memory_space<vmem>> -> memref<128xi32, #tpu.memory_space<vmem>>
    %dma_wait3A_85 = arith.constant 0 : i32
    %dma_wait3A_86 = arith.constant 0 : i32
    %dma_wait3A_87 = tpu.memref_slice %arg8[%dma_wait3A_85, %dma_wait3A_86] : memref<100352x8xf32, #tpu.memory_space<vmem_shared>> -> memref<100352x8xf32, #tpu.memory_space<vmem_shared>>
    tpu.wait_indirect_dma semaphore(%arg25 : memref<!tpu.dma_semaphore, #tpu.memory_space<semaphore_mem>>) src(%dma_wait3A_81 : memref<128x8xf32, #tpu.memory_space<vmem>>) dst(%dma_wait3A_87 : memref<100352x8xf32, #tpu.memory_space<vmem_shared>>)
    %dma_wait3A_88 = arith.constant 1 : i32
    %dma_wait3A_89 = arith.constant 128 : i32
    %dma_wait3A_90 = arith.constant 0 : i32
    %dma_wait3A_91 = tpu.memref_slice %arg17[%dma_wait3A_89, %dma_wait3A_90] : memref<256x8xf32, #tpu.memory_space<vmem>> -> memref<128x8xf32, #tpu.memory_space<vmem>>
    %dma_wait3A_92 = arith.constant 0 : i32
    %dma_wait3A_93 = tpu.memref_slice %arg11[%dma_wait3A_88, %dma_wait3A_92] : memref<2x128xi32, #tpu.memory_space<vmem>> -> memref<1x128xi32, #tpu.memory_space<vmem>>
    %dma_wait3A_94 = tpu.memref_squeeze %dma_wait3A_93 : memref<1x128xi32, #tpu.memory_space<vmem>> -> memref<128xi32, #tpu.memory_space<vmem>>
    %dma_wait3A_95 = arith.constant 0 : i32
    %dma_wait3A_96 = arith.constant 0 : i32
    %dma_wait3A_97 = tpu.memref_slice %arg8[%dma_wait3A_95, %dma_wait3A_96] : memref<100352x8xf32, #tpu.memory_space<vmem_shared>> -> memref<100352x8xf32, #tpu.memory_space<vmem_shared>>
    tpu.wait_indirect_dma semaphore(%arg25 : memref<!tpu.dma_semaphore, #tpu.memory_space<semaphore_mem>>) src(%dma_wait3A_91 : memref<128x8xf32, #tpu.memory_space<vmem>>) dst(%dma_wait3A_97 : memref<100352x8xf32, #tpu.memory_space<vmem_shared>>)
    %dma_wait3A_98 = arith.constant 0 : i32
    %dma_wait3A_99 = arith.constant 0 : i32
    %dma_wait3A_100 = arith.constant 0 : i32
    %dma_wait3A_101 = tpu.memref_slice %arg18[%dma_wait3A_99, %dma_wait3A_100] : memref<256x8xf32, #tpu.memory_space<vmem>> -> memref<128x8xf32, #tpu.memory_space<vmem>>
    %dma_wait3A_102 = arith.constant 0 : i32
    %dma_wait3A_103 = tpu.memref_slice %arg12[%dma_wait3A_98, %dma_wait3A_102] : memref<2x128xi32, #tpu.memory_space<vmem>> -> memref<1x128xi32, #tpu.memory_space<vmem>>
    %dma_wait3A_104 = tpu.memref_squeeze %dma_wait3A_103 : memref<1x128xi32, #tpu.memory_space<vmem>> -> memref<128xi32, #tpu.memory_space<vmem>>
    %dma_wait3A_105 = arith.constant 0 : i32
    %dma_wait3A_106 = arith.constant 0 : i32
    %dma_wait3A_107 = tpu.memref_slice %arg8[%dma_wait3A_105, %dma_wait3A_106] : memref<100352x8xf32, #tpu.memory_space<vmem_shared>> -> memref<100352x8xf32, #tpu.memory_space<vmem_shared>>
    tpu.wait_indirect_dma semaphore(%arg26 : memref<!tpu.dma_semaphore, #tpu.memory_space<semaphore_mem>>) src(%dma_wait3A_101 : memref<128x8xf32, #tpu.memory_space<vmem>>) dst(%dma_wait3A_107 : memref<100352x8xf32, #tpu.memory_space<vmem_shared>>)
    %dma_wait3A_108 = arith.constant 1 : i32
    %dma_wait3A_109 = arith.constant 128 : i32
    %dma_wait3A_110 = arith.constant 0 : i32
    %dma_wait3A_111 = tpu.memref_slice %arg18[%dma_wait3A_109, %dma_wait3A_110] : memref<256x8xf32, #tpu.memory_space<vmem>> -> memref<128x8xf32, #tpu.memory_space<vmem>>
    %dma_wait3A_112 = arith.constant 0 : i32
    %dma_wait3A_113 = tpu.memref_slice %arg12[%dma_wait3A_108, %dma_wait3A_112] : memref<2x128xi32, #tpu.memory_space<vmem>> -> memref<1x128xi32, #tpu.memory_space<vmem>>
    %dma_wait3A_114 = tpu.memref_squeeze %dma_wait3A_113 : memref<1x128xi32, #tpu.memory_space<vmem>> -> memref<128xi32, #tpu.memory_space<vmem>>
    %dma_wait3A_115 = arith.constant 0 : i32
    %dma_wait3A_116 = arith.constant 0 : i32
    %dma_wait3A_117 = tpu.memref_slice %arg8[%dma_wait3A_115, %dma_wait3A_116] : memref<100352x8xf32, #tpu.memory_space<vmem_shared>> -> memref<100352x8xf32, #tpu.memory_space<vmem_shared>>
    tpu.wait_indirect_dma semaphore(%arg26 : memref<!tpu.dma_semaphore, #tpu.memory_space<semaphore_mem>>) src(%dma_wait3A_111 : memref<128x8xf32, #tpu.memory_space<vmem>>) dst(%dma_wait3A_117 : memref<100352x8xf32, #tpu.memory_space<vmem_shared>>)
    %barrier3A_118 = arith.constant 0 : index
    tpu.barrier barrier_id(%barrier3A_118)
    %mul3A_119 = arith.constant 6272 : i32
    %mul3A_120 = arith.muli %arg1, %mul3A_119 : i32
    %mul3A_121 = arith.constant 100352 : i32
    %mul3A_122 = arith.muli %arg0, %mul3A_121 : i32
    %mul3A_123 = arith.constant 6272 : i32
    %mul3A_124 = arith.muli %arg1, %mul3A_123 : i32
    %add3A_125 = arith.addi %mul3A_122, %mul3A_124 : i32
    "tpu.region"() ({
      %run_scoped3A = tpu.sem_alloc : memref<!tpu.dma_semaphore, #tpu.memory_space<semaphore_mem>>
      %dma_start3A_126 = arith.constant 0 : i32
      %dma_start3A_127 = tpu.memref_slice %arg7[%add3A_125, %dma_start3A_126] : memref<200704x8xf32, #tpu.memory_space<hbm>> -> memref<6272x8xf32, #tpu.memory_space<hbm>>
      %dma_start3A_128 = arith.constant 0 : i32
      %dma_start3A_129 = tpu.memref_slice %arg8[%mul3A_120, %dma_start3A_128] : memref<100352x8xf32, #tpu.memory_space<vmem_shared>> -> memref<6272x8xf32, #tpu.memory_space<vmem_shared>>
      tpu.enqueue_dma source(%dma_start3A_129 : memref<6272x8xf32, #tpu.memory_space<vmem_shared>>) target(%dma_start3A_127 : memref<6272x8xf32, #tpu.memory_space<hbm>>) target_semaphore(%run_scoped3A : memref<!tpu.dma_semaphore, #tpu.memory_space<semaphore_mem>>)
      %dma_wait3A_130 = arith.constant 0 : i32
      %dma_wait3A_131 = tpu.memref_slice %arg7[%add3A_125, %dma_wait3A_130] : memref<200704x8xf32, #tpu.memory_space<hbm>> -> memref<6272x8xf32, #tpu.memory_space<hbm>>
      %dma_wait3A_132 = arith.constant 0 : i32
      %dma_wait3A_133 = tpu.memref_slice %arg8[%mul3A_120, %dma_wait3A_132] : memref<100352x8xf32, #tpu.memory_space<vmem_shared>> -> memref<6272x8xf32, #tpu.memory_space<vmem_shared>>
      tpu.wait_dma2 semaphore(%run_scoped3A : memref<!tpu.dma_semaphore, #tpu.memory_space<semaphore_mem>>) src(%dma_wait3A_133 : memref<6272x8xf32, #tpu.memory_space<vmem_shared>>) dst(%dma_wait3A_131 : memref<6272x8xf32, #tpu.memory_space<hbm>>)
      tpu.yield
    }) : () -> ()
    return
  }
}

module attributes {stable_mosaic.version = 14 : i64} {
  func.func @_prologue1_body(%arg0: i32, %arg1: memref<2048x16xf32, #tpu.memory_space<vmem>>, %arg2: memref<16x16xf32, #tpu.memory_space<vmem>>, %arg3: memref<2x8xf32, #tpu.memory_space<vmem>>, %arg4: memref<2x8xf32, #tpu.memory_space<vmem>>, %arg5: memref<2048x16xf32, #tpu.memory_space<vmem>>, %arg6: memref<2048x16xf32, #tpu.memory_space<vmem>>, %arg7: memref<2048x8xf32, #tpu.memory_space<vmem>>) attributes {dimension_semantics = [#tpu.dimension_semantics<arbitrary>], iteration_bounds = array<i64: 49>, scalar_prefetch = 0 : i64, scratch_operands = 0 : i64, tpu.core_type = #tpu.core_type<tc>, window_params = [{transform_indices = @transform_0, window_bounds = array<i64: 2048, 16>}, {pipeline_mode = #tpu.pipeline_mode<synchronous>, transform_indices = @transform_1, window_bounds = array<i64: 16, 16>}, {pipeline_mode = #tpu.pipeline_mode<synchronous>, transform_indices = @transform_2, window_bounds = array<i64: 2, 8>}, {pipeline_mode = #tpu.pipeline_mode<synchronous>, transform_indices = @transform_3, window_bounds = array<i64: 2, 8>}, {transform_indices = @transform_4, window_bounds = array<i64: 2048, 16>}, {transform_indices = @transform_5, window_bounds = array<i64: 2048, 16>}, {transform_indices = @transform_6, window_bounds = array<i64: 2048, 8>}]} {
    %get3A = arith.constant 0 : index
    %get3A_0 = arith.constant 0 : index
    %get3A_1 = vector.load %arg1[%get3A, %get3A_0] : memref<2048x16xf32, #tpu.memory_space<vmem>>, vector<2048x16xf32>
    %get3A_2 = arith.constant 0 : index
    %get3A_3 = arith.constant 0 : index
    %get3A_4 = vector.load %arg2[%get3A_2, %get3A_3] : memref<16x16xf32, #tpu.memory_space<vmem>>, vector<16x16xf32>
    %dot_general3A = arith.constant dense<0.000000e+00> : vector<2048x16xf32>
    %dot_general3A_5 = tpu.matmul %get3A_1, %get3A_4, %dot_general3A {dimension_numbers = #tpu.dot_dimension_numbers<[1], [0], [0], [1], [0, 0, 1, 1], [], []>, transpose_lhs_hint = false} : vector<2048x16xf32>, vector<16x16xf32>, vector<2048x16xf32> -> vector<2048x16xf32>
    %broadcast_in_dim3A = arith.constant 1.000000e+00 : f32
    %broadcast_in_dim3A_6 = vector.broadcast %broadcast_in_dim3A : f32 to vector<2048x1xf32>
    %broadcast_in_dim3A_7 = arith.constant 0.000000e+00 : f32
    %broadcast_in_dim3A_8 = vector.broadcast %broadcast_in_dim3A_7 : f32 to vector<2048x6xf32>
    %slice3A = vector.extract_strided_slice %dot_general3A_5 {offsets = [0, 0], sizes = [2048, 8], strides = [1, 1]} : vector<2048x16xf32> to vector<2048x8xf32>
    %get3A_9 = arith.constant 0 : index
    %get3A_10 = arith.constant 0 : index
    %get3A_11 = vector.load %arg3[%get3A_9, %get3A_10] : memref<2x8xf32, #tpu.memory_space<vmem>>, vector<1x8xf32>
    %mul3A = vector.broadcast %get3A_11 : vector<1x8xf32> to vector<2048x8xf32>
    %mul3A_12 = arith.mulf %slice3A, %mul3A : vector<2048x8xf32>
    %reduce_sum3A = arith.constant dense<0.000000e+00> : vector<2048xf32>
    %reduce_sum3A_13 = vector.multi_reduction <add>, %mul3A_12, %reduce_sum3A [1] : vector<2048x8xf32> to vector<2048xf32>
    %broadcast_in_dim3A_14 = vector.shape_cast %reduce_sum3A_13 : vector<2048xf32> to vector<2048x1xf32>
    %get3A_15 = arith.constant 0 : index
    %get3A_16 = arith.constant 0 : index
    %get3A_17 = vector.load %arg4[%get3A_15, %get3A_16] : memref<2x8xf32, #tpu.memory_space<vmem>>, vector<1x8xf32>
    %mul3A_18 = vector.broadcast %get3A_17 : vector<1x8xf32> to vector<2048x8xf32>
    %mul3A_19 = arith.mulf %slice3A, %mul3A_18 : vector<2048x8xf32>
    %reduce_sum3A_20 = arith.constant dense<0.000000e+00> : vector<2048xf32>
    %reduce_sum3A_21 = vector.multi_reduction <add>, %mul3A_19, %reduce_sum3A_20 [1] : vector<2048x8xf32> to vector<2048xf32>
    %broadcast_in_dim3A_22 = vector.shape_cast %reduce_sum3A_21 : vector<2048xf32> to vector<2048x1xf32>
    %concatenate3A = tpu.concatenate %slice3A, %broadcast_in_dim3A_6, %broadcast_in_dim3A_14, %broadcast_in_dim3A_8 in 1 : vector<2048x8xf32>, vector<2048x1xf32>, vector<2048x1xf32>, vector<2048x6xf32> -> vector<2048x16xf32>
    %swap3A = arith.constant 0 : index
    %swap3A_23 = arith.constant 0 : index
    %swap3A_24 = vector.load %arg5[%swap3A, %swap3A_23] : memref<2048x16xf32, #tpu.memory_space<vmem>>, vector<2048x16xf32>
    tpu.vector_store %arg5[%swap3A, %swap3A_23], %concatenate3A {strides = array<i32>} : memref<2048x16xf32, #tpu.memory_space<vmem>>, vector<2048x16xf32>,
    %slice3A_25 = vector.extract_strided_slice %dot_general3A_5 {offsets = [0, 8], sizes = [2048, 8], strides = [1, 1]} : vector<2048x16xf32> to vector<2048x8xf32>
    %get3A_26 = arith.constant 1 : index
    %get3A_27 = arith.constant 0 : index
    %get3A_28 = vector.load %arg3[%get3A_26, %get3A_27] : memref<2x8xf32, #tpu.memory_space<vmem>>, vector<1x8xf32>
    %mul3A_29 = vector.broadcast %get3A_28 : vector<1x8xf32> to vector<2048x8xf32>
    %mul3A_30 = arith.mulf %slice3A_25, %mul3A_29 : vector<2048x8xf32>
    %reduce_sum3A_31 = arith.constant dense<0.000000e+00> : vector<2048xf32>
    %reduce_sum3A_32 = vector.multi_reduction <add>, %mul3A_30, %reduce_sum3A_31 [1] : vector<2048x8xf32> to vector<2048xf32>
    %broadcast_in_dim3A_33 = vector.shape_cast %reduce_sum3A_32 : vector<2048xf32> to vector<2048x1xf32>
    %get3A_34 = arith.constant 1 : index
    %get3A_35 = arith.constant 0 : index
    %get3A_36 = vector.load %arg4[%get3A_34, %get3A_35] : memref<2x8xf32, #tpu.memory_space<vmem>>, vector<1x8xf32>
    %mul3A_37 = vector.broadcast %get3A_36 : vector<1x8xf32> to vector<2048x8xf32>
    %mul3A_38 = arith.mulf %slice3A_25, %mul3A_37 : vector<2048x8xf32>
    %reduce_sum3A_39 = arith.constant dense<0.000000e+00> : vector<2048xf32>
    %reduce_sum3A_40 = vector.multi_reduction <add>, %mul3A_38, %reduce_sum3A_39 [1] : vector<2048x8xf32> to vector<2048xf32>
    %broadcast_in_dim3A_41 = vector.shape_cast %reduce_sum3A_40 : vector<2048xf32> to vector<2048x1xf32>
    %concatenate3A_42 = tpu.concatenate %slice3A_25, %broadcast_in_dim3A_6, %broadcast_in_dim3A_33, %broadcast_in_dim3A_8 in 1 : vector<2048x8xf32>, vector<2048x1xf32>, vector<2048x1xf32>, vector<2048x6xf32> -> vector<2048x16xf32>
    %swap3A_43 = arith.constant 0 : index
    %swap3A_44 = arith.constant 0 : index
    %swap3A_45 = vector.load %arg6[%swap3A_43, %swap3A_44] : memref<2048x16xf32, #tpu.memory_space<vmem>>, vector<2048x16xf32>
    tpu.vector_store %arg6[%swap3A_43, %swap3A_44], %concatenate3A_42 {strides = array<i32>} : memref<2048x16xf32, #tpu.memory_space<vmem>>, vector<2048x16xf32>,
    %broadcast_in_dim3A_46 = arith.constant 0.000000e+00 : f32
    %broadcast_in_dim3A_47 = vector.broadcast %broadcast_in_dim3A_46 : f32 to vector<2048x6xf32>
    %concatenate3A_48 = tpu.concatenate %broadcast_in_dim3A_22, %broadcast_in_dim3A_41, %broadcast_in_dim3A_47 in 1 : vector<2048x1xf32>, vector<2048x1xf32>, vector<2048x6xf32> -> vector<2048x8xf32>
    %swap3A_49 = arith.constant 0 : index
    %swap3A_50 = arith.constant 0 : index
    %swap3A_51 = vector.load %arg7[%swap3A_49, %swap3A_50] : memref<2048x8xf32, #tpu.memory_space<vmem>>, vector<2048x8xf32>
    tpu.vector_store %arg7[%swap3A_49, %swap3A_50], %concatenate3A_48 {strides = array<i32>} : memref<2048x8xf32, #tpu.memory_space<vmem>>, vector<2048x8xf32>,
    return
  }
  func.func @transform_0(%arg0: i32) -> (i32, i32) {
    %c0_i32 = arith.constant 0 : i32
    %c0_i32_0 = arith.constant 0 : i32
    return %arg0, %c0_i32 : i32, i32
  }
  func.func @transform_1(%arg0: i32) -> (i32, i32) {
    %c0_i32 = arith.constant 0 : i32
    %c0_i32_0 = arith.constant 0 : i32
    %c0_i32_1 = arith.constant 0 : i32
    return %c0_i32, %c0_i32_0 : i32, i32
  }
  func.func @transform_2(%arg0: i32) -> (i32, i32) {
    %c0_i32 = arith.constant 0 : i32
    %c0_i32_0 = arith.constant 0 : i32
    %c0_i32_1 = arith.constant 0 : i32
    return %c0_i32, %c0_i32_0 : i32, i32
  }
  func.func @transform_3(%arg0: i32) -> (i32, i32) {
    %c0_i32 = arith.constant 0 : i32
    %c0_i32_0 = arith.constant 0 : i32
    %c0_i32_1 = arith.constant 0 : i32
    return %c0_i32, %c0_i32_0 : i32, i32
  }
  func.func @transform_4(%arg0: i32) -> (i32, i32) {
    %c0_i32 = arith.constant 0 : i32
    %c0_i32_0 = arith.constant 0 : i32
    return %arg0, %c0_i32 : i32, i32
  }
  func.func @transform_5(%arg0: i32) -> (i32, i32) {
    %c0_i32 = arith.constant 0 : i32
    %c0_i32_0 = arith.constant 0 : i32
    return %arg0, %c0_i32 : i32, i32
  }
  func.func @transform_6(%arg0: i32) -> (i32, i32) {
    %c0_i32 = arith.constant 0 : i32
    %c0_i32_0 = arith.constant 0 : i32
    return %arg0, %c0_i32 : i32, i32
  }
}

module attributes {stable_mosaic.version = 14 : i64} {
  func.func @_mid_body(%arg0: i32, %arg1: memref<2048x16xf32, #tpu.memory_space<vmem>>, %arg2: memref<2048x16xf32, #tpu.memory_space<vmem>>, %arg3: memref<2048x16xf32, #tpu.memory_space<vmem>>, %arg4: memref<2048x16xf32, #tpu.memory_space<vmem>>, %arg5: memref<2048x8xf32, #tpu.memory_space<vmem>>, %arg6: memref<1x16xf32, #tpu.memory_space<vmem>>, %arg7: memref<16x8xf32, #tpu.memory_space<vmem>>, %arg8: memref<2x4xf32, #tpu.memory_space<vmem>>, %arg9: memref<2x4xf32, #tpu.memory_space<vmem>>, %arg10: memref<2048x8xf32, #tpu.memory_space<vmem>>, %arg11: memref<2048x8xf32, #tpu.memory_space<vmem>>, %arg12: memref<2048x8xf32, #tpu.memory_space<vmem>>) attributes {dimension_semantics = [#tpu.dimension_semantics<arbitrary>], iteration_bounds = array<i64: 49>, scalar_prefetch = 0 : i64, scratch_operands = 0 : i64, tpu.core_type = #tpu.core_type<tc>, window_params = [{transform_indices = @transform_0, window_bounds = array<i64: 2048, 16>}, {transform_indices = @transform_1, window_bounds = array<i64: 2048, 16>}, {transform_indices = @transform_2, window_bounds = array<i64: 2048, 16>}, {transform_indices = @transform_3, window_bounds = array<i64: 2048, 16>}, {transform_indices = @transform_4, window_bounds = array<i64: 2048, 8>}, {pipeline_mode = #tpu.pipeline_mode<synchronous>, transform_indices = @transform_5, window_bounds = array<i64: 1, 16>}, {pipeline_mode = #tpu.pipeline_mode<synchronous>, transform_indices = @transform_6, window_bounds = array<i64: 16, 8>}, {pipeline_mode = #tpu.pipeline_mode<synchronous>, transform_indices = @transform_7, window_bounds = array<i64: 2, 4>}, {pipeline_mode = #tpu.pipeline_mode<synchronous>, transform_indices = @transform_8, window_bounds = array<i64: 2, 4>}, {transform_indices = @transform_9, window_bounds = array<i64: 2048, 8>}, {transform_indices = @transform_10, window_bounds = array<i64: 2048, 8>}, {transform_indices = @transform_11, window_bounds = array<i64: 2048, 8>}]} {
    %get3A = arith.constant 0 : index
    %get3A_0 = arith.constant 0 : index
    %get3A_1 = vector.load %arg3[%get3A, %get3A_0] : memref<2048x16xf32, #tpu.memory_space<vmem>>, vector<2048x16xf32>
    %slice3A = vector.extract_strided_slice %get3A_1 {offsets = [0, 0], sizes = [2048, 8], strides = [1, 1]} : vector<2048x16xf32> to vector<2048x8xf32>
    %get3A_2 = arith.constant 0 : index
    %get3A_3 = arith.constant 0 : index
    %get3A_4 = vector.load %arg3[%get3A_2, %get3A_3] : memref<2048x16xf32, #tpu.memory_space<vmem>>, vector<2048x16xf32>
    %slice3A_5 = vector.extract_strided_slice %get3A_4 {offsets = [0, 9], sizes = [2048, 1], strides = [1, 1]} : vector<2048x16xf32> to vector<2048x1xf32>
    %get3A_6 = arith.constant 0 : index
    %get3A_7 = arith.constant 0 : index
    %get3A_8 = vector.load %arg5[%get3A_6, %get3A_7] : memref<2048x8xf32, #tpu.memory_space<vmem>>, vector<2048x1xf32>
    %add3A = arith.addf %slice3A_5, %get3A_8 : vector<2048x1xf32>
    %mul3A = arith.constant 2.000000e-01 : f32
    %mul3A_9 = vector.broadcast %mul3A : f32 to vector<2048x1xf32>
    %mul3A_10 = arith.mulf %add3A, %mul3A_9 : vector<2048x1xf32>
    %max3A = arith.maximumf %add3A, %mul3A_10 : vector<2048x1xf32>
    %exp3A = math.exp %max3A : vector<2048x1xf32>
    %get3A_11 = arith.constant 0 : index
    %get3A_12 = arith.constant 0 : index
    %get3A_13 = vector.load %arg1[%get3A_11, %get3A_12] : memref<2048x16xf32, #tpu.memory_space<vmem>>, vector<2048x16xf32>
    %slice3A_14 = vector.extract_strided_slice %get3A_13 {offsets = [0, 0], sizes = [2048, 8], strides = [1, 1]} : vector<2048x16xf32> to vector<2048x8xf32>
    %mul3A_15 = vector.broadcast %exp3A : vector<2048x1xf32> to vector<2048x8xf32>
    %mul3A_16 = arith.mulf %mul3A_15, %slice3A : vector<2048x8xf32>
    %add3A_17 = arith.addf %slice3A_14, %mul3A_16 : vector<2048x8xf32>
    %get3A_18 = arith.constant 0 : index
    %get3A_19 = arith.constant 0 : index
    %get3A_20 = vector.load %arg1[%get3A_18, %get3A_19] : memref<2048x16xf32, #tpu.memory_space<vmem>>, vector<2048x16xf32>
    %slice3A_21 = vector.extract_strided_slice %get3A_20 {offsets = [0, 8], sizes = [2048, 1], strides = [1, 1]} : vector<2048x16xf32> to vector<2048x1xf32>
    %add3A_22 = arith.addf %slice3A_21, %exp3A : vector<2048x1xf32>
    %add3A_23 = arith.constant 1.000000e-16 : f32
    %add3A_24 = vector.broadcast %add3A_23 : f32 to vector<2048x1xf32>
    %add3A_25 = arith.addf %add3A_22, %add3A_24 : vector<2048x1xf32>
    %div3A = vector.broadcast %add3A_25 : vector<2048x1xf32> to vector<2048x8xf32>
    %div3A_26 = arith.divf %add3A_17, %div3A : vector<2048x8xf32>
    %get3A_27 = arith.constant 0 : index
    %get3A_28 = arith.constant 0 : index
    %get3A_29 = vector.load %arg6[%get3A_27, %get3A_28] : memref<1x16xf32, #tpu.memory_space<vmem>>, vector<1x8xf32>
    %add3A_30 = vector.broadcast %get3A_29 : vector<1x8xf32> to vector<2048x8xf32>
    %add3A_31 = arith.addf %div3A_26, %add3A_30 : vector<2048x8xf32>
    %get3A_32 = arith.constant 0 : index
    %get3A_33 = arith.constant 0 : index
    %get3A_34 = vector.load %arg4[%get3A_32, %get3A_33] : memref<2048x16xf32, #tpu.memory_space<vmem>>, vector<2048x16xf32>
    %slice3A_35 = vector.extract_strided_slice %get3A_34 {offsets = [0, 0], sizes = [2048, 8], strides = [1, 1]} : vector<2048x16xf32> to vector<2048x8xf32>
    %get3A_36 = arith.constant 0 : index
    %get3A_37 = arith.constant 0 : index
    %get3A_38 = vector.load %arg4[%get3A_36, %get3A_37] : memref<2048x16xf32, #tpu.memory_space<vmem>>, vector<2048x16xf32>
    %slice3A_39 = vector.extract_strided_slice %get3A_38 {offsets = [0, 9], sizes = [2048, 1], strides = [1, 1]} : vector<2048x16xf32> to vector<2048x1xf32>
    %get3A_40 = arith.constant 0 : index
    %get3A_41 = arith.constant 1 : index
    %get3A_42 = vector.load %arg5[%get3A_40, %get3A_41] : memref<2048x8xf32, #tpu.memory_space<vmem>>, vector<2048x1xf32>
    %add3A_43 = arith.addf %slice3A_39, %get3A_42 : vector<2048x1xf32>
    %mul3A_44 = arith.constant 2.000000e-01 : f32
    %mul3A_45 = vector.broadcast %mul3A_44 : f32 to vector<2048x1xf32>
    %mul3A_46 = arith.mulf %add3A_43, %mul3A_45 : vector<2048x1xf32>
    %max3A_47 = arith.maximumf %add3A_43, %mul3A_46 : vector<2048x1xf32>
    %exp3A_48 = math.exp %max3A_47 : vector<2048x1xf32>
    %get3A_49 = arith.constant 0 : index
    %get3A_50 = arith.constant 0 : index
    %get3A_51 = vector.load %arg2[%get3A_49, %get3A_50] : memref<2048x16xf32, #tpu.memory_space<vmem>>, vector<2048x16xf32>
    %slice3A_52 = vector.extract_strided_slice %get3A_51 {offsets = [0, 0], sizes = [2048, 8], strides = [1, 1]} : vector<2048x16xf32> to vector<2048x8xf32>
    %mul3A_53 = vector.broadcast %exp3A_48 : vector<2048x1xf32> to vector<2048x8xf32>
    %mul3A_54 = arith.mulf %mul3A_53, %slice3A_35 : vector<2048x8xf32>
    %add3A_55 = arith.addf %slice3A_52, %mul3A_54 : vector<2048x8xf32>
    %get3A_56 = arith.constant 0 : index
    %get3A_57 = arith.constant 0 : index
    %get3A_58 = vector.load %arg2[%get3A_56, %get3A_57] : memref<2048x16xf32, #tpu.memory_space<vmem>>, vector<2048x16xf32>
    %slice3A_59 = vector.extract_strided_slice %get3A_58 {offsets = [0, 8], sizes = [2048, 1], strides = [1, 1]} : vector<2048x16xf32> to vector<2048x1xf32>
    %add3A_60 = arith.addf %slice3A_59, %exp3A_48 : vector<2048x1xf32>
    %add3A_61 = arith.constant 1.000000e-16 : f32
    %add3A_62 = vector.broadcast %add3A_61 : f32 to vector<2048x1xf32>
    %add3A_63 = arith.addf %add3A_60, %add3A_62 : vector<2048x1xf32>
    %div3A_64 = vector.broadcast %add3A_63 : vector<2048x1xf32> to vector<2048x8xf32>
    %div3A_65 = arith.divf %add3A_55, %div3A_64 : vector<2048x8xf32>
    %get3A_66 = arith.constant 0 : index
    %get3A_67 = arith.constant 8 : index
    %get3A_68 = vector.load %arg6[%get3A_66, %get3A_67] : memref<1x16xf32, #tpu.memory_space<vmem>>, vector<1x8xf32>
    %add3A_69 = vector.broadcast %get3A_68 : vector<1x8xf32> to vector<2048x8xf32>
    %add3A_70 = arith.addf %div3A_65, %add3A_69 : vector<2048x8xf32>
    %concatenate3A = tpu.concatenate %add3A_31, %add3A_70 in 1 : vector<2048x8xf32>, vector<2048x8xf32> -> vector<2048x16xf32>
    %gt3A = arith.constant 0.000000e+00 : f32
    %gt3A_71 = vector.broadcast %gt3A : f32 to vector<2048x16xf32>
    %gt3A_72 = arith.cmpf ogt, %concatenate3A, %gt3A_71 : vector<2048x16xf32>
    %min3A = arith.constant 0.000000e+00 : f32
    %min3A_73 = vector.broadcast %min3A : f32 to vector<2048x16xf32>
    %min3A_74 = arith.minimumf %concatenate3A, %min3A_73 : vector<2048x16xf32>
    %exp3A_75 = math.exp %min3A_74 : vector<2048x16xf32>
    %sub3A = arith.constant 1.000000e+00 : f32
    %sub3A_76 = vector.broadcast %sub3A : f32 to vector<2048x16xf32>
    %sub3A_77 = arith.subf %exp3A_75, %sub3A_76 : vector<2048x16xf32>
    %select_n3A = arith.select %gt3A_72, %concatenate3A, %sub3A_77 : vector<2048x16xi1>, vector<2048x16xf32>
    %get3A_78 = arith.constant 0 : index
    %get3A_79 = arith.constant 0 : index
    %get3A_80 = vector.load %arg7[%get3A_78, %get3A_79] : memref<16x8xf32, #tpu.memory_space<vmem>>, vector<16x8xf32>
    %dot_general3A = arith.constant dense<0.000000e+00> : vector<2048x8xf32>
    %dot_general3A_81 = tpu.matmul %select_n3A, %get3A_80, %dot_general3A {dimension_numbers = #tpu.dot_dimension_numbers<[1], [0], [0], [1], [0, 0, 1, 1], [], []>, transpose_lhs_hint = false} : vector<2048x16xf32>, vector<16x8xf32>, vector<2048x8xf32> -> vector<2048x8xf32>
    %broadcast_in_dim3A = arith.constant 1.000000e+00 : f32
    %broadcast_in_dim3A_82 = vector.broadcast %broadcast_in_dim3A : f32 to vector<2048x1xf32>
    %broadcast_in_dim3A_83 = arith.constant 0.000000e+00 : f32
    %broadcast_in_dim3A_84 = vector.broadcast %broadcast_in_dim3A_83 : f32 to vector<2048x2xf32>
    %slice3A_85 = vector.extract_strided_slice %dot_general3A_81 {offsets = [0, 0], sizes = [2048, 4], strides = [1, 1]} : vector<2048x8xf32> to vector<2048x4xf32>
    %get3A_86 = arith.constant 0 : index
    %get3A_87 = arith.constant 0 : index
    %get3A_88 = vector.load %arg8[%get3A_86, %get3A_87] : memref<2x4xf32, #tpu.memory_space<vmem>>, vector<1x4xf32>
    %mul3A_89 = vector.broadcast %get3A_88 : vector<1x4xf32> to vector<2048x4xf32>
    %mul3A_90 = arith.mulf %slice3A_85, %mul3A_89 : vector<2048x4xf32>
    %reduce_sum3A = arith.constant dense<0.000000e+00> : vector<2048xf32>
    %reduce_sum3A_91 = vector.multi_reduction <add>, %mul3A_90, %reduce_sum3A [1] : vector<2048x4xf32> to vector<2048xf32>
    %broadcast_in_dim3A_92 = vector.shape_cast %reduce_sum3A_91 : vector<2048xf32> to vector<2048x1xf32>
    %get3A_93 = arith.constant 0 : index
    %get3A_94 = arith.constant 0 : index
    %get3A_95 = vector.load %arg9[%get3A_93, %get3A_94] : memref<2x4xf32, #tpu.memory_space<vmem>>, vector<1x4xf32>
    %mul3A_96 = vector.broadcast %get3A_95 : vector<1x4xf32> to vector<2048x4xf32>
    %mul3A_97 = arith.mulf %slice3A_85, %mul3A_96 : vector<2048x4xf32>
    %reduce_sum3A_98 = arith.constant dense<0.000000e+00> : vector<2048xf32>
    %reduce_sum3A_99 = vector.multi_reduction <add>, %mul3A_97, %reduce_sum3A_98 [1] : vector<2048x4xf32> to vector<2048xf32>
    %broadcast_in_dim3A_100 = vector.shape_cast %reduce_sum3A_99 : vector<2048xf32> to vector<2048x1xf32>
    %concatenate3A_101 = tpu.concatenate %slice3A_85, %broadcast_in_dim3A_82, %broadcast_in_dim3A_92, %broadcast_in_dim3A_84 in 1 : vector<2048x4xf32>, vector<2048x1xf32>, vector<2048x1xf32>, vector<2048x2xf32> -> vector<2048x8xf32>
    %swap3A = arith.constant 0 : index
    %swap3A_102 = arith.constant 0 : index
    %swap3A_103 = vector.load %arg10[%swap3A, %swap3A_102] : memref<2048x8xf32, #tpu.memory_space<vmem>>, vector<2048x8xf32>
    tpu.vector_store %arg10[%swap3A, %swap3A_102], %concatenate3A_101 {strides = array<i32>} : memref<2048x8xf32, #tpu.memory_space<vmem>>, vector<2048x8xf32>,
    %slice3A_104 = vector.extract_strided_slice %dot_general3A_81 {offsets = [0, 4], sizes = [2048, 4], strides = [1, 1]} : vector<2048x8xf32> to vector<2048x4xf32>
    %get3A_105 = arith.constant 1 : index
    %get3A_106 = arith.constant 0 : index
    %get3A_107 = vector.load %arg8[%get3A_105, %get3A_106] : memref<2x4xf32, #tpu.memory_space<vmem>>, vector<1x4xf32>
    %mul3A_108 = vector.broadcast %get3A_107 : vector<1x4xf32> to vector<2048x4xf32>
    %mul3A_109 = arith.mulf %slice3A_104, %mul3A_108 : vector<2048x4xf32>
    %reduce_sum3A_110 = arith.constant dense<0.000000e+00> : vector<2048xf32>
    %reduce_sum3A_111 = vector.multi_reduction <add>, %mul3A_109, %reduce_sum3A_110 [1] : vector<2048x4xf32> to vector<2048xf32>
    %broadcast_in_dim3A_112 = vector.shape_cast %reduce_sum3A_111 : vector<2048xf32> to vector<2048x1xf32>
    %get3A_113 = arith.constant 1 : index
    %get3A_114 = arith.constant 0 : index
    %get3A_115 = vector.load %arg9[%get3A_113, %get3A_114] : memref<2x4xf32, #tpu.memory_space<vmem>>, vector<1x4xf32>
    %mul3A_116 = vector.broadcast %get3A_115 : vector<1x4xf32> to vector<2048x4xf32>
    %mul3A_117 = arith.mulf %slice3A_104, %mul3A_116 : vector<2048x4xf32>
    %reduce_sum3A_118 = arith.constant dense<0.000000e+00> : vector<2048xf32>
    %reduce_sum3A_119 = vector.multi_reduction <add>, %mul3A_117, %reduce_sum3A_118 [1] : vector<2048x4xf32> to vector<2048xf32>
    %broadcast_in_dim3A_120 = vector.shape_cast %reduce_sum3A_119 : vector<2048xf32> to vector<2048x1xf32>
    %concatenate3A_121 = tpu.concatenate %slice3A_104, %broadcast_in_dim3A_82, %broadcast_in_dim3A_112, %broadcast_in_dim3A_84 in 1 : vector<2048x4xf32>, vector<2048x1xf32>, vector<2048x1xf32>, vector<2048x2xf32> -> vector<2048x8xf32>
    %swap3A_122 = arith.constant 0 : index
    %swap3A_123 = arith.constant 0 : index
    %swap3A_124 = vector.load %arg11[%swap3A_122, %swap3A_123] : memref<2048x8xf32, #tpu.memory_space<vmem>>, vector<2048x8xf32>
    tpu.vector_store %arg11[%swap3A_122, %swap3A_123], %concatenate3A_121 {strides = array<i32>} : memref<2048x8xf32, #tpu.memory_space<vmem>>, vector<2048x8xf32>,
    %broadcast_in_dim3A_125 = arith.constant 0.000000e+00 : f32
    %broadcast_in_dim3A_126 = vector.broadcast %broadcast_in_dim3A_125 : f32 to vector<2048x6xf32>
    %concatenate3A_127 = tpu.concatenate %broadcast_in_dim3A_100, %broadcast_in_dim3A_120, %broadcast_in_dim3A_126 in 1 : vector<2048x1xf32>, vector<2048x1xf32>, vector<2048x6xf32> -> vector<2048x8xf32>
    %swap3A_128 = arith.constant 0 : index
    %swap3A_129 = arith.constant 0 : index
    %swap3A_130 = vector.load %arg12[%swap3A_128, %swap3A_129] : memref<2048x8xf32, #tpu.memory_space<vmem>>, vector<2048x8xf32>
    tpu.vector_store %arg12[%swap3A_128, %swap3A_129], %concatenate3A_127 {strides = array<i32>} : memref<2048x8xf32, #tpu.memory_space<vmem>>, vector<2048x8xf32>,
    return
  }
  func.func @transform_0(%arg0: i32) -> (i32, i32) {
    %c0_i32 = arith.constant 0 : i32
    %c0_i32_0 = arith.constant 0 : i32
    return %arg0, %c0_i32 : i32, i32
  }
  func.func @transform_1(%arg0: i32) -> (i32, i32) {
    %add3A = arith.constant 49 : i32
    %add3A_0 = arith.addi %add3A, %arg0 : i32
    %c0_i32 = arith.constant 0 : i32
    %c0_i32_1 = arith.constant 0 : i32
    return %add3A_0, %c0_i32 : i32, i32
  }
  func.func @transform_2(%arg0: i32) -> (i32, i32) {
    %c0_i32 = arith.constant 0 : i32
    %c0_i32_0 = arith.constant 0 : i32
    return %arg0, %c0_i32 : i32, i32
  }
  func.func @transform_3(%arg0: i32) -> (i32, i32) {
    %c0_i32 = arith.constant 0 : i32
    %c0_i32_0 = arith.constant 0 : i32
    return %arg0, %c0_i32 : i32, i32
  }
  func.func @transform_4(%arg0: i32) -> (i32, i32) {
    %c0_i32 = arith.constant 0 : i32
    %c0_i32_0 = arith.constant 0 : i32
    return %arg0, %c0_i32 : i32, i32
  }
  func.func @transform_5(%arg0: i32) -> (i32, i32) {
    %c0_i32 = arith.constant 0 : i32
    %c0_i32_0 = arith.constant 0 : i32
    %c0_i32_1 = arith.constant 0 : i32
    return %c0_i32, %c0_i32_0 : i32, i32
  }
  func.func @transform_6(%arg0: i32) -> (i32, i32) {
    %c0_i32 = arith.constant 0 : i32
    %c0_i32_0 = arith.constant 0 : i32
    %c0_i32_1 = arith.constant 0 : i32
    return %c0_i32, %c0_i32_0 : i32, i32
  }
  func.func @transform_7(%arg0: i32) -> (i32, i32) {
    %c0_i32 = arith.constant 0 : i32
    %c0_i32_0 = arith.constant 0 : i32
    %c0_i32_1 = arith.constant 0 : i32
    return %c0_i32, %c0_i32_0 : i32, i32
  }
  func.func @transform_8(%arg0: i32) -> (i32, i32) {
    %c0_i32 = arith.constant 0 : i32
    %c0_i32_0 = arith.constant 0 : i32
    %c0_i32_1 = arith.constant 0 : i32
    return %c0_i32, %c0_i32_0 : i32, i32
  }
  func.func @transform_9(%arg0: i32) -> (i32, i32) {
    %c0_i32 = arith.constant 0 : i32
    %c0_i32_0 = arith.constant 0 : i32
    return %arg0, %c0_i32 : i32, i32
  }
  func.func @transform_10(%arg0: i32) -> (i32, i32) {
    %c0_i32 = arith.constant 0 : i32
    %c0_i32_0 = arith.constant 0 : i32
    return %arg0, %c0_i32 : i32, i32
  }
  func.func @transform_11(%arg0: i32) -> (i32, i32) {
    %c0_i32 = arith.constant 0 : i32
    %c0_i32_0 = arith.constant 0 : i32
    return %arg0, %c0_i32 : i32, i32
  }
}

module attributes {stable_mosaic.version = 14 : i64} {
  func.func @_final2_body(%arg0: i32, %arg1: memref<2048x8xf32, #tpu.memory_space<vmem>>, %arg2: memref<2048x8xf32, #tpu.memory_space<vmem>>, %arg3: memref<2048x8xf32, #tpu.memory_space<vmem>>, %arg4: memref<2048x8xf32, #tpu.memory_space<vmem>>, %arg5: memref<2048x8xf32, #tpu.memory_space<vmem>>, %arg6: memref<1x8xf32, #tpu.memory_space<vmem>>, %arg7: memref<2048x8xf32, #tpu.memory_space<vmem>>) attributes {dimension_semantics = [#tpu.dimension_semantics<arbitrary>], iteration_bounds = array<i64: 49>, scalar_prefetch = 0 : i64, scratch_operands = 0 : i64, tpu.core_type = #tpu.core_type<tc>, window_params = [{transform_indices = @transform_0, window_bounds = array<i64: 2048, 8>}, {transform_indices = @transform_1, window_bounds = array<i64: 2048, 8>}, {transform_indices = @transform_2, window_bounds = array<i64: 2048, 8>}, {transform_indices = @transform_3, window_bounds = array<i64: 2048, 8>}, {transform_indices = @transform_4, window_bounds = array<i64: 2048, 8>}, {pipeline_mode = #tpu.pipeline_mode<synchronous>, transform_indices = @transform_5, window_bounds = array<i64: 1, 8>}, {transform_indices = @transform_6, window_bounds = array<i64: 2048, 8>}]} {
    %get3A = arith.constant 0 : index
    %get3A_0 = arith.constant 0 : index
    %get3A_1 = vector.load %arg3[%get3A, %get3A_0] : memref<2048x8xf32, #tpu.memory_space<vmem>>, vector<2048x8xf32>
    %slice3A = vector.extract_strided_slice %get3A_1 {offsets = [0, 0], sizes = [2048, 4], strides = [1, 1]} : vector<2048x8xf32> to vector<2048x4xf32>
    %get3A_2 = arith.constant 0 : index
    %get3A_3 = arith.constant 0 : index
    %get3A_4 = vector.load %arg3[%get3A_2, %get3A_3] : memref<2048x8xf32, #tpu.memory_space<vmem>>, vector<2048x8xf32>
    %slice3A_5 = vector.extract_strided_slice %get3A_4 {offsets = [0, 5], sizes = [2048, 1], strides = [1, 1]} : vector<2048x8xf32> to vector<2048x1xf32>
    %get3A_6 = arith.constant 0 : index
    %get3A_7 = arith.constant 0 : index
    %get3A_8 = vector.load %arg5[%get3A_6, %get3A_7] : memref<2048x8xf32, #tpu.memory_space<vmem>>, vector<2048x1xf32>
    %add3A = arith.addf %slice3A_5, %get3A_8 : vector<2048x1xf32>
    %mul3A = arith.constant 2.000000e-01 : f32
    %mul3A_9 = vector.broadcast %mul3A : f32 to vector<2048x1xf32>
    %mul3A_10 = arith.mulf %add3A, %mul3A_9 : vector<2048x1xf32>
    %max3A = arith.maximumf %add3A, %mul3A_10 : vector<2048x1xf32>
    %exp3A = math.exp %max3A : vector<2048x1xf32>
    %get3A_11 = arith.constant 0 : index
    %get3A_12 = arith.constant 0 : index
    %get3A_13 = vector.load %arg1[%get3A_11, %get3A_12] : memref<2048x8xf32, #tpu.memory_space<vmem>>, vector<2048x8xf32>
    %slice3A_14 = vector.extract_strided_slice %get3A_13 {offsets = [0, 0], sizes = [2048, 4], strides = [1, 1]} : vector<2048x8xf32> to vector<2048x4xf32>
    %mul3A_15 = vector.broadcast %exp3A : vector<2048x1xf32> to vector<2048x4xf32>
    %mul3A_16 = arith.mulf %mul3A_15, %slice3A : vector<2048x4xf32>
    %add3A_17 = arith.addf %slice3A_14, %mul3A_16 : vector<2048x4xf32>
    %get3A_18 = arith.constant 0 : index
    %get3A_19 = arith.constant 0 : index
    %get3A_20 = vector.load %arg1[%get3A_18, %get3A_19] : memref<2048x8xf32, #tpu.memory_space<vmem>>, vector<2048x8xf32>
    %slice3A_21 = vector.extract_strided_slice %get3A_20 {offsets = [0, 4], sizes = [2048, 1], strides = [1, 1]} : vector<2048x8xf32> to vector<2048x1xf32>
    %add3A_22 = arith.addf %slice3A_21, %exp3A : vector<2048x1xf32>
    %add3A_23 = arith.constant 1.000000e-16 : f32
    %add3A_24 = vector.broadcast %add3A_23 : f32 to vector<2048x1xf32>
    %add3A_25 = arith.addf %add3A_22, %add3A_24 : vector<2048x1xf32>
    %div3A = vector.broadcast %add3A_25 : vector<2048x1xf32> to vector<2048x4xf32>
    %div3A_26 = arith.divf %add3A_17, %div3A : vector<2048x4xf32>
    %get3A_27 = arith.constant 0 : index
    %get3A_28 = arith.constant 0 : index
    %get3A_29 = vector.load %arg6[%get3A_27, %get3A_28] : memref<1x8xf32, #tpu.memory_space<vmem>>, vector<1x4xf32>
    %add3A_30 = vector.broadcast %get3A_29 : vector<1x4xf32> to vector<2048x4xf32>
    %add3A_31 = arith.addf %div3A_26, %add3A_30 : vector<2048x4xf32>
    %get3A_32 = arith.constant 0 : index
    %get3A_33 = arith.constant 0 : index
    %get3A_34 = vector.load %arg4[%get3A_32, %get3A_33] : memref<2048x8xf32, #tpu.memory_space<vmem>>, vector<2048x8xf32>
    %slice3A_35 = vector.extract_strided_slice %get3A_34 {offsets = [0, 0], sizes = [2048, 4], strides = [1, 1]} : vector<2048x8xf32> to vector<2048x4xf32>
    %get3A_36 = arith.constant 0 : index
    %get3A_37 = arith.constant 0 : index
    %get3A_38 = vector.load %arg4[%get3A_36, %get3A_37] : memref<2048x8xf32, #tpu.memory_space<vmem>>, vector<2048x8xf32>
    %slice3A_39 = vector.extract_strided_slice %get3A_38 {offsets = [0, 5], sizes = [2048, 1], strides = [1, 1]} : vector<2048x8xf32> to vector<2048x1xf32>
    %get3A_40 = arith.constant 0 : index
    %get3A_41 = arith.constant 1 : index
    %get3A_42 = vector.load %arg5[%get3A_40, %get3A_41] : memref<2048x8xf32, #tpu.memory_space<vmem>>, vector<2048x1xf32>
    %add3A_43 = arith.addf %slice3A_39, %get3A_42 : vector<2048x1xf32>
    %mul3A_44 = arith.constant 2.000000e-01 : f32
    %mul3A_45 = vector.broadcast %mul3A_44 : f32 to vector<2048x1xf32>
    %mul3A_46 = arith.mulf %add3A_43, %mul3A_45 : vector<2048x1xf32>
    %max3A_47 = arith.maximumf %add3A_43, %mul3A_46 : vector<2048x1xf32>
    %exp3A_48 = math.exp %max3A_47 : vector<2048x1xf32>
    %get3A_49 = arith.constant 0 : index
    %get3A_50 = arith.constant 0 : index
    %get3A_51 = vector.load %arg2[%get3A_49, %get3A_50] : memref<2048x8xf32, #tpu.memory_space<vmem>>, vector<2048x8xf32>
    %slice3A_52 = vector.extract_strided_slice %get3A_51 {offsets = [0, 0], sizes = [2048, 4], strides = [1, 1]} : vector<2048x8xf32> to vector<2048x4xf32>
    %mul3A_53 = vector.broadcast %exp3A_48 : vector<2048x1xf32> to vector<2048x4xf32>
    %mul3A_54 = arith.mulf %mul3A_53, %slice3A_35 : vector<2048x4xf32>
    %add3A_55 = arith.addf %slice3A_52, %mul3A_54 : vector<2048x4xf32>
    %get3A_56 = arith.constant 0 : index
    %get3A_57 = arith.constant 0 : index
    %get3A_58 = vector.load %arg2[%get3A_56, %get3A_57] : memref<2048x8xf32, #tpu.memory_space<vmem>>, vector<2048x8xf32>
    %slice3A_59 = vector.extract_strided_slice %get3A_58 {offsets = [0, 4], sizes = [2048, 1], strides = [1, 1]} : vector<2048x8xf32> to vector<2048x1xf32>
    %add3A_60 = arith.addf %slice3A_59, %exp3A_48 : vector<2048x1xf32>
    %add3A_61 = arith.constant 1.000000e-16 : f32
    %add3A_62 = vector.broadcast %add3A_61 : f32 to vector<2048x1xf32>
    %add3A_63 = arith.addf %add3A_60, %add3A_62 : vector<2048x1xf32>
    %div3A_64 = vector.broadcast %add3A_63 : vector<2048x1xf32> to vector<2048x4xf32>
    %div3A_65 = arith.divf %add3A_55, %div3A_64 : vector<2048x4xf32>
    %get3A_66 = arith.constant 0 : index
    %get3A_67 = arith.constant 4 : index
    %get3A_68 = vector.load %arg6[%get3A_66, %get3A_67] : memref<1x8xf32, #tpu.memory_space<vmem>>, vector<1x4xf32>
    %add3A_69 = vector.broadcast %get3A_68 : vector<1x4xf32> to vector<2048x4xf32>
    %add3A_70 = arith.addf %div3A_65, %add3A_69 : vector<2048x4xf32>
    %concatenate3A = tpu.concatenate %add3A_31, %add3A_70 in 1 : vector<2048x4xf32>, vector<2048x4xf32> -> vector<2048x8xf32>
    %swap3A = arith.constant 0 : index
    %swap3A_71 = arith.constant 0 : index
    %swap3A_72 = vector.load %arg7[%swap3A, %swap3A_71] : memref<2048x8xf32, #tpu.memory_space<vmem>>, vector<2048x8xf32>
    tpu.vector_store %arg7[%swap3A, %swap3A_71], %concatenate3A {strides = array<i32>} : memref<2048x8xf32, #tpu.memory_space<vmem>>, vector<2048x8xf32>,
    return
  }
  func.func @transform_0(%arg0: i32) -> (i32, i32) {
    %c0_i32 = arith.constant 0 : i32
    %c0_i32_0 = arith.constant 0 : i32
    return %arg0, %c0_i32 : i32, i32
  }
  func.func @transform_1(%arg0: i32) -> (i32, i32) {
    %add3A = arith.constant 49 : i32
    %add3A_0 = arith.addi %add3A, %arg0 : i32
    %c0_i32 = arith.constant 0 : i32
    %c0_i32_1 = arith.constant 0 : i32
    return %add3A_0, %c0_i32 : i32, i32
  }
  func.func @transform_2(%arg0: i32) -> (i32, i32) {
    %c0_i32 = arith.constant 0 : i32
    %c0_i32_0 = arith.constant 0 : i32
    return %arg0, %c0_i32 : i32, i32
  }
  func.func @transform_3(%arg0: i32) -> (i32, i32) {
    %c0_i32 = arith.constant 0 : i32
    %c0_i32_0 = arith.constant 0 : i32
    return %arg0, %c0_i32 : i32, i32
  }
  func.func @transform_4(%arg0: i32) -> (i32, i32) {
    %c0_i32 = arith.constant 0 : i32
    %c0_i32_0 = arith.constant 0 : i32
    return %arg0, %c0_i32 : i32, i32
  }
  func.func @transform_5(%arg0: i32) -> (i32, i32) {
    %c0_i32 = arith.constant 0 : i32
    %c0_i32_0 = arith.constant 0 : i32
    %c0_i32_1 = arith.constant 0 : i32
    return %c0_i32, %c0_i32_0 : i32, i32
  }
  func.func @transform_6(%arg0: i32) -> (i32, i32) {
    %c0_i32 = arith.constant 0 : i32
    %c0_i32_0 = arith.constant 0 : i32
    return %arg0, %c0_i32 : i32, i32
  }
}

</mosaic_0001>

<sc_bundles>
// kernel: kernel.10.cloned.1.call-start
scs
__scs_entry_jumppad:
0x0: {  	(pc) =	sbr.rel $0x88, $3  }
0x1: {  	(tag) =	ssettag $0x0;
	lr =	simm.s32 $0x1  }
0x2: {  	[smem:$0x3F97] =	sst lr;
	_ =	strace $0xD0000000  }
0x3: {  	_ = 	snop  }
0x4: {  	_ = 	snop  }
0x5: {  	_ = 	snop  }
0x6: {  	_ = 	snop  }
0x7: {  	_ = 	snop  }
__scs_overlays_trampoline_lowered:
0x8: {  	[smem:$0x3FA6] =	sst s0  }
0x9: {  	[smem:$0x3FA7] =	sst s1  }
0xa: {  	[smem:$0x3FA8] =	sst s2  }
0xb: {  	[smem:$0x3FA9] =	sst s3  }
0xc: {  	[smem:$0x3FAA] =	sst s4  }
0xd: {  	[smem:$0x3FAB] =	sst s5  }
0xe: {  	[smem:$0x3FAC] =	sst s6  }
0xf: {  	[smem:$0x3FAD] =	sst s7  }
0x10: {  	[smem:$0x3FAE] =	sst s8  }
0x11: {  	[smem:$0x3FAF] =	sst s9;
	s0 =	simm.s32 @!p0 $0x0  }
0x12: {  	s1 =	sld [smem:$0x3F95];
	s0 =	simm.s32 @p0 $0x1  }
0x13: {  	[smem:$0x3FB0] =	sst s0;
	s0 =	simm.s32 @!p1 $0x0  }
0x14: {  	s2 =	sld [smem:$0x3F94];
	s0 =	simm.s32 @p1 $0x1  }
0x15: {  	[smem:$0x3FB1] =	sst s0;
	s0 =	simm.s32 @!p2 $0x0  }
0x16: {  	s3 =	sld [smem:$0x3FDB];
	s0 =	simm.s32 @p2 $0x1  }
0x17: {  	s4 =	simm.s32 $0x1BF5;
	[smem:$0x3FB3] =	sst s0  }
0x18: {  	s0 =	sld [smem:$0x3F96];
	_ =	swait.ge [sflag:s4], $0x0  }
0x19: {  	s7 =	sld [smem:$0x3F97]  }
0x1a: {  	s8 =	sadd.s32 $0xFFFFE003, lr  }
0x1b: {  	s9 =	sadd.s32 $0xFFFFFEF7, lr;
	s5 =	simm.s32 $0xFFFFFFFF;
	p2 =	slt.u32 s8, $0xFFFFF086  }
0x1c: {  	p1 =	slt.u32 s9, $0xF7A;
	s5 =	simm.s32 @!p2 $0x0  }
0x1d: {  	s5 =	simm.s32 @p1 $0x1;
	p0 =	seq.s32 s7, s2  }
0x1e: {  	s7 =	smul.u32 @!p0 $0xF7A, s2;
	p2 =	seq.s32 @!p0 s5, $0x0  }
0x1f: {  	s9 =	smul.u32 $0xF7A, s1;
	s8 =	simm.s32 @!p0 $0x1BF5;
	p2 =	por !p2, p0  }
0x20: {  	[sflag:s8] =	ssyncset.s32 @!p0 $0xFFFFF086;
	s6 =	sadd.s32 @!p0 s3, s7;
	s7 =	simm.s32 @!p0 $0x108  }
0x21: {  	s3 =	sadd.s32 s3, s9;
	s6 =	sadd.s32 @!p0 $0x88, s6;
	s7 =	simm.s32 @p2 $0x1082  }
0x22: {  	[simem:s7], [sflag:s8] =	dma.local @!p0 [hbm:s6], $0xF7A  }
0x23: {  	s9 =	sor.u32 $0xD0000000, s2;
	s6 =	simm.s32 $0x108;
	_ =	swait.ge @!p0 [sflag:s8], $0x0  }
0x24: {  	s3 =	sadd.s32 $0x88, s3;
	s6 =	simm.s32 @!p1 $0x1082;
	[sflag:s4] =	ssyncset.s32 $0xFFFFF086  }
0x25: {  	[simem:s6], [sflag:s4] =	dma.local [hbm:s3], $0xF7A  }
0x26: {  	[smem:$0x3F97] =	sst s1;
	(tag) =	ssettag s2;
	_ =	strace s9  }
0x27: {  	s1 =	sld [smem:$0x3FA7]  }
0x28: {  	s2 =	sld [smem:$0x3FA8]  }
0x29: {  	s4 =	sld [smem:$0x3FAA]  }
0x2a: {  	p0 =	seq.s32 s5, $0x0;
	s5 =	sld [smem:$0x3FAB]  }
0x2b: {  	s6 =	sld [smem:$0x3FAC]  }
0x2c: {  	s7 =	sld [smem:$0x3FAD]  }
0x2d: {  	s3 =	simm.s32 $0x108;
	s8 =	sld [smem:$0x3FAE]  }
0x2e: {  	s3 =	simm.s32 @!p0 $0x1082;
	s9 =	sld [smem:$0x3FAF]  }
0x2f: {  	lr =	sadd.s32 s0, s3;
	s0 =	sld [smem:$0x3FA6]  }
0x30: {  	s3 =	sld [smem:$0x3FA9]  }
0x31: {  	[smem:$0x3FB2] =	sst s10  }
0x32: {  	s10 =	sld [smem:$0x3FB0];
	_ =	sdelay $0x3  }
0x33: {  	p0 =	seq.s32 s10, $0x1;
	s10 =	sld [smem:$0x3FB2];
	_ =	sdelay $0x3  }
0x34: {  	[smem:$0x3FB2] =	sst s10  }
0x35: {  	s10 =	sld [smem:$0x3FB1];
	_ =	sdelay $0x3  }
0x36: {  	p1 =	seq.s32 s10, $0x1;
	s10 =	sld [smem:$0x3FB2];
	_ =	sdelay $0x3  }
0x37: {  	[smem:$0x3FB2] =	sst s10  }
0x38: {  	s10 =	sld [smem:$0x3FB3]  }
0x39: {  	_ = 	snop;
	(pc) =	sbr.ind lr, $3  }
0x3a: {  	_ = 	snop  }
0x3b: {  	_ = 	snop  }
0x3c: {  	p2 =	seq.s32 s10, $0x1;
	s10 =	sld [smem:$0x3FB2]  }
0x3d: {  	_ =	shalt  }
0x3e: {  	_ =	shalt  }
0x3f: {  	_ =	shalt  }
0x40: {  	_ =	shalt  }
0x41: {  	_ =	shalt  }
0x42: {  	_ =	shalt  }
0x43: {  	_ =	shalt  }
0x44: {  	_ =	shalt  }
0x45: {  	_ =	shalt  }
0x46: {  	_ =	shalt  }
0x47: {  	_ =	shalt  }
0x48: {  	_ =	shalt  }
0x49: {  	_ =	shalt  }
0x4a: {  	_ =	shalt  }
0x4b: {  	_ =	shalt  }
0x4c: {  	_ =	shalt  }
0x4d: {  	_ =	shalt  }
0x4e: {  	_ =	shalt  }
0x4f: {  	_ =	shalt  }
0x50: {  	_ =	shalt  }
0x51: {  	_ =	shalt  }
0x52: {  	_ =	shalt  }
0x53: {  	_ =	shalt  }
0x54: {  	_ =	shalt  }
0x55: {  	_ =	shalt  }
0x56: {  	_ =	shalt  }
0x57: {  	_ =	shalt  }
0x58: {  	_ =	shalt  }
0x59: {  	_ =	shalt  }
0x5a: {  	_ =	shalt  }
0x5b: {  	_ =	shalt  }
0x5c: {  	_ =	shalt  }
0x5d: {  	_ =	shalt  }
0x5e: {  	_ =	shalt  }
0x5f: {  	_ =	shalt  }
0x60: {  	_ =	shalt  }
0x61: {  	_ =	shalt  }
0x62: {  	_ =	shalt  }
0x63: {  	_ =	shalt  }
0x64: {  	_ =	shalt  }
0x65: {  	_ =	shalt  }
0x66: {  	_ =	shalt  }
0x67: {  	_ =	shalt  }
0x68: {  	_ =	shalt  }
0x69: {  	_ =	shalt  }
0x6a: {  	_ =	shalt  }
0x6b: {  	_ =	shalt  }
0x6c: {  	_ =	shalt  }
0x6d: {  	_ =	shalt  }
0x6e: {  	_ =	shalt  }
0x6f: {  	_ =	shalt  }
0x70: {  	_ =	shalt  }
0x71: {  	_ =	shalt  }
0x72: {  	_ =	shalt  }
0x73: {  	_ =	shalt  }
0x74: {  	_ =	shalt  }
0x75: {  	_ =	shalt  }
0x76: {  	_ =	shalt  }
0x77: {  	_ =	shalt  }
0x78: {  	_ =	shalt  }
0x79: {  	_ =	shalt  }
0x7a: {  	_ =	shalt  }
0x7b: {  	_ =	shalt  }
0x7c: {  	_ =	shalt  }
0x7d: {  	_ =	shalt  }
0x7e: {  	_ =	shalt  }
0x7f: {  	_ =	shalt  }
0x80: {  	_ =	shalt  }
0x81: {  	_ =	shalt  }
0x82: {  	_ =	shalt  }
0x83: {  	_ =	shalt  }
0x84: {  	_ =	shalt  }
0x85: {  	_ =	shalt  }
0x86: {  	_ =	shalt  }
0x87: {  	_ =	shalt  }
.Lfunc_end0:
.L_simem_size_0:
called_computation.1_lowered:
.L_overlay_start_0:
0x88: {  	s2 =	sld [smem:$0x3FD9]  }
0x89: {  	s3 =	sld [smem:$0x3FFE];
	_ =	sdelay $0x1  }
0x8a: {  	s1 =	srdreg.scid  }
0x8b: {  	s0 =	sand.u32 $0x1, s1  }
0x8c: {  	s17 =	sshll.u32 s0, $0xA;
	s2 =	sadd.s32 s3, s2  }
0x8d: {  	s2 =	sadd.s32 s2, s17  }
0x8e: {  	[smem:$0x3FBE] =	sst s2  }
0x8f: {  	_ = 	snop  }
0x90: {  	s2 =	sld [smem:$0x3FD0];
	(tm) =	ssettm $0x1  }
0x91: {  	s18 =	sld [smem:$0x3FFB];
	_ =	sdelay $0x3  }
0x92: {  	_ =	strace s18  }
0x93: {  	s3 =	sld [smem:$0x3FFC];
	_ =	sdelay $0x3  }
0x94: {  	_ =	strace s3  }
0x95: {  	s3 =	sld [smem:$0x3FFD];
	_ =	sdelay $0x3  }
0x96: {  	_ =	strace s3  }
0x97: {  	_ =	strace $0x8FFFFFFF  }
0x98: {  	s19 =	sld [smem:$0x3FDB];
	_ =	sdelay $0x1  }
0x99: {  	s4 =	simm.s32 $_scs_section_size  }
0x9a: {  	s5 =	simm.s32 $_size__tile_overlayer_lowered;
	s6 =	simm.s32 $_tile_overlayer_lowered  }
0x9b: {  	s22 =	simm.s32 $0x1BFF;
	s21 =	sshll.u32 s6, $0x1;
	s3 =	sadd.s32 s4, s19  }
0x9c: {  	s7 =	simm.s32 $0x0;
	s20 =	sshll.u32 s5, $0x1;
	s5 =	sadd.s32 s21, s3  }
0x9d: {  	[timem:s7], [sflag:s22] =	dma.local [hbm:s5], s20  }
0x9e: {  	_ =	swait.ge [sflag:s22], s20  }
0x9f: {  	s4 =	ssub.s32 $0x0, s20;
	[sflag:s22] =	ssyncset.done $0x0  }
0xa0: {  	[sflag:s22] =	ssyncadd.s32 s4;
	_ =	sdelay $0x1  }
0xa1: {  	s23 =	simm.s32 $0x1B8B  }
0xa2: {  	_ =	swait.ge [sflag:s23], $0x1  }
0xa3: {  	[sflag:s23] =	ssyncset.done $0x0  }
0xa4: {  	s25 =	simm.s32 $0x1B8E;
	s24 =	sld [smem:$0x3FFE];
	[sflag:s23] =	ssyncadd.s32 $0xFFFFFFFF  }
0xa5: {  	s26 =	simm.s32 $execute0_lowered;
	[smem:$0x3FD2] =	sst s25  }
0xa6: {  	s5 =	sshll.u32 s26, $0x1;
	_ =	strace $0x80000049;
	[dreg:$0x1] =	wrdreg $0xFFFFFFFF  }
0xa7: {  	s28 =	simm.s32 $_size_execute0_lowered;
	s3 =	sadd.s32 s3, s5;
	[dreg:$0x0] =	wrdreg $0x0  }
0xa8: {  	s5 =	sshll.u32 s28, $0x1;
	[dreg:$0x2] =	wrdreg s3  }
0xa9: {  	[dreg:$0x3] =	wrdreg s5  }
0xaa: {  	[dreg:$0x4] =	wrdreg $0xC0  }
0xab: {  	_ =	task [dreg:s7], $0x5FFFF  }
0xac: {  	[dreg:$0x1] =	wrdreg $0xFFFFFFFF  }
0xad: {  	[dreg:$0x0] =	wrdreg $0x60  }
0xae: {  	[dreg:$0x2] =	wrdreg s24  }
0xaf: {  	[dreg:$0x3] =	wrdreg s2  }
0xb0: {  	[dreg:$0x4] =	wrdreg $0x0  }
0xb1: {  	[dreg:$0x5] =	wrdreg $0x9  }
0xb2: {  	_ =	task.clear_ibuf [dreg:s7], $0x6FFFF;
	_ =	strace $0x90000049  }
0xb3: {  	s29 =	simm.s32 $0x9;
	_ =	strace $0x8000004B  }
0xb4: {  	_ =	swait.ge [sflag:s29], $0x1  }
0xb5: {  	[sflag:s29] =	ssyncadd.s32 $0xFFFFFFFF  }
0xb6: {  	_ =	strace $0x9000004B  }
0xb7: {  	_ =	sfence  }
0xb8: {  	s30 =	sld [smem:$0x0];
	_ =	sdelay $0x2  }
0xb9: {  	s31 =	sshll.u32 s1, $0xD;
	s1 =	sshrl.u32 s1, $0x2  }
0xba: {  	s3 =	sand.u32 $0x4000, s31;
	s1 =	sadd.s32 s1, s30  }
0xbb: {  	s0 =	sor.u32 s3, s0;
	s1 =	sshll.u32 s1, $0x11  }
0xbc: {  	s0 =	sor.u32 s1, s0  }
0xbd: {  	s0 =	sadd.s32 $0x8F2B, s0  }
0xbe: {  	[sflag:s0] =	ssyncadd.remote.s32 $0x1  }
0xbf: {  	_ =	sfence.sel $0xFFFF  }
0xc0: {  	[dreg:$0x0] =	wrdreg $0xFFFFFFFF;
	(pc) =	sbr.abs _section_cstart, $3  }
0xc1: {  	[dreg:$0x1] =	wrdreg $0xFFFFFFFF  }
0xc2: {  	_ =	task.clear_ibuf [dreg:s7], $0x2FFFF;
	_ =	strace $0x9FFFFFFF  }
0xc3: {  	(tm) =	ssettm $0x7FFFFFFF  }
tec
execute0_lowered:
.L_overlay_start_1:
0x0: {  	(tag) =	ssettag $0x1  }
0x1: {  	s0 =	rddreg [dreg:$0x0]  }
0x2: {  	s3 =	rddreg [dreg:$0x2]  }
0x3: {  	s4 =	simm.s32 $0x0;
	s19 =	stileid.u32;
	s1 =	srdreg.scid  }
0x4: {  	s12 =	simm.s32 $0x32E00;
	s14 =	simm.s32 $0xEA00;
	s29 =	simm.s32 $0x80  }
0x5: {  	s30 =	simm.s32 $0xCA00;
	s31 =	simm.s32 $0xDA00;
	s2 =	smul.u32 $0x1880, s19  }
0x6: {  	s28 =	simm.s32 $0x2;
	[smem:$0x7FF] =	sst s4;
	s8 =	smul.u32 $0xC380, s19  }
0x7: {  	s7 =	sand.u32 $0x1, s1;
	s5 =	sadd.s32 $0x1E00, s0;
	s10 =	smul.u32 $0x30E, s19  }
0x8: {  	s6 =	sadd.s32 $0x7C600, s0;
	s11 =	smul.u32 $0x31000, s19;
	s26 =	sshll.u32 s19, $0x6  }
0x9: {  	_ =	strace $0x8000004A;
	s1 =	ssub.s32 $0x2, s7;
	p0 =	seq.s32 s7, $0x0  }
0xa: {  	s22 =	smul.u32 $0x18800, s7;
	s19 =	sor.u32 $0x1C09, s26;
	s9 =	sshrl.u32 s1, $0x1  }
0xb: {  	s2 =	sadd.s32 s2, s0;
	s21 =	sadd.s32 s6, s8;
	s11 =	sshrl.u32 s11, $0x2  }
0xc: {  	s12 =	simm.s32 @!p0 $0x1A600;
	[dreg:$0x8] =	wrdreg s19;
	s1 =	ssub.s32 s1, s9  }
0xd: {  	[dreg:$0x4] =	wrdreg s21;
	s9 =	sadd.s32 $0x40, s21;
	s2 =	sadd.s32 s22, s2  }
0xe: {  	s23 =	sadd.s32 s11, s3;
	s13 =	sadd.s32 s12, s0;
	s12 =	simm.s32 $0x9  }
0xf: {  	s0 =	simm.s32 $0xC600;
	[dreg:$0x5] =	wrdreg s9;
	s9 =	sadd.s32 $0x2, s10  }
0x10: {  	s10 =	sadd.s32 $0x3, s10;
	s2 =	sadd.s32 $0x4B600, s2;
	s1 =	smax.u32 s1, $0x1  }
0x11: {  	s24 =	sadd.s32 $0x1880, s23;
	s25 =	sadd.s32 $0x3100, s23;
	s11 =	sadd.s32 $0x4980, s23  }
0x12: {  	s15 =	sadd.s32 $0x6200, s23;
	s16 =	sadd.s32 $0x7A80, s23;
	[dreg:$0x6] =	wrdreg s2  }
0x13: {  	s17 =	sadd.s32 $0x9300, s23;
	s22 =	sshrl.u32 s23, $0x3;
	[dreg:$0x7] =	wrdreg s1  }
0x14: {  	s18 =	sadd.s32 $0xAB80, s23;
	s8 =	sshrl.u32 s24, $0x3;
	[dreg:$0x9] =	wrdreg s22  }
0x15: {  	s20 =	sshrl.u32 s25, $0x3;
	s21 =	sshrl.u32 s11, $0x3;
	[dreg:$0xa] =	wrdreg s8  }
0x16: {  	s23 =	sshrl.u32 s15, $0x3;
	s24 =	sshrl.u32 s16, $0x3;
	[dreg:$0xb] =	wrdreg s20  }
0x17: {  	s25 =	sshrl.u32 s17, $0x3;
	s26 =	sshrl.u32 s18, $0x3;
	[dreg:$0xc] =	wrdreg s21  }
0x18: {  	s2 =	simm.s32 $0x6;
	s18 =	simm.s32 $0xE200;
	[dreg:$0xd] =	wrdreg s23  }
.Ltmp0:
0x19: {  	s17 =	simm.s32 $0x4;
	[dreg:$0xe] =	wrdreg s24;
	(pc) =	sbr.rel .LBB2_1-.Ltmp0, $4  }
0x1a: {  	s1 =	simm.s32 $0xC900;
	s16 =	simm.s32 $0xC980;
	[dreg:$0xf] =	wrdreg s25  }
0x1b: {  	s11 =	simm.s32 $0xF600;
	s15 =	simm.s32 $0x0;
	[dreg:$0x10] =	wrdreg s26  }
0x1c: {  	v1 =	vlaneseq.u32;
	s25 =	simm.s32 $0xF200;
	s8 =	simm.s32 $0xD200;
	s20 =	simm.s32 $0x1  }
0x1d: {  	v1 =	vmul.u32 $0x8, v1;
	v0 =	vmov s7;
	s21 =	simm.s32 $0x3;
	s23 =	simm.s32 $0xC880;
	s24 =	simm.s32 $0xEE00  }
.LBB2_8:
0x1e: {  	s7 =	simm.s32 $0x7  }
0x1f: {  	_ =	swait.ge [sflag:s7], $0x400  }
0x20: {  	[sflag:s7] =	ssyncset.done $0x0  }
0x21: {  	[sflag:s7] =	ssyncadd.s32 $0xFFFFFC00  }
0x22: {  	_ =	swait.ge [sflag:s7], $0x400  }
0x23: {  	[sflag:s7] =	ssyncset.done $0x0  }
0x24: {  	s12 =	simm.s32 $0x8;
	[sflag:s7] =	ssyncadd.s32 $0xFFFFFC00  }
0x25: {  	_ =	swait.ge [sflag:s12], $0x400  }
0x26: {  	[sflag:s12] =	ssyncset.done $0x0  }
0x27: {  	[sflag:s12] =	ssyncadd.s32 $0xFFFFFC00  }
0x28: {  	_ =	swait.ge [sflag:s12], $0x400  }
0x29: {  	[sflag:s12] =	ssyncset.done $0x0  }
0x2a: {  	[sflag:s12] =	ssyncadd.s32 $0xFFFFFC00  }
0x2b: {  	[bflag:$0x0] =	sbarrier.arrive $0xFFFF  }
0x2c: {  	s15 =	rddreg [dreg:$0x6]  }
0x2d: {  	s19 =	rddreg [dreg:$0x8]  }
0x2e: {  	s12 =	simm.s32 $0x9;
	s22 =	rddreg [dreg:$0x9]  }
0x2f: {  	[hbm:s15], [sflag:s19] =	dma.local [spmem:s22], $0x1880  }
0x30: {  	_ =	swait.ge [sflag:s12], $0x1880  }
0x31: {  	s15 =	rddreg [dreg:$0x11]  }
0x32: {  	s26 =	rddreg [dreg:$0x7];
	s15 =	sadd.s32 $0x1, s15  }
0x33: {  	p0 =	sne.s32 s15, s26  }
.Ltmp1:
0x34: {  	_ = 	snop;
	(pc) =	sbr.rel @!p0 .LBB2_9-.Ltmp1, $3  }
0x35: {  	_ =	sdelay $0x1  }
0x36: {  	[sflag:s12] =	ssyncset.done $0x0  }
0x37: {  	[sflag:s12] =	ssyncadd.s32 $0xFFFFE780  }
.LBB2_1:
0x38: {  	[dreg:$0x11] =	wrdreg s15  }
0x39: {  	s7 =	rddreg [dreg:$0x1]  }
0x3a: {  	[tilespmem:s14], [sflag:$0x9] =	stream.linear.gather [hbm4b:s7+s4], $0x800, $0x38;
	[tilespmem:$0xFA00] =	vst v63  }
0x3b: {  	_ =	swait.ge [sflag:s12], $0x800  }
0x3c: {  	[sflag:s12] =	ssyncset.done $0x0  }
0x3d: {  	[sflag:s12] =	ssyncadd.s32 $0xFFFFF800  }
0x3e: {  	[tilespmem:s25], [sflag:$0x9] =	stream.linear.gather [hbm4b:s7+s4], $0x800, $0x38;
	[tilespmem:$0xFA00] =	vst v63  }
0x3f: {  	_ =	swait.ge [sflag:s12], $0x800  }
0x40: {  	[sflag:s12] =	ssyncset.done $0x0  }
0x41: {  	[sflag:s12] =	ssyncadd.s32 $0xFFFFF800  }
0x42: {  	[spmem:s22], [sflag:s19] =	dma.local [hbm:s7], $0x310  }
0x43: {  	_ =	swait.ge [sflag:s12], $0x310  }
0x44: {  	[sflag:s12] =	ssyncset.done $0x0  }
0x45: {  	s26 =	rddreg [dreg:$0xa];
	[sflag:s12] =	ssyncadd.s32 $0xFFFFFCF0  }
0x46: {  	[spmem:s26], [sflag:s19] =	dma.local [hbm:s7], $0x310  }
0x47: {  	_ =	swait.ge [sflag:s12], $0x310  }
0x48: {  	[sflag:s12] =	ssyncset.done $0x0  }
0x49: {  	s22 =	rddreg [dreg:$0xb];
	[sflag:s12] =	ssyncadd.s32 $0xFFFFFCF0  }
0x4a: {  	[spmem:s22], [sflag:s19] =	dma.local [hbm:s7], $0x310  }
0x4b: {  	_ =	swait.ge [sflag:s12], $0x310  }
0x4c: {  	[sflag:s12] =	ssyncset.done $0x0  }
0x4d: {  	s26 =	rddreg [dreg:$0xc];
	[sflag:s12] =	ssyncadd.s32 $0xFFFFFCF0  }
0x4e: {  	[spmem:s26], [sflag:s19] =	dma.local [hbm:s7], $0x310  }
0x4f: {  	_ =	swait.ge [sflag:s12], $0x310  }
0x50: {  	[sflag:s12] =	ssyncset.done $0x0  }
0x51: {  	s22 =	rddreg [dreg:$0xd];
	[sflag:s12] =	ssyncadd.s32 $0xFFFFFCF0  }
0x52: {  	[spmem:s22], [sflag:s19] =	dma.local [hbm:s7], $0x310  }
0x53: {  	_ =	swait.ge [sflag:s12], $0x310  }
0x54: {  	[sflag:s12] =	ssyncset.done $0x0  }
0x55: {  	s26 =	rddreg [dreg:$0xe];
	[sflag:s12] =	ssyncadd.s32 $0xFFFFFCF0  }
0x56: {  	[spmem:s26], [sflag:s19] =	dma.local [hbm:s7], $0x310  }
0x57: {  	_ =	swait.ge [sflag:s12], $0x310  }
0x58: {  	[sflag:s12] =	ssyncset.done $0x0  }
0x59: {  	s22 =	rddreg [dreg:$0xf];
	[sflag:s12] =	ssyncadd.s32 $0xFFFFFCF0  }
0x5a: {  	[spmem:s22], [sflag:s19] =	dma.local [hbm:s7], $0x310  }
0x5b: {  	_ =	swait.ge [sflag:s12], $0x310  }
0x5c: {  	[sflag:s12] =	ssyncset.done $0x0  }
0x5d: {  	s26 =	rddreg [dreg:$0x10];
	[sflag:s12] =	ssyncadd.s32 $0xFFFFFCF0  }
0x5e: {  	[spmem:s26], [sflag:s19] =	dma.local [hbm:s7], $0x310  }
0x5f: {  	_ =	swait.ge [sflag:s12], $0x310  }
0x60: {  	[sflag:s12] =	ssyncset.done $0x0  }
0x61: {  	[sflag:s12] =	ssyncadd.s32 $0xFFFFFCF0  }
0x62: {  	[bflag:$0x0] =	sbarrier.arrive $0xFFFF  }
0x63: {  	s15 =	simm.s32 $0xC400;
	s19 =	simm.s32 $0x5;
	s12 =	rddreg [dreg:$0x4]  }
0x64: {  	[tilespmem:s15], [sflag:$0x5] =	stream.linear.gather [hbm4b:s12+s4], $0x200, $0x38;
	[tilespmem:$0xFA00] =	vst v63  }
0x65: {  	_ =	swait.ge [sflag:s19], $0x200  }
0x66: {  	[sflag:s19] =	ssyncset.done $0x0  }
0x67: {  	[sflag:s19] =	ssyncadd.s32 $0xFFFFFE00  }
0x68: {  	[tilespmem:s30], [sflag:$0x1] =	stream.indirect.gather [hbm4b:s13+s29], $0x8, s15, s29, $0xb8;
	[tilespmem:$0xFA00] =	vst v63  }
0x69: {  	s22 =	simm.s32 $0xC480;
	s26 =	simm.s32 $0xCE00  }
0x6a: {  	[tilespmem:s26], [sflag:$0x1] =	stream.indirect.gather [hbm4b:s13+s29], $0x8, s22, s29, $0xb8;
	[tilespmem:$0xFA00] =	vst v63  }
0x6b: {  	s15 =	simm.s32 $0xC500  }
0x6c: {  	[tilespmem:s31], [sflag:$0x3] =	stream.indirect.gather [hbm4b:s5+s29], $0x8, s15, s29, $0xb8;
	[tilespmem:$0xFA00] =	vst v63  }
0x6d: {  	s19 =	simm.s32 $0xC580;
	s22 =	simm.s32 $0xDE00  }
0x6e: {  	[tilespmem:s22], [sflag:$0x3] =	stream.indirect.gather [hbm4b:s5+s29], $0x8, s19, s29, $0xb8;
	[tilespmem:$0xFA00] =	vst v63  }
0x6f: {  	s12 =	simm.s32 $0x0;
	s26 =	rddreg [dreg:$0x5]  }
0x70: {  	[tilespmem:s0], [sflag:$0x6] =	stream.linear.gather [hbm4b:s26+s4], $0x200, $0x38;
	[tilespmem:$0xFA00] =	vst v63  }
.LBB2_2:
0x71: {  	_ =	swait.ge [sflag:s2], $0x200  }
0x72: {  	[sflag:s2] =	ssyncset.done $0x0  }
0x73: {  	[sflag:s2] =	ssyncadd.s32 $0xFFFFFE00  }
0x74: {  	[tilespmem:s8], [sflag:$0x2] =	stream.indirect.gather [hbm4b:s13+s29], $0x8, s0, s29, $0xb8;
	[tilespmem:$0xFA00] =	vst v63  }
0x75: {  	s7 =	simm.s32 $0xC680;
	s15 =	simm.s32 $0xD600  }
0x76: {  	[tilespmem:s15], [sflag:$0x2] =	stream.indirect.gather [hbm4b:s13+s29], $0x8, s7, s29, $0xb8;
	[tilespmem:$0xFA00] =	vst v63  }
0x77: {  	s26 =	simm.s32 $0xC700  }
0x78: {  	[tilespmem:s18], [sflag:$0x4] =	stream.indirect.gather [hbm4b:s5+s29], $0x8, s26, s29, $0xb8;
	[tilespmem:$0xFA00] =	vst v63  }
0x79: {  	s19 =	simm.s32 $0xE600;
	s15 =	simm.s32 $0xC780  }
0x7a: {  	[tilespmem:s19], [sflag:$0x4] =	stream.indirect.gather [hbm4b:s5+s29], $0x8, s15, s29, $0xb8;
	[tilespmem:$0xFA00] =	vst v63  }
0x7b: {  	_ =	swait.ge [sflag:s20], $0x400  }
0x7c: {  	[sflag:s20] =	ssyncset.done $0x0  }
0x7d: {  	[sflag:s20] =	ssyncadd.s32 $0xFFFFFC00  }
0x7e: {  	_ =	swait.ge [sflag:s21], $0x400  }
0x7f: {  	[sflag:s21] =	ssyncset.done $0x0  }
0x80: {  	[sflag:s21] =	ssyncadd.s32 $0xFFFFFC00  }
0x81: {  	_ =	swait.ge [sflag:s20], $0x400  }
0x82: {  	[sflag:s20] =	ssyncset.done $0x0  }
0x83: {  	[sflag:s20] =	ssyncadd.s32 $0xFFFFFC00  }
0x84: {  	s22 =	simm.s32 $0x0;
	_ =	swait.ge [sflag:s21], $0x400  }
0x85: {  	p0 =	seq.s32 s12, $0x0;
	v2 =	vmov s22;
	[sflag:s21] =	ssyncset.done $0x0  }
0x86: {  	v2 =	vshll.u32 v2, $0x3;
	s7 =	simm.s32 @!p0 $0x7;
	[sflag:s21] =	ssyncadd.s32 $0xFFFFFC00  }
0x87: {  	v2 =	vor.u32 v1, v2;
	_ =	swait.ge @!p0 [sflag:s7], $0x400  }
0x88: {  	v3 =	vor.u32 $0x5, v2;
	[sflag:s7] =	ssyncset.done @!p0 $0x0  }
0x89: {  	v4 =	vor.u32 v0, v2;
	[sflag:s7] =	ssyncadd.s32 @!p0 $0xFFFFFC00  }
0x8a: {  	_ =	swait.ge @!p0 [sflag:s7], $0x400  }
0x8b: {  	[sflag:s7] =	ssyncset.done @!p0 $0x0  }
0x8c: {  	[sflag:s7] =	ssyncadd.s32 @!p0 $0xFFFFFC00  }
0x8d: {  	v3 =	vld.idx.msk [tilespmem:v3+s30+$0x0], $0xffff  }
0x8e: {  	v4 =	vld.idx.msk [tilespmem:v4+s31+$0x0], $0xffff;
	_ =	sdelay $0x4  }
0x8f: {  	v3 =	vadd.f32 v4, v3;
	_ =	sdelay $0x1  }
0x90: {  	v4 =	vmul.f32 $2.000000030e-01, v3;
	_ =	sdelay $0x1  }
0x91: {  	v3 =	vmax.f32 v3, v4  }
0x92: {  	v3 =	vmul.f32 $1.442695020e+00, v3;
	_ =	sdelay $0x1  }
0x93: {  	(erf) = vpow2.f32 v3;
	_ =	sdelay $0x4  }
0x94: {  	v3 =	vld.idx.msk [tilespmem:v2+s30+$0x0], $0xffff;
	_ =	sdelay $0x2  }
0x95: {  	v4 =	vor.u32 $0x1, v2  }
0x96: {  	v5 =	vpop (erf)  }
0x97: {  	v3 =	vmul.f32 v5, v3;
	_ =	sdelay $0x1  }
0x98: {  	[tilespmem:v2+s14+$0x0] =	vst.idx.msk $0xffff, v3  }
0x99: {  	v3 =	vld.idx.msk [tilespmem:v4+s30+$0x0], $0xffff;
	_ =	sdelay $0x2  }
0x9a: {  	v6 =	vor.u32 $0x2, v2;
	_ =	sdelay $0x1  }
0x9b: {  	v3 =	vmul.f32 v5, v3;
	_ =	sdelay $0x1  }
0x9c: {  	[tilespmem:v4+s14+$0x0] =	vst.idx.msk $0xffff, v3  }
0x9d: {  	v3 =	vld.idx.msk [tilespmem:v6+s30+$0x0], $0xffff;
	_ =	sdelay $0x2  }
0x9e: {  	v4 =	vor.u32 $0x3, v2;
	_ =	sdelay $0x1  }
0x9f: {  	v3 =	vmul.f32 v5, v3;
	_ =	sdelay $0x1  }
0xa0: {  	[tilespmem:v6+s14+$0x0] =	vst.idx.msk $0xffff, v3  }
0xa1: {  	s26 =	simm.s32 $0x10;
	v3 =	vld.idx.msk [tilespmem:v4+s30+$0x0], $0xffff  }
0xa2: {  	v6 =	vmov s26  }
0xa3: {  	v6 =	vshll.u32 v6, $0x3  }
0xa4: {  	v2 =	vor.u32 $0x4, v2;
	v6 =	vor.u32 v1, v6  }
0xa5: {  	v7 =	vor.u32 $0x5, v6  }
0xa6: {  	v8 =	vor.u32 v0, v6;
	v3 =	vmul.f32 v3, v5;
	_ =	sdelay $0x1  }
0xa7: {  	[tilespmem:v4+s14+$0x0] =	vst.idx.msk $0xffff, v3  }
0xa8: {  	[tilespmem:v2+s14+$0x0] =	vst.idx.msk $0xffff, v5  }
0xa9: {  	v2 =	vld.idx.msk [tilespmem:v7+s30+$0x0], $0xffff  }
0xaa: {  	v3 =	vld.idx.msk [tilespmem:v8+s31+$0x0], $0xffff;
	_ =	sdelay $0x4  }
0xab: {  	v2 =	vadd.f32 v3, v2;
	_ =	sdelay $0x1  }
0xac: {  	v3 =	vmul.f32 $2.000000030e-01, v2;
	_ =	sdelay $0x1  }
0xad: {  	v2 =	vmax.f32 v2, v3  }
0xae: {  	v2 =	vmul.f32 $1.442695020e+00, v2;
	_ =	sdelay $0x1  }
0xaf: {  	(erf) = vpow2.f32 v2;
	_ =	sdelay $0x4  }
0xb0: {  	v2 =	vld.idx.msk [tilespmem:v6+s30+$0x0], $0xffff;
	_ =	sdelay $0x2  }
0xb1: {  	v4 =	vor.u32 $0x1, v6  }
0xb2: {  	v3 =	vpop (erf)  }
0xb3: {  	v2 =	vmul.f32 v3, v2;
	_ =	sdelay $0x1  }
0xb4: {  	[tilespmem:v6+s14+$0x0] =	vst.idx.msk $0xffff, v2  }
0xb5: {  	v2 =	vld.idx.msk [tilespmem:v4+s30+$0x0], $0xffff;
	_ =	sdelay $0x2  }
0xb6: {  	v5 =	vor.u32 $0x2, v6;
	_ =	sdelay $0x1  }
0xb7: {  	v2 =	vmul.f32 v3, v2;
	_ =	sdelay $0x1  }
0xb8: {  	[tilespmem:v4+s14+$0x0] =	vst.idx.msk $0xffff, v2  }
0xb9: {  	v2 =	vld.idx.msk [tilespmem:v5+s30+$0x0], $0xffff;
	_ =	sdelay $0x2  }
0xba: {  	v4 =	vor.u32 $0x3, v6;
	_ =	sdelay $0x1  }
0xbb: {  	v2 =	vmul.f32 v3, v2;
	_ =	sdelay $0x1  }
0xbc: {  	[tilespmem:v5+s14+$0x0] =	vst.idx.msk $0xffff, v2  }
0xbd: {  	s15 =	simm.s32 $0x20;
	v8 =	vld.idx.msk [tilespmem:v4+s30+$0x0], $0xffff  }
0xbe: {  	v2 =	vmov s15  }
0xbf: {  	v2 =	vshll.u32 v2, $0x3  }
0xc0: {  	v5 =	vor.u32 $0x4, v6;
	v2 =	vor.u32 v1, v2  }
0xc1: {  	v7 =	vor.u32 $0x5, v2  }
0xc2: {  	s19 =	simm.s32 $0x40;
	s26 =	sshll.u32 s12, $0x1;
	v6 =	vor.u32 v0, v2;
	v8 =	vmul.f32 v8, v3  }
.LBB2_3:
0xc3: {  	p1 =	sne.s32 s19, $0xE0;
	s7 =	smov.u32 s19;
	s19 =	sadd.s32 $0x20, s19  }
0xc4: {  	[tilespmem:v4+s14+$0x0] =	vst.idx.msk $0xffff, v8  }
0xc5: {  	[tilespmem:v5+s14+$0x0] =	vst.idx.msk $0xffff, v3  }
0xc6: {  	v3 =	vld.idx.msk [tilespmem:v7+s30+$0x0], $0xffff  }
0xc7: {  	v4 =	vld.idx.msk [tilespmem:v6+s31+$0x0], $0xffff;
	_ =	sdelay $0x5  }
0xc8: {  	v3 =	vadd.f32 v4, v3;
	_ =	sdelay $0x1  }
0xc9: {  	v4 =	vmul.f32 $2.000000030e-01, v3;
	_ =	sdelay $0x1  }
0xca: {  	v3 =	vmax.f32 v3, v4  }
0xcb: {  	v3 =	vmul.f32 $1.442695020e+00, v3;
	_ =	sdelay $0x1  }
0xcc: {  	(erf) = vpow2.f32 v3;
	_ =	sdelay $0x2  }
0xcd: {  	v3 =	vld.idx.msk [tilespmem:v2+s30+$0x0], $0xffff;
	_ =	sdelay $0x3  }
0xce: {  	v4 =	vor.u32 $0x1, v2;
	_ =	sdelay $0x1  }
0xcf: {  	v5 =	vpop (erf)  }
0xd0: {  	v3 =	vmul.f32 v5, v3;
	_ =	sdelay $0x1  }
0xd1: {  	[tilespmem:v2+s14+$0x0] =	vst.idx.msk $0xffff, v3  }
0xd2: {  	v3 =	vld.idx.msk [tilespmem:v4+s30+$0x0], $0xffff;
	_ =	sdelay $0x2  }
0xd3: {  	v6 =	vor.u32 $0x2, v2;
	_ =	sdelay $0x2  }
0xd4: {  	v3 =	vmul.f32 v5, v3;
	_ =	sdelay $0x1  }
0xd5: {  	[tilespmem:v4+s14+$0x0] =	vst.idx.msk $0xffff, v3  }
0xd6: {  	v3 =	vld.idx.msk [tilespmem:v6+s30+$0x0], $0xffff;
	_ =	sdelay $0x2  }
0xd7: {  	v4 =	vor.u32 $0x3, v2;
	_ =	sdelay $0x2  }
0xd8: {  	v3 =	vmul.f32 v5, v3;
	_ =	sdelay $0x1  }
0xd9: {  	[tilespmem:v6+s14+$0x0] =	vst.idx.msk $0xffff, v3  }
0xda: {  	v3 =	vld.idx.msk [tilespmem:v4+s30+$0x0], $0xffff  }
0xdb: {  	s22 =	sadd.s32 $0x10, s15;
	s15 =	smov.u32 s7  }
0xdc: {  	v6 =	vmov s22  }
0xdd: {  	v2 =	vor.u32 $0x4, v2;
	v6 =	vshll.u32 v6, $0x3  }
0xde: {  	v6 =	vor.u32 v1, v6  }
0xdf: {  	v7 =	vor.u32 $0x5, v6;
	v8 =	vor.u32 v0, v6  }
0xe0: {  	v3 =	vmul.f32 v3, v5;
	_ =	sdelay $0x1  }
0xe1: {  	[tilespmem:v4+s14+$0x0] =	vst.idx.msk $0xffff, v3  }
0xe2: {  	[tilespmem:v2+s14+$0x0] =	vst.idx.msk $0xffff, v5  }
0xe3: {  	v2 =	vld.idx.msk [tilespmem:v7+s30+$0x0], $0xffff  }
0xe4: {  	v3 =	vld.idx.msk [tilespmem:v8+s31+$0x0], $0xffff;
	_ =	sdelay $0x5  }
0xe5: {  	v2 =	vadd.f32 v3, v2;
	_ =	sdelay $0x1  }
0xe6: {  	v3 =	vmul.f32 $2.000000030e-01, v2;
	_ =	sdelay $0x1  }
0xe7: {  	v2 =	vmax.f32 v2, v3  }
0xe8: {  	v2 =	vmul.f32 $1.442695020e+00, v2;
	_ =	sdelay $0x1  }
0xe9: {  	(erf) = vpow2.f32 v2;
	_ =	sdelay $0x1  }
0xea: {  	v2 =	vld.idx.msk [tilespmem:v6+s30+$0x0], $0xffff;
	_ =	sdelay $0x3  }
0xeb: {  	v4 =	vor.u32 $0x1, v6;
	_ =	sdelay $0x2  }
0xec: {  	v3 =	vpop (erf)  }
0xed: {  	v2 =	vmul.f32 v3, v2;
	_ =	sdelay $0x1  }
0xee: {  	[tilespmem:v6+s14+$0x0] =	vst.idx.msk $0xffff, v2  }
0xef: {  	v2 =	vld.idx.msk [tilespmem:v4+s30+$0x0], $0xffff;
	_ =	sdelay $0x1  }
0xf0: {  	v5 =	vor.u32 $0x2, v6;
	_ =	sdelay $0x3  }
0xf1: {  	v2 =	vmul.f32 v3, v2;
	_ =	sdelay $0x1  }
0xf2: {  	[tilespmem:v4+s14+$0x0] =	vst.idx.msk $0xffff, v2  }
0xf3: {  	v2 =	vld.idx.msk [tilespmem:v5+s30+$0x0], $0xffff;
	_ =	sdelay $0x1  }
0xf4: {  	v4 =	vor.u32 $0x3, v6;
	_ =	sdelay $0x3  }
0xf5: {  	v2 =	vmul.f32 v3, v2;
	_ =	sdelay $0x1  }
0xf6: {  	[tilespmem:v5+s14+$0x0] =	vst.idx.msk $0xffff, v2  }
0xf7: {  	v8 =	vld.idx.msk [tilespmem:v4+s30+$0x0], $0xffff;
	_ =	sdelay $0x1  }
.Ltmp2:
0xf8: {  	v2 =	vmov s15;
	v5 =	vor.u32 $0x4, v6;
	(pc) =	sbr.rel @p1 .LBB2_3-.Ltmp2, $4  }
0xf9: {  	v2 =	vshll.u32 v2, $0x3  }
0xfa: {  	v2 =	vor.u32 v1, v2  }
0xfb: {  	v7 =	vor.u32 $0x5, v2;
	v6 =	vor.u32 v0, v2  }
0xfc: {  	v8 =	vmul.f32 v8, v3  }
0xfd: {  	_ =	sdelay $0x3  }
0xfe: {  	[tilespmem:v4+s14+$0x0] =	vst.idx.msk $0xffff, v8  }
0xff: {  	[tilespmem:v5+s14+$0x0] =	vst.idx.msk $0xffff, v3  }
0x100: {  	v3 =	vld.idx.msk [tilespmem:v7+s30+$0x0], $0xffff  }
0x101: {  	v4 =	vld.idx.msk [tilespmem:v6+s31+$0x0], $0xffff;
	_ =	sdelay $0x4  }
0x102: {  	v3 =	vadd.f32 v4, v3;
	_ =	sdelay $0x1  }
0x103: {  	v4 =	vmul.f32 $2.000000030e-01, v3;
	_ =	sdelay $0x1  }
0x104: {  	v3 =	vmax.f32 v3, v4  }
0x105: {  	v3 =	vmul.f32 $1.442695020e+00, v3;
	_ =	sdelay $0x1  }
0x106: {  	(erf) = vpow2.f32 v3;
	_ =	sdelay $0x4  }
0x107: {  	v3 =	vld.idx.msk [tilespmem:v2+s30+$0x0], $0xffff;
	_ =	sdelay $0x2  }
0x108: {  	v4 =	vor.u32 $0x1, v2  }
0x109: {  	v5 =	vpop (erf)  }
0x10a: {  	v3 =	vmul.f32 v5, v3;
	_ =	sdelay $0x1  }
0x10b: {  	[tilespmem:v2+s14+$0x0] =	vst.idx.msk $0xffff, v3  }
0x10c: {  	v3 =	vld.idx.msk [tilespmem:v4+s30+$0x0], $0xffff;
	_ =	sdelay $0x2  }
0x10d: {  	v6 =	vor.u32 $0x2, v2;
	_ =	sdelay $0x1  }
0x10e: {  	v3 =	vmul.f32 v5, v3;
	_ =	sdelay $0x1  }
0x10f: {  	[tilespmem:v4+s14+$0x0] =	vst.idx.msk $0xffff, v3  }
0x110: {  	v3 =	vld.idx.msk [tilespmem:v6+s30+$0x0], $0xffff;
	_ =	sdelay $0x2  }
0x111: {  	v4 =	vor.u32 $0x3, v2;
	_ =	sdelay $0x1  }
0x112: {  	v3 =	vmul.f32 v5, v3;
	_ =	sdelay $0x1  }
0x113: {  	[tilespmem:v6+s14+$0x0] =	vst.idx.msk $0xffff, v3  }
0x114: {  	s7 =	sadd.s32 $0x10, s15;
	v3 =	vld.idx.msk [tilespmem:v4+s30+$0x0], $0xffff  }
0x115: {  	v6 =	vmov s7  }
0x116: {  	v6 =	vshll.u32 v6, $0x3  }
0x117: {  	v2 =	vor.u32 $0x4, v2;
	v6 =	vor.u32 v1, v6  }
0x118: {  	v7 =	vor.u32 $0x5, v6  }
0x119: {  	v8 =	vor.u32 v0, v6;
	v3 =	vmul.f32 v3, v5;
	_ =	sdelay $0x1  }
0x11a: {  	[tilespmem:v4+s14+$0x0] =	vst.idx.msk $0xffff, v3  }
0x11b: {  	[tilespmem:v2+s14+$0x0] =	vst.idx.msk $0xffff, v5  }
0x11c: {  	v2 =	vld.idx.msk [tilespmem:v7+s30+$0x0], $0xffff  }
0x11d: {  	v3 =	vld.idx.msk [tilespmem:v8+s31+$0x0], $0xffff;
	_ =	sdelay $0x4  }
0x11e: {  	v2 =	vadd.f32 v3, v2;
	_ =	sdelay $0x1  }
0x11f: {  	v3 =	vmul.f32 $2.000000030e-01, v2;
	_ =	sdelay $0x1  }
0x120: {  	v2 =	vmax.f32 v2, v3  }
0x121: {  	v2 =	vmul.f32 $1.442695020e+00, v2;
	_ =	sdelay $0x1  }
0x122: {  	(erf) = vpow2.f32 v2;
	_ =	sdelay $0x4  }
0x123: {  	v2 =	vld.idx.msk [tilespmem:v6+s30+$0x0], $0xffff;
	_ =	sdelay $0x2  }
0x124: {  	v3 =	vor.u32 $0x1, v6  }
0x125: {  	v4 =	vpop (erf)  }
0x126: {  	v2 =	vmul.f32 v4, v2;
	_ =	sdelay $0x1  }
0x127: {  	[tilespmem:v6+s14+$0x0] =	vst.idx.msk $0xffff, v2  }
0x128: {  	v2 =	vld.idx.msk [tilespmem:v3+s30+$0x0], $0xffff;
	_ =	sdelay $0x2  }
0x129: {  	v5 =	vor.u32 $0x2, v6;
	_ =	sdelay $0x1  }
0x12a: {  	v2 =	vmul.f32 v4, v2;
	_ =	sdelay $0x1  }
0x12b: {  	[tilespmem:v3+s14+$0x0] =	vst.idx.msk $0xffff, v2  }
0x12c: {  	v2 =	vld.idx.msk [tilespmem:v5+s30+$0x0], $0xffff;
	_ =	sdelay $0x2  }
0x12d: {  	v3 =	vor.u32 $0x3, v6;
	_ =	sdelay $0x1  }
0x12e: {  	v2 =	vmul.f32 v4, v2;
	_ =	sdelay $0x1  }
0x12f: {  	[tilespmem:v5+s14+$0x0] =	vst.idx.msk $0xffff, v2  }
0x130: {  	v2 =	vld.idx.msk [tilespmem:v3+s30+$0x0], $0xffff;
	_ =	sdelay $0x2  }
0x131: {  	v5 =	vor.u32 $0x4, v6;
	_ =	sdelay $0x1  }
0x132: {  	v2 =	vmul.f32 v2, v4;
	_ =	sdelay $0x1  }
0x133: {  	[tilespmem:v3+s14+$0x0] =	vst.idx.msk $0xffff, v2  }
0x134: {  	[tilespmem:v5+s14+$0x0] =	vst.idx.msk $0xffff, v4  }
0x135: {  	v2 =	vld [tilespmem:$0xC500]  }
0x136: {  	v3 =	vld [tilespmem:$0xC510]  }
0x137: {  	v4 =	vld [tilespmem:$0xC520]  }
0x138: {  	v5 =	vld [tilespmem:$0xC530]  }
0x139: {  	v6 =	vld [tilespmem:$0xC540]  }
0x13a: {  	[tilespmem:$0xC800] =	vst v2;
	v2 =	vld [tilespmem:$0xC550]  }
0x13b: {  	[tilespmem:$0xC810] =	vst v3;
	v3 =	vld [tilespmem:$0xC560]  }
0x13c: {  	[tilespmem:$0xC820] =	vst v4;
	v4 =	vld [tilespmem:$0xC570]  }
0x13d: {  	[tilespmem:$0xC830] =	vst v5;
	v5 =	vld [tilespmem:$0xC580]  }
0x13e: {  	[tilespmem:$0xC840] =	vst v6;
	v6 =	vld [tilespmem:$0xC590]  }
0x13f: {  	[tilespmem:$0xC850] =	vst v2;
	v2 =	vld [tilespmem:$0xC5A0]  }
0x140: {  	[tilespmem:$0xC860] =	vst v3;
	v3 =	vld [tilespmem:$0xC5B0]  }
0x141: {  	[tilespmem:$0xC870] =	vst v4;
	v4 =	vld [tilespmem:$0xC5C0]  }
0x142: {  	[tilespmem:$0xC880] =	vst v5;
	v5 =	vld [tilespmem:$0xC5D0]  }
0x143: {  	[tilespmem:$0xC890] =	vst v6;
	v6 =	vld [tilespmem:$0xC5E0]  }
0x144: {  	[tilespmem:$0xC8A0] =	vst v2;
	v2 =	vld [tilespmem:$0xC5F0]  }
0x145: {  	[tilespmem:$0xC8B0] =	vst v3  }
0x146: {  	[tilespmem:$0xC8C0] =	vst v4  }
0x147: {  	[tilespmem:$0xC8D0] =	vst v5  }
0x148: {  	p1 =	seq.s32 s12, $0x186;
	[tilespmem:$0xC8E0] =	vst v6  }
0x149: {  	s15 =	simm.s32 $0xC800;
	s7 =	sadd.s32 @!p1 s26, s9;
	[tilespmem:$0xC8F0] =	vst v2  }
0x14a: {  	[spmem:s3] =	stream.indirect.scatter.add.f32 [tilespmem:s14], [sflag:$0x7], $0x8, s15, s29, $0xb8;
	[tilespmem:$0xFA00] =	vst v63  }
0x14b: {  	s7 =	sshll.u32 @!p1 s7, $0x6  }
0x14c: {  	[spmem:s3] =	stream.indirect.scatter.add.f32 [tilespmem:s24], [sflag:$0x7], $0x8, s23, s29, $0xb8;
	[tilespmem:$0xFA00] =	vst v63  }
0x14d: {  	s19 =	simm.s32 @!p1 $0xC400;
	s7 =	sadd.s32 @!p1 s6, s7;
	s15 =	simm.s32 @!p1 $0x0  }
0x14e: {  	[tilespmem:s19], [sflag:$0x5] =	stream.linear.gather @!p1 [hbm4b:s7+s15], $0x200, $0x38;
	[tilespmem:$0xFA00] =	vst v63  }
0x14f: {  	s7 =	simm.s32 @!p1 $0x5  }
0x150: {  	_ =	swait.ge @!p1 [sflag:s7], $0x200  }
0x151: {  	[sflag:s7] =	ssyncset.done @!p1 $0x0  }
0x152: {  	s15 =	simm.s32 @!p1 $0xCA00;
	[sflag:s7] =	ssyncadd.s32 @!p1 $0xFFFFFE00;
	s7 =	simm.s32 @!p1 $0x80  }
0x153: {  	[tilespmem:s15], [sflag:$0x1] =	stream.indirect.gather @!p1 [hbm4b:s13+s7], $0x8, s19, s7, $0xb8;
	[tilespmem:$0xFA00] =	vst v63  }
0x154: {  	s15 =	simm.s32 @!p1 $0xC480;
	s19 =	simm.s32 @!p1 $0xCE00  }
0x155: {  	[tilespmem:s19], [sflag:$0x1] =	stream.indirect.gather @!p1 [hbm4b:s13+s7], $0x8, s15, s7, $0xb8;
	[tilespmem:$0xFA00] =	vst v63  }
0x156: {  	s15 =	simm.s32 @!p1 $0xC500;
	s19 =	simm.s32 @!p1 $0xDA00  }
0x157: {  	[tilespmem:s19], [sflag:$0x3] =	stream.indirect.gather @!p1 [hbm4b:s5+s7], $0x8, s15, s7, $0xb8;
	[tilespmem:$0xFA00] =	vst v63  }
0x158: {  	s15 =	simm.s32 @!p1 $0xC580;
	s19 =	simm.s32 @!p1 $0xDE00  }
0x159: {  	[tilespmem:s19], [sflag:$0x3] =	stream.indirect.gather @!p1 [hbm4b:s5+s7], $0x8, s15, s7, $0xb8;
	[tilespmem:$0xFA00] =	vst v63  }
0x15a: {  	_ =	swait.ge [sflag:s28], $0x400  }
0x15b: {  	[sflag:s28] =	ssyncset.done $0x0  }
0x15c: {  	[sflag:s28] =	ssyncadd.s32 $0xFFFFFC00  }
0x15d: {  	_ =	swait.ge [sflag:s17], $0x400  }
0x15e: {  	[sflag:s17] =	ssyncset.done $0x0  }
0x15f: {  	[sflag:s17] =	ssyncadd.s32 $0xFFFFFC00  }
0x160: {  	_ =	swait.ge [sflag:s28], $0x400  }
0x161: {  	[sflag:s28] =	ssyncset.done $0x0  }
0x162: {  	[sflag:s28] =	ssyncadd.s32 $0xFFFFFC00  }
0x163: {  	s19 =	simm.s32 $0x0;
	_ =	swait.ge [sflag:s17], $0x400  }
0x164: {  	v2 =	vmov s19;
	[sflag:s17] =	ssyncset.done $0x0  }
0x165: {  	s7 =	simm.s32 @!p0 $0x8;
	v2 =	vshll.u32 v2, $0x3;
	[sflag:s17] =	ssyncadd.s32 $0xFFFFFC00  }
0x166: {  	v2 =	vor.u32 v1, v2;
	_ =	swait.ge @!p0 [sflag:s7], $0x400  }
0x167: {  	v3 =	vor.u32 $0x5, v2;
	[sflag:s7] =	ssyncset.done @!p0 $0x0  }
0x168: {  	v4 =	vor.u32 v0, v2;
	[sflag:s7] =	ssyncadd.s32 @!p0 $0xFFFFFC00  }
0x169: {  	_ =	swait.ge @!p0 [sflag:s7], $0x400  }
0x16a: {  	[sflag:s7] =	ssyncset.done @!p0 $0x0  }
0x16b: {  	[sflag:s7] =	ssyncadd.s32 @!p0 $0xFFFFFC00  }
0x16c: {  	v3 =	vld.idx.msk [tilespmem:v3+s8+$0x0], $0xffff  }
0x16d: {  	v4 =	vld.idx.msk [tilespmem:v4+s18+$0x0], $0xffff;
	_ =	sdelay $0x4  }
0x16e: {  	v3 =	vadd.f32 v4, v3;
	_ =	sdelay $0x1  }
0x16f: {  	v4 =	vmul.f32 $2.000000030e-01, v3;
	_ =	sdelay $0x1  }
0x170: {  	v3 =	vmax.f32 v3, v4  }
0x171: {  	v3 =	vmul.f32 $1.442695020e+00, v3;
	_ =	sdelay $0x1  }
0x172: {  	(erf) = vpow2.f32 v3;
	_ =	sdelay $0x4  }
0x173: {  	v3 =	vld.idx.msk [tilespmem:v2+s8+$0x0], $0xffff;
	_ =	sdelay $0x2  }
0x174: {  	v4 =	vor.u32 $0x1, v2  }
0x175: {  	v5 =	vpop (erf)  }
0x176: {  	v3 =	vmul.f32 v5, v3;
	_ =	sdelay $0x1  }
0x177: {  	[tilespmem:v2+s25+$0x0] =	vst.idx.msk $0xffff, v3  }
0x178: {  	v3 =	vld.idx.msk [tilespmem:v4+s8+$0x0], $0xffff;
	_ =	sdelay $0x2  }
0x179: {  	v6 =	vor.u32 $0x2, v2;
	_ =	sdelay $0x1  }
0x17a: {  	v3 =	vmul.f32 v5, v3;
	_ =	sdelay $0x1  }
0x17b: {  	[tilespmem:v4+s25+$0x0] =	vst.idx.msk $0xffff, v3  }
0x17c: {  	v3 =	vld.idx.msk [tilespmem:v6+s8+$0x0], $0xffff;
	_ =	sdelay $0x2  }
0x17d: {  	v4 =	vor.u32 $0x3, v2;
	_ =	sdelay $0x1  }
0x17e: {  	v3 =	vmul.f32 v5, v3;
	_ =	sdelay $0x1  }
0x17f: {  	[tilespmem:v6+s25+$0x0] =	vst.idx.msk $0xffff, v3  }
0x180: {  	s22 =	simm.s32 $0x10;
	v3 =	vld.idx.msk [tilespmem:v4+s8+$0x0], $0xffff  }
0x181: {  	v6 =	vmov s22  }
0x182: {  	v6 =	vshll.u32 v6, $0x3  }
0x183: {  	v2 =	vor.u32 $0x4, v2;
	v6 =	vor.u32 v1, v6  }
0x184: {  	v7 =	vor.u32 $0x5, v6  }
0x185: {  	v8 =	vor.u32 v0, v6;
	v3 =	vmul.f32 v3, v5;
	_ =	sdelay $0x1  }
0x186: {  	[tilespmem:v4+s25+$0x0] =	vst.idx.msk $0xffff, v3  }
0x187: {  	[tilespmem:v2+s25+$0x0] =	vst.idx.msk $0xffff, v5  }
0x188: {  	v2 =	vld.idx.msk [tilespmem:v7+s8+$0x0], $0xffff  }
0x189: {  	v3 =	vld.idx.msk [tilespmem:v8+s18+$0x0], $0xffff;
	_ =	sdelay $0x4  }
0x18a: {  	v2 =	vadd.f32 v3, v2;
	_ =	sdelay $0x1  }
0x18b: {  	v3 =	vmul.f32 $2.000000030e-01, v2;
	_ =	sdelay $0x1  }
0x18c: {  	v2 =	vmax.f32 v2, v3  }
0x18d: {  	v2 =	vmul.f32 $1.442695020e+00, v2;
	_ =	sdelay $0x1  }
0x18e: {  	(erf) = vpow2.f32 v2;
	_ =	sdelay $0x4  }
0x18f: {  	v2 =	vld.idx.msk [tilespmem:v6+s8+$0x0], $0xffff;
	_ =	sdelay $0x2  }
0x190: {  	v4 =	vor.u32 $0x1, v6  }
0x191: {  	v3 =	vpop (erf)  }
0x192: {  	v2 =	vmul.f32 v3, v2;
	_ =	sdelay $0x1  }
0x193: {  	[tilespmem:v6+s25+$0x0] =	vst.idx.msk $0xffff, v2  }
0x194: {  	v2 =	vld.idx.msk [tilespmem:v4+s8+$0x0], $0xffff;
	_ =	sdelay $0x2  }
0x195: {  	v5 =	vor.u32 $0x2, v6;
	_ =	sdelay $0x1  }
0x196: {  	v2 =	vmul.f32 v3, v2;
	_ =	sdelay $0x1  }
0x197: {  	[tilespmem:v4+s25+$0x0] =	vst.idx.msk $0xffff, v2  }
0x198: {  	v2 =	vld.idx.msk [tilespmem:v5+s8+$0x0], $0xffff;
	_ =	sdelay $0x2  }
0x199: {  	v4 =	vor.u32 $0x3, v6;
	_ =	sdelay $0x1  }
0x19a: {  	v2 =	vmul.f32 v3, v2;
	_ =	sdelay $0x1  }
0x19b: {  	[tilespmem:v5+s25+$0x0] =	vst.idx.msk $0xffff, v2  }
0x19c: {  	s15 =	simm.s32 $0x20;
	v8 =	vld.idx.msk [tilespmem:v4+s8+$0x0], $0xffff  }
0x19d: {  	v2 =	vmov s15  }
0x19e: {  	v2 =	vshll.u32 v2, $0x3  }
0x19f: {  	v5 =	vor.u32 $0x4, v6;
	v2 =	vor.u32 v1, v2  }
0x1a0: {  	v7 =	vor.u32 $0x5, v2  }
0x1a1: {  	s19 =	simm.s32 $0x40;
	v6 =	vor.u32 v0, v2;
	v8 =	vmul.f32 v8, v3  }
.LBB2_5:
0x1a2: {  	p0 =	sne.s32 s19, $0xE0;
	s7 =	smov.u32 s19;
	s19 =	sadd.s32 $0x20, s19  }
0x1a3: {  	[tilespmem:v4+s25+$0x0] =	vst.idx.msk $0xffff, v8  }
0x1a4: {  	[tilespmem:v5+s25+$0x0] =	vst.idx.msk $0xffff, v3  }
0x1a5: {  	v3 =	vld.idx.msk [tilespmem:v7+s8+$0x0], $0xffff  }
0x1a6: {  	v4 =	vld.idx.msk [tilespmem:v6+s18+$0x0], $0xffff;
	_ =	sdelay $0x5  }
0x1a7: {  	v3 =	vadd.f32 v4, v3;
	_ =	sdelay $0x1  }
0x1a8: {  	v4 =	vmul.f32 $2.000000030e-01, v3;
	_ =	sdelay $0x1  }
0x1a9: {  	v3 =	vmax.f32 v3, v4  }
0x1aa: {  	v3 =	vmul.f32 $1.442695020e+00, v3;
	_ =	sdelay $0x1  }
0x1ab: {  	(erf) = vpow2.f32 v3;
	_ =	sdelay $0x2  }
0x1ac: {  	v3 =	vld.idx.msk [tilespmem:v2+s8+$0x0], $0xffff;
	_ =	sdelay $0x3  }
0x1ad: {  	v4 =	vor.u32 $0x1, v2;
	_ =	sdelay $0x1  }
0x1ae: {  	v5 =	vpop (erf)  }
0x1af: {  	v3 =	vmul.f32 v5, v3;
	_ =	sdelay $0x1  }
0x1b0: {  	[tilespmem:v2+s25+$0x0] =	vst.idx.msk $0xffff, v3  }
0x1b1: {  	v3 =	vld.idx.msk [tilespmem:v4+s8+$0x0], $0xffff;
	_ =	sdelay $0x2  }
0x1b2: {  	v6 =	vor.u32 $0x2, v2;
	_ =	sdelay $0x2  }
0x1b3: {  	v3 =	vmul.f32 v5, v3;
	_ =	sdelay $0x1  }
0x1b4: {  	[tilespmem:v4+s25+$0x0] =	vst.idx.msk $0xffff, v3  }
0x1b5: {  	v3 =	vld.idx.msk [tilespmem:v6+s8+$0x0], $0xffff;
	_ =	sdelay $0x2  }
0x1b6: {  	v4 =	vor.u32 $0x3, v2;
	_ =	sdelay $0x2  }
0x1b7: {  	v3 =	vmul.f32 v5, v3;
	_ =	sdelay $0x1  }
0x1b8: {  	[tilespmem:v6+s25+$0x0] =	vst.idx.msk $0xffff, v3  }
0x1b9: {  	v3 =	vld.idx.msk [tilespmem:v4+s8+$0x0], $0xffff  }
0x1ba: {  	s22 =	sadd.s32 $0x10, s15;
	s15 =	smov.u32 s7  }
0x1bb: {  	v6 =	vmov s22  }
0x1bc: {  	v2 =	vor.u32 $0x4, v2;
	v6 =	vshll.u32 v6, $0x3  }
0x1bd: {  	v6 =	vor.u32 v1, v6  }
0x1be: {  	v7 =	vor.u32 $0x5, v6;
	v8 =	vor.u32 v0, v6  }
0x1bf: {  	v3 =	vmul.f32 v3, v5;
	_ =	sdelay $0x1  }
0x1c0: {  	[tilespmem:v4+s25+$0x0] =	vst.idx.msk $0xffff, v3  }
0x1c1: {  	[tilespmem:v2+s25+$0x0] =	vst.idx.msk $0xffff, v5  }
0x1c2: {  	v2 =	vld.idx.msk [tilespmem:v7+s8+$0x0], $0xffff  }
0x1c3: {  	v3 =	vld.idx.msk [tilespmem:v8+s18+$0x0], $0xffff;
	_ =	sdelay $0x5  }
0x1c4: {  	v2 =	vadd.f32 v3, v2;
	_ =	sdelay $0x1  }
0x1c5: {  	v3 =	vmul.f32 $2.000000030e-01, v2;
	_ =	sdelay $0x1  }
0x1c6: {  	v2 =	vmax.f32 v2, v3  }
0x1c7: {  	v2 =	vmul.f32 $1.442695020e+00, v2;
	_ =	sdelay $0x1  }
0x1c8: {  	(erf) = vpow2.f32 v2;
	_ =	sdelay $0x1  }
0x1c9: {  	v2 =	vld.idx.msk [tilespmem:v6+s8+$0x0], $0xffff;
	_ =	sdelay $0x3  }
0x1ca: {  	v4 =	vor.u32 $0x1, v6;
	_ =	sdelay $0x2  }
0x1cb: {  	v3 =	vpop (erf)  }
0x1cc: {  	v2 =	vmul.f32 v3, v2;
	_ =	sdelay $0x1  }
0x1cd: {  	[tilespmem:v6+s25+$0x0] =	vst.idx.msk $0xffff, v2  }
0x1ce: {  	v2 =	vld.idx.msk [tilespmem:v4+s8+$0x0], $0xffff;
	_ =	sdelay $0x1  }
0x1cf: {  	v5 =	vor.u32 $0x2, v6;
	_ =	sdelay $0x3  }
0x1d0: {  	v2 =	vmul.f32 v3, v2;
	_ =	sdelay $0x1  }
0x1d1: {  	[tilespmem:v4+s25+$0x0] =	vst.idx.msk $0xffff, v2  }
0x1d2: {  	v2 =	vld.idx.msk [tilespmem:v5+s8+$0x0], $0xffff;
	_ =	sdelay $0x1  }
0x1d3: {  	v4 =	vor.u32 $0x3, v6;
	_ =	sdelay $0x3  }
0x1d4: {  	v2 =	vmul.f32 v3, v2;
	_ =	sdelay $0x1  }
0x1d5: {  	[tilespmem:v5+s25+$0x0] =	vst.idx.msk $0xffff, v2  }
0x1d6: {  	v8 =	vld.idx.msk [tilespmem:v4+s8+$0x0], $0xffff;
	_ =	sdelay $0x1  }
.Ltmp3:
0x1d7: {  	v2 =	vmov s15;
	v5 =	vor.u32 $0x4, v6;
	(pc) =	sbr.rel @p0 .LBB2_5-.Ltmp3, $4  }
0x1d8: {  	v2 =	vshll.u32 v2, $0x3  }
0x1d9: {  	v2 =	vor.u32 v1, v2  }
0x1da: {  	v7 =	vor.u32 $0x5, v2;
	v6 =	vor.u32 v0, v2  }
0x1db: {  	v8 =	vmul.f32 v8, v3  }
0x1dc: {  	_ =	sdelay $0x3  }
0x1dd: {  	[tilespmem:v4+s25+$0x0] =	vst.idx.msk $0xffff, v8  }
0x1de: {  	[tilespmem:v5+s25+$0x0] =	vst.idx.msk $0xffff, v3  }
0x1df: {  	v3 =	vld.idx.msk [tilespmem:v7+s8+$0x0], $0xffff  }
0x1e0: {  	v4 =	vld.idx.msk [tilespmem:v6+s18+$0x0], $0xffff;
	_ =	sdelay $0x4  }
0x1e1: {  	v3 =	vadd.f32 v4, v3;
	_ =	sdelay $0x1  }
0x1e2: {  	v4 =	vmul.f32 $2.000000030e-01, v3;
	_ =	sdelay $0x1  }
0x1e3: {  	v3 =	vmax.f32 v3, v4  }
0x1e4: {  	v3 =	vmul.f32 $1.442695020e+00, v3;
	_ =	sdelay $0x1  }
0x1e5: {  	(erf) = vpow2.f32 v3;
	_ =	sdelay $0x4  }
0x1e6: {  	v3 =	vld.idx.msk [tilespmem:v2+s8+$0x0], $0xffff;
	_ =	sdelay $0x2  }
0x1e7: {  	v47 =	vor.u32 $0x1, v2  }
0x1e8: {  	v48 =	vpop (erf)  }
0x1e9: {  	v3 =	vmul.f32 v48, v3;
	_ =	sdelay $0x1  }
0x1ea: {  	[tilespmem:v2+s25+$0x0] =	vst.idx.msk $0xffff, v3  }
0x1eb: {  	v3 =	vld.idx.msk [tilespmem:v47+s8+$0x0], $0xffff;
	_ =	sdelay $0x2  }
0x1ec: {  	v49 =	vor.u32 $0x2, v2;
	_ =	sdelay $0x1  }
0x1ed: {  	v3 =	vmul.f32 v48, v3;
	_ =	sdelay $0x1  }
0x1ee: {  	[tilespmem:v47+s25+$0x0] =	vst.idx.msk $0xffff, v3  }
0x1ef: {  	v3 =	vld.idx.msk [tilespmem:v49+s8+$0x0], $0xffff;
	_ =	sdelay $0x2  }
0x1f0: {  	v50 =	vor.u32 $0x3, v2;
	_ =	sdelay $0x1  }
0x1f1: {  	v3 =	vmul.f32 v48, v3;
	_ =	sdelay $0x1  }
0x1f2: {  	[tilespmem:v49+s25+$0x0] =	vst.idx.msk $0xffff, v3  }
0x1f3: {  	s7 =	sadd.s32 $0x10, s15;
	v3 =	vld.idx.msk [tilespmem:v50+s8+$0x0], $0xffff  }
0x1f4: {  	v51 =	vmov s7  }
0x1f5: {  	v6 =	vshll.u32 v51, $0x3  }
0x1f6: {  	v6 =	vor.u32 v1, v6;
	v2 =	vor.u32 $0x4, v2  }
0x1f7: {  	v52 =	vor.u32 $0x5, v6  }
0x1f8: {  	v53 =	vor.u32 v0, v6;
	v3 =	vmul.f32 v3, v48;
	_ =	sdelay $0x1  }
0x1f9: {  	[tilespmem:v50+s25+$0x0] =	vst.idx.msk $0xffff, v3  }
0x1fa: {  	[tilespmem:v2+s25+$0x0] =	vst.idx.msk $0xffff, v48  }
0x1fb: {  	v2 =	vld.idx.msk [tilespmem:v52+s8+$0x0], $0xffff  }
0x1fc: {  	v3 =	vld.idx.msk [tilespmem:v53+s18+$0x0], $0xffff;
	_ =	sdelay $0x4  }
0x1fd: {  	v2 =	vadd.f32 v3, v2;
	_ =	sdelay $0x1  }
0x1fe: {  	v3 =	vmul.f32 $2.000000030e-01, v2;
	_ =	sdelay $0x1  }
0x1ff: {  	v2 =	vmax.f32 v2, v3  }
0x200: {  	v2 =	vmul.f32 $1.442695020e+00, v2;
	_ =	sdelay $0x1  }
0x201: {  	(erf) = vpow2.f32 v2;
	_ =	sdelay $0x4  }
0x202: {  	v2 =	vld.idx.msk [tilespmem:v6+s8+$0x0], $0xffff;
	_ =	sdelay $0x2  }
0x203: {  	v3 =	vor.u32 $0x1, v6  }
0x204: {  	v54 =	vpop (erf)  }
0x205: {  	v2 =	vmul.f32 v54, v2;
	_ =	sdelay $0x1  }
0x206: {  	[tilespmem:v6+s25+$0x0] =	vst.idx.msk $0xffff, v2  }
0x207: {  	v2 =	vld.idx.msk [tilespmem:v3+s8+$0x0], $0xffff;
	_ =	sdelay $0x2  }
0x208: {  	v55 =	vor.u32 $0x2, v6;
	_ =	sdelay $0x1  }
0x209: {  	v2 =	vmul.f32 v54, v2;
	_ =	sdelay $0x1  }
0x20a: {  	[tilespmem:v3+s25+$0x0] =	vst.idx.msk $0xffff, v2  }
0x20b: {  	v2 =	vld.idx.msk [tilespmem:v55+s8+$0x0], $0xffff;
	_ =	sdelay $0x2  }
0x20c: {  	v3 =	vor.u32 $0x3, v6;
	_ =	sdelay $0x1  }
0x20d: {  	v2 =	vmul.f32 v54, v2;
	_ =	sdelay $0x1  }
0x20e: {  	[tilespmem:v55+s25+$0x0] =	vst.idx.msk $0xffff, v2  }
0x20f: {  	v2 =	vld.idx.msk [tilespmem:v3+s8+$0x0], $0xffff;
	_ =	sdelay $0x2  }
0x210: {  	v56 =	vor.u32 $0x4, v6;
	_ =	sdelay $0x1  }
0x211: {  	v2 =	vmul.f32 v2, v54;
	_ =	sdelay $0x1  }
0x212: {  	[tilespmem:v3+s25+$0x0] =	vst.idx.msk $0xffff, v2  }
0x213: {  	[tilespmem:v56+s25+$0x0] =	vst.idx.msk $0xffff, v54  }
0x214: {  	v2 =	vld [tilespmem:$0xC700]  }
0x215: {  	v3 =	vld [tilespmem:$0xC710]  }
0x216: {  	v4 =	vld [tilespmem:$0xC720]  }
0x217: {  	v5 =	vld [tilespmem:$0xC730]  }
0x218: {  	v57 =	vld [tilespmem:$0xC740]  }
0x219: {  	[tilespmem:$0xC900] =	vst v2;
	v2 =	vld [tilespmem:$0xC750]  }
0x21a: {  	v58 =	vld [tilespmem:$0xC770];
	[tilespmem:$0xC910] =	vst v3  }
0x21b: {  	v59 =	vld [tilespmem:$0xC780];
	[tilespmem:$0xC920] =	vst v4  }
0x21c: {  	v60 =	vld [tilespmem:$0xC790];
	[tilespmem:$0xC930] =	vst v5  }
0x21d: {  	v3 =	vld [tilespmem:$0xC760];
	[tilespmem:$0xC940] =	vst v57  }
0x21e: {  	[tilespmem:$0xC950] =	vst v2;
	v2 =	vld [tilespmem:$0xC7A0]  }
0x21f: {  	v61 =	vld [tilespmem:$0xC7C0];
	[tilespmem:$0xC970] =	vst v58  }
0x220: {  	v62 =	vld [tilespmem:$0xC7D0];
	[tilespmem:$0xC980] =	vst v59  }
0x221: {  	v63 =	vld [tilespmem:$0xC7E0];
	[tilespmem:$0xC990] =	vst v60  }
0x222: {  	[tilespmem:$0xC960] =	vst v3;
	v3 =	vld [tilespmem:$0xC7B0]  }
0x223: {  	[tilespmem:$0xC9A0] =	vst v2;
	v2 =	vld [tilespmem:$0xC7F0]  }
0x224: {  	[tilespmem:$0xC9C0] =	vst v61  }
0x225: {  	[tilespmem:$0xC9D0] =	vst v62  }
0x226: {  	[tilespmem:$0xC9E0] =	vst v63  }
.Ltmp4:
0x227: {  	[tilespmem:$0xC9B0] =	vst v3;
	(pc) =	sbr.rel @p1 .LBB2_8-.Ltmp4, $4  }
0x228: {  	[tilespmem:$0xC9F0] =	vst v2  }
0x229: {  	[spmem:s3] =	stream.indirect.scatter.add.f32 [tilespmem:s25], [sflag:$0x8], $0x8, s1, s29, $0xb8;
	[tilespmem:$0xFA00] =	vst v63  }
0x22a: {  	_ = 	snop  }
0x22b: {  	[spmem:s3] =	stream.indirect.scatter.add.f32 [tilespmem:s11], [sflag:$0x8], $0x8, s16, s29, $0xb8;
	[tilespmem:$0xFA00] =	vst v63  }
.Ltmp5:
0x22c: {  	(pc) =	sbr.rel .LBB2_2-.Ltmp5, $4  }
0x22d: {  	s7 =	sadd.s32 s26, s10  }
0x22e: {  	s7 =	sshll.u32 s7, $0x6  }
0x22f: {  	s12 =	sadd.s32 $0x1, s12;
	s7 =	sadd.s32 s6, s7  }
0x230: {  	[tilespmem:s0], [sflag:$0x6] =	stream.linear.gather [hbm4b:s7+s4], $0x200, $0x38;
	[tilespmem:$0xFA00] =	vst v63  }
.LBB2_9:
0x231: {  	_ =	sfence.sel $0x180000  }
0x232: {  	[bflag:$0x0] =	sbarrier.arrive $0xFFFF  }
0x233: {  	_ =	strace $0x9000004A  }
0x234: {  	s0 =	stileid.u32;
	[bflag:$0x2] =	sbarrier.arrive $0xFFFF  }
0x235: {  	p0 =	sne.s32 s0, $0x0;
	s0 =	rddreg [dreg:$0x3]  }
0x236: {  	s0 =	sadd.s32 @!p0 $0x100000, s0  }
0x237: {  	[sflag:s0] =	ssyncadd.tile.s32 @!p0 $0x1;
	_ =	shalt  }
.Lfunc_end2:
_tile_overlayer_lowered:
.L_overlay_start_2:
0x238: {  	(tag) =	ssettag $0x2  }
0x239: {  	s0 =	rddreg [dreg:$0x0];
	s2 =	stileid.u32  }
0x23a: {  	s1 =	rddreg [dreg:$0x1];
	p0 =	sne.s32 s2, $0x0  }
0x23b: {  	s3 =	rddreg [dreg:$0x2];
	[bflag:$0x3] =	sbarrier.arrive $0xFFFF;
	s2 =	simm.s32 @!p0 $0x1C09  }
0x23c: {  	[timem:s3], [sflag:s2] =	dma.local @!p0 [hbm:s0], s1  }
0x23d: {  	s0 =	simm.s32 @!p0 $0x9  }
0x23e: {  	_ =	swait.ge @!p0 [sflag:s0], s1  }
0x23f: {  	s1 =	ssub.s32 @!p0 $0x0, s1;
	[sflag:s0] =	ssyncset.done @!p0 $0x0  }
0x240: {  	[sflag:s0] =	ssyncadd.s32 @!p0 s1  }
0x241: {  	[bflag:$0x3] =	sbarrier.arrive $0xFFFF  }
0x242: {  	_ =	shalt  }

// kernel: kernel.7.cloned.1.call-start
scs
__scs_entry_jumppad:
0x0: {  	(pc) =	sbr.rel $0x88, $3  }
0x1: {  	(tag) =	ssettag $0x0;
	lr =	simm.s32 $0x1  }
0x2: {  	[smem:$0x3F97] =	sst lr;
	_ =	strace $0xD0000000  }
0x3: {  	_ = 	snop  }
0x4: {  	_ = 	snop  }
0x5: {  	_ = 	snop  }
0x6: {  	_ = 	snop  }
0x7: {  	_ = 	snop  }
__scs_overlays_trampoline_lowered:
0x8: {  	[smem:$0x3FA6] =	sst s0  }
0x9: {  	[smem:$0x3FA7] =	sst s1  }
0xa: {  	[smem:$0x3FA8] =	sst s2  }
0xb: {  	[smem:$0x3FA9] =	sst s3  }
0xc: {  	[smem:$0x3FAA] =	sst s4  }
0xd: {  	[smem:$0x3FAB] =	sst s5  }
0xe: {  	[smem:$0x3FAC] =	sst s6  }
0xf: {  	[smem:$0x3FAD] =	sst s7  }
0x10: {  	[smem:$0x3FAE] =	sst s8  }
0x11: {  	[smem:$0x3FAF] =	sst s9;
	s0 =	simm.s32 @!p0 $0x0  }
0x12: {  	s1 =	sld [smem:$0x3F95];
	s0 =	simm.s32 @p0 $0x1  }
0x13: {  	[smem:$0x3FB0] =	sst s0;
	s0 =	simm.s32 @!p1 $0x0  }
0x14: {  	s2 =	sld [smem:$0x3F94];
	s0 =	simm.s32 @p1 $0x1  }
0x15: {  	[smem:$0x3FB1] =	sst s0;
	s0 =	simm.s32 @!p2 $0x0  }
0x16: {  	s3 =	sld [smem:$0x3FDB];
	s0 =	simm.s32 @p2 $0x1  }
0x17: {  	s4 =	simm.s32 $0x1BF5;
	[smem:$0x3FB3] =	sst s0  }
0x18: {  	s0 =	sld [smem:$0x3F96];
	_ =	swait.ge [sflag:s4], $0x0  }
0x19: {  	s7 =	sld [smem:$0x3F97]  }
0x1a: {  	s8 =	sadd.s32 $0xFFFFE003, lr  }
0x1b: {  	s9 =	sadd.s32 $0xFFFFFEF7, lr;
	s5 =	simm.s32 $0xFFFFFFFF;
	p2 =	slt.u32 s8, $0xFFFFF086  }
0x1c: {  	p1 =	slt.u32 s9, $0xF7A;
	s5 =	simm.s32 @!p2 $0x0  }
0x1d: {  	s5 =	simm.s32 @p1 $0x1;
	p0 =	seq.s32 s7, s2  }
0x1e: {  	s7 =	smul.u32 @!p0 $0xF7A, s2;
	p2 =	seq.s32 @!p0 s5, $0x0  }
0x1f: {  	s9 =	smul.u32 $0xF7A, s1;
	s8 =	simm.s32 @!p0 $0x1BF5;
	p2 =	por !p2, p0  }
0x20: {  	[sflag:s8] =	ssyncset.s32 @!p0 $0xFFFFF086;
	s6 =	sadd.s32 @!p0 s3, s7;
	s7 =	simm.s32 @!p0 $0x108  }
0x21: {  	s3 =	sadd.s32 s3, s9;
	s6 =	sadd.s32 @!p0 $0x88, s6;
	s7 =	simm.s32 @p2 $0x1082  }
0x22: {  	[simem:s7], [sflag:s8] =	dma.local @!p0 [hbm:s6], $0xF7A  }
0x23: {  	s9 =	sor.u32 $0xD0000000, s2;
	s6 =	simm.s32 $0x108;
	_ =	swait.ge @!p0 [sflag:s8], $0x0  }
0x24: {  	s3 =	sadd.s32 $0x88, s3;
	s6 =	simm.s32 @!p1 $0x1082;
	[sflag:s4] =	ssyncset.s32 $0xFFFFF086  }
0x25: {  	[simem:s6], [sflag:s4] =	dma.local [hbm:s3], $0xF7A  }
0x26: {  	[smem:$0x3F97] =	sst s1;
	(tag) =	ssettag s2;
	_ =	strace s9  }
0x27: {  	s1 =	sld [smem:$0x3FA7]  }
0x28: {  	s2 =	sld [smem:$0x3FA8]  }
0x29: {  	s4 =	sld [smem:$0x3FAA]  }
0x2a: {  	p0 =	seq.s32 s5, $0x0;
	s5 =	sld [smem:$0x3FAB]  }
0x2b: {  	s6 =	sld [smem:$0x3FAC]  }
0x2c: {  	s7 =	sld [smem:$0x3FAD]  }
0x2d: {  	s3 =	simm.s32 $0x108;
	s8 =	sld [smem:$0x3FAE]  }
0x2e: {  	s3 =	simm.s32 @!p0 $0x1082;
	s9 =	sld [smem:$0x3FAF]  }
0x2f: {  	lr =	sadd.s32 s0, s3;
	s0 =	sld [smem:$0x3FA6]  }
0x30: {  	s3 =	sld [smem:$0x3FA9]  }
0x31: {  	[smem:$0x3FB2] =	sst s10  }
0x32: {  	s10 =	sld [smem:$0x3FB0];
	_ =	sdelay $0x3  }
0x33: {  	p0 =	seq.s32 s10, $0x1;
	s10 =	sld [smem:$0x3FB2];
	_ =	sdelay $0x3  }
0x34: {  	[smem:$0x3FB2] =	sst s10  }
0x35: {  	s10 =	sld [smem:$0x3FB1];
	_ =	sdelay $0x3  }
0x36: {  	p1 =	seq.s32 s10, $0x1;
	s10 =	sld [smem:$0x3FB2];
	_ =	sdelay $0x3  }
0x37: {  	[smem:$0x3FB2] =	sst s10  }
0x38: {  	s10 =	sld [smem:$0x3FB3]  }
0x39: {  	_ = 	snop;
	(pc) =	sbr.ind lr, $3  }
0x3a: {  	_ = 	snop  }
0x3b: {  	_ = 	snop  }
0x3c: {  	p2 =	seq.s32 s10, $0x1;
	s10 =	sld [smem:$0x3FB2]  }
0x3d: {  	_ =	shalt  }
0x3e: {  	_ =	shalt  }
0x3f: {  	_ =	shalt  }
0x40: {  	_ =	shalt  }
0x41: {  	_ =	shalt  }
0x42: {  	_ =	shalt  }
0x43: {  	_ =	shalt  }
0x44: {  	_ =	shalt  }
0x45: {  	_ =	shalt  }
0x46: {  	_ =	shalt  }
0x47: {  	_ =	shalt  }
0x48: {  	_ =	shalt  }
0x49: {  	_ =	shalt  }
0x4a: {  	_ =	shalt  }
0x4b: {  	_ =	shalt  }
0x4c: {  	_ =	shalt  }
0x4d: {  	_ =	shalt  }
0x4e: {  	_ =	shalt  }
0x4f: {  	_ =	shalt  }
0x50: {  	_ =	shalt  }
0x51: {  	_ =	shalt  }
0x52: {  	_ =	shalt  }
0x53: {  	_ =	shalt  }
0x54: {  	_ =	shalt  }
0x55: {  	_ =	shalt  }
0x56: {  	_ =	shalt  }
0x57: {  	_ =	shalt  }
0x58: {  	_ =	shalt  }
0x59: {  	_ =	shalt  }
0x5a: {  	_ =	shalt  }
0x5b: {  	_ =	shalt  }
0x5c: {  	_ =	shalt  }
0x5d: {  	_ =	shalt  }
0x5e: {  	_ =	shalt  }
0x5f: {  	_ =	shalt  }
0x60: {  	_ =	shalt  }
0x61: {  	_ =	shalt  }
0x62: {  	_ =	shalt  }
0x63: {  	_ =	shalt  }
0x64: {  	_ =	shalt  }
0x65: {  	_ =	shalt  }
0x66: {  	_ =	shalt  }
0x67: {  	_ =	shalt  }
0x68: {  	_ =	shalt  }
0x69: {  	_ =	shalt  }
0x6a: {  	_ =	shalt  }
0x6b: {  	_ =	shalt  }
0x6c: {  	_ =	shalt  }
0x6d: {  	_ =	shalt  }
0x6e: {  	_ =	shalt  }
0x6f: {  	_ =	shalt  }
0x70: {  	_ =	shalt  }
0x71: {  	_ =	shalt  }
0x72: {  	_ =	shalt  }
0x73: {  	_ =	shalt  }
0x74: {  	_ =	shalt  }
0x75: {  	_ =	shalt  }
0x76: {  	_ =	shalt  }
0x77: {  	_ =	shalt  }
0x78: {  	_ =	shalt  }
0x79: {  	_ =	shalt  }
0x7a: {  	_ =	shalt  }
0x7b: {  	_ =	shalt  }
0x7c: {  	_ =	shalt  }
0x7d: {  	_ =	shalt  }
0x7e: {  	_ =	shalt  }
0x7f: {  	_ =	shalt  }
0x80: {  	_ =	shalt  }
0x81: {  	_ =	shalt  }
0x82: {  	_ =	shalt  }
0x83: {  	_ =	shalt  }
0x84: {  	_ =	shalt  }
0x85: {  	_ =	shalt  }
0x86: {  	_ =	shalt  }
0x87: {  	_ =	shalt  }
.Lfunc_end0:
.L_simem_size_0:
called_computation_lowered:
.L_overlay_start_0:
0x88: {  	s2 =	sld [smem:$0x3FD9]  }
0x89: {  	s3 =	sld [smem:$0x3FFE];
	_ =	sdelay $0x1  }
0x8a: {  	s1 =	srdreg.scid  }
0x8b: {  	s0 =	sand.u32 $0x1, s1  }
0x8c: {  	s17 =	sshll.u32 s0, $0xA;
	s2 =	sadd.s32 s3, s2  }
0x8d: {  	s2 =	sadd.s32 s2, s17  }
0x8e: {  	[smem:$0x3FBE] =	sst s2  }
0x8f: {  	_ = 	snop  }
0x90: {  	s2 =	sld [smem:$0x3FD0];
	(tm) =	ssettm $0x1  }
0x91: {  	s18 =	sld [smem:$0x3FFB];
	_ =	sdelay $0x3  }
0x92: {  	_ =	strace s18  }
0x93: {  	s3 =	sld [smem:$0x3FFC];
	_ =	sdelay $0x3  }
0x94: {  	_ =	strace s3  }
0x95: {  	s3 =	sld [smem:$0x3FFD];
	_ =	sdelay $0x3  }
0x96: {  	_ =	strace s3  }
0x97: {  	_ =	strace $0x8FFFFFFF  }
0x98: {  	s19 =	sld [smem:$0x3FDB];
	_ =	sdelay $0x1  }
0x99: {  	s4 =	simm.s32 $_scs_section_size  }
0x9a: {  	s5 =	simm.s32 $_size__tile_overlayer_lowered;
	s6 =	simm.s32 $_tile_overlayer_lowered  }
0x9b: {  	s22 =	simm.s32 $0x1BFF;
	s21 =	sshll.u32 s6, $0x1;
	s3 =	sadd.s32 s4, s19  }
0x9c: {  	s7 =	simm.s32 $0x0;
	s20 =	sshll.u32 s5, $0x1;
	s5 =	sadd.s32 s21, s3  }
0x9d: {  	[timem:s7], [sflag:s22] =	dma.local [hbm:s5], s20  }
0x9e: {  	_ =	swait.ge [sflag:s22], s20  }
0x9f: {  	s4 =	ssub.s32 $0x0, s20;
	[sflag:s22] =	ssyncset.done $0x0  }
0xa0: {  	[sflag:s22] =	ssyncadd.s32 s4;
	_ =	sdelay $0x1  }
0xa1: {  	s23 =	simm.s32 $0x1B8B  }
0xa2: {  	_ =	swait.ge [sflag:s23], $0x1  }
0xa3: {  	[sflag:s23] =	ssyncset.done $0x0  }
0xa4: {  	s25 =	simm.s32 $0x1B8E;
	s24 =	sld [smem:$0x3FFE];
	[sflag:s23] =	ssyncadd.s32 $0xFFFFFFFF  }
0xa5: {  	s26 =	simm.s32 $execute0_lowered;
	[smem:$0x3FD2] =	sst s25  }
0xa6: {  	s5 =	sshll.u32 s26, $0x1;
	_ =	strace $0x80000046;
	[dreg:$0x1] =	wrdreg $0xFFFFFFFF  }
0xa7: {  	s28 =	simm.s32 $_size_execute0_lowered;
	s3 =	sadd.s32 s3, s5;
	[dreg:$0x0] =	wrdreg $0x0  }
0xa8: {  	s5 =	sshll.u32 s28, $0x1;
	[dreg:$0x2] =	wrdreg s3  }
0xa9: {  	[dreg:$0x3] =	wrdreg s5  }
0xaa: {  	[dreg:$0x4] =	wrdreg $0xC0  }
0xab: {  	_ =	task [dreg:s7], $0x5FFFF  }
0xac: {  	[dreg:$0x1] =	wrdreg $0xFFFFFFFF  }
0xad: {  	[dreg:$0x0] =	wrdreg $0x60  }
0xae: {  	[dreg:$0x2] =	wrdreg s24  }
0xaf: {  	[dreg:$0x3] =	wrdreg s2  }
0xb0: {  	[dreg:$0x4] =	wrdreg $0x0  }
0xb1: {  	[dreg:$0x5] =	wrdreg $0x9  }
0xb2: {  	_ =	task.clear_ibuf [dreg:s7], $0x6FFFF;
	_ =	strace $0x90000046  }
0xb3: {  	s29 =	simm.s32 $0x9;
	_ =	strace $0x80000048  }
0xb4: {  	_ =	swait.ge [sflag:s29], $0x1  }
0xb5: {  	[sflag:s29] =	ssyncadd.s32 $0xFFFFFFFF  }
0xb6: {  	_ =	strace $0x90000048  }
0xb7: {  	_ =	sfence  }
0xb8: {  	s30 =	sld [smem:$0x0];
	_ =	sdelay $0x2  }
0xb9: {  	s31 =	sshll.u32 s1, $0xD;
	s1 =	sshrl.u32 s1, $0x2  }
0xba: {  	s3 =	sand.u32 $0x4000, s31;
	s1 =	sadd.s32 s1, s30  }
0xbb: {  	s0 =	sor.u32 s3, s0;
	s1 =	sshll.u32 s1, $0x11  }
0xbc: {  	s0 =	sor.u32 s1, s0  }
0xbd: {  	s0 =	sadd.s32 $0x8F2B, s0  }
0xbe: {  	[sflag:s0] =	ssyncadd.remote.s32 $0x1  }
0xbf: {  	_ =	sfence.sel $0xFFFF  }
0xc0: {  	[dreg:$0x0] =	wrdreg $0xFFFFFFFF;
	(pc) =	sbr.abs _section_cstart, $3  }
0xc1: {  	[dreg:$0x1] =	wrdreg $0xFFFFFFFF  }
0xc2: {  	_ =	task.clear_ibuf [dreg:s7], $0x2FFFF;
	_ =	strace $0x9FFFFFFF  }
0xc3: {  	(tm) =	ssettm $0x7FFFFFFF  }
tec
execute0_lowered:
.L_overlay_start_1:
0x0: {  	(tag) =	ssettag $0x1  }
0x1: {  	s0 =	rddreg [dreg:$0x0]  }
0x2: {  	s2 =	rddreg [dreg:$0x2];
	s1 =	srdreg.scid;
	s4 =	simm.s32 $0x0  }
0x3: {  	s20 =	stileid.u32;
	s11 =	simm.s32 $0x32E00;
	s14 =	simm.s32 $0x1BE00  }
0x4: {  	s15 =	simm.s32 $0x9;
	s29 =	simm.s32 $0x80;
	s3 =	smul.u32 $0x3100, s20  }
0x5: {  	s30 =	simm.s32 $0x18E00;
	s31 =	simm.s32 $0x1AE00;
	s7 =	smul.u32 $0xC380, s20  }
0x6: {  	s28 =	simm.s32 $0x2;
	s12 =	sand.u32 $0x1, s1;
	s9 =	smul.u32 $0x62000, s20  }
0x7: {  	[smem:$0x7FF] =	sst s4;
	s5 =	sadd.s32 $0x63E00, s0;
	s19 =	smul.u32 $0x30E, s20  }
0x8: {  	s6 =	sadd.s32 $0x7C600, s0;
	s26 =	sshll.u32 s20, $0x6;
	s1 =	smul.u32 $0x31000, s12  }
0x9: {  	_ =	strace $0x80000047;
	s17 =	ssub.s32 $0x2, s12;
	p0 =	seq.s32 s12, $0x0  }
0xa: {  	s20 =	sor.u32 $0x1C09, s26;
	s8 =	sshrl.u32 s17, $0x1;
	s18 =	sadd.s32 s6, s7  }
0xb: {  	s21 =	sshrl.u32 s9, $0x2;
	s9 =	sadd.s32 $0x2, s19;
	s10 =	sadd.s32 $0x3, s19  }
0xc: {  	s11 =	simm.s32 @!p0 $0x1E00;
	[dreg:$0x8] =	wrdreg s20;
	s1 =	sadd.s32 s3, s1  }
0xd: {  	s3 =	ssub.s32 s17, s8;
	[dreg:$0x4] =	wrdreg s18;
	s8 =	sadd.s32 $0x40, s18  }
0xe: {  	s22 =	sadd.s32 s21, s2;
	s13 =	sadd.s32 s11, s0;
	s1 =	sadd.s32 s1, s0  }
0xf: {  	[dreg:$0x5] =	wrdreg s8;
	s23 =	smax.u32 s3, $0x1;
	s24 =	sadd.s32 $0x3100, s22  }
0x10: {  	s25 =	sadd.s32 $0x6200, s22;
	s8 =	sadd.s32 $0x9300, s22;
	s16 =	sadd.s32 $0xC400, s22  }
0x11: {  	s17 =	sadd.s32 $0xF500, s22;
	s18 =	sadd.s32 $0x12600, s22;
	s19 =	sadd.s32 $0x15700, s22  }
0x12: {  	s0 =	simm.s32 $0x18A00;
	s1 =	sadd.s32 $0x13FE00, s1;
	[dreg:$0x7] =	wrdreg s23  }
0x13: {  	s3 =	simm.s32 $0x6;
	s7 =	sshrl.u32 s24, $0x3;
	[dreg:$0x6] =	wrdreg s1  }
0x14: {  	s23 =	sshrl.u32 s22, $0x3;
	s11 =	sshrl.u32 s25, $0x3;
	[dreg:$0xa] =	wrdreg s7  }
0x15: {  	s21 =	sshrl.u32 s8, $0x3;
	s22 =	sshrl.u32 s16, $0x3;
	[dreg:$0xb] =	wrdreg s11  }
0x16: {  	s24 =	sshrl.u32 s17, $0x3;
	s25 =	sshrl.u32 s18, $0x3;
	[dreg:$0xc] =	wrdreg s21  }
0x17: {  	s26 =	sshrl.u32 s19, $0x3;
	s8 =	simm.s32 $0x19E00;
	[dreg:$0xd] =	wrdreg s22  }
.Ltmp0:
0x18: {  	s18 =	simm.s32 $0x1B600;
	[dreg:$0xe] =	wrdreg s24;
	(pc) =	sbr.rel .LBB2_1-.Ltmp0, $4  }
0x19: {  	s17 =	simm.s32 $0x4;
	s16 =	simm.s32 $0x18D80;
	[dreg:$0xf] =	wrdreg s25  }
0x1a: {  	s19 =	simm.s32 $0x0;
	[dreg:$0x10] =	wrdreg s26;
	s25 =	simm.s32 $0x1CE00  }
0x1b: {  	s21 =	simm.s32 $0x1;
	s22 =	simm.s32 $0x3;
	s7 =	simm.s32 $0x1C600  }
0x1c: {  	v1 =	vlaneseq.u32;
	v0 =	vmov s12;
	s1 =	simm.s32 $0x18D00;
	s11 =	simm.s32 $0x1D600;
	[dreg:$0x9] =	wrdreg s23  }
.LBB2_8:
0x1d: {  	s12 =	simm.s32 $0x7  }
0x1e: {  	_ =	swait.ge [sflag:s12], $0x800  }
0x1f: {  	[sflag:s12] =	ssyncset.done $0x0  }
0x20: {  	[sflag:s12] =	ssyncadd.s32 $0xFFFFF800  }
0x21: {  	_ =	swait.ge [sflag:s12], $0x800  }
0x22: {  	[sflag:s12] =	ssyncset.done $0x0  }
0x23: {  	s23 =	simm.s32 $0x8;
	[sflag:s12] =	ssyncadd.s32 $0xFFFFF800  }
0x24: {  	_ =	swait.ge [sflag:s23], $0x800  }
0x25: {  	[sflag:s23] =	ssyncset.done $0x0  }
0x26: {  	[sflag:s23] =	ssyncadd.s32 $0xFFFFF800  }
0x27: {  	_ =	swait.ge [sflag:s23], $0x800  }
0x28: {  	[sflag:s23] =	ssyncset.done $0x0  }
0x29: {  	[sflag:s23] =	ssyncadd.s32 $0xFFFFF800  }
0x2a: {  	[bflag:$0x0] =	sbarrier.arrive $0xFFFF  }
0x2b: {  	s24 =	rddreg [dreg:$0x6]  }
0x2c: {  	s20 =	rddreg [dreg:$0x8]  }
0x2d: {  	s23 =	rddreg [dreg:$0x9]  }
0x2e: {  	[hbm:s24], [sflag:s20] =	dma.local [spmem:s23], $0x3100  }
0x2f: {  	_ =	swait.ge [sflag:s15], $0x3100  }
0x30: {  	s19 =	rddreg [dreg:$0x11]  }
0x31: {  	s26 =	rddreg [dreg:$0x7];
	s19 =	sadd.s32 $0x1, s19  }
0x32: {  	p0 =	sne.s32 s19, s26  }
.Ltmp1:
0x33: {  	_ = 	snop;
	(pc) =	sbr.rel @!p0 .LBB2_9-.Ltmp1, $3  }
0x34: {  	_ =	sdelay $0x1  }
0x35: {  	[sflag:s15] =	ssyncset.done $0x0  }
0x36: {  	[sflag:s15] =	ssyncadd.s32 $0xFFFFCF00  }
.LBB2_1:
0x37: {  	[dreg:$0x11] =	wrdreg s19  }
0x38: {  	s12 =	rddreg [dreg:$0x1]  }
0x39: {  	[tilespmem:s14], [sflag:$0x9] =	stream.linear.gather [hbm4b:s12+s4], $0x1000, $0x38;
	[tilespmem:$0x1DE00] =	vst v63  }
0x3a: {  	_ =	swait.ge [sflag:s15], $0x1000  }
0x3b: {  	[sflag:s15] =	ssyncset.done $0x0  }
0x3c: {  	[sflag:s15] =	ssyncadd.s32 $0xFFFFF000  }
0x3d: {  	[tilespmem:s25], [sflag:$0x9] =	stream.linear.gather [hbm4b:s12+s4], $0x1000, $0x38;
	[tilespmem:$0x1DE00] =	vst v63  }
0x3e: {  	_ =	swait.ge [sflag:s15], $0x1000  }
0x3f: {  	[sflag:s15] =	ssyncset.done $0x0  }
0x40: {  	[sflag:s15] =	ssyncadd.s32 $0xFFFFF000  }
0x41: {  	[spmem:s23], [sflag:s20] =	dma.local [hbm:s12], $0x620  }
0x42: {  	_ =	swait.ge [sflag:s15], $0x620  }
0x43: {  	[sflag:s15] =	ssyncset.done $0x0  }
0x44: {  	s26 =	rddreg [dreg:$0xa];
	[sflag:s15] =	ssyncadd.s32 $0xFFFFF9E0  }
0x45: {  	[spmem:s26], [sflag:s20] =	dma.local [hbm:s12], $0x620  }
0x46: {  	_ =	swait.ge [sflag:s15], $0x620  }
0x47: {  	[sflag:s15] =	ssyncset.done $0x0  }
0x48: {  	s23 =	rddreg [dreg:$0xb];
	[sflag:s15] =	ssyncadd.s32 $0xFFFFF9E0  }
0x49: {  	[spmem:s23], [sflag:s20] =	dma.local [hbm:s12], $0x620  }
0x4a: {  	_ =	swait.ge [sflag:s15], $0x620  }
0x4b: {  	[sflag:s15] =	ssyncset.done $0x0  }
0x4c: {  	s24 =	rddreg [dreg:$0xc];
	[sflag:s15] =	ssyncadd.s32 $0xFFFFF9E0  }
0x4d: {  	[spmem:s24], [sflag:s20] =	dma.local [hbm:s12], $0x620  }
0x4e: {  	_ =	swait.ge [sflag:s15], $0x620  }
0x4f: {  	[sflag:s15] =	ssyncset.done $0x0  }
0x50: {  	s26 =	rddreg [dreg:$0xd];
	[sflag:s15] =	ssyncadd.s32 $0xFFFFF9E0  }
0x51: {  	[spmem:s26], [sflag:s20] =	dma.local [hbm:s12], $0x620  }
0x52: {  	_ =	swait.ge [sflag:s15], $0x620  }
0x53: {  	[sflag:s15] =	ssyncset.done $0x0  }
0x54: {  	s23 =	rddreg [dreg:$0xe];
	[sflag:s15] =	ssyncadd.s32 $0xFFFFF9E0  }
0x55: {  	[spmem:s23], [sflag:s20] =	dma.local [hbm:s12], $0x620  }
0x56: {  	_ =	swait.ge [sflag:s15], $0x620  }
0x57: {  	[sflag:s15] =	ssyncset.done $0x0  }
0x58: {  	s24 =	rddreg [dreg:$0xf];
	[sflag:s15] =	ssyncadd.s32 $0xFFFFF9E0  }
0x59: {  	[spmem:s24], [sflag:s20] =	dma.local [hbm:s12], $0x620  }
0x5a: {  	_ =	swait.ge [sflag:s15], $0x620  }
0x5b: {  	[sflag:s15] =	ssyncset.done $0x0  }
0x5c: {  	s26 =	rddreg [dreg:$0x10];
	[sflag:s15] =	ssyncadd.s32 $0xFFFFF9E0  }
0x5d: {  	[spmem:s26], [sflag:s20] =	dma.local [hbm:s12], $0x620  }
0x5e: {  	_ =	swait.ge [sflag:s15], $0x620  }
0x5f: {  	[sflag:s15] =	ssyncset.done $0x0  }
0x60: {  	[sflag:s15] =	ssyncadd.s32 $0xFFFFF9E0  }
0x61: {  	[bflag:$0x0] =	sbarrier.arrive $0xFFFF  }
0x62: {  	s23 =	simm.s32 $0x5;
	s20 =	simm.s32 $0x18800;
	s19 =	rddreg [dreg:$0x4]  }
0x63: {  	[tilespmem:s20], [sflag:$0x5] =	stream.linear.gather [hbm4b:s19+s4], $0x200, $0x38;
	[tilespmem:$0x1DE00] =	vst v63  }
0x64: {  	_ =	swait.ge [sflag:s23], $0x200  }
0x65: {  	[sflag:s23] =	ssyncset.done $0x0  }
0x66: {  	[sflag:s23] =	ssyncadd.s32 $0xFFFFFE00  }
0x67: {  	[tilespmem:s30], [sflag:$0x1] =	stream.indirect.gather [hbm4b:s13+s29], $0x10, s20, s29, $0xb8;
	[tilespmem:$0x1DE00] =	vst v63  }
0x68: {  	s24 =	simm.s32 $0x18880;
	s26 =	simm.s32 $0x19600  }
0x69: {  	[tilespmem:s26], [sflag:$0x1] =	stream.indirect.gather [hbm4b:s13+s29], $0x10, s24, s29, $0xb8;
	[tilespmem:$0x1DE00] =	vst v63  }
0x6a: {  	s20 =	simm.s32 $0x18900  }
0x6b: {  	[tilespmem:s31], [sflag:$0x3] =	stream.indirect.gather [hbm4b:s5+s29], $0x8, s20, s29, $0xb8;
	[tilespmem:$0x1DE00] =	vst v63  }
0x6c: {  	s23 =	simm.s32 $0x18980;
	s24 =	simm.s32 $0x1B200  }
0x6d: {  	[tilespmem:s24], [sflag:$0x3] =	stream.indirect.gather [hbm4b:s5+s29], $0x8, s23, s29, $0xb8;
	[tilespmem:$0x1DE00] =	vst v63  }
0x6e: {  	s12 =	simm.s32 $0x0;
	s26 =	rddreg [dreg:$0x5]  }
0x6f: {  	[tilespmem:s0], [sflag:$0x6] =	stream.linear.gather [hbm4b:s26+s4], $0x200, $0x38;
	[tilespmem:$0x1DE00] =	vst v63  }
.LBB2_2:
0x70: {  	_ =	swait.ge [sflag:s3], $0x200  }
0x71: {  	[sflag:s3] =	ssyncset.done $0x0  }
0x72: {  	[sflag:s3] =	ssyncadd.s32 $0xFFFFFE00  }
0x73: {  	[tilespmem:s8], [sflag:$0x2] =	stream.indirect.gather [hbm4b:s13+s29], $0x10, s0, s29, $0xb8;
	[tilespmem:$0x1DE00] =	vst v63  }
0x74: {  	s19 =	simm.s32 $0x18A80;
	s20 =	simm.s32 $0x1A600  }
0x75: {  	[tilespmem:s20], [sflag:$0x2] =	stream.indirect.gather [hbm4b:s13+s29], $0x10, s19, s29, $0xb8;
	[tilespmem:$0x1DE00] =	vst v63  }
0x76: {  	s26 =	simm.s32 $0x18B00  }
0x77: {  	[tilespmem:s18], [sflag:$0x4] =	stream.indirect.gather [hbm4b:s5+s29], $0x8, s26, s29, $0xb8;
	[tilespmem:$0x1DE00] =	vst v63  }
0x78: {  	s23 =	simm.s32 $0x1BA00;
	s20 =	simm.s32 $0x18B80  }
0x79: {  	[tilespmem:s23], [sflag:$0x4] =	stream.indirect.gather [hbm4b:s5+s29], $0x8, s20, s29, $0xb8;
	[tilespmem:$0x1DE00] =	vst v63  }
0x7a: {  	_ =	swait.ge [sflag:s21], $0x800  }
0x7b: {  	[sflag:s21] =	ssyncset.done $0x0  }
0x7c: {  	[sflag:s21] =	ssyncadd.s32 $0xFFFFF800  }
0x7d: {  	_ =	swait.ge [sflag:s22], $0x400  }
0x7e: {  	[sflag:s22] =	ssyncset.done $0x0  }
0x7f: {  	[sflag:s22] =	ssyncadd.s32 $0xFFFFFC00  }
0x80: {  	_ =	swait.ge [sflag:s21], $0x800  }
0x81: {  	[sflag:s21] =	ssyncset.done $0x0  }
0x82: {  	[sflag:s21] =	ssyncadd.s32 $0xFFFFF800  }
0x83: {  	_ =	swait.ge [sflag:s22], $0x400  }
0x84: {  	p0 =	seq.s32 s12, $0x0;
	s24 =	simm.s32 $0x0;
	[sflag:s22] =	ssyncset.done $0x0  }
0x85: {  	v2 =	vor.u32 s24, v1;
	s20 =	simm.s32 @!p0 $0x7;
	[sflag:s22] =	ssyncadd.s32 $0xFFFFFC00  }
0x86: {  	v3 =	vshll.u32 v2, $0x4;
	_ =	swait.ge @!p0 [sflag:s20], $0x800  }
0x87: {  	v2 =	vshll.u32 v2, $0x3;
	v4 =	vor.u32 $0x9, v3;
	[sflag:s20] =	ssyncset.done @!p0 $0x0  }
0x88: {  	v2 =	vor.u32 v0, v2;
	[sflag:s20] =	ssyncadd.s32 @!p0 $0xFFFFF800  }
0x89: {  	_ =	swait.ge @!p0 [sflag:s20], $0x800  }
0x8a: {  	[sflag:s20] =	ssyncset.done @!p0 $0x0  }
0x8b: {  	[sflag:s20] =	ssyncadd.s32 @!p0 $0xFFFFF800  }
0x8c: {  	v4 =	vld.idx.msk [tilespmem:v4+s30+$0x0], $0xffff  }
0x8d: {  	v2 =	vld.idx.msk [tilespmem:v2+s31+$0x0], $0xffff;
	_ =	sdelay $0x4  }
0x8e: {  	v2 =	vadd.f32 v2, v4;
	_ =	sdelay $0x1  }
0x8f: {  	v4 =	vmul.f32 $2.000000030e-01, v2;
	_ =	sdelay $0x1  }
0x90: {  	v2 =	vmax.f32 v2, v4  }
0x91: {  	v2 =	vmul.f32 $1.442695020e+00, v2;
	_ =	sdelay $0x1  }
0x92: {  	(erf) = vpow2.f32 v2;
	_ =	sdelay $0x4  }
0x93: {  	v2 =	vld.idx.msk [tilespmem:v3+s30+$0x0], $0xffff;
	_ =	sdelay $0x2  }
0x94: {  	v4 =	vor.u32 $0x1, v3  }
0x95: {  	v5 =	vpop (erf)  }
0x96: {  	v2 =	vmul.f32 v5, v2;
	_ =	sdelay $0x1  }
0x97: {  	[tilespmem:v3+s14+$0x0] =	vst.idx.msk $0xffff, v2  }
0x98: {  	v2 =	vld.idx.msk [tilespmem:v4+s30+$0x0], $0xffff;
	_ =	sdelay $0x2  }
0x99: {  	v6 =	vor.u32 $0x2, v3;
	_ =	sdelay $0x1  }
0x9a: {  	v2 =	vmul.f32 v5, v2;
	_ =	sdelay $0x1  }
0x9b: {  	[tilespmem:v4+s14+$0x0] =	vst.idx.msk $0xffff, v2  }
0x9c: {  	v2 =	vld.idx.msk [tilespmem:v6+s30+$0x0], $0xffff;
	_ =	sdelay $0x2  }
0x9d: {  	v4 =	vor.u32 $0x3, v3;
	_ =	sdelay $0x1  }
0x9e: {  	v2 =	vmul.f32 v5, v2;
	_ =	sdelay $0x1  }
0x9f: {  	[tilespmem:v6+s14+$0x0] =	vst.idx.msk $0xffff, v2  }
0xa0: {  	v2 =	vld.idx.msk [tilespmem:v4+s30+$0x0], $0xffff;
	_ =	sdelay $0x2  }
0xa1: {  	v6 =	vor.u32 $0x4, v3;
	_ =	sdelay $0x1  }
0xa2: {  	v2 =	vmul.f32 v2, v5;
	_ =	sdelay $0x1  }
0xa3: {  	[tilespmem:v4+s14+$0x0] =	vst.idx.msk $0xffff, v2  }
0xa4: {  	v2 =	vld.idx.msk [tilespmem:v6+s30+$0x0], $0xffff;
	_ =	sdelay $0x2  }
0xa5: {  	v4 =	vor.u32 $0x5, v3;
	_ =	sdelay $0x1  }
0xa6: {  	v2 =	vmul.f32 v2, v5;
	_ =	sdelay $0x1  }
0xa7: {  	[tilespmem:v6+s14+$0x0] =	vst.idx.msk $0xffff, v2  }
0xa8: {  	v2 =	vld.idx.msk [tilespmem:v4+s30+$0x0], $0xffff;
	_ =	sdelay $0x2  }
0xa9: {  	v6 =	vor.u32 $0x6, v3;
	_ =	sdelay $0x1  }
0xaa: {  	v2 =	vmul.f32 v2, v5;
	_ =	sdelay $0x1  }
0xab: {  	[tilespmem:v4+s14+$0x0] =	vst.idx.msk $0xffff, v2  }
0xac: {  	v2 =	vld.idx.msk [tilespmem:v6+s30+$0x0], $0xffff;
	_ =	sdelay $0x2  }
0xad: {  	v4 =	vor.u32 $0x7, v3;
	_ =	sdelay $0x1  }
0xae: {  	v2 =	vmul.f32 v2, v5;
	_ =	sdelay $0x1  }
0xaf: {  	[tilespmem:v6+s14+$0x0] =	vst.idx.msk $0xffff, v2  }
0xb0: {  	v2 =	vld.idx.msk [tilespmem:v4+s30+$0x0], $0xffff  }
0xb1: {  	s26 =	simm.s32 $0x10  }
0xb2: {  	v6 =	vor.u32 s26, v1  }
0xb3: {  	v3 =	vor.u32 $0x8, v3;
	v7 =	vshll.u32 v6, $0x4  }
0xb4: {  	v6 =	vshll.u32 v6, $0x3;
	v8 =	vor.u32 $0x9, v7  }
0xb5: {  	v6 =	vor.u32 v0, v6;
	v2 =	vmul.f32 v2, v5;
	_ =	sdelay $0x1  }
0xb6: {  	[tilespmem:v4+s14+$0x0] =	vst.idx.msk $0xffff, v2  }
0xb7: {  	[tilespmem:v3+s14+$0x0] =	vst.idx.msk $0xffff, v5  }
0xb8: {  	v2 =	vld.idx.msk [tilespmem:v8+s30+$0x0], $0xffff  }
0xb9: {  	v3 =	vld.idx.msk [tilespmem:v6+s31+$0x0], $0xffff;
	_ =	sdelay $0x4  }
0xba: {  	v2 =	vadd.f32 v3, v2;
	_ =	sdelay $0x1  }
0xbb: {  	v3 =	vmul.f32 $2.000000030e-01, v2;
	_ =	sdelay $0x1  }
0xbc: {  	v2 =	vmax.f32 v2, v3  }
0xbd: {  	v2 =	vmul.f32 $1.442695020e+00, v2;
	_ =	sdelay $0x1  }
0xbe: {  	(erf) = vpow2.f32 v2;
	_ =	sdelay $0x4  }
0xbf: {  	v2 =	vld.idx.msk [tilespmem:v7+s30+$0x0], $0xffff;
	_ =	sdelay $0x2  }
0xc0: {  	v4 =	vor.u32 $0x1, v7  }
0xc1: {  	v3 =	vpop (erf)  }
0xc2: {  	v2 =	vmul.f32 v3, v2;
	_ =	sdelay $0x1  }
0xc3: {  	[tilespmem:v7+s14+$0x0] =	vst.idx.msk $0xffff, v2  }
0xc4: {  	v2 =	vld.idx.msk [tilespmem:v4+s30+$0x0], $0xffff;
	_ =	sdelay $0x2  }
0xc5: {  	v5 =	vor.u32 $0x2, v7;
	_ =	sdelay $0x1  }
0xc6: {  	v2 =	vmul.f32 v3, v2;
	_ =	sdelay $0x1  }
0xc7: {  	[tilespmem:v4+s14+$0x0] =	vst.idx.msk $0xffff, v2  }
0xc8: {  	v2 =	vld.idx.msk [tilespmem:v5+s30+$0x0], $0xffff;
	_ =	sdelay $0x2  }
0xc9: {  	v4 =	vor.u32 $0x3, v7;
	_ =	sdelay $0x1  }
0xca: {  	v2 =	vmul.f32 v3, v2;
	_ =	sdelay $0x1  }
0xcb: {  	[tilespmem:v5+s14+$0x0] =	vst.idx.msk $0xffff, v2  }
0xcc: {  	v2 =	vld.idx.msk [tilespmem:v4+s30+$0x0], $0xffff;
	_ =	sdelay $0x2  }
0xcd: {  	v5 =	vor.u32 $0x4, v7;
	_ =	sdelay $0x1  }
0xce: {  	v2 =	vmul.f32 v2, v3;
	_ =	sdelay $0x1  }
0xcf: {  	[tilespmem:v4+s14+$0x0] =	vst.idx.msk $0xffff, v2  }
0xd0: {  	v2 =	vld.idx.msk [tilespmem:v5+s30+$0x0], $0xffff;
	_ =	sdelay $0x2  }
0xd1: {  	v4 =	vor.u32 $0x5, v7;
	_ =	sdelay $0x1  }
0xd2: {  	v2 =	vmul.f32 v2, v3;
	_ =	sdelay $0x1  }
0xd3: {  	[tilespmem:v5+s14+$0x0] =	vst.idx.msk $0xffff, v2  }
0xd4: {  	v2 =	vld.idx.msk [tilespmem:v4+s30+$0x0], $0xffff;
	_ =	sdelay $0x2  }
0xd5: {  	v5 =	vor.u32 $0x6, v7;
	_ =	sdelay $0x1  }
0xd6: {  	v2 =	vmul.f32 v2, v3;
	_ =	sdelay $0x1  }
0xd7: {  	[tilespmem:v4+s14+$0x0] =	vst.idx.msk $0xffff, v2  }
0xd8: {  	v2 =	vld.idx.msk [tilespmem:v5+s30+$0x0], $0xffff;
	_ =	sdelay $0x2  }
0xd9: {  	v4 =	vor.u32 $0x7, v7;
	_ =	sdelay $0x1  }
0xda: {  	v2 =	vmul.f32 v2, v3;
	_ =	sdelay $0x1  }
0xdb: {  	[tilespmem:v5+s14+$0x0] =	vst.idx.msk $0xffff, v2  }
0xdc: {  	v8 =	vld.idx.msk [tilespmem:v4+s30+$0x0], $0xffff  }
0xdd: {  	s19 =	simm.s32 $0x20  }
0xde: {  	v6 =	vor.u32 s19, v1  }
0xdf: {  	v5 =	vor.u32 $0x8, v7;
	v2 =	vshll.u32 v6, $0x4  }
0xe0: {  	v6 =	vshll.u32 v6, $0x3;
	v7 =	vor.u32 $0x9, v2  }
0xe1: {  	s20 =	simm.s32 $0x40;
	s26 =	sshll.u32 s12, $0x1;
	v6 =	vor.u32 v0, v6;
	v8 =	vmul.f32 v8, v3  }
.LBB2_3:
0xe2: {  	p1 =	sne.s32 s20, $0xE0;
	s23 =	smov.u32 s20;
	s20 =	sadd.s32 $0x20, s20  }
0xe3: {  	[tilespmem:v4+s14+$0x0] =	vst.idx.msk $0xffff, v8  }
0xe4: {  	[tilespmem:v5+s14+$0x0] =	vst.idx.msk $0xffff, v3  }
0xe5: {  	v3 =	vld.idx.msk [tilespmem:v7+s30+$0x0], $0xffff  }
0xe6: {  	v4 =	vld.idx.msk [tilespmem:v6+s31+$0x0], $0xffff;
	_ =	sdelay $0x5  }
0xe7: {  	v3 =	vadd.f32 v4, v3;
	_ =	sdelay $0x1  }
0xe8: {  	v4 =	vmul.f32 $2.000000030e-01, v3;
	_ =	sdelay $0x1  }
0xe9: {  	v3 =	vmax.f32 v3, v4  }
0xea: {  	v3 =	vmul.f32 $1.442695020e+00, v3;
	_ =	sdelay $0x1  }
0xeb: {  	(erf) = vpow2.f32 v3;
	_ =	sdelay $0x2  }
0xec: {  	v3 =	vld.idx.msk [tilespmem:v2+s30+$0x0], $0xffff;
	_ =	sdelay $0x3  }
0xed: {  	v4 =	vor.u32 $0x1, v2;
	_ =	sdelay $0x1  }
0xee: {  	v5 =	vpop (erf)  }
0xef: {  	v3 =	vmul.f32 v5, v3;
	_ =	sdelay $0x1  }
0xf0: {  	[tilespmem:v2+s14+$0x0] =	vst.idx.msk $0xffff, v3  }
0xf1: {  	v3 =	vld.idx.msk [tilespmem:v4+s30+$0x0], $0xffff;
	_ =	sdelay $0x2  }
0xf2: {  	v6 =	vor.u32 $0x2, v2;
	_ =	sdelay $0x2  }
0xf3: {  	v3 =	vmul.f32 v5, v3;
	_ =	sdelay $0x1  }
0xf4: {  	[tilespmem:v4+s14+$0x0] =	vst.idx.msk $0xffff, v3  }
0xf5: {  	v3 =	vld.idx.msk [tilespmem:v6+s30+$0x0], $0xffff;
	_ =	sdelay $0x2  }
0xf6: {  	v4 =	vor.u32 $0x3, v2;
	_ =	sdelay $0x2  }
0xf7: {  	v3 =	vmul.f32 v5, v3;
	_ =	sdelay $0x1  }
0xf8: {  	[tilespmem:v6+s14+$0x0] =	vst.idx.msk $0xffff, v3  }
0xf9: {  	v3 =	vld.idx.msk [tilespmem:v4+s30+$0x0], $0xffff;
	_ =	sdelay $0x2  }
0xfa: {  	v6 =	vor.u32 $0x4, v2;
	_ =	sdelay $0x2  }
0xfb: {  	v3 =	vmul.f32 v3, v5;
	_ =	sdelay $0x1  }
0xfc: {  	[tilespmem:v4+s14+$0x0] =	vst.idx.msk $0xffff, v3  }
0xfd: {  	v3 =	vld.idx.msk [tilespmem:v6+s30+$0x0], $0xffff;
	_ =	sdelay $0x2  }
0xfe: {  	v4 =	vor.u32 $0x5, v2;
	_ =	sdelay $0x2  }
0xff: {  	v3 =	vmul.f32 v3, v5;
	_ =	sdelay $0x1  }
0x100: {  	[tilespmem:v6+s14+$0x0] =	vst.idx.msk $0xffff, v3  }
0x101: {  	v3 =	vld.idx.msk [tilespmem:v4+s30+$0x0], $0xffff;
	_ =	sdelay $0x2  }
0x102: {  	v6 =	vor.u32 $0x6, v2;
	_ =	sdelay $0x2  }
0x103: {  	v3 =	vmul.f32 v3, v5;
	_ =	sdelay $0x1  }
0x104: {  	[tilespmem:v4+s14+$0x0] =	vst.idx.msk $0xffff, v3  }
0x105: {  	v3 =	vld.idx.msk [tilespmem:v6+s30+$0x0], $0xffff;
	_ =	sdelay $0x2  }
0x106: {  	v4 =	vor.u32 $0x7, v2;
	_ =	sdelay $0x2  }
0x107: {  	v3 =	vmul.f32 v3, v5;
	_ =	sdelay $0x1  }
0x108: {  	[tilespmem:v6+s14+$0x0] =	vst.idx.msk $0xffff, v3  }
0x109: {  	v3 =	vld.idx.msk [tilespmem:v4+s30+$0x0], $0xffff;
	_ =	sdelay $0x1  }
0x10a: {  	s24 =	sadd.s32 $0x10, s19;
	s19 =	smov.u32 s23  }
0x10b: {  	v7 =	vor.u32 s24, v1;
	v6 =	vor.u32 $0x8, v2  }
0x10c: {  	v2 =	vshll.u32 v7, $0x4;
	v7 =	vshll.u32 v7, $0x3  }
0x10d: {  	v8 =	vor.u32 $0x9, v2;
	v7 =	vor.u32 v0, v7  }
0x10e: {  	v3 =	vmul.f32 v3, v5;
	_ =	sdelay $0x1  }
0x10f: {  	[tilespmem:v4+s14+$0x0] =	vst.idx.msk $0xffff, v3  }
0x110: {  	[tilespmem:v6+s14+$0x0] =	vst.idx.msk $0xffff, v5  }
0x111: {  	v3 =	vld.idx.msk [tilespmem:v8+s30+$0x0], $0xffff  }
0x112: {  	v4 =	vld.idx.msk [tilespmem:v7+s31+$0x0], $0xffff;
	_ =	sdelay $0x5  }
0x113: {  	v3 =	vadd.f32 v4, v3;
	_ =	sdelay $0x1  }
0x114: {  	v4 =	vmul.f32 $2.000000030e-01, v3;
	_ =	sdelay $0x1  }
0x115: {  	v3 =	vmax.f32 v3, v4  }
0x116: {  	v3 =	vmul.f32 $1.442695020e+00, v3;
	_ =	sdelay $0x1  }
0x117: {  	(erf) = vpow2.f32 v3;
	_ =	sdelay $0x1  }
0x118: {  	v4 =	vld.idx.msk [tilespmem:v2+s30+$0x0], $0xffff;
	_ =	sdelay $0x3  }
0x119: {  	v5 =	vor.u32 $0x1, v2;
	_ =	sdelay $0x2  }
0x11a: {  	v3 =	vpop (erf)  }
0x11b: {  	v4 =	vmul.f32 v3, v4;
	_ =	sdelay $0x1  }
0x11c: {  	[tilespmem:v2+s14+$0x0] =	vst.idx.msk $0xffff, v4  }
0x11d: {  	v4 =	vld.idx.msk [tilespmem:v5+s30+$0x0], $0xffff;
	_ =	sdelay $0x1  }
0x11e: {  	v6 =	vor.u32 $0x2, v2;
	_ =	sdelay $0x3  }
0x11f: {  	v4 =	vmul.f32 v3, v4;
	_ =	sdelay $0x1  }
0x120: {  	[tilespmem:v5+s14+$0x0] =	vst.idx.msk $0xffff, v4  }
0x121: {  	v4 =	vld.idx.msk [tilespmem:v6+s30+$0x0], $0xffff;
	_ =	sdelay $0x1  }
0x122: {  	v5 =	vor.u32 $0x3, v2;
	_ =	sdelay $0x3  }
0x123: {  	v4 =	vmul.f32 v3, v4;
	_ =	sdelay $0x1  }
0x124: {  	[tilespmem:v6+s14+$0x0] =	vst.idx.msk $0xffff, v4  }
0x125: {  	v4 =	vld.idx.msk [tilespmem:v5+s30+$0x0], $0xffff;
	_ =	sdelay $0x1  }
0x126: {  	v6 =	vor.u32 $0x4, v2;
	_ =	sdelay $0x3  }
0x127: {  	v4 =	vmul.f32 v4, v3;
	_ =	sdelay $0x1  }
0x128: {  	[tilespmem:v5+s14+$0x0] =	vst.idx.msk $0xffff, v4  }
0x129: {  	v4 =	vld.idx.msk [tilespmem:v6+s30+$0x0], $0xffff;
	_ =	sdelay $0x1  }
0x12a: {  	v5 =	vor.u32 $0x5, v2;
	_ =	sdelay $0x3  }
0x12b: {  	v4 =	vmul.f32 v4, v3;
	_ =	sdelay $0x1  }
0x12c: {  	[tilespmem:v6+s14+$0x0] =	vst.idx.msk $0xffff, v4  }
0x12d: {  	v4 =	vld.idx.msk [tilespmem:v5+s30+$0x0], $0xffff;
	_ =	sdelay $0x1  }
0x12e: {  	v6 =	vor.u32 $0x6, v2;
	_ =	sdelay $0x3  }
0x12f: {  	v4 =	vmul.f32 v4, v3;
	_ =	sdelay $0x1  }
0x130: {  	[tilespmem:v5+s14+$0x0] =	vst.idx.msk $0xffff, v4  }
0x131: {  	v5 =	vld.idx.msk [tilespmem:v6+s30+$0x0], $0xffff;
	_ =	sdelay $0x1  }
0x132: {  	v4 =	vor.u32 $0x7, v2;
	_ =	sdelay $0x3  }
0x133: {  	v5 =	vmul.f32 v5, v3;
	_ =	sdelay $0x1  }
0x134: {  	[tilespmem:v6+s14+$0x0] =	vst.idx.msk $0xffff, v5  }
0x135: {  	v8 =	vld.idx.msk [tilespmem:v4+s30+$0x0], $0xffff;
	_ =	sdelay $0x1  }
.Ltmp2:
0x136: {  	v5 =	vor.u32 $0x8, v2;
	(pc) =	sbr.rel @p1 .LBB2_3-.Ltmp2, $4  }
0x137: {  	v6 =	vor.u32 s19, v1  }
0x138: {  	v2 =	vshll.u32 v6, $0x4;
	v6 =	vshll.u32 v6, $0x3  }
0x139: {  	v7 =	vor.u32 $0x9, v2;
	v6 =	vor.u32 v0, v6  }
0x13a: {  	v8 =	vmul.f32 v8, v3  }
0x13b: {  	_ =	sdelay $0x3  }
0x13c: {  	[tilespmem:v4+s14+$0x0] =	vst.idx.msk $0xffff, v8  }
0x13d: {  	[tilespmem:v5+s14+$0x0] =	vst.idx.msk $0xffff, v3  }
0x13e: {  	v3 =	vld.idx.msk [tilespmem:v7+s30+$0x0], $0xffff  }
0x13f: {  	v4 =	vld.idx.msk [tilespmem:v6+s31+$0x0], $0xffff;
	_ =	sdelay $0x4  }
0x140: {  	v3 =	vadd.f32 v4, v3;
	_ =	sdelay $0x1  }
0x141: {  	v4 =	vmul.f32 $2.000000030e-01, v3;
	_ =	sdelay $0x1  }
0x142: {  	v3 =	vmax.f32 v3, v4  }
0x143: {  	v3 =	vmul.f32 $1.442695020e+00, v3;
	_ =	sdelay $0x1  }
0x144: {  	(erf) = vpow2.f32 v3;
	_ =	sdelay $0x4  }
0x145: {  	v3 =	vld.idx.msk [tilespmem:v2+s30+$0x0], $0xffff;
	_ =	sdelay $0x2  }
0x146: {  	v4 =	vor.u32 $0x1, v2  }
0x147: {  	v5 =	vpop (erf)  }
0x148: {  	v3 =	vmul.f32 v5, v3;
	_ =	sdelay $0x1  }
0x149: {  	[tilespmem:v2+s14+$0x0] =	vst.idx.msk $0xffff, v3  }
0x14a: {  	v3 =	vld.idx.msk [tilespmem:v4+s30+$0x0], $0xffff;
	_ =	sdelay $0x2  }
0x14b: {  	v6 =	vor.u32 $0x2, v2;
	_ =	sdelay $0x1  }
0x14c: {  	v3 =	vmul.f32 v5, v3;
	_ =	sdelay $0x1  }
0x14d: {  	[tilespmem:v4+s14+$0x0] =	vst.idx.msk $0xffff, v3  }
0x14e: {  	v3 =	vld.idx.msk [tilespmem:v6+s30+$0x0], $0xffff;
	_ =	sdelay $0x2  }
0x14f: {  	v4 =	vor.u32 $0x3, v2;
	_ =	sdelay $0x1  }
0x150: {  	v3 =	vmul.f32 v5, v3;
	_ =	sdelay $0x1  }
0x151: {  	[tilespmem:v6+s14+$0x0] =	vst.idx.msk $0xffff, v3  }
0x152: {  	v3 =	vld.idx.msk [tilespmem:v4+s30+$0x0], $0xffff;
	_ =	sdelay $0x2  }
0x153: {  	v6 =	vor.u32 $0x4, v2;
	_ =	sdelay $0x1  }
0x154: {  	v3 =	vmul.f32 v3, v5;
	_ =	sdelay $0x1  }
0x155: {  	[tilespmem:v4+s14+$0x0] =	vst.idx.msk $0xffff, v3  }
0x156: {  	v3 =	vld.idx.msk [tilespmem:v6+s30+$0x0], $0xffff;
	_ =	sdelay $0x2  }
0x157: {  	v4 =	vor.u32 $0x5, v2;
	_ =	sdelay $0x1  }
0x158: {  	v3 =	vmul.f32 v3, v5;
	_ =	sdelay $0x1  }
0x159: {  	[tilespmem:v6+s14+$0x0] =	vst.idx.msk $0xffff, v3  }
0x15a: {  	v3 =	vld.idx.msk [tilespmem:v4+s30+$0x0], $0xffff;
	_ =	sdelay $0x2  }
0x15b: {  	v6 =	vor.u32 $0x6, v2;
	_ =	sdelay $0x1  }
0x15c: {  	v3 =	vmul.f32 v3, v5;
	_ =	sdelay $0x1  }
0x15d: {  	[tilespmem:v4+s14+$0x0] =	vst.idx.msk $0xffff, v3  }
0x15e: {  	v3 =	vld.idx.msk [tilespmem:v6+s30+$0x0], $0xffff;
	_ =	sdelay $0x2  }
0x15f: {  	v4 =	vor.u32 $0x7, v2;
	_ =	sdelay $0x1  }
0x160: {  	v3 =	vmul.f32 v3, v5;
	_ =	sdelay $0x1  }
0x161: {  	[tilespmem:v6+s14+$0x0] =	vst.idx.msk $0xffff, v3  }
0x162: {  	v3 =	vld.idx.msk [tilespmem:v4+s30+$0x0], $0xffff  }
0x163: {  	s19 =	sadd.s32 $0x10, s19  }
0x164: {  	v6 =	vor.u32 s19, v1  }
0x165: {  	v2 =	vor.u32 $0x8, v2;
	v7 =	vshll.u32 v6, $0x4  }
0x166: {  	v6 =	vshll.u32 v6, $0x3;
	v8 =	vor.u32 $0x9, v7  }
0x167: {  	v6 =	vor.u32 v0, v6;
	v3 =	vmul.f32 v3, v5;
	_ =	sdelay $0x1  }
0x168: {  	[tilespmem:v4+s14+$0x0] =	vst.idx.msk $0xffff, v3  }
0x169: {  	[tilespmem:v2+s14+$0x0] =	vst.idx.msk $0xffff, v5  }
0x16a: {  	v2 =	vld.idx.msk [tilespmem:v8+s30+$0x0], $0xffff  }
0x16b: {  	v3 =	vld.idx.msk [tilespmem:v6+s31+$0x0], $0xffff;
	_ =	sdelay $0x4  }
0x16c: {  	v2 =	vadd.f32 v3, v2;
	_ =	sdelay $0x1  }
0x16d: {  	v3 =	vmul.f32 $2.000000030e-01, v2;
	_ =	sdelay $0x1  }
0x16e: {  	v2 =	vmax.f32 v2, v3  }
0x16f: {  	v2 =	vmul.f32 $1.442695020e+00, v2;
	_ =	sdelay $0x1  }
0x170: {  	(erf) = vpow2.f32 v2;
	_ =	sdelay $0x4  }
0x171: {  	v2 =	vld.idx.msk [tilespmem:v7+s30+$0x0], $0xffff;
	_ =	sdelay $0x2  }
0x172: {  	v3 =	vor.u32 $0x1, v7  }
0x173: {  	v4 =	vpop (erf)  }
0x174: {  	v2 =	vmul.f32 v4, v2;
	_ =	sdelay $0x1  }
0x175: {  	[tilespmem:v7+s14+$0x0] =	vst.idx.msk $0xffff, v2  }
0x176: {  	v2 =	vld.idx.msk [tilespmem:v3+s30+$0x0], $0xffff;
	_ =	sdelay $0x2  }
0x177: {  	v5 =	vor.u32 $0x2, v7;
	_ =	sdelay $0x1  }
0x178: {  	v2 =	vmul.f32 v4, v2;
	_ =	sdelay $0x1  }
0x179: {  	[tilespmem:v3+s14+$0x0] =	vst.idx.msk $0xffff, v2  }
0x17a: {  	v2 =	vld.idx.msk [tilespmem:v5+s30+$0x0], $0xffff;
	_ =	sdelay $0x2  }
0x17b: {  	v3 =	vor.u32 $0x3, v7;
	_ =	sdelay $0x1  }
0x17c: {  	v2 =	vmul.f32 v4, v2;
	_ =	sdelay $0x1  }
0x17d: {  	[tilespmem:v5+s14+$0x0] =	vst.idx.msk $0xffff, v2  }
0x17e: {  	v2 =	vld.idx.msk [tilespmem:v3+s30+$0x0], $0xffff;
	_ =	sdelay $0x2  }
0x17f: {  	v5 =	vor.u32 $0x4, v7;
	_ =	sdelay $0x1  }
0x180: {  	v2 =	vmul.f32 v2, v4;
	_ =	sdelay $0x1  }
0x181: {  	[tilespmem:v3+s14+$0x0] =	vst.idx.msk $0xffff, v2  }
0x182: {  	v2 =	vld.idx.msk [tilespmem:v5+s30+$0x0], $0xffff;
	_ =	sdelay $0x2  }
0x183: {  	v3 =	vor.u32 $0x5, v7;
	_ =	sdelay $0x1  }
0x184: {  	v2 =	vmul.f32 v2, v4;
	_ =	sdelay $0x1  }
0x185: {  	[tilespmem:v5+s14+$0x0] =	vst.idx.msk $0xffff, v2  }
0x186: {  	v2 =	vld.idx.msk [tilespmem:v3+s30+$0x0], $0xffff;
	_ =	sdelay $0x2  }
0x187: {  	v5 =	vor.u32 $0x6, v7;
	_ =	sdelay $0x1  }
0x188: {  	v2 =	vmul.f32 v2, v4;
	_ =	sdelay $0x1  }
0x189: {  	[tilespmem:v3+s14+$0x0] =	vst.idx.msk $0xffff, v2  }
0x18a: {  	v2 =	vld.idx.msk [tilespmem:v5+s30+$0x0], $0xffff;
	_ =	sdelay $0x2  }
0x18b: {  	v3 =	vor.u32 $0x7, v7;
	_ =	sdelay $0x1  }
0x18c: {  	v2 =	vmul.f32 v2, v4;
	_ =	sdelay $0x1  }
0x18d: {  	[tilespmem:v5+s14+$0x0] =	vst.idx.msk $0xffff, v2  }
0x18e: {  	v2 =	vld.idx.msk [tilespmem:v3+s30+$0x0], $0xffff;
	_ =	sdelay $0x2  }
0x18f: {  	v5 =	vor.u32 $0x8, v7;
	_ =	sdelay $0x1  }
0x190: {  	v2 =	vmul.f32 v2, v4;
	_ =	sdelay $0x1  }
0x191: {  	[tilespmem:v3+s14+$0x0] =	vst.idx.msk $0xffff, v2  }
0x192: {  	[tilespmem:v5+s14+$0x0] =	vst.idx.msk $0xffff, v4  }
0x193: {  	v2 =	vld [tilespmem:$0x18900]  }
0x194: {  	v3 =	vld [tilespmem:$0x18910]  }
0x195: {  	v4 =	vld [tilespmem:$0x18920]  }
0x196: {  	v5 =	vld [tilespmem:$0x18930]  }
0x197: {  	v6 =	vld [tilespmem:$0x18940]  }
0x198: {  	[tilespmem:$0x18C00] =	vst v2;
	v2 =	vld [tilespmem:$0x18950]  }
0x199: {  	[tilespmem:$0x18C10] =	vst v3;
	v3 =	vld [tilespmem:$0x18960]  }
0x19a: {  	[tilespmem:$0x18C20] =	vst v4;
	v4 =	vld [tilespmem:$0x18970]  }
0x19b: {  	[tilespmem:$0x18C30] =	vst v5;
	v5 =	vld [tilespmem:$0x18980]  }
0x19c: {  	[tilespmem:$0x18C40] =	vst v6;
	v6 =	vld [tilespmem:$0x18990]  }
0x19d: {  	[tilespmem:$0x18C50] =	vst v2;
	v2 =	vld [tilespmem:$0x189A0]  }
0x19e: {  	[tilespmem:$0x18C60] =	vst v3;
	v3 =	vld [tilespmem:$0x189B0]  }
0x19f: {  	[tilespmem:$0x18C70] =	vst v4;
	v4 =	vld [tilespmem:$0x189C0]  }
0x1a0: {  	[tilespmem:$0x18C80] =	vst v5;
	v5 =	vld [tilespmem:$0x189D0]  }
0x1a1: {  	[tilespmem:$0x18C90] =	vst v6;
	v6 =	vld [tilespmem:$0x189E0]  }
0x1a2: {  	[tilespmem:$0x18CA0] =	vst v2;
	v2 =	vld [tilespmem:$0x189F0]  }
0x1a3: {  	[tilespmem:$0x18CB0] =	vst v3  }
0x1a4: {  	[tilespmem:$0x18CC0] =	vst v4  }
0x1a5: {  	[tilespmem:$0x18CD0] =	vst v5  }
0x1a6: {  	p1 =	seq.s32 s12, $0x186;
	[tilespmem:$0x18CE0] =	vst v6  }
0x1a7: {  	s24 =	simm.s32 $0x18C00;
	s19 =	sadd.s32 @!p1 s26, s9;
	[tilespmem:$0x18CF0] =	vst v2  }
0x1a8: {  	[spmem:s2] =	stream.indirect.scatter.add.f32 [tilespmem:s14], [sflag:$0x7], $0x10, s24, s29, $0xb8;
	[tilespmem:$0x1DE00] =	vst v63  }
0x1a9: {  	s20 =	simm.s32 $0x18C80;
	s19 =	sshll.u32 @!p1 s19, $0x6  }
0x1aa: {  	[spmem:s2] =	stream.indirect.scatter.add.f32 [tilespmem:s7], [sflag:$0x7], $0x10, s20, s29, $0xb8;
	[tilespmem:$0x1DE00] =	vst v63  }
0x1ab: {  	s23 =	simm.s32 @!p1 $0x18800;
	s19 =	sadd.s32 @!p1 s6, s19;
	s20 =	simm.s32 @!p1 $0x0  }
0x1ac: {  	[tilespmem:s23], [sflag:$0x5] =	stream.linear.gather @!p1 [hbm4b:s19+s20], $0x200, $0x38;
	[tilespmem:$0x1DE00] =	vst v63  }
0x1ad: {  	s19 =	simm.s32 @!p1 $0x5  }
0x1ae: {  	_ =	swait.ge @!p1 [sflag:s19], $0x200  }
0x1af: {  	[sflag:s19] =	ssyncset.done @!p1 $0x0  }
0x1b0: {  	s20 =	simm.s32 @!p1 $0x18E00;
	[sflag:s19] =	ssyncadd.s32 @!p1 $0xFFFFFE00;
	s19 =	simm.s32 @!p1 $0x80  }
0x1b1: {  	[tilespmem:s20], [sflag:$0x1] =	stream.indirect.gather @!p1 [hbm4b:s13+s19], $0x10, s23, s19, $0xb8;
	[tilespmem:$0x1DE00] =	vst v63  }
0x1b2: {  	s20 =	simm.s32 @!p1 $0x18880;
	s23 =	simm.s32 @!p1 $0x19600  }
0x1b3: {  	[tilespmem:s23], [sflag:$0x1] =	stream.indirect.gather @!p1 [hbm4b:s13+s19], $0x10, s20, s19, $0xb8;
	[tilespmem:$0x1DE00] =	vst v63  }
0x1b4: {  	s20 =	simm.s32 @!p1 $0x18900;
	s23 =	simm.s32 @!p1 $0x1AE00  }
0x1b5: {  	[tilespmem:s23], [sflag:$0x3] =	stream.indirect.gather @!p1 [hbm4b:s5+s19], $0x8, s20, s19, $0xb8;
	[tilespmem:$0x1DE00] =	vst v63  }
0x1b6: {  	s20 =	simm.s32 @!p1 $0x18980;
	s23 =	simm.s32 @!p1 $0x1B200  }
0x1b7: {  	[tilespmem:s23], [sflag:$0x3] =	stream.indirect.gather @!p1 [hbm4b:s5+s19], $0x8, s20, s19, $0xb8;
	[tilespmem:$0x1DE00] =	vst v63  }
0x1b8: {  	_ =	swait.ge [sflag:s28], $0x800  }
0x1b9: {  	[sflag:s28] =	ssyncset.done $0x0  }
0x1ba: {  	[sflag:s28] =	ssyncadd.s32 $0xFFFFF800  }
0x1bb: {  	_ =	swait.ge [sflag:s17], $0x400  }
0x1bc: {  	[sflag:s17] =	ssyncset.done $0x0  }
0x1bd: {  	[sflag:s17] =	ssyncadd.s32 $0xFFFFFC00  }
0x1be: {  	_ =	swait.ge [sflag:s28], $0x800  }
0x1bf: {  	[sflag:s28] =	ssyncset.done $0x0  }
0x1c0: {  	[sflag:s28] =	ssyncadd.s32 $0xFFFFF800  }
0x1c1: {  	_ =	swait.ge [sflag:s17], $0x400  }
0x1c2: {  	s23 =	simm.s32 $0x0;
	[sflag:s17] =	ssyncset.done $0x0  }
0x1c3: {  	s20 =	simm.s32 @!p0 $0x8;
	v2 =	vor.u32 s23, v1;
	[sflag:s17] =	ssyncadd.s32 $0xFFFFFC00  }
0x1c4: {  	v3 =	vshll.u32 v2, $0x4;
	_ =	swait.ge @!p0 [sflag:s20], $0x800  }
0x1c5: {  	v2 =	vshll.u32 v2, $0x3;
	v4 =	vor.u32 $0x9, v3;
	[sflag:s20] =	ssyncset.done @!p0 $0x0  }
0x1c6: {  	v2 =	vor.u32 v0, v2;
	[sflag:s20] =	ssyncadd.s32 @!p0 $0xFFFFF800  }
0x1c7: {  	_ =	swait.ge @!p0 [sflag:s20], $0x800  }
0x1c8: {  	[sflag:s20] =	ssyncset.done @!p0 $0x0  }
0x1c9: {  	[sflag:s20] =	ssyncadd.s32 @!p0 $0xFFFFF800  }
0x1ca: {  	v4 =	vld.idx.msk [tilespmem:v4+s8+$0x0], $0xffff  }
0x1cb: {  	v2 =	vld.idx.msk [tilespmem:v2+s18+$0x0], $0xffff;
	_ =	sdelay $0x4  }
0x1cc: {  	v2 =	vadd.f32 v2, v4;
	_ =	sdelay $0x1  }
0x1cd: {  	v4 =	vmul.f32 $2.000000030e-01, v2;
	_ =	sdelay $0x1  }
0x1ce: {  	v2 =	vmax.f32 v2, v4  }
0x1cf: {  	v2 =	vmul.f32 $1.442695020e+00, v2;
	_ =	sdelay $0x1  }
0x1d0: {  	(erf) = vpow2.f32 v2;
	_ =	sdelay $0x4  }
0x1d1: {  	v2 =	vld.idx.msk [tilespmem:v3+s8+$0x0], $0xffff;
	_ =	sdelay $0x2  }
0x1d2: {  	v4 =	vor.u32 $0x1, v3  }
0x1d3: {  	v5 =	vpop (erf)  }
0x1d4: {  	v2 =	vmul.f32 v5, v2;
	_ =	sdelay $0x1  }
0x1d5: {  	[tilespmem:v3+s25+$0x0] =	vst.idx.msk $0xffff, v2  }
0x1d6: {  	v2 =	vld.idx.msk [tilespmem:v4+s8+$0x0], $0xffff;
	_ =	sdelay $0x2  }
0x1d7: {  	v6 =	vor.u32 $0x2, v3;
	_ =	sdelay $0x1  }
0x1d8: {  	v2 =	vmul.f32 v5, v2;
	_ =	sdelay $0x1  }
0x1d9: {  	[tilespmem:v4+s25+$0x0] =	vst.idx.msk $0xffff, v2  }
0x1da: {  	v2 =	vld.idx.msk [tilespmem:v6+s8+$0x0], $0xffff;
	_ =	sdelay $0x2  }
0x1db: {  	v4 =	vor.u32 $0x3, v3;
	_ =	sdelay $0x1  }
0x1dc: {  	v2 =	vmul.f32 v5, v2;
	_ =	sdelay $0x1  }
0x1dd: {  	[tilespmem:v6+s25+$0x0] =	vst.idx.msk $0xffff, v2  }
0x1de: {  	v2 =	vld.idx.msk [tilespmem:v4+s8+$0x0], $0xffff;
	_ =	sdelay $0x2  }
0x1df: {  	v6 =	vor.u32 $0x4, v3;
	_ =	sdelay $0x1  }
0x1e0: {  	v2 =	vmul.f32 v2, v5;
	_ =	sdelay $0x1  }
0x1e1: {  	[tilespmem:v4+s25+$0x0] =	vst.idx.msk $0xffff, v2  }
0x1e2: {  	v2 =	vld.idx.msk [tilespmem:v6+s8+$0x0], $0xffff;
	_ =	sdelay $0x2  }
0x1e3: {  	v4 =	vor.u32 $0x5, v3;
	_ =	sdelay $0x1  }
0x1e4: {  	v2 =	vmul.f32 v2, v5;
	_ =	sdelay $0x1  }
0x1e5: {  	[tilespmem:v6+s25+$0x0] =	vst.idx.msk $0xffff, v2  }
0x1e6: {  	v2 =	vld.idx.msk [tilespmem:v4+s8+$0x0], $0xffff;
	_ =	sdelay $0x2  }
0x1e7: {  	v6 =	vor.u32 $0x6, v3;
	_ =	sdelay $0x1  }
0x1e8: {  	v2 =	vmul.f32 v2, v5;
	_ =	sdelay $0x1  }
0x1e9: {  	[tilespmem:v4+s25+$0x0] =	vst.idx.msk $0xffff, v2  }
0x1ea: {  	v2 =	vld.idx.msk [tilespmem:v6+s8+$0x0], $0xffff;
	_ =	sdelay $0x2  }
0x1eb: {  	v4 =	vor.u32 $0x7, v3;
	_ =	sdelay $0x1  }
0x1ec: {  	v2 =	vmul.f32 v2, v5;
	_ =	sdelay $0x1  }
0x1ed: {  	[tilespmem:v6+s25+$0x0] =	vst.idx.msk $0xffff, v2  }
0x1ee: {  	v2 =	vld.idx.msk [tilespmem:v4+s8+$0x0], $0xffff  }
0x1ef: {  	s24 =	simm.s32 $0x10  }
0x1f0: {  	v6 =	vor.u32 s24, v1  }
0x1f1: {  	v3 =	vor.u32 $0x8, v3;
	v7 =	vshll.u32 v6, $0x4  }
0x1f2: {  	v6 =	vshll.u32 v6, $0x3;
	v8 =	vor.u32 $0x9, v7  }
0x1f3: {  	v6 =	vor.u32 v0, v6;
	v2 =	vmul.f32 v2, v5;
	_ =	sdelay $0x1  }
0x1f4: {  	[tilespmem:v4+s25+$0x0] =	vst.idx.msk $0xffff, v2  }
0x1f5: {  	[tilespmem:v3+s25+$0x0] =	vst.idx.msk $0xffff, v5  }
0x1f6: {  	v2 =	vld.idx.msk [tilespmem:v8+s8+$0x0], $0xffff  }
0x1f7: {  	v3 =	vld.idx.msk [tilespmem:v6+s18+$0x0], $0xffff;
	_ =	sdelay $0x4  }
0x1f8: {  	v2 =	vadd.f32 v3, v2;
	_ =	sdelay $0x1  }
0x1f9: {  	v3 =	vmul.f32 $2.000000030e-01, v2;
	_ =	sdelay $0x1  }
0x1fa: {  	v2 =	vmax.f32 v2, v3  }
0x1fb: {  	v2 =	vmul.f32 $1.442695020e+00, v2;
	_ =	sdelay $0x1  }
0x1fc: {  	(erf) = vpow2.f32 v2;
	_ =	sdelay $0x4  }
0x1fd: {  	v2 =	vld.idx.msk [tilespmem:v7+s8+$0x0], $0xffff;
	_ =	sdelay $0x2  }
0x1fe: {  	v4 =	vor.u32 $0x1, v7  }
0x1ff: {  	v3 =	vpop (erf)  }
0x200: {  	v2 =	vmul.f32 v3, v2;
	_ =	sdelay $0x1  }
0x201: {  	[tilespmem:v7+s25+$0x0] =	vst.idx.msk $0xffff, v2  }
0x202: {  	v2 =	vld.idx.msk [tilespmem:v4+s8+$0x0], $0xffff;
	_ =	sdelay $0x2  }
0x203: {  	v5 =	vor.u32 $0x2, v7;
	_ =	sdelay $0x1  }
0x204: {  	v2 =	vmul.f32 v3, v2;
	_ =	sdelay $0x1  }
0x205: {  	[tilespmem:v4+s25+$0x0] =	vst.idx.msk $0xffff, v2  }
0x206: {  	v2 =	vld.idx.msk [tilespmem:v5+s8+$0x0], $0xffff;
	_ =	sdelay $0x2  }
0x207: {  	v4 =	vor.u32 $0x3, v7;
	_ =	sdelay $0x1  }
0x208: {  	v2 =	vmul.f32 v3, v2;
	_ =	sdelay $0x1  }
0x209: {  	[tilespmem:v5+s25+$0x0] =	vst.idx.msk $0xffff, v2  }
0x20a: {  	v2 =	vld.idx.msk [tilespmem:v4+s8+$0x0], $0xffff;
	_ =	sdelay $0x2  }
0x20b: {  	v5 =	vor.u32 $0x4, v7;
	_ =	sdelay $0x1  }
0x20c: {  	v2 =	vmul.f32 v2, v3;
	_ =	sdelay $0x1  }
0x20d: {  	[tilespmem:v4+s25+$0x0] =	vst.idx.msk $0xffff, v2  }
0x20e: {  	v2 =	vld.idx.msk [tilespmem:v5+s8+$0x0], $0xffff;
	_ =	sdelay $0x2  }
0x20f: {  	v4 =	vor.u32 $0x5, v7;
	_ =	sdelay $0x1  }
0x210: {  	v2 =	vmul.f32 v2, v3;
	_ =	sdelay $0x1  }
0x211: {  	[tilespmem:v5+s25+$0x0] =	vst.idx.msk $0xffff, v2  }
0x212: {  	v2 =	vld.idx.msk [tilespmem:v4+s8+$0x0], $0xffff;
	_ =	sdelay $0x2  }
0x213: {  	v5 =	vor.u32 $0x6, v7;
	_ =	sdelay $0x1  }
0x214: {  	v2 =	vmul.f32 v2, v3;
	_ =	sdelay $0x1  }
0x215: {  	[tilespmem:v4+s25+$0x0] =	vst.idx.msk $0xffff, v2  }
0x216: {  	v2 =	vld.idx.msk [tilespmem:v5+s8+$0x0], $0xffff;
	_ =	sdelay $0x2  }
0x217: {  	v4 =	vor.u32 $0x7, v7;
	_ =	sdelay $0x1  }
0x218: {  	v2 =	vmul.f32 v2, v3;
	_ =	sdelay $0x1  }
0x219: {  	[tilespmem:v5+s25+$0x0] =	vst.idx.msk $0xffff, v2  }
0x21a: {  	v8 =	vld.idx.msk [tilespmem:v4+s8+$0x0], $0xffff  }
0x21b: {  	s19 =	simm.s32 $0x20  }
0x21c: {  	v6 =	vor.u32 s19, v1  }
0x21d: {  	v5 =	vor.u32 $0x8, v7;
	v2 =	vshll.u32 v6, $0x4  }
0x21e: {  	v6 =	vshll.u32 v6, $0x3;
	v7 =	vor.u32 $0x9, v2  }
0x21f: {  	s20 =	simm.s32 $0x40;
	v6 =	vor.u32 v0, v6;
	v8 =	vmul.f32 v8, v3  }
.LBB2_5:
0x220: {  	p0 =	sne.s32 s20, $0xE0;
	s23 =	smov.u32 s20;
	s20 =	sadd.s32 $0x20, s20  }
0x221: {  	[tilespmem:v4+s25+$0x0] =	vst.idx.msk $0xffff, v8  }
0x222: {  	[tilespmem:v5+s25+$0x0] =	vst.idx.msk $0xffff, v3  }
0x223: {  	v3 =	vld.idx.msk [tilespmem:v7+s8+$0x0], $0xffff  }
0x224: {  	v4 =	vld.idx.msk [tilespmem:v6+s18+$0x0], $0xffff;
	_ =	sdelay $0x5  }
0x225: {  	v3 =	vadd.f32 v4, v3;
	_ =	sdelay $0x1  }
0x226: {  	v4 =	vmul.f32 $2.000000030e-01, v3;
	_ =	sdelay $0x1  }
0x227: {  	v3 =	vmax.f32 v3, v4  }
0x228: {  	v3 =	vmul.f32 $1.442695020e+00, v3;
	_ =	sdelay $0x1  }
0x229: {  	(erf) = vpow2.f32 v3;
	_ =	sdelay $0x2  }
0x22a: {  	v3 =	vld.idx.msk [tilespmem:v2+s8+$0x0], $0xffff;
	_ =	sdelay $0x3  }
0x22b: {  	v4 =	vor.u32 $0x1, v2;
	_ =	sdelay $0x1  }
0x22c: {  	v5 =	vpop (erf)  }
0x22d: {  	v3 =	vmul.f32 v5, v3;
	_ =	sdelay $0x1  }
0x22e: {  	[tilespmem:v2+s25+$0x0] =	vst.idx.msk $0xffff, v3  }
0x22f: {  	v3 =	vld.idx.msk [tilespmem:v4+s8+$0x0], $0xffff;
	_ =	sdelay $0x2  }
0x230: {  	v6 =	vor.u32 $0x2, v2;
	_ =	sdelay $0x2  }
0x231: {  	v3 =	vmul.f32 v5, v3;
	_ =	sdelay $0x1  }
0x232: {  	[tilespmem:v4+s25+$0x0] =	vst.idx.msk $0xffff, v3  }
0x233: {  	v3 =	vld.idx.msk [tilespmem:v6+s8+$0x0], $0xffff;
	_ =	sdelay $0x2  }
0x234: {  	v4 =	vor.u32 $0x3, v2;
	_ =	sdelay $0x2  }
0x235: {  	v3 =	vmul.f32 v5, v3;
	_ =	sdelay $0x1  }
0x236: {  	[tilespmem:v6+s25+$0x0] =	vst.idx.msk $0xffff, v3  }
0x237: {  	v3 =	vld.idx.msk [tilespmem:v4+s8+$0x0], $0xffff;
	_ =	sdelay $0x2  }
0x238: {  	v6 =	vor.u32 $0x4, v2;
	_ =	sdelay $0x2  }
0x239: {  	v3 =	vmul.f32 v3, v5;
	_ =	sdelay $0x1  }
0x23a: {  	[tilespmem:v4+s25+$0x0] =	vst.idx.msk $0xffff, v3  }
0x23b: {  	v3 =	vld.idx.msk [tilespmem:v6+s8+$0x0], $0xffff;
	_ =	sdelay $0x2  }
0x23c: {  	v4 =	vor.u32 $0x5, v2;
	_ =	sdelay $0x2  }
0x23d: {  	v3 =	vmul.f32 v3, v5;
	_ =	sdelay $0x1  }
0x23e: {  	[tilespmem:v6+s25+$0x0] =	vst.idx.msk $0xffff, v3  }
0x23f: {  	v3 =	vld.idx.msk [tilespmem:v4+s8+$0x0], $0xffff;
	_ =	sdelay $0x2  }
0x240: {  	v6 =	vor.u32 $0x6, v2;
	_ =	sdelay $0x2  }
0x241: {  	v3 =	vmul.f32 v3, v5;
	_ =	sdelay $0x1  }
0x242: {  	[tilespmem:v4+s25+$0x0] =	vst.idx.msk $0xffff, v3  }
0x243: {  	v3 =	vld.idx.msk [tilespmem:v6+s8+$0x0], $0xffff;
	_ =	sdelay $0x2  }
0x244: {  	v4 =	vor.u32 $0x7, v2;
	_ =	sdelay $0x2  }
0x245: {  	v3 =	vmul.f32 v3, v5;
	_ =	sdelay $0x1  }
0x246: {  	[tilespmem:v6+s25+$0x0] =	vst.idx.msk $0xffff, v3  }
0x247: {  	v3 =	vld.idx.msk [tilespmem:v4+s8+$0x0], $0xffff;
	_ =	sdelay $0x1  }
0x248: {  	s24 =	sadd.s32 $0x10, s19;
	s19 =	smov.u32 s23  }
0x249: {  	v7 =	vor.u32 s24, v1;
	v6 =	vor.u32 $0x8, v2  }
0x24a: {  	v2 =	vshll.u32 v7, $0x4;
	v7 =	vshll.u32 v7, $0x3  }
0x24b: {  	v8 =	vor.u32 $0x9, v2;
	v7 =	vor.u32 v0, v7  }
0x24c: {  	v3 =	vmul.f32 v3, v5;
	_ =	sdelay $0x1  }
0x24d: {  	[tilespmem:v4+s25+$0x0] =	vst.idx.msk $0xffff, v3  }
0x24e: {  	[tilespmem:v6+s25+$0x0] =	vst.idx.msk $0xffff, v5  }
0x24f: {  	v3 =	vld.idx.msk [tilespmem:v8+s8+$0x0], $0xffff  }
0x250: {  	v4 =	vld.idx.msk [tilespmem:v7+s18+$0x0], $0xffff;
	_ =	sdelay $0x5  }
0x251: {  	v3 =	vadd.f32 v4, v3;
	_ =	sdelay $0x1  }
0x252: {  	v4 =	vmul.f32 $2.000000030e-01, v3;
	_ =	sdelay $0x1  }
0x253: {  	v3 =	vmax.f32 v3, v4  }
0x254: {  	v3 =	vmul.f32 $1.442695020e+00, v3;
	_ =	sdelay $0x1  }
0x255: {  	(erf) = vpow2.f32 v3;
	_ =	sdelay $0x1  }
0x256: {  	v4 =	vld.idx.msk [tilespmem:v2+s8+$0x0], $0xffff;
	_ =	sdelay $0x3  }
0x257: {  	v5 =	vor.u32 $0x1, v2;
	_ =	sdelay $0x2  }
0x258: {  	v3 =	vpop (erf)  }
0x259: {  	v4 =	vmul.f32 v3, v4;
	_ =	sdelay $0x1  }
0x25a: {  	[tilespmem:v2+s25+$0x0] =	vst.idx.msk $0xffff, v4  }
0x25b: {  	v4 =	vld.idx.msk [tilespmem:v5+s8+$0x0], $0xffff;
	_ =	sdelay $0x1  }
0x25c: {  	v6 =	vor.u32 $0x2, v2;
	_ =	sdelay $0x3  }
0x25d: {  	v4 =	vmul.f32 v3, v4;
	_ =	sdelay $0x1  }
0x25e: {  	[tilespmem:v5+s25+$0x0] =	vst.idx.msk $0xffff, v4  }
0x25f: {  	v4 =	vld.idx.msk [tilespmem:v6+s8+$0x0], $0xffff;
	_ =	sdelay $0x1  }
0x260: {  	v5 =	vor.u32 $0x3, v2;
	_ =	sdelay $0x3  }
0x261: {  	v4 =	vmul.f32 v3, v4;
	_ =	sdelay $0x1  }
0x262: {  	[tilespmem:v6+s25+$0x0] =	vst.idx.msk $0xffff, v4  }
0x263: {  	v4 =	vld.idx.msk [tilespmem:v5+s8+$0x0], $0xffff;
	_ =	sdelay $0x1  }
0x264: {  	v6 =	vor.u32 $0x4, v2;
	_ =	sdelay $0x3  }
0x265: {  	v4 =	vmul.f32 v4, v3;
	_ =	sdelay $0x1  }
0x266: {  	[tilespmem:v5+s25+$0x0] =	vst.idx.msk $0xffff, v4  }
0x267: {  	v4 =	vld.idx.msk [tilespmem:v6+s8+$0x0], $0xffff;
	_ =	sdelay $0x1  }
0x268: {  	v5 =	vor.u32 $0x5, v2;
	_ =	sdelay $0x3  }
0x269: {  	v4 =	vmul.f32 v4, v3;
	_ =	sdelay $0x1  }
0x26a: {  	[tilespmem:v6+s25+$0x0] =	vst.idx.msk $0xffff, v4  }
0x26b: {  	v4 =	vld.idx.msk [tilespmem:v5+s8+$0x0], $0xffff;
	_ =	sdelay $0x1  }
0x26c: {  	v6 =	vor.u32 $0x6, v2;
	_ =	sdelay $0x3  }
0x26d: {  	v4 =	vmul.f32 v4, v3;
	_ =	sdelay $0x1  }
0x26e: {  	[tilespmem:v5+s25+$0x0] =	vst.idx.msk $0xffff, v4  }
0x26f: {  	v5 =	vld.idx.msk [tilespmem:v6+s8+$0x0], $0xffff;
	_ =	sdelay $0x1  }
0x270: {  	v4 =	vor.u32 $0x7, v2;
	_ =	sdelay $0x3  }
0x271: {  	v5 =	vmul.f32 v5, v3;
	_ =	sdelay $0x1  }
0x272: {  	[tilespmem:v6+s25+$0x0] =	vst.idx.msk $0xffff, v5  }
0x273: {  	v8 =	vld.idx.msk [tilespmem:v4+s8+$0x0], $0xffff;
	_ =	sdelay $0x1  }
.Ltmp3:
0x274: {  	v5 =	vor.u32 $0x8, v2;
	(pc) =	sbr.rel @p0 .LBB2_5-.Ltmp3, $4  }
0x275: {  	v6 =	vor.u32 s19, v1  }
0x276: {  	v2 =	vshll.u32 v6, $0x4;
	v6 =	vshll.u32 v6, $0x3  }
0x277: {  	v7 =	vor.u32 $0x9, v2;
	v6 =	vor.u32 v0, v6  }
0x278: {  	v8 =	vmul.f32 v8, v3  }
0x279: {  	_ =	sdelay $0x3  }
0x27a: {  	[tilespmem:v4+s25+$0x0] =	vst.idx.msk $0xffff, v8  }
0x27b: {  	[tilespmem:v5+s25+$0x0] =	vst.idx.msk $0xffff, v3  }
0x27c: {  	v3 =	vld.idx.msk [tilespmem:v7+s8+$0x0], $0xffff  }
0x27d: {  	v4 =	vld.idx.msk [tilespmem:v6+s18+$0x0], $0xffff;
	_ =	sdelay $0x4  }
0x27e: {  	v3 =	vadd.f32 v4, v3;
	_ =	sdelay $0x1  }
0x27f: {  	v4 =	vmul.f32 $2.000000030e-01, v3;
	_ =	sdelay $0x1  }
0x280: {  	v3 =	vmax.f32 v3, v4  }
0x281: {  	v3 =	vmul.f32 $1.442695020e+00, v3;
	_ =	sdelay $0x1  }
0x282: {  	(erf) = vpow2.f32 v3;
	_ =	sdelay $0x4  }
0x283: {  	v3 =	vld.idx.msk [tilespmem:v2+s8+$0x0], $0xffff;
	_ =	sdelay $0x2  }
0x284: {  	v41 =	vor.u32 $0x1, v2  }
0x285: {  	v42 =	vpop (erf)  }
0x286: {  	v3 =	vmul.f32 v42, v3;
	_ =	sdelay $0x1  }
0x287: {  	[tilespmem:v2+s25+$0x0] =	vst.idx.msk $0xffff, v3  }
0x288: {  	v3 =	vld.idx.msk [tilespmem:v41+s8+$0x0], $0xffff;
	_ =	sdelay $0x2  }
0x289: {  	v43 =	vor.u32 $0x2, v2;
	_ =	sdelay $0x1  }
0x28a: {  	v3 =	vmul.f32 v42, v3;
	_ =	sdelay $0x1  }
0x28b: {  	[tilespmem:v41+s25+$0x0] =	vst.idx.msk $0xffff, v3  }
0x28c: {  	v3 =	vld.idx.msk [tilespmem:v43+s8+$0x0], $0xffff;
	_ =	sdelay $0x2  }
0x28d: {  	v44 =	vor.u32 $0x3, v2;
	_ =	sdelay $0x1  }
0x28e: {  	v3 =	vmul.f32 v42, v3;
	_ =	sdelay $0x1  }
0x28f: {  	[tilespmem:v43+s25+$0x0] =	vst.idx.msk $0xffff, v3  }
0x290: {  	v3 =	vld.idx.msk [tilespmem:v44+s8+$0x0], $0xffff;
	_ =	sdelay $0x2  }
0x291: {  	v45 =	vor.u32 $0x4, v2;
	_ =	sdelay $0x1  }
0x292: {  	v3 =	vmul.f32 v3, v42;
	_ =	sdelay $0x1  }
0x293: {  	[tilespmem:v44+s25+$0x0] =	vst.idx.msk $0xffff, v3  }
0x294: {  	v3 =	vld.idx.msk [tilespmem:v45+s8+$0x0], $0xffff;
	_ =	sdelay $0x2  }
0x295: {  	v46 =	vor.u32 $0x5, v2;
	_ =	sdelay $0x1  }
0x296: {  	v3 =	vmul.f32 v3, v42;
	_ =	sdelay $0x1  }
0x297: {  	[tilespmem:v45+s25+$0x0] =	vst.idx.msk $0xffff, v3  }
0x298: {  	v3 =	vld.idx.msk [tilespmem:v46+s8+$0x0], $0xffff;
	_ =	sdelay $0x2  }
0x299: {  	v47 =	vor.u32 $0x6, v2;
	_ =	sdelay $0x1  }
0x29a: {  	v3 =	vmul.f32 v3, v42;
	_ =	sdelay $0x1  }
0x29b: {  	[tilespmem:v46+s25+$0x0] =	vst.idx.msk $0xffff, v3  }
0x29c: {  	v3 =	vld.idx.msk [tilespmem:v47+s8+$0x0], $0xffff;
	_ =	sdelay $0x2  }
0x29d: {  	v48 =	vor.u32 $0x7, v2;
	_ =	sdelay $0x1  }
0x29e: {  	v3 =	vmul.f32 v3, v42;
	_ =	sdelay $0x1  }
0x29f: {  	[tilespmem:v47+s25+$0x0] =	vst.idx.msk $0xffff, v3  }
0x2a0: {  	v3 =	vld.idx.msk [tilespmem:v48+s8+$0x0], $0xffff  }
0x2a1: {  	s19 =	sadd.s32 $0x10, s19  }
0x2a2: {  	v49 =	vor.u32 s19, v1  }
0x2a3: {  	v50 =	vshll.u32 v49, $0x4;
	v2 =	vor.u32 $0x8, v2  }
0x2a4: {  	v6 =	vshll.u32 v49, $0x3;
	v51 =	vor.u32 $0x9, v50  }
0x2a5: {  	v6 =	vor.u32 v0, v6;
	v3 =	vmul.f32 v3, v42;
	_ =	sdelay $0x1  }
0x2a6: {  	[tilespmem:v48+s25+$0x0] =	vst.idx.msk $0xffff, v3  }
0x2a7: {  	[tilespmem:v2+s25+$0x0] =	vst.idx.msk $0xffff, v42  }
0x2a8: {  	v2 =	vld.idx.msk [tilespmem:v51+s8+$0x0], $0xffff  }
0x2a9: {  	v3 =	vld.idx.msk [tilespmem:v6+s18+$0x0], $0xffff;
	_ =	sdelay $0x4  }
0x2aa: {  	v2 =	vadd.f32 v3, v2;
	_ =	sdelay $0x1  }
0x2ab: {  	v3 =	vmul.f32 $2.000000030e-01, v2;
	_ =	sdelay $0x1  }
0x2ac: {  	v2 =	vmax.f32 v2, v3  }
0x2ad: {  	v2 =	vmul.f32 $1.442695020e+00, v2;
	_ =	sdelay $0x1  }
0x2ae: {  	(erf) = vpow2.f32 v2;
	_ =	sdelay $0x4  }
0x2af: {  	v2 =	vld.idx.msk [tilespmem:v50+s8+$0x0], $0xffff;
	_ =	sdelay $0x2  }
0x2b0: {  	v3 =	vor.u32 $0x1, v50  }
0x2b1: {  	v52 =	vpop (erf)  }
0x2b2: {  	v2 =	vmul.f32 v52, v2;
	_ =	sdelay $0x1  }
0x2b3: {  	[tilespmem:v50+s25+$0x0] =	vst.idx.msk $0xffff, v2  }
0x2b4: {  	v2 =	vld.idx.msk [tilespmem:v3+s8+$0x0], $0xffff;
	_ =	sdelay $0x2  }
0x2b5: {  	v53 =	vor.u32 $0x2, v50;
	_ =	sdelay $0x1  }
0x2b6: {  	v2 =	vmul.f32 v52, v2;
	_ =	sdelay $0x1  }
0x2b7: {  	[tilespmem:v3+s25+$0x0] =	vst.idx.msk $0xffff, v2  }
0x2b8: {  	v2 =	vld.idx.msk [tilespmem:v53+s8+$0x0], $0xffff;
	_ =	sdelay $0x2  }
0x2b9: {  	v3 =	vor.u32 $0x3, v50;
	_ =	sdelay $0x1  }
0x2ba: {  	v2 =	vmul.f32 v52, v2;
	_ =	sdelay $0x1  }
0x2bb: {  	[tilespmem:v53+s25+$0x0] =	vst.idx.msk $0xffff, v2  }
0x2bc: {  	v2 =	vld.idx.msk [tilespmem:v3+s8+$0x0], $0xffff;
	_ =	sdelay $0x2  }
0x2bd: {  	v54 =	vor.u32 $0x4, v50;
	_ =	sdelay $0x1  }
0x2be: {  	v2 =	vmul.f32 v2, v52;
	_ =	sdelay $0x1  }
0x2bf: {  	[tilespmem:v3+s25+$0x0] =	vst.idx.msk $0xffff, v2  }
0x2c0: {  	v2 =	vld.idx.msk [tilespmem:v54+s8+$0x0], $0xffff;
	_ =	sdelay $0x2  }
0x2c1: {  	v3 =	vor.u32 $0x5, v50;
	_ =	sdelay $0x1  }
0x2c2: {  	v2 =	vmul.f32 v2, v52;
	_ =	sdelay $0x1  }
0x2c3: {  	[tilespmem:v54+s25+$0x0] =	vst.idx.msk $0xffff, v2  }
0x2c4: {  	v2 =	vld.idx.msk [tilespmem:v3+s8+$0x0], $0xffff;
	_ =	sdelay $0x2  }
0x2c5: {  	v55 =	vor.u32 $0x6, v50;
	_ =	sdelay $0x1  }
0x2c6: {  	v2 =	vmul.f32 v2, v52;
	_ =	sdelay $0x1  }
0x2c7: {  	[tilespmem:v3+s25+$0x0] =	vst.idx.msk $0xffff, v2  }
0x2c8: {  	v2 =	vld.idx.msk [tilespmem:v55+s8+$0x0], $0xffff;
	_ =	sdelay $0x2  }
0x2c9: {  	v3 =	vor.u32 $0x7, v50;
	_ =	sdelay $0x1  }
0x2ca: {  	v2 =	vmul.f32 v2, v52;
	_ =	sdelay $0x1  }
0x2cb: {  	[tilespmem:v55+s25+$0x0] =	vst.idx.msk $0xffff, v2  }
0x2cc: {  	v2 =	vld.idx.msk [tilespmem:v3+s8+$0x0], $0xffff;
	_ =	sdelay $0x2  }
0x2cd: {  	v56 =	vor.u32 $0x8, v50;
	_ =	sdelay $0x1  }
0x2ce: {  	v2 =	vmul.f32 v2, v52;
	_ =	sdelay $0x1  }
0x2cf: {  	[tilespmem:v3+s25+$0x0] =	vst.idx.msk $0xffff, v2  }
0x2d0: {  	[tilespmem:v56+s25+$0x0] =	vst.idx.msk $0xffff, v52  }
0x2d1: {  	v2 =	vld [tilespmem:$0x18B00]  }
0x2d2: {  	v3 =	vld [tilespmem:$0x18B10]  }
0x2d3: {  	v4 =	vld [tilespmem:$0x18B20]  }
0x2d4: {  	v5 =	vld [tilespmem:$0x18B30]  }
0x2d5: {  	v57 =	vld [tilespmem:$0x18B40]  }
0x2d6: {  	[tilespmem:$0x18D00] =	vst v2;
	v2 =	vld [tilespmem:$0x18B50]  }
0x2d7: {  	v58 =	vld [tilespmem:$0x18B70];
	[tilespmem:$0x18D10] =	vst v3  }
0x2d8: {  	v59 =	vld [tilespmem:$0x18B80];
	[tilespmem:$0x18D20] =	vst v4  }
0x2d9: {  	v60 =	vld [tilespmem:$0x18B90];
	[tilespmem:$0x18D30] =	vst v5  }
0x2da: {  	v3 =	vld [tilespmem:$0x18B60];
	[tilespmem:$0x18D40] =	vst v57  }
0x2db: {  	[tilespmem:$0x18D50] =	vst v2;
	v2 =	vld [tilespmem:$0x18BA0]  }
0x2dc: {  	v61 =	vld [tilespmem:$0x18BC0];
	[tilespmem:$0x18D70] =	vst v58  }
0x2dd: {  	v62 =	vld [tilespmem:$0x18BD0];
	[tilespmem:$0x18D80] =	vst v59  }
0x2de: {  	v63 =	vld [tilespmem:$0x18BE0];
	[tilespmem:$0x18D90] =	vst v60  }
0x2df: {  	[tilespmem:$0x18D60] =	vst v3;
	v3 =	vld [tilespmem:$0x18BB0]  }
0x2e0: {  	[tilespmem:$0x18DA0] =	vst v2;
	v2 =	vld [tilespmem:$0x18BF0]  }
0x2e1: {  	[tilespmem:$0x18DC0] =	vst v61  }
0x2e2: {  	[tilespmem:$0x18DD0] =	vst v62  }
0x2e3: {  	[tilespmem:$0x18DE0] =	vst v63  }
.Ltmp4:
0x2e4: {  	[tilespmem:$0x18DB0] =	vst v3;
	(pc) =	sbr.rel @p1 .LBB2_8-.Ltmp4, $4  }
0x2e5: {  	[tilespmem:$0x18DF0] =	vst v2  }
0x2e6: {  	[spmem:s2] =	stream.indirect.scatter.add.f32 [tilespmem:s25], [sflag:$0x8], $0x10, s1, s29, $0xb8;
	[tilespmem:$0x1DE00] =	vst v63  }
0x2e7: {  	_ = 	snop  }
0x2e8: {  	[spmem:s2] =	stream.indirect.scatter.add.f32 [tilespmem:s11], [sflag:$0x8], $0x10, s16, s29, $0xb8;
	[tilespmem:$0x1DE00] =	vst v63  }
.Ltmp5:
0x2e9: {  	(pc) =	sbr.rel .LBB2_2-.Ltmp5, $4  }
0x2ea: {  	s19 =	sadd.s32 s26, s10  }
0x2eb: {  	s19 =	sshll.u32 s19, $0x6  }
0x2ec: {  	s12 =	sadd.s32 $0x1, s12;
	s19 =	sadd.s32 s6, s19  }
0x2ed: {  	[tilespmem:s0], [sflag:$0x6] =	stream.linear.gather [hbm4b:s19+s4], $0x200, $0x38;
	[tilespmem:$0x1DE00] =	vst v63  }
.LBB2_9:
0x2ee: {  	_ =	sfence.sel $0x180000  }
0x2ef: {  	[bflag:$0x0] =	sbarrier.arrive $0xFFFF  }
0x2f0: {  	_ =	strace $0x90000047  }
0x2f1: {  	s0 =	stileid.u32;
	[bflag:$0x2] =	sbarrier.arrive $0xFFFF  }
0x2f2: {  	p0 =	sne.s32 s0, $0x0;
	s0 =	rddreg [dreg:$0x3]  }
0x2f3: {  	s0 =	sadd.s32 @!p0 $0x100000, s0  }
0x2f4: {  	[sflag:s0] =	ssyncadd.tile.s32 @!p0 $0x1;
	_ =	shalt  }
.Lfunc_end2:
_tile_overlayer_lowered:
.L_overlay_start_2:
0x2f5: {  	(tag) =	ssettag $0x2  }
0x2f6: {  	s0 =	rddreg [dreg:$0x0];
	s2 =	stileid.u32  }
0x2f7: {  	s1 =	rddreg [dreg:$0x1];
	p0 =	sne.s32 s2, $0x0  }
0x2f8: {  	s3 =	rddreg [dreg:$0x2];
	[bflag:$0x3] =	sbarrier.arrive $0xFFFF;
	s2 =	simm.s32 @!p0 $0x1C09  }
0x2f9: {  	[timem:s3], [sflag:s2] =	dma.local @!p0 [hbm:s0], s1  }
0x2fa: {  	s0 =	simm.s32 @!p0 $0x9  }
0x2fb: {  	_ =	swait.ge @!p0 [sflag:s0], s1  }
0x2fc: {  	s1 =	ssub.s32 @!p0 $0x0, s1;
	[sflag:s0] =	ssyncset.done @!p0 $0x0  }
0x2fd: {  	[sflag:s0] =	ssyncadd.s32 @!p0 s1  }
0x2fe: {  	[bflag:$0x3] =	sbarrier.arrive $0xFFFF  }
0x2ff: {  	_ =	shalt  }

</sc_bundles>
